<compile_context>
chip_gen: v7x
topology: tpu7x:2x2x1
jax: 0.10.2.dev20260603
libtpu: 0.0.44.dev20260713+nightly
codegen_flags: <defaults>
</compile_context>

<pallas_src>
import functools

import jax
import jax.numpy as jnp
from jax import lax
from jax.experimental import pallas as pl
from jax.experimental.pallas import tpu as pltpu
from jax.experimental.pallas import tpu_sc as plsc

N = 10000
E = 160000
IN_CH = 256
MID_CH = 512
HC = 128

NC = 2
NS = 16
NT = NC * NS
NP = 10240
OWN = NP // NS
ACCR = OWN + 8
DUMP = OWN

STRIPE = E // NT
SPAD = 5120
SEG = 6144
CW = 1024

_mesh = plsc.VectorSubcoreMesh(core_axis_name="c", subcore_axis_name="s")


@functools.partial(
    pl.kernel,
    out_type=(jax.ShapeDtypeStruct((NS * NT * SEG,), jnp.int32),
              jax.ShapeDtypeStruct((NS * NT * CW,), jnp.int32)),
    mesh=_mesh,
    scratch_types=[
        pltpu.VMEM((SPAD,), jnp.int32),
        pltpu.VMEM((SPAD,), jnp.int32),
        pltpu.VMEM((NS * SEG,), jnp.int32),
        pltpu.VMEM((NS * 16,), jnp.int32),
        pltpu.VMEM((CW,), jnp.int32),
    ],
)
def _route_kernel(src_hbm, dst_hbm, routed, counts, sbuf, dbuf, bpk, cnt16,
                  cpad):
    c = lax.axis_index("c")
    s = lax.axis_index("s")
    wid = s * NC + c

    pltpu.sync_copy(src_hbm.at[pl.ds(wid * SPAD, SPAD)], sbuf)
    pltpu.sync_copy(dst_hbm.at[pl.ds(wid * SPAD, SPAD)], dbuf)

    zero16 = jnp.zeros((16,), jnp.int32)
    for o in range(NS):
        cnt16[pl.ds(o * 16, 16)] = zero16

    def scan(i, carry):
        vs = sbuf[pl.ds(i * 16, 16)]
        vd = dbuf[pl.ds(i * 16, 16)]
        vo = jnp.minimum((vd * 6554) >> 22, NS - 1)
        vdl = vd - vo * OWN
        vpk = vs * 1024 + vdl
        for l in range(16):
            o = vo[l]
            cnt = cnt16[pl.ds(o * 16, 16)][0]
            bpk[pl.ds(o * SEG + cnt, 16)] = jnp.full((16,), vpk[l],
                                                     jnp.int32)
            cnt16[pl.ds(o * 16, 16)] = jnp.full((16,), cnt + 1, jnp.int32)
        return carry

    lax.fori_loop(0, SPAD // 16, scan, 0)

    pad = jnp.full((16,), DUMP, jnp.int32)
    for o in range(NS):
        cnt = cnt16[pl.ds(o * 16, 16)][0]
        for k in range(9):
            bpk[pl.ds(o * SEG + cnt + k * 16, 16)] = pad

    for o in range(NS):
        pltpu.sync_copy(bpk.at[pl.ds(o * SEG, SEG)],
                        routed.at[pl.ds((o * NT + wid) * SEG, SEG)])
        cpad[pl.ds(0, 16)] = cnt16[pl.ds(o * 16, 16)]
        pltpu.sync_copy(cpad, counts.at[pl.ds((o * NT + wid) * CW, CW)])


DEGSEG = OWN * 16


@functools.partial(
    pl.kernel,
    out_type=jax.ShapeDtypeStruct((NC * NS * DEGSEG,), jnp.float32),
    mesh=_mesh,
    scratch_types=[
        pltpu.VMEM((SEG + 16,), jnp.int32),
        pltpu.VMEM((CW,), jnp.int32),
        pltpu.VMEM((ACCR * 16,), jnp.float32),
    ],
)
def _deg_kernel(routed_hbm, counts_hbm, zeros_hbm, deg_out, pkbuf, cbuf,
                hist):
    c = lax.axis_index("c")
    s = lax.axis_index("s")

    pltpu.sync_copy(zeros_hbm, hist)

    ones16 = jnp.full((16,), 1.0, jnp.float32)

    def producer(w2h, carry):
        w2 = w2h * NC + c
        pltpu.sync_copy(routed_hbm.at[pl.ds((s * NT + w2) * SEG, SEG)],
                        pkbuf.at[pl.ds(0, SEG)])
        pltpu.sync_copy(counts_hbm.at[pl.ds((s * NT + w2) * CW, CW)], cbuf)
        cnt = cbuf[pl.ds(0, 16)][0]
        nb = (cnt + 127) // 128

        def chunk(b, carry2):
            def edge(e, carry3):
                dl = pkbuf[pl.ds(b * 128 + e, 16)][0] & 1023
                plsc.addupdate(hist.at[pl.ds(dl * 16, 16)], ones16)
                return carry3
            lax.fori_loop(0, 128, edge, 0)
            return carry2

        lax.fori_loop(0, nb, chunk, 0)
        return carry

    lax.fori_loop(0, NT // NC, producer, 0)

    pltpu.sync_copy(hist.at[pl.ds(0, DEGSEG)],
                    deg_out.at[pl.ds((c * NS + s) * DEGSEG, DEGSEG)])


@functools.partial(
    pl.kernel,
    out_type=jax.ShapeDtypeStruct((NP, IN_CH), jnp.float32),
    mesh=_mesh,
    scratch_types=[
        pltpu.VMEM((SEG + 16,), jnp.int32),
        pltpu.VMEM((CW,), jnp.int32),
        pltpu.VMEM((128,), jnp.int32),
        pltpu.VMEM((128, HC), jnp.float32),
        pltpu.VMEM((ACCR, HC), jnp.float32),
    ],
)
def _acc_kernel(y0_hbm, y1_hbm, routed_hbm, counts_hbm, zeros_hbm, acc_out,
                pkbuf, cbuf, gidx, rows_t, acc):
    c = lax.axis_index("c")
    s = lax.axis_index("s")

    pltpu.sync_copy(zeros_hbm, acc)

    for cc, yh in ((0, y0_hbm), (1, y1_hbm)):
        @pl.when(c == cc)
        def _():
            def producer(w2, carry):
                pltpu.sync_copy(
                    routed_hbm.at[pl.ds((s * NT + w2) * SEG, SEG)],
                    pkbuf.at[pl.ds(0, SEG)])
                pltpu.sync_copy(
                    counts_hbm.at[pl.ds((s * NT + w2) * CW, CW)], cbuf)
                cnt = cbuf[pl.ds(0, 16)][0]
                nb = (cnt + 127) // 128

                def chunk(b, carry2):
                    for k in range(8):
                        vpk = pkbuf[pl.ds(b * 128 + k * 16, 16)]
                        gidx[pl.ds(k * 16, 16)] = vpk >> 10
                    pltpu.sync_copy(yh.at[gidx], rows_t)

                    def edge(e, carry3):
                        dl = pkbuf[pl.ds(b * 128 + e, 16)][0] & 1023
                        for k in range(HC // 16):
                            plsc.addupdate(
                                acc.at[dl, pl.ds(k * 16, 16)],
                                rows_t[e, pl.ds(k * 16, 16)])
                        return carry3

                    lax.fori_loop(0, 128, edge, 0)
                    return carry2

                lax.fori_loop(0, nb, chunk, 0)
                return carry

            lax.fori_loop(0, NT, producer, 0)

    pltpu.sync_copy(acc.at[pl.ds(0, OWN)],
                    acc_out.at[pl.ds(s * OWN, OWN), pl.ds(c * HC, HC)])


RB = 512
GRID = NP // RB


def _pre_body(x_ref, w_ref, p0_ref, p1_ref, y_ref, dinv_ref):
    xw = jnp.dot(x_ref[...], w_ref[...], preferred_element_type=jnp.float32)
    deg = 1.0 + p0_ref[...] + p1_ref[...]
    dinv = lax.rsqrt(deg)
    dinv_ref[...] = dinv
    y_ref[...] = xw * dinv


_pre_call = pl.pallas_call(
    _pre_body,
    grid=(GRID,),
    in_specs=[
        pl.BlockSpec((RB, IN_CH), lambda i: (i, 0)),
        pl.BlockSpec((IN_CH, IN_CH), lambda i: (0, 0)),
        pl.BlockSpec((RB, 1), lambda i: (i, 0)),
        pl.BlockSpec((RB, 1), lambda i: (i, 0)),
    ],
    out_specs=[
        pl.BlockSpec((RB, IN_CH), lambda i: (i, 0)),
        pl.BlockSpec((RB, 1), lambda i: (i, 0)),
    ],
    out_shape=[
        jax.ShapeDtypeStruct((NP, IN_CH), jnp.float32),
        jax.ShapeDtypeStruct((NP, 1), jnp.float32),
    ],
)


def _head_body(acc_ref, y_ref, dinv_ref, x_ref, bg_ref, w1_ref, b1_ref,
               w2_ref, b2_ref, w3_ref, b3_ref, x0_ref, x1_ref):
    gcn = (acc_ref[...] + y_ref[...]) * dinv_ref[...] + bg_ref[...]
    h = jnp.maximum(gcn, 0.0) + x_ref[...]
    x0 = jnp.maximum(
        jnp.dot(h, w1_ref[...], preferred_element_type=jnp.float32)
        + b1_ref[...], 0.0)
    x0_ref[...] = x0
    x1h = jnp.maximum(
        jnp.dot(x0, w2_ref[...], preferred_element_type=jnp.float32)
        + b2_ref[...], 0.0)
    x1_ref[...] = (jnp.dot(x1h, w3_ref[...],
                           preferred_element_type=jnp.float32) + b3_ref[...])


_head_call = pl.pallas_call(
    _head_body,
    grid=(GRID,),
    in_specs=[
        pl.BlockSpec((RB, IN_CH), lambda i: (i, 0)),
        pl.BlockSpec((RB, IN_CH), lambda i: (i, 0)),
        pl.BlockSpec((RB, 1), lambda i: (i, 0)),
        pl.BlockSpec((RB, IN_CH), lambda i: (i, 0)),
        pl.BlockSpec((1, IN_CH), lambda i: (0, 0)),
        pl.BlockSpec((IN_CH, MID_CH), lambda i: (0, 0)),
        pl.BlockSpec((1, MID_CH), lambda i: (0, 0)),
        pl.BlockSpec((MID_CH, MID_CH), lambda i: (0, 0)),
        pl.BlockSpec((1, MID_CH), lambda i: (0, 0)),
        pl.BlockSpec((MID_CH, 128), lambda i: (0, 0)),
        pl.BlockSpec((1, 128), lambda i: (0, 0)),
    ],
    out_specs=[
        pl.BlockSpec((RB, MID_CH), lambda i: (i, 0)),
        pl.BlockSpec((RB, 128), lambda i: (i, 0)),
    ],
    out_shape=[
        jax.ShapeDtypeStruct((NP, MID_CH), jnp.float32),
        jax.ShapeDtypeStruct((NP, 128), jnp.float32),
    ],
)


@jax.jit
def kernel(x, edge_index, W_gcn, b_gcn, W1, b1, W2, b2, W3, b3):
    ei = edge_index.astype(jnp.int32)
    src = ei[0]
    dst = ei[1]

    pad = SPAD - STRIPE
    src_e = jnp.pad(src.reshape(NT, STRIPE), ((0, 0), (0, pad)),
                    constant_values=0).reshape(-1)
    dst_e = jnp.pad(dst.reshape(NT, STRIPE), ((0, 0), (0, pad)),
                    constant_values=NP).reshape(-1)

    x_p = jnp.pad(x, ((0, NP - N), (0, 0)))

    routed, counts = _route_kernel(src_e, dst_e)

    deg_parts = _deg_kernel(routed, counts,
                            jnp.zeros((ACCR * 16,), jnp.float32))
    deg_parts = deg_parts.reshape(NC, NP, 16)
    p0 = deg_parts[0, :, 0:1]
    p1 = deg_parts[1, :, 0:1]

    y, dinv = _pre_call(x_p, W_gcn, p0, p1)

    acc = _acc_kernel(y[:, :HC], y[:, HC:], routed, counts,
                      jnp.zeros((ACCR, HC), jnp.float32))

    x0, x1 = _head_call(
        acc, y, dinv, x_p,
        b_gcn.reshape(1, IN_CH),
        W1, b1.reshape(1, MID_CH),
        W2, b2.reshape(1, MID_CH),
        jnp.pad(W3, ((0, 0), (0, 127))),
        jnp.pad(b3.reshape(1, 1), ((0, 0), (0, 127))),
    )
    return x0[:N], x1[:N, 0:1]

# --- scband reference (transcript-rebuilt; emitter-appended) ---
"""Pipeline reference for scband-gnnactor-base-24326694764552 (READ-ONLY COPY).

The authoritative reference and input builder live on the scoring server;
editing this copy changes nothing except your own understanding.
"""

import jax, jax.numpy as jnp
import numpy as np

N = 10000
E = 160000
IN_CH = 256
MID_CH = 512


def setup_inputs(seed: int = 0) -> dict:
    key = jax.random.key(seed)
    ks = jax.random.split(key, 12)
    x = jax.random.normal(ks[0], (N, IN_CH), dtype=jnp.float32)
    edge_index = jax.random.randint(ks[1], (2, E), 0, N, dtype=jnp.int64)
    # GCNConv(in_channels, in_channels): weight [in, in] (glorot), bias [in]
    lim_g = float(np.sqrt(6.0 / (IN_CH + IN_CH)))
    W_gcn = jax.random.uniform(ks[2], (IN_CH, IN_CH), dtype=jnp.float32, minval=-lim_g, maxval=lim_g)
    b_gcn = jnp.zeros((IN_CH,), dtype=jnp.float32)
    # lin1: [in, mid]
    lim1 = float(np.sqrt(1.0 / IN_CH))
    W1 = jax.random.uniform(ks[3], (IN_CH, MID_CH), dtype=jnp.float32, minval=-lim1, maxval=lim1)
    b1 = jax.random.uniform(ks[4], (MID_CH,), dtype=jnp.float32, minval=-lim1, maxval=lim1)
    # lin2: [mid, mid]
    lim2 = float(np.sqrt(1.0 / MID_CH))
    W2 = jax.random.uniform(ks[5], (MID_CH, MID_CH), dtype=jnp.float32, minval=-lim2, maxval=lim2)
    b2 = jax.random.uniform(ks[6], (MID_CH,), dtype=jnp.float32, minval=-lim2, maxval=lim2)
    # lin3: [mid, 1]
    W3 = jax.random.uniform(ks[7], (MID_CH, 1), dtype=jnp.float32, minval=-lim2, maxval=lim2)
    b3 = jax.random.uniform(ks[8], (1,), dtype=jnp.float32, minval=-lim2, maxval=lim2)
    return {"x": x, "edge_index": edge_index, "W_gcn": W_gcn, "b_gcn": b_gcn,
            "W1": W1, "b1": b1, "W2": W2, "b2": b2, "W3": W3, "b3": b3}


def _gcn_conv(x, edge_index, W, b):
    n = x.shape[0]
    src = edge_index[0]
    dst = edge_index[1]
    # add self-loops (PyG GCNConv default)
    loop = jnp.arange(n, dtype=src.dtype)
    src = jnp.concatenate([src, loop])
    dst = jnp.concatenate([dst, loop])
    # symmetric normalization: deg computed on dst (col), norm = d_src^-1/2 * d_dst^-1/2
    deg = jnp.zeros((n,), dtype=x.dtype).at[dst].add(1.0)
    deg_inv_sqrt = jnp.where(deg > 0, deg ** -0.5, 0.0)
    norm = deg_inv_sqrt[src] * deg_inv_sqrt[dst]
    xw = x @ W
    msg = xw[src] * norm[:, None]
    out = jnp.zeros_like(xw).at[dst].add(msg)
    return out + b


def reference(x, edge_index, W_gcn, b_gcn, W1, b1, W2, b2, W3, b3):
    out = jax.nn.relu(_gcn_conv(x, edge_index, W_gcn, b_gcn))
    x0 = out + x
    x0 = jax.nn.relu(x0 @ W1 + b1)
    x1 = jax.nn.relu(x0 @ W2 + b2)
    x1 = x1 @ W3 + b3
    return (x0, x1)

if __name__ == "__main__":
    import jax
    _d = setup_inputs()
    print(jax.jit(kernel)(*tuple(_d.values())))

</pallas_src>

<mosaic_0001>
#map = affine_map<(d0, d1) -> (0)>
module attributes {stable_mosaic.version = 14 : i64} {
  func.func @_deg_kernel(%arg0: i32, %arg1: i32, %arg2: memref<3145728xi32, #tpu.memory_space<hbm>>, %arg3: memref<524288xi32, #tpu.memory_space<hbm>>, %arg4: memref<10368xf32, #tpu.memory_space<hbm>>, %arg5: memref<327680xf32, #tpu.memory_space<hbm>>, %arg6: memref<6160xi32, #tpu.memory_space<vmem>>, %arg7: memref<1024xi32, #tpu.memory_space<vmem>>, %arg8: memref<10368xf32, #tpu.memory_space<vmem>>) attributes {dimension_semantics = [#tpu.dimension_semantics<core_parallel>, #tpu.dimension_semantics<subcore_parallel>], iteration_bounds = array<i64: 2, 16>, scalar_prefetch = 0 : i64, scratch_operands = 3 : i64, tpu.core_type = #tpu.core_type<sc_vector_subcore>, window_params = [{transform_indices = #map}, {transform_indices = #map}, {transform_indices = #map}, {transform_indices = #map}]} {
    "tpu.region"() ({
      %run_scoped3A = tpu.sem_alloc : memref<!tpu.dma_semaphore, #tpu.memory_space<semaphore_mem>>
      tpu.enqueue_dma source(%arg4 : memref<10368xf32, #tpu.memory_space<hbm>>) target(%arg8 : memref<10368xf32, #tpu.memory_space<vmem>>) target_semaphore(%run_scoped3A : memref<!tpu.dma_semaphore, #tpu.memory_space<semaphore_mem>>)
      tpu.wait_dma2 semaphore(%run_scoped3A : memref<!tpu.dma_semaphore, #tpu.memory_space<semaphore_mem>>) src(%arg4 : memref<10368xf32, #tpu.memory_space<hbm>>) dst(%arg8 : memref<10368xf32, #tpu.memory_space<vmem>>)
      tpu.yield
    }) : () -> ()
    %broadcast_in_dim3A = arith.constant 1.000000e+00 : f32
    %broadcast_in_dim3A_0 = vector.broadcast %broadcast_in_dim3A : f32 to vector<16xf32>
    %scan3A = arith.constant 0 : i32
    %scan3A_1 = arith.constant 0 : i32
    %scan3A_2 = arith.constant 16 : i32
    %scan3A_3 = arith.addi %scan3A_1, %scan3A_2 : i32
    %scan3A_4 = arith.constant 1 : i32
    scf.for %scan3A_9 = %scan3A_1 to %scan3A_3 step %scan3A_4  : i32 {
      %mul3A_10 = arith.constant 2 : i32
      %mul3A_11 = arith.muli %scan3A_9, %mul3A_10 : i32
      %add3A_12 = arith.addi %mul3A_11, %arg0 : i32
      %mul3A_13 = arith.constant 32 : i32
      %mul3A_14 = arith.muli %arg1, %mul3A_13 : i32
      %add3A_15 = arith.addi %mul3A_14, %add3A_12 : i32
      %mul3A_16 = arith.constant 6144 : i32
      %mul3A_17 = arith.muli %add3A_15, %mul3A_16 : i32
      "tpu.region"() ({
        %run_scoped3A = tpu.sem_alloc : memref<!tpu.dma_semaphore, #tpu.memory_space<semaphore_mem>>
        %dma_start3A = arith.constant 0 : i32
        %dma_start3A_52 = tpu.memref_slice %arg6[%dma_start3A] : memref<6160xi32, #tpu.memory_space<vmem>> -> memref<6144xi32, #tpu.memory_space<vmem>>
        %dma_start3A_53 = tpu.memref_slice %arg2[%mul3A_17] : memref<3145728xi32, #tpu.memory_space<hbm>> -> memref<6144xi32, #tpu.memory_space<hbm>>
        %dma_start3A_54 = arith.constant 0 : i32
        %dma_start3A_55 = tpu.memref_slice %arg6[%dma_start3A_54] : memref<6160xi32, #tpu.memory_space<vmem>> -> memref<6144xi32, #tpu.memory_space<vmem>>
        %dma_start3A_56 = tpu.memref_slice %arg2[%mul3A_17] : memref<3145728xi32, #tpu.memory_space<hbm>> -> memref<6144xi32, #tpu.memory_space<hbm>>
        tpu.enqueue_dma source(%dma_start3A_56 : memref<6144xi32, #tpu.memory_space<hbm>>) target(%dma_start3A_55 : memref<6144xi32, #tpu.memory_space<vmem>>) target_semaphore(%run_scoped3A : memref<!tpu.dma_semaphore, #tpu.memory_space<semaphore_mem>>)
        %dma_wait3A = arith.constant 0 : i32
        %dma_wait3A_57 = tpu.memref_slice %arg6[%dma_wait3A] : memref<6160xi32, #tpu.memory_space<vmem>> -> memref<6144xi32, #tpu.memory_space<vmem>>
        %dma_wait3A_58 = tpu.memref_slice %arg2[%mul3A_17] : memref<3145728xi32, #tpu.memory_space<hbm>> -> memref<6144xi32, #tpu.memory_space<hbm>>
        %dma_wait3A_59 = arith.constant 0 : i32
        %dma_wait3A_60 = tpu.memref_slice %arg6[%dma_wait3A_59] : memref<6160xi32, #tpu.memory_space<vmem>> -> memref<6144xi32, #tpu.memory_space<vmem>>
        %dma_wait3A_61 = tpu.memref_slice %arg2[%mul3A_17] : memref<3145728xi32, #tpu.memory_space<hbm>> -> memref<6144xi32, #tpu.memory_space<hbm>>
        tpu.wait_dma2 semaphore(%run_scoped3A : memref<!tpu.dma_semaphore, #tpu.memory_space<semaphore_mem>>) src(%dma_wait3A_61 : memref<6144xi32, #tpu.memory_space<hbm>>) dst(%dma_wait3A_60 : memref<6144xi32, #tpu.memory_space<vmem>>)
        tpu.yield
      }) : () -> ()
      %mul3A_18 = arith.constant 32 : i32
      %mul3A_19 = arith.muli %arg1, %mul3A_18 : i32
      %add3A_20 = arith.addi %mul3A_19, %add3A_12 : i32
      %mul3A_21 = arith.constant 1024 : i32
      %mul3A_22 = arith.muli %add3A_20, %mul3A_21 : i32
      "tpu.region"() ({
        %run_scoped3A = tpu.sem_alloc : memref<!tpu.dma_semaphore, #tpu.memory_space<semaphore_mem>>
        %dma_start3A = tpu.memref_slice %arg3[%mul3A_22] : memref<524288xi32, #tpu.memory_space<hbm>> -> memref<1024xi32, #tpu.memory_space<hbm>>
        %dma_start3A_52 = tpu.memref_slice %arg3[%mul3A_22] : memref<524288xi32, #tpu.memory_space<hbm>> -> memref<1024xi32, #tpu.memory_space<hbm>>
        tpu.enqueue_dma source(%dma_start3A_52 : memref<1024xi32, #tpu.memory_space<hbm>>) target(%arg7 : memref<1024xi32, #tpu.memory_space<vmem>>) target_semaphore(%run_scoped3A : memref<!tpu.dma_semaphore, #tpu.memory_space<semaphore_mem>>)
        %dma_wait3A = tpu.memref_slice %arg3[%mul3A_22] : memref<524288xi32, #tpu.memory_space<hbm>> -> memref<1024xi32, #tpu.memory_space<hbm>>
        %dma_wait3A_53 = tpu.memref_slice %arg3[%mul3A_22] : memref<524288xi32, #tpu.memory_space<hbm>> -> memref<1024xi32, #tpu.memory_space<hbm>>
        tpu.wait_dma2 semaphore(%run_scoped3A : memref<!tpu.dma_semaphore, #tpu.memory_space<semaphore_mem>>) src(%dma_wait3A_53 : memref<1024xi32, #tpu.memory_space<hbm>>) dst(%arg7 : memref<1024xi32, #tpu.memory_space<vmem>>)
        tpu.yield
      }) : () -> ()
      %get3A = arith.constant 0 : index
      %get3A_23 = tpu.vector_load %arg7[%get3A] {strides = array<i32>} : memref<1024xi32, #tpu.memory_space<vmem>>, vector<16xi32>,
      %get3A_24 = vector.shape_cast %get3A_23 : vector<16xi32> to vector<16xi32>
      %slice3A = vector.extract_strided_slice %get3A_24 {offsets = [0], sizes = [1], strides = [1]} : vector<16xi32> to vector<1xi32>
      %squeeze3A = vector.extract %slice3A[0] : i32 from vector<1xi32>
      %add3A_25 = arith.constant 127 : i32
      %add3A_26 = arith.addi %squeeze3A, %add3A_25 : i32
      %jit3A = arith.constant 128 : i32
      %div3A = arith.divsi %add3A_26, %jit3A : i32
      %sign3A = arith.constant 0 : i32
      %sign3A_27 = arith.cmpi sgt, %add3A_26, %sign3A : i32
      %sign3A_28 = arith.extui %sign3A_27 : i1 to i32
      %sign3A_29 = arith.constant 0 : i32
      %sign3A_30 = arith.cmpi slt, %add3A_26, %sign3A_29 : i32
      %sign3A_31 = arith.extui %sign3A_30 : i1 to i32
      %sign3A_32 = arith.subi %sign3A_28, %sign3A_31 : i32
      %sign3A_33 = arith.constant 0 : i32
      %sign3A_34 = arith.cmpi sgt, %jit3A, %sign3A_33 : i32
      %sign3A_35 = arith.extui %sign3A_34 : i1 to i32
      %sign3A_36 = arith.constant 0 : i32
      %sign3A_37 = arith.cmpi slt, %jit3A, %sign3A_36 : i32
      %sign3A_38 = arith.extui %sign3A_37 : i1 to i32
      %sign3A_39 = arith.subi %sign3A_35, %sign3A_38 : i32
      %ne3A = arith.cmpi ne, %sign3A_32, %sign3A_39 : i32
      %rem3A = arith.remsi %add3A_26, %jit3A : i32
      %ne3A_40 = arith.constant 0 : i32
      %ne3A_41 = arith.cmpi ne, %rem3A, %ne3A_40 : i32
      %and3A = arith.andi %ne3A, %ne3A_41 : i1
      %sub3A = arith.constant 1 : i32
      %sub3A_42 = arith.subi %div3A, %sub3A : i32
      %select_n3A = arith.select %and3A, %sub3A_42, %div3A : i32
      %while3A = arith.constant 0 : i32
      %while3A_43 = arith.constant 0 : i32
      %while3A_44 = arith.subi %select_n3A, %while3A_43 : i32
      %while3A_45 = arith.addi %while3A_43, %while3A_44 : i32
      %while3A_46 = arith.constant 1 : i32
      %while3A_47 = arith.divsi %while3A_44, %while3A_46 : i32
      %while3A_48 = arith.muli %while3A_47, %while3A_46 : i32
      %while3A_49 = arith.addi %while3A_43, %while3A_48 : i32
      %while3A_50 = arith.constant 1 : i32
      scf.for %while3A_52 = %while3A_43 to %while3A_49 step %while3A_50  : i32 {
        %scan3A_53 = arith.constant 0 : i32
        %scan3A_54 = arith.constant 0 : i32
        %scan3A_55 = arith.constant 128 : i32
        %scan3A_56 = arith.addi %scan3A_54, %scan3A_55 : i32
        %scan3A_57 = arith.constant 1 : i32
        scf.for %scan3A_59 = %scan3A_54 to %scan3A_56 step %scan3A_57  : i32 {
          %mul3A_60 = arith.constant 128 : i32
          %mul3A_61 = arith.muli %while3A_52, %mul3A_60 : i32
          %add3A_62 = arith.addi %mul3A_61, %scan3A_59 : i32
          %get3A_63 = arith.index_cast %add3A_62 : i32 to index
          %get3A_64 = tpu.vector_load %arg6[%get3A_63] {strides = array<i32>} : memref<6160xi32, #tpu.memory_space<vmem>>, vector<16xi32>,
          %get3A_65 = vector.shape_cast %get3A_64 : vector<16xi32> to vector<16xi32>
          %slice3A_66 = vector.extract_strided_slice %get3A_65 {offsets = [0], sizes = [1], strides = [1]} : vector<16xi32> to vector<1xi32>
          %squeeze3A_67 = vector.extract %slice3A_66[0] : i32 from vector<1xi32>
          %and3A_68 = arith.constant 1023 : i32
          %and3A_69 = arith.andi %squeeze3A_67, %and3A_68 : i32
          %mul3A_70 = arith.constant 16 : i32
          %mul3A_71 = arith.muli %and3A_69, %mul3A_70 : i32
          %swap3A = arith.index_cast %mul3A_71 : i32 to index
          %swap3A_72 = tpu.vector_load %arg8[%swap3A] {strides = array<i32>} : memref<10368xf32, #tpu.memory_space<vmem>>, vector<16xf32>,
          %swap3A_73 = vector.shape_cast %swap3A_72 : vector<16xf32> to vector<16xf32>
          %swap3A_74 = vector.shape_cast %broadcast_in_dim3A_0 : vector<16xf32> to vector<16xf32>
          tpu.vector_store %arg8[%swap3A], %swap3A_74 {add = true, strides = array<i32>} : memref<10368xf32, #tpu.memory_space<vmem>>, vector<16xf32>,
        }
        %scan3A_58 = arith.constant 128 : i32
      }
      %while3A_51 = arith.constant 1 : i32
      scf.for %while3A_52 = %while3A_49 to %while3A_45 step %while3A_51  : i32 {
        %scan3A_53 = arith.constant 0 : i32
        %scan3A_54 = arith.constant 0 : i32
        %scan3A_55 = arith.constant 128 : i32
        %scan3A_56 = arith.addi %scan3A_54, %scan3A_55 : i32
        %scan3A_57 = arith.constant 1 : i32
        scf.for %scan3A_59 = %scan3A_54 to %scan3A_56 step %scan3A_57  : i32 {
          %mul3A_60 = arith.constant 128 : i32
          %mul3A_61 = arith.muli %while3A_52, %mul3A_60 : i32
          %add3A_62 = arith.addi %mul3A_61, %scan3A_59 : i32
          %get3A_63 = arith.index_cast %add3A_62 : i32 to index
          %get3A_64 = tpu.vector_load %arg6[%get3A_63] {strides = array<i32>} : memref<6160xi32, #tpu.memory_space<vmem>>, vector<16xi32>,
          %get3A_65 = vector.shape_cast %get3A_64 : vector<16xi32> to vector<16xi32>
          %slice3A_66 = vector.extract_strided_slice %get3A_65 {offsets = [0], sizes = [1], strides = [1]} : vector<16xi32> to vector<1xi32>
          %squeeze3A_67 = vector.extract %slice3A_66[0] : i32 from vector<1xi32>
          %and3A_68 = arith.constant 1023 : i32
          %and3A_69 = arith.andi %squeeze3A_67, %and3A_68 : i32
          %mul3A_70 = arith.constant 16 : i32
          %mul3A_71 = arith.muli %and3A_69, %mul3A_70 : i32
          %swap3A = arith.index_cast %mul3A_71 : i32 to index
          %swap3A_72 = tpu.vector_load %arg8[%swap3A] {strides = array<i32>} : memref<10368xf32, #tpu.memory_space<vmem>>, vector<16xf32>,
          %swap3A_73 = vector.shape_cast %swap3A_72 : vector<16xf32> to vector<16xf32>
          %swap3A_74 = vector.shape_cast %broadcast_in_dim3A_0 : vector<16xf32> to vector<16xf32>
          tpu.vector_store %arg8[%swap3A], %swap3A_74 {add = true, strides = array<i32>} : memref<10368xf32, #tpu.memory_space<vmem>>, vector<16xf32>,
        }
        %scan3A_58 = arith.constant 128 : i32
      }
    }
    %scan3A_5 = arith.constant 16 : i32
    %mul3A = arith.constant 16 : i32
    %mul3A_6 = arith.muli %arg0, %mul3A : i32
    %add3A = arith.addi %mul3A_6, %arg1 : i32
    %mul3A_7 = arith.constant 10240 : i32
    %mul3A_8 = arith.muli %add3A, %mul3A_7 : i32
    "tpu.region"() ({
      %run_scoped3A = tpu.sem_alloc : memref<!tpu.dma_semaphore, #tpu.memory_space<semaphore_mem>>
      %dma_start3A = arith.constant 0 : i32
      %dma_start3A_9 = tpu.memref_slice %arg8[%dma_start3A] : memref<10368xf32, #tpu.memory_space<vmem>> -> memref<10240xf32, #tpu.memory_space<vmem>>
      %dma_start3A_10 = tpu.memref_slice %arg5[%mul3A_8] : memref<327680xf32, #tpu.memory_space<hbm>> -> memref<10240xf32, #tpu.memory_space<hbm>>
      %dma_start3A_11 = tpu.memref_slice %arg5[%mul3A_8] : memref<327680xf32, #tpu.memory_space<hbm>> -> memref<10240xf32, #tpu.memory_space<hbm>>
      %dma_start3A_12 = arith.constant 0 : i32
      %dma_start3A_13 = tpu.memref_slice %arg8[%dma_start3A_12] : memref<10368xf32, #tpu.memory_space<vmem>> -> memref<10240xf32, #tpu.memory_space<vmem>>
      tpu.enqueue_dma source(%dma_start3A_13 : memref<10240xf32, #tpu.memory_space<vmem>>) target(%dma_start3A_11 : memref<10240xf32, #tpu.memory_space<hbm>>) target_semaphore(%run_scoped3A : memref<!tpu.dma_semaphore, #tpu.memory_space<semaphore_mem>>)
      %dma_wait3A = arith.constant 0 : i32
      %dma_wait3A_14 = tpu.memref_slice %arg8[%dma_wait3A] : memref<10368xf32, #tpu.memory_space<vmem>> -> memref<10240xf32, #tpu.memory_space<vmem>>
      %dma_wait3A_15 = tpu.memref_slice %arg5[%mul3A_8] : memref<327680xf32, #tpu.memory_space<hbm>> -> memref<10240xf32, #tpu.memory_space<hbm>>
      %dma_wait3A_16 = tpu.memref_slice %arg5[%mul3A_8] : memref<327680xf32, #tpu.memory_space<hbm>> -> memref<10240xf32, #tpu.memory_space<hbm>>
      %dma_wait3A_17 = arith.constant 0 : i32
      %dma_wait3A_18 = tpu.memref_slice %arg8[%dma_wait3A_17] : memref<10368xf32, #tpu.memory_space<vmem>> -> memref<10240xf32, #tpu.memory_space<vmem>>
      tpu.wait_dma2 semaphore(%run_scoped3A : memref<!tpu.dma_semaphore, #tpu.memory_space<semaphore_mem>>) src(%dma_wait3A_18 : memref<10240xf32, #tpu.memory_space<vmem>>) dst(%dma_wait3A_16 : memref<10240xf32, #tpu.memory_space<hbm>>)
      tpu.yield
    }) : () -> ()
    return
  }
}

#map = affine_map<(d0, d1) -> (0)>
module attributes {stable_mosaic.version = 14 : i64} {
  func.func @_route_kernel(%arg0: i32, %arg1: i32, %arg2: memref<163840xi32, #tpu.memory_space<hbm>>, %arg3: memref<163840xi32, #tpu.memory_space<hbm>>, %arg4: memref<3145728xi32, #tpu.memory_space<hbm>>, %arg5: memref<524288xi32, #tpu.memory_space<hbm>>, %arg6: memref<5120xi32, #tpu.memory_space<vmem>>, %arg7: memref<5120xi32, #tpu.memory_space<vmem>>, %arg8: memref<98304xi32, #tpu.memory_space<vmem>>, %arg9: memref<256xi32, #tpu.memory_space<vmem>>, %arg10: memref<1024xi32, #tpu.memory_space<vmem>>) attributes {dimension_semantics = [#tpu.dimension_semantics<core_parallel>, #tpu.dimension_semantics<subcore_parallel>], iteration_bounds = array<i64: 2, 16>, scalar_prefetch = 0 : i64, scratch_operands = 5 : i64, tpu.core_type = #tpu.core_type<sc_vector_subcore>, window_params = [{transform_indices = #map}, {transform_indices = #map}, {transform_indices = #map}, {transform_indices = #map}]} {
    %mul3A = arith.constant 2 : i32
    %mul3A_0 = arith.muli %arg1, %mul3A : i32
    %add3A = arith.addi %mul3A_0, %arg0 : i32
    %mul3A_1 = arith.constant 5120 : i32
    %mul3A_2 = arith.muli %add3A, %mul3A_1 : i32
    "tpu.region"() ({
      %run_scoped3A = tpu.sem_alloc : memref<!tpu.dma_semaphore, #tpu.memory_space<semaphore_mem>>
      %dma_start3A = tpu.memref_slice %arg2[%mul3A_2] : memref<163840xi32, #tpu.memory_space<hbm>> -> memref<5120xi32, #tpu.memory_space<hbm>>
      %dma_start3A_1545 = tpu.memref_slice %arg2[%mul3A_2] : memref<163840xi32, #tpu.memory_space<hbm>> -> memref<5120xi32, #tpu.memory_space<hbm>>
      tpu.enqueue_dma source(%dma_start3A_1545 : memref<5120xi32, #tpu.memory_space<hbm>>) target(%arg6 : memref<5120xi32, #tpu.memory_space<vmem>>) target_semaphore(%run_scoped3A : memref<!tpu.dma_semaphore, #tpu.memory_space<semaphore_mem>>)
      %dma_wait3A = tpu.memref_slice %arg2[%mul3A_2] : memref<163840xi32, #tpu.memory_space<hbm>> -> memref<5120xi32, #tpu.memory_space<hbm>>
      %dma_wait3A_1546 = tpu.memref_slice %arg2[%mul3A_2] : memref<163840xi32, #tpu.memory_space<hbm>> -> memref<5120xi32, #tpu.memory_space<hbm>>
      tpu.wait_dma2 semaphore(%run_scoped3A : memref<!tpu.dma_semaphore, #tpu.memory_space<semaphore_mem>>) src(%dma_wait3A_1546 : memref<5120xi32, #tpu.memory_space<hbm>>) dst(%arg6 : memref<5120xi32, #tpu.memory_space<vmem>>)
      tpu.yield
    }) : () -> ()
    %mul3A_3 = arith.constant 5120 : i32
    %mul3A_4 = arith.muli %add3A, %mul3A_3 : i32
    "tpu.region"() ({
      %run_scoped3A = tpu.sem_alloc : memref<!tpu.dma_semaphore, #tpu.memory_space<semaphore_mem>>
      %dma_start3A = tpu.memref_slice %arg3[%mul3A_4] : memref<163840xi32, #tpu.memory_space<hbm>> -> memref<5120xi32, #tpu.memory_space<hbm>>
      %dma_start3A_1545 = tpu.memref_slice %arg3[%mul3A_4] : memref<163840xi32, #tpu.memory_space<hbm>> -> memref<5120xi32, #tpu.memory_space<hbm>>
      tpu.enqueue_dma source(%dma_start3A_1545 : memref<5120xi32, #tpu.memory_space<hbm>>) target(%arg7 : memref<5120xi32, #tpu.memory_space<vmem>>) target_semaphore(%run_scoped3A : memref<!tpu.dma_semaphore, #tpu.memory_space<semaphore_mem>>)
      %dma_wait3A = tpu.memref_slice %arg3[%mul3A_4] : memref<163840xi32, #tpu.memory_space<hbm>> -> memref<5120xi32, #tpu.memory_space<hbm>>
      %dma_wait3A_1546 = tpu.memref_slice %arg3[%mul3A_4] : memref<163840xi32, #tpu.memory_space<hbm>> -> memref<5120xi32, #tpu.memory_space<hbm>>
      tpu.wait_dma2 semaphore(%run_scoped3A : memref<!tpu.dma_semaphore, #tpu.memory_space<semaphore_mem>>) src(%dma_wait3A_1546 : memref<5120xi32, #tpu.memory_space<hbm>>) dst(%arg7 : memref<5120xi32, #tpu.memory_space<vmem>>)
      tpu.yield
    }) : () -> ()
    %broadcast_in_dim3A = arith.constant 0 : i32
    %broadcast_in_dim3A_5 = vector.broadcast %broadcast_in_dim3A : i32 to vector<16xi32>
    %swap3A = arith.constant 0 : index
    %swap3A_6 = tpu.vector_load %arg9[%swap3A] {strides = array<i32>} : memref<256xi32, #tpu.memory_space<vmem>>, vector<16xi32>,
    %swap3A_7 = vector.shape_cast %swap3A_6 : vector<16xi32> to vector<16xi32>
    %swap3A_8 = vector.shape_cast %broadcast_in_dim3A_5 : vector<16xi32> to vector<16xi32>
    tpu.vector_store %arg9[%swap3A], %swap3A_8 {strides = array<i32>} : memref<256xi32, #tpu.memory_space<vmem>>, vector<16xi32>,
    %swap3A_9 = arith.constant 16 : index
    %swap3A_10 = tpu.vector_load %arg9[%swap3A_9] {strides = array<i32>} : memref<256xi32, #tpu.memory_space<vmem>>, vector<16xi32>,
    %swap3A_11 = vector.shape_cast %swap3A_10 : vector<16xi32> to vector<16xi32>
    %swap3A_12 = vector.shape_cast %broadcast_in_dim3A_5 : vector<16xi32> to vector<16xi32>
    tpu.vector_store %arg9[%swap3A_9], %swap3A_12 {strides = array<i32>} : memref<256xi32, #tpu.memory_space<vmem>>, vector<16xi32>,
    %swap3A_13 = arith.constant 32 : index
    %swap3A_14 = tpu.vector_load %arg9[%swap3A_13] {strides = array<i32>} : memref<256xi32, #tpu.memory_space<vmem>>, vector<16xi32>,
    %swap3A_15 = vector.shape_cast %swap3A_14 : vector<16xi32> to vector<16xi32>
    %swap3A_16 = vector.shape_cast %broadcast_in_dim3A_5 : vector<16xi32> to vector<16xi32>
    tpu.vector_store %arg9[%swap3A_13], %swap3A_16 {strides = array<i32>} : memref<256xi32, #tpu.memory_space<vmem>>, vector<16xi32>,
    %swap3A_17 = arith.constant 48 : index
    %swap3A_18 = tpu.vector_load %arg9[%swap3A_17] {strides = array<i32>} : memref<256xi32, #tpu.memory_space<vmem>>, vector<16xi32>,
    %swap3A_19 = vector.shape_cast %swap3A_18 : vector<16xi32> to vector<16xi32>
    %swap3A_20 = vector.shape_cast %broadcast_in_dim3A_5 : vector<16xi32> to vector<16xi32>
    tpu.vector_store %arg9[%swap3A_17], %swap3A_20 {strides = array<i32>} : memref<256xi32, #tpu.memory_space<vmem>>, vector<16xi32>,
    %swap3A_21 = arith.constant 64 : index
    %swap3A_22 = tpu.vector_load %arg9[%swap3A_21] {strides = array<i32>} : memref<256xi32, #tpu.memory_space<vmem>>, vector<16xi32>,
    %swap3A_23 = vector.shape_cast %swap3A_22 : vector<16xi32> to vector<16xi32>
    %swap3A_24 = vector.shape_cast %broadcast_in_dim3A_5 : vector<16xi32> to vector<16xi32>
    tpu.vector_store %arg9[%swap3A_21], %swap3A_24 {strides = array<i32>} : memref<256xi32, #tpu.memory_space<vmem>>, vector<16xi32>,
    %swap3A_25 = arith.constant 80 : index
    %swap3A_26 = tpu.vector_load %arg9[%swap3A_25] {strides = array<i32>} : memref<256xi32, #tpu.memory_space<vmem>>, vector<16xi32>,
    %swap3A_27 = vector.shape_cast %swap3A_26 : vector<16xi32> to vector<16xi32>
    %swap3A_28 = vector.shape_cast %broadcast_in_dim3A_5 : vector<16xi32> to vector<16xi32>
    tpu.vector_store %arg9[%swap3A_25], %swap3A_28 {strides = array<i32>} : memref<256xi32, #tpu.memory_space<vmem>>, vector<16xi32>,
    %swap3A_29 = arith.constant 96 : index
    %swap3A_30 = tpu.vector_load %arg9[%swap3A_29] {strides = array<i32>} : memref<256xi32, #tpu.memory_space<vmem>>, vector<16xi32>,
    %swap3A_31 = vector.shape_cast %swap3A_30 : vector<16xi32> to vector<16xi32>
    %swap3A_32 = vector.shape_cast %broadcast_in_dim3A_5 : vector<16xi32> to vector<16xi32>
    tpu.vector_store %arg9[%swap3A_29], %swap3A_32 {strides = array<i32>} : memref<256xi32, #tpu.memory_space<vmem>>, vector<16xi32>,
    %swap3A_33 = arith.constant 112 : index
    %swap3A_34 = tpu.vector_load %arg9[%swap3A_33] {strides = array<i32>} : memref<256xi32, #tpu.memory_space<vmem>>, vector<16xi32>,
    %swap3A_35 = vector.shape_cast %swap3A_34 : vector<16xi32> to vector<16xi32>
    %swap3A_36 = vector.shape_cast %broadcast_in_dim3A_5 : vector<16xi32> to vector<16xi32>
    tpu.vector_store %arg9[%swap3A_33], %swap3A_36 {strides = array<i32>} : memref<256xi32, #tpu.memory_space<vmem>>, vector<16xi32>,
    %swap3A_37 = arith.constant 128 : index
    %swap3A_38 = tpu.vector_load %arg9[%swap3A_37] {strides = array<i32>} : memref<256xi32, #tpu.memory_space<vmem>>, vector<16xi32>,
    %swap3A_39 = vector.shape_cast %swap3A_38 : vector<16xi32> to vector<16xi32>
    %swap3A_40 = vector.shape_cast %broadcast_in_dim3A_5 : vector<16xi32> to vector<16xi32>
    tpu.vector_store %arg9[%swap3A_37], %swap3A_40 {strides = array<i32>} : memref<256xi32, #tpu.memory_space<vmem>>, vector<16xi32>,
    %swap3A_41 = arith.constant 144 : index
    %swap3A_42 = tpu.vector_load %arg9[%swap3A_41] {strides = array<i32>} : memref<256xi32, #tpu.memory_space<vmem>>, vector<16xi32>,
    %swap3A_43 = vector.shape_cast %swap3A_42 : vector<16xi32> to vector<16xi32>
    %swap3A_44 = vector.shape_cast %broadcast_in_dim3A_5 : vector<16xi32> to vector<16xi32>
    tpu.vector_store %arg9[%swap3A_41], %swap3A_44 {strides = array<i32>} : memref<256xi32, #tpu.memory_space<vmem>>, vector<16xi32>,
    %swap3A_45 = arith.constant 160 : index
    %swap3A_46 = tpu.vector_load %arg9[%swap3A_45] {strides = array<i32>} : memref<256xi32, #tpu.memory_space<vmem>>, vector<16xi32>,
    %swap3A_47 = vector.shape_cast %swap3A_46 : vector<16xi32> to vector<16xi32>
    %swap3A_48 = vector.shape_cast %broadcast_in_dim3A_5 : vector<16xi32> to vector<16xi32>
    tpu.vector_store %arg9[%swap3A_45], %swap3A_48 {strides = array<i32>} : memref<256xi32, #tpu.memory_space<vmem>>, vector<16xi32>,
    %swap3A_49 = arith.constant 176 : index
    %swap3A_50 = tpu.vector_load %arg9[%swap3A_49] {strides = array<i32>} : memref<256xi32, #tpu.memory_space<vmem>>, vector<16xi32>,
    %swap3A_51 = vector.shape_cast %swap3A_50 : vector<16xi32> to vector<16xi32>
    %swap3A_52 = vector.shape_cast %broadcast_in_dim3A_5 : vector<16xi32> to vector<16xi32>
    tpu.vector_store %arg9[%swap3A_49], %swap3A_52 {strides = array<i32>} : memref<256xi32, #tpu.memory_space<vmem>>, vector<16xi32>,
    %swap3A_53 = arith.constant 192 : index
    %swap3A_54 = tpu.vector_load %arg9[%swap3A_53] {strides = array<i32>} : memref<256xi32, #tpu.memory_space<vmem>>, vector<16xi32>,
    %swap3A_55 = vector.shape_cast %swap3A_54 : vector<16xi32> to vector<16xi32>
    %swap3A_56 = vector.shape_cast %broadcast_in_dim3A_5 : vector<16xi32> to vector<16xi32>
    tpu.vector_store %arg9[%swap3A_53], %swap3A_56 {strides = array<i32>} : memref<256xi32, #tpu.memory_space<vmem>>, vector<16xi32>,
    %swap3A_57 = arith.constant 208 : index
    %swap3A_58 = tpu.vector_load %arg9[%swap3A_57] {strides = array<i32>} : memref<256xi32, #tpu.memory_space<vmem>>, vector<16xi32>,
    %swap3A_59 = vector.shape_cast %swap3A_58 : vector<16xi32> to vector<16xi32>
    %swap3A_60 = vector.shape_cast %broadcast_in_dim3A_5 : vector<16xi32> to vector<16xi32>
    tpu.vector_store %arg9[%swap3A_57], %swap3A_60 {strides = array<i32>} : memref<256xi32, #tpu.memory_space<vmem>>, vector<16xi32>,
    %swap3A_61 = arith.constant 224 : index
    %swap3A_62 = tpu.vector_load %arg9[%swap3A_61] {strides = array<i32>} : memref<256xi32, #tpu.memory_space<vmem>>, vector<16xi32>,
    %swap3A_63 = vector.shape_cast %swap3A_62 : vector<16xi32> to vector<16xi32>
    %swap3A_64 = vector.shape_cast %broadcast_in_dim3A_5 : vector<16xi32> to vector<16xi32>
    tpu.vector_store %arg9[%swap3A_61], %swap3A_64 {strides = array<i32>} : memref<256xi32, #tpu.memory_space<vmem>>, vector<16xi32>,
    %swap3A_65 = arith.constant 240 : index
    %swap3A_66 = tpu.vector_load %arg9[%swap3A_65] {strides = array<i32>} : memref<256xi32, #tpu.memory_space<vmem>>, vector<16xi32>,
    %swap3A_67 = vector.shape_cast %swap3A_66 : vector<16xi32> to vector<16xi32>
    %swap3A_68 = vector.shape_cast %broadcast_in_dim3A_5 : vector<16xi32> to vector<16xi32>
    tpu.vector_store %arg9[%swap3A_65], %swap3A_68 {strides = array<i32>} : memref<256xi32, #tpu.memory_space<vmem>>, vector<16xi32>,
    %scan3A = arith.constant 0 : i32
    %scan3A_69 = arith.constant 0 : i32
    %scan3A_70 = arith.constant 320 : i32
    %scan3A_71 = arith.addi %scan3A_69, %scan3A_70 : i32
    %scan3A_72 = arith.constant 1 : i32
    scf.for %scan3A_1545 = %scan3A_69 to %scan3A_71 step %scan3A_72  : i32 {
      %mul3A_1546 = arith.constant 16 : i32
      %mul3A_1547 = arith.muli %scan3A_1545, %mul3A_1546 : i32
      %get3A_1548 = arith.index_cast %mul3A_1547 : i32 to index
      %get3A_1549 = tpu.vector_load %arg6[%get3A_1548] {strides = array<i32>} : memref<5120xi32, #tpu.memory_space<vmem>>, vector<16xi32>,
      %get3A_1550 = vector.shape_cast %get3A_1549 : vector<16xi32> to vector<16xi32>
      %mul3A_1551 = arith.constant 16 : i32
      %mul3A_1552 = arith.muli %scan3A_1545, %mul3A_1551 : i32
      %get3A_1553 = arith.index_cast %mul3A_1552 : i32 to index
      %get3A_1554 = tpu.vector_load %arg7[%get3A_1553] {strides = array<i32>} : memref<5120xi32, #tpu.memory_space<vmem>>, vector<16xi32>,
      %get3A_1555 = vector.shape_cast %get3A_1554 : vector<16xi32> to vector<16xi32>
      %mul3A_1556 = arith.constant 6554 : i32
      %mul3A_1557 = vector.broadcast %mul3A_1556 : i32 to vector<16xi32>
      %mul3A_1558 = arith.muli %get3A_1555, %mul3A_1557 : vector<16xi32>
      %shift_right_arithmetic3A = arith.constant 22 : i32
      %shift_right_arithmetic3A_1559 = vector.broadcast %shift_right_arithmetic3A : i32 to vector<16xi32>
      %shift_right_arithmetic3A_1560 = arith.shrsi %mul3A_1558, %shift_right_arithmetic3A_1559 : vector<16xi32>
      %min3A = arith.constant 15 : i32
      %min3A_1561 = vector.broadcast %min3A : i32 to vector<16xi32>
      %min3A_1562 = arith.minsi %shift_right_arithmetic3A_1560, %min3A_1561 : vector<16xi32>
      %mul3A_1563 = arith.constant 640 : i32
      %mul3A_1564 = vector.broadcast %mul3A_1563 : i32 to vector<16xi32>
      %mul3A_1565 = arith.muli %min3A_1562, %mul3A_1564 : vector<16xi32>
      %sub3A = arith.subi %get3A_1555, %mul3A_1565 : vector<16xi32>
      %mul3A_1566 = arith.constant 1024 : i32
      %mul3A_1567 = vector.broadcast %mul3A_1566 : i32 to vector<16xi32>
      %mul3A_1568 = arith.muli %get3A_1550, %mul3A_1567 : vector<16xi32>
      %add3A_1569 = arith.addi %mul3A_1568, %sub3A : vector<16xi32>
      %slice3A_1570 = vector.extract_strided_slice %min3A_1562 {offsets = [0], sizes = [1], strides = [1]} : vector<16xi32> to vector<1xi32>
      %squeeze3A_1571 = vector.extract %slice3A_1570[0] : i32 from vector<1xi32>
      %mul3A_1572 = arith.constant 16 : i32
      %mul3A_1573 = arith.muli %squeeze3A_1571, %mul3A_1572 : i32
      %get3A_1574 = arith.index_cast %mul3A_1573 : i32 to index
      %get3A_1575 = tpu.vector_load %arg9[%get3A_1574] {strides = array<i32>} : memref<256xi32, #tpu.memory_space<vmem>>, vector<16xi32>,
      %get3A_1576 = vector.shape_cast %get3A_1575 : vector<16xi32> to vector<16xi32>
      %slice3A_1577 = vector.extract_strided_slice %get3A_1576 {offsets = [0], sizes = [1], strides = [1]} : vector<16xi32> to vector<1xi32>
      %squeeze3A_1578 = vector.extract %slice3A_1577[0] : i32 from vector<1xi32>
      %slice3A_1579 = vector.extract_strided_slice %add3A_1569 {offsets = [0], sizes = [1], strides = [1]} : vector<16xi32> to vector<1xi32>
      %squeeze3A_1580 = vector.extract %slice3A_1579[0] : i32 from vector<1xi32>
      %broadcast_in_dim3A_1581 = vector.broadcast %squeeze3A_1580 : i32 to vector<16xi32>
      %mul3A_1582 = arith.constant 6144 : i32
      %mul3A_1583 = arith.muli %squeeze3A_1571, %mul3A_1582 : i32
      %add3A_1584 = arith.addi %mul3A_1583, %squeeze3A_1578 : i32
      %swap3A_1585 = arith.index_cast %add3A_1584 : i32 to index
      %swap3A_1586 = tpu.vector_load %arg8[%swap3A_1585] {strides = array<i32>} : memref<98304xi32, #tpu.memory_space<vmem>>, vector<16xi32>,
      %swap3A_1587 = vector.shape_cast %swap3A_1586 : vector<16xi32> to vector<16xi32>
      %swap3A_1588 = vector.shape_cast %broadcast_in_dim3A_1581 : vector<16xi32> to vector<16xi32>
      tpu.vector_store %arg8[%swap3A_1585], %swap3A_1588 {strides = array<i32>} : memref<98304xi32, #tpu.memory_space<vmem>>, vector<16xi32>,
      %add3A_1589 = arith.constant 1 : i32
      %add3A_1590 = arith.addi %squeeze3A_1578, %add3A_1589 : i32
      %broadcast_in_dim3A_1591 = vector.broadcast %add3A_1590 : i32 to vector<16xi32>
      %mul3A_1592 = arith.constant 16 : i32
      %mul3A_1593 = arith.muli %squeeze3A_1571, %mul3A_1592 : i32
      %swap3A_1594 = arith.index_cast %mul3A_1593 : i32 to index
      %swap3A_1595 = tpu.vector_load %arg9[%swap3A_1594] {strides = array<i32>} : memref<256xi32, #tpu.memory_space<vmem>>, vector<16xi32>,
      %swap3A_1596 = vector.shape_cast %swap3A_1595 : vector<16xi32> to vector<16xi32>
      %swap3A_1597 = vector.shape_cast %broadcast_in_dim3A_1591 : vector<16xi32> to vector<16xi32>
      tpu.vector_store %arg9[%swap3A_1594], %swap3A_1597 {strides = array<i32>} : memref<256xi32, #tpu.memory_space<vmem>>, vector<16xi32>,
      %slice3A_1598 = vector.extract_strided_slice %min3A_1562 {offsets = [1], sizes = [1], strides = [1]} : vector<16xi32> to vector<1xi32>
      %squeeze3A_1599 = vector.extract %slice3A_1598[0] : i32 from vector<1xi32>
      %mul3A_1600 = arith.constant 16 : i32
      %mul3A_1601 = arith.muli %squeeze3A_1599, %mul3A_1600 : i32
      %get3A_1602 = arith.index_cast %mul3A_1601 : i32 to index
      %get3A_1603 = tpu.vector_load %arg9[%get3A_1602] {strides = array<i32>} : memref<256xi32, #tpu.memory_space<vmem>>, vector<16xi32>,
      %get3A_1604 = vector.shape_cast %get3A_1603 : vector<16xi32> to vector<16xi32>
      %slice3A_1605 = vector.extract_strided_slice %get3A_1604 {offsets = [0], sizes = [1], strides = [1]} : vector<16xi32> to vector<1xi32>
      %squeeze3A_1606 = vector.extract %slice3A_1605[0] : i32 from vector<1xi32>
      %slice3A_1607 = vector.extract_strided_slice %add3A_1569 {offsets = [1], sizes = [1], strides = [1]} : vector<16xi32> to vector<1xi32>
      %squeeze3A_1608 = vector.extract %slice3A_1607[0] : i32 from vector<1xi32>
      %broadcast_in_dim3A_1609 = vector.broadcast %squeeze3A_1608 : i32 to vector<16xi32>
      %mul3A_1610 = arith.constant 6144 : i32
      %mul3A_1611 = arith.muli %squeeze3A_1599, %mul3A_1610 : i32
      %add3A_1612 = arith.addi %mul3A_1611, %squeeze3A_1606 : i32
      %swap3A_1613 = arith.index_cast %add3A_1612 : i32 to index
      %swap3A_1614 = tpu.vector_load %arg8[%swap3A_1613] {strides = array<i32>} : memref<98304xi32, #tpu.memory_space<vmem>>, vector<16xi32>,
      %swap3A_1615 = vector.shape_cast %swap3A_1614 : vector<16xi32> to vector<16xi32>
      %swap3A_1616 = vector.shape_cast %broadcast_in_dim3A_1609 : vector<16xi32> to vector<16xi32>
      tpu.vector_store %arg8[%swap3A_1613], %swap3A_1616 {strides = array<i32>} : memref<98304xi32, #tpu.memory_space<vmem>>, vector<16xi32>,
      %add3A_1617 = arith.constant 1 : i32
      %add3A_1618 = arith.addi %squeeze3A_1606, %add3A_1617 : i32
      %broadcast_in_dim3A_1619 = vector.broadcast %add3A_1618 : i32 to vector<16xi32>
      %mul3A_1620 = arith.constant 16 : i32
      %mul3A_1621 = arith.muli %squeeze3A_1599, %mul3A_1620 : i32
      %swap3A_1622 = arith.index_cast %mul3A_1621 : i32 to index
      %swap3A_1623 = tpu.vector_load %arg9[%swap3A_1622] {strides = array<i32>} : memref<256xi32, #tpu.memory_space<vmem>>, vector<16xi32>,
      %swap3A_1624 = vector.shape_cast %swap3A_1623 : vector<16xi32> to vector<16xi32>
      %swap3A_1625 = vector.shape_cast %broadcast_in_dim3A_1619 : vector<16xi32> to vector<16xi32>
      tpu.vector_store %arg9[%swap3A_1622], %swap3A_1625 {strides = array<i32>} : memref<256xi32, #tpu.memory_space<vmem>>, vector<16xi32>,
      %slice3A_1626 = vector.extract_strided_slice %min3A_1562 {offsets = [2], sizes = [1], strides = [1]} : vector<16xi32> to vector<1xi32>
      %squeeze3A_1627 = vector.extract %slice3A_1626[0] : i32 from vector<1xi32>
      %mul3A_1628 = arith.constant 16 : i32
      %mul3A_1629 = arith.muli %squeeze3A_1627, %mul3A_1628 : i32
      %get3A_1630 = arith.index_cast %mul3A_1629 : i32 to index
      %get3A_1631 = tpu.vector_load %arg9[%get3A_1630] {strides = array<i32>} : memref<256xi32, #tpu.memory_space<vmem>>, vector<16xi32>,
      %get3A_1632 = vector.shape_cast %get3A_1631 : vector<16xi32> to vector<16xi32>
      %slice3A_1633 = vector.extract_strided_slice %get3A_1632 {offsets = [0], sizes = [1], strides = [1]} : vector<16xi32> to vector<1xi32>
      %squeeze3A_1634 = vector.extract %slice3A_1633[0] : i32 from vector<1xi32>
      %slice3A_1635 = vector.extract_strided_slice %add3A_1569 {offsets = [2], sizes = [1], strides = [1]} : vector<16xi32> to vector<1xi32>
      %squeeze3A_1636 = vector.extract %slice3A_1635[0] : i32 from vector<1xi32>
      %broadcast_in_dim3A_1637 = vector.broadcast %squeeze3A_1636 : i32 to vector<16xi32>
      %mul3A_1638 = arith.constant 6144 : i32
      %mul3A_1639 = arith.muli %squeeze3A_1627, %mul3A_1638 : i32
      %add3A_1640 = arith.addi %mul3A_1639, %squeeze3A_1634 : i32
      %swap3A_1641 = arith.index_cast %add3A_1640 : i32 to index
      %swap3A_1642 = tpu.vector_load %arg8[%swap3A_1641] {strides = array<i32>} : memref<98304xi32, #tpu.memory_space<vmem>>, vector<16xi32>,
      %swap3A_1643 = vector.shape_cast %swap3A_1642 : vector<16xi32> to vector<16xi32>
      %swap3A_1644 = vector.shape_cast %broadcast_in_dim3A_1637 : vector<16xi32> to vector<16xi32>
      tpu.vector_store %arg8[%swap3A_1641], %swap3A_1644 {strides = array<i32>} : memref<98304xi32, #tpu.memory_space<vmem>>, vector<16xi32>,
      %add3A_1645 = arith.constant 1 : i32
      %add3A_1646 = arith.addi %squeeze3A_1634, %add3A_1645 : i32
      %broadcast_in_dim3A_1647 = vector.broadcast %add3A_1646 : i32 to vector<16xi32>
      %mul3A_1648 = arith.constant 16 : i32
      %mul3A_1649 = arith.muli %squeeze3A_1627, %mul3A_1648 : i32
      %swap3A_1650 = arith.index_cast %mul3A_1649 : i32 to index
      %swap3A_1651 = tpu.vector_load %arg9[%swap3A_1650] {strides = array<i32>} : memref<256xi32, #tpu.memory_space<vmem>>, vector<16xi32>,
      %swap3A_1652 = vector.shape_cast %swap3A_1651 : vector<16xi32> to vector<16xi32>
      %swap3A_1653 = vector.shape_cast %broadcast_in_dim3A_1647 : vector<16xi32> to vector<16xi32>
      tpu.vector_store %arg9[%swap3A_1650], %swap3A_1653 {strides = array<i32>} : memref<256xi32, #tpu.memory_space<vmem>>, vector<16xi32>,
      %slice3A_1654 = vector.extract_strided_slice %min3A_1562 {offsets = [3], sizes = [1], strides = [1]} : vector<16xi32> to vector<1xi32>
      %squeeze3A_1655 = vector.extract %slice3A_1654[0] : i32 from vector<1xi32>
      %mul3A_1656 = arith.constant 16 : i32
      %mul3A_1657 = arith.muli %squeeze3A_1655, %mul3A_1656 : i32
      %get3A_1658 = arith.index_cast %mul3A_1657 : i32 to index
      %get3A_1659 = tpu.vector_load %arg9[%get3A_1658] {strides = array<i32>} : memref<256xi32, #tpu.memory_space<vmem>>, vector<16xi32>,
      %get3A_1660 = vector.shape_cast %get3A_1659 : vector<16xi32> to vector<16xi32>
      %slice3A_1661 = vector.extract_strided_slice %get3A_1660 {offsets = [0], sizes = [1], strides = [1]} : vector<16xi32> to vector<1xi32>
      %squeeze3A_1662 = vector.extract %slice3A_1661[0] : i32 from vector<1xi32>
      %slice3A_1663 = vector.extract_strided_slice %add3A_1569 {offsets = [3], sizes = [1], strides = [1]} : vector<16xi32> to vector<1xi32>
      %squeeze3A_1664 = vector.extract %slice3A_1663[0] : i32 from vector<1xi32>
      %broadcast_in_dim3A_1665 = vector.broadcast %squeeze3A_1664 : i32 to vector<16xi32>
      %mul3A_1666 = arith.constant 6144 : i32
      %mul3A_1667 = arith.muli %squeeze3A_1655, %mul3A_1666 : i32
      %add3A_1668 = arith.addi %mul3A_1667, %squeeze3A_1662 : i32
      %swap3A_1669 = arith.index_cast %add3A_1668 : i32 to index
      %swap3A_1670 = tpu.vector_load %arg8[%swap3A_1669] {strides = array<i32>} : memref<98304xi32, #tpu.memory_space<vmem>>, vector<16xi32>,
      %swap3A_1671 = vector.shape_cast %swap3A_1670 : vector<16xi32> to vector<16xi32>
      %swap3A_1672 = vector.shape_cast %broadcast_in_dim3A_1665 : vector<16xi32> to vector<16xi32>
      tpu.vector_store %arg8[%swap3A_1669], %swap3A_1672 {strides = array<i32>} : memref<98304xi32, #tpu.memory_space<vmem>>, vector<16xi32>,
      %add3A_1673 = arith.constant 1 : i32
      %add3A_1674 = arith.addi %squeeze3A_1662, %add3A_1673 : i32
      %broadcast_in_dim3A_1675 = vector.broadcast %add3A_1674 : i32 to vector<16xi32>
      %mul3A_1676 = arith.constant 16 : i32
      %mul3A_1677 = arith.muli %squeeze3A_1655, %mul3A_1676 : i32
      %swap3A_1678 = arith.index_cast %mul3A_1677 : i32 to index
      %swap3A_1679 = tpu.vector_load %arg9[%swap3A_1678] {strides = array<i32>} : memref<256xi32, #tpu.memory_space<vmem>>, vector<16xi32>,
      %swap3A_1680 = vector.shape_cast %swap3A_1679 : vector<16xi32> to vector<16xi32>
      %swap3A_1681 = vector.shape_cast %broadcast_in_dim3A_1675 : vector<16xi32> to vector<16xi32>
      tpu.vector_store %arg9[%swap3A_1678], %swap3A_1681 {strides = array<i32>} : memref<256xi32, #tpu.memory_space<vmem>>, vector<16xi32>,
      %slice3A_1682 = vector.extract_strided_slice %min3A_1562 {offsets = [4], sizes = [1], strides = [1]} : vector<16xi32> to vector<1xi32>
      %squeeze3A_1683 = vector.extract %slice3A_1682[0] : i32 from vector<1xi32>
      %mul3A_1684 = arith.constant 16 : i32
      %mul3A_1685 = arith.muli %squeeze3A_1683, %mul3A_1684 : i32
      %get3A_1686 = arith.index_cast %mul3A_1685 : i32 to index
      %get3A_1687 = tpu.vector_load %arg9[%get3A_1686] {strides = array<i32>} : memref<256xi32, #tpu.memory_space<vmem>>, vector<16xi32>,
      %get3A_1688 = vector.shape_cast %get3A_1687 : vector<16xi32> to vector<16xi32>
      %slice3A_1689 = vector.extract_strided_slice %get3A_1688 {offsets = [0], sizes = [1], strides = [1]} : vector<16xi32> to vector<1xi32>
      %squeeze3A_1690 = vector.extract %slice3A_1689[0] : i32 from vector<1xi32>
      %slice3A_1691 = vector.extract_strided_slice %add3A_1569 {offsets = [4], sizes = [1], strides = [1]} : vector<16xi32> to vector<1xi32>
      %squeeze3A_1692 = vector.extract %slice3A_1691[0] : i32 from vector<1xi32>
      %broadcast_in_dim3A_1693 = vector.broadcast %squeeze3A_1692 : i32 to vector<16xi32>
      %mul3A_1694 = arith.constant 6144 : i32
      %mul3A_1695 = arith.muli %squeeze3A_1683, %mul3A_1694 : i32
      %add3A_1696 = arith.addi %mul3A_1695, %squeeze3A_1690 : i32
      %swap3A_1697 = arith.index_cast %add3A_1696 : i32 to index
      %swap3A_1698 = tpu.vector_load %arg8[%swap3A_1697] {strides = array<i32>} : memref<98304xi32, #tpu.memory_space<vmem>>, vector<16xi32>,
      %swap3A_1699 = vector.shape_cast %swap3A_1698 : vector<16xi32> to vector<16xi32>
      %swap3A_1700 = vector.shape_cast %broadcast_in_dim3A_1693 : vector<16xi32> to vector<16xi32>
      tpu.vector_store %arg8[%swap3A_1697], %swap3A_1700 {strides = array<i32>} : memref<98304xi32, #tpu.memory_space<vmem>>, vector<16xi32>,
      %add3A_1701 = arith.constant 1 : i32
      %add3A_1702 = arith.addi %squeeze3A_1690, %add3A_1701 : i32
      %broadcast_in_dim3A_1703 = vector.broadcast %add3A_1702 : i32 to vector<16xi32>
      %mul3A_1704 = arith.constant 16 : i32
      %mul3A_1705 = arith.muli %squeeze3A_1683, %mul3A_1704 : i32
      %swap3A_1706 = arith.index_cast %mul3A_1705 : i32 to index
      %swap3A_1707 = tpu.vector_load %arg9[%swap3A_1706] {strides = array<i32>} : memref<256xi32, #tpu.memory_space<vmem>>, vector<16xi32>,
      %swap3A_1708 = vector.shape_cast %swap3A_1707 : vector<16xi32> to vector<16xi32>
      %swap3A_1709 = vector.shape_cast %broadcast_in_dim3A_1703 : vector<16xi32> to vector<16xi32>
      tpu.vector_store %arg9[%swap3A_1706], %swap3A_1709 {strides = array<i32>} : memref<256xi32, #tpu.memory_space<vmem>>, vector<16xi32>,
      %slice3A_1710 = vector.extract_strided_slice %min3A_1562 {offsets = [5], sizes = [1], strides = [1]} : vector<16xi32> to vector<1xi32>
      %squeeze3A_1711 = vector.extract %slice3A_1710[0] : i32 from vector<1xi32>
      %mul3A_1712 = arith.constant 16 : i32
      %mul3A_1713 = arith.muli %squeeze3A_1711, %mul3A_1712 : i32
      %get3A_1714 = arith.index_cast %mul3A_1713 : i32 to index
      %get3A_1715 = tpu.vector_load %arg9[%get3A_1714] {strides = array<i32>} : memref<256xi32, #tpu.memory_space<vmem>>, vector<16xi32>,
      %get3A_1716 = vector.shape_cast %get3A_1715 : vector<16xi32> to vector<16xi32>
      %slice3A_1717 = vector.extract_strided_slice %get3A_1716 {offsets = [0], sizes = [1], strides = [1]} : vector<16xi32> to vector<1xi32>
      %squeeze3A_1718 = vector.extract %slice3A_1717[0] : i32 from vector<1xi32>
      %slice3A_1719 = vector.extract_strided_slice %add3A_1569 {offsets = [5], sizes = [1], strides = [1]} : vector<16xi32> to vector<1xi32>
      %squeeze3A_1720 = vector.extract %slice3A_1719[0] : i32 from vector<1xi32>
      %broadcast_in_dim3A_1721 = vector.broadcast %squeeze3A_1720 : i32 to vector<16xi32>
      %mul3A_1722 = arith.constant 6144 : i32
      %mul3A_1723 = arith.muli %squeeze3A_1711, %mul3A_1722 : i32
      %add3A_1724 = arith.addi %mul3A_1723, %squeeze3A_1718 : i32
      %swap3A_1725 = arith.index_cast %add3A_1724 : i32 to index
      %swap3A_1726 = tpu.vector_load %arg8[%swap3A_1725] {strides = array<i32>} : memref<98304xi32, #tpu.memory_space<vmem>>, vector<16xi32>,
      %swap3A_1727 = vector.shape_cast %swap3A_1726 : vector<16xi32> to vector<16xi32>
      %swap3A_1728 = vector.shape_cast %broadcast_in_dim3A_1721 : vector<16xi32> to vector<16xi32>
      tpu.vector_store %arg8[%swap3A_1725], %swap3A_1728 {strides = array<i32>} : memref<98304xi32, #tpu.memory_space<vmem>>, vector<16xi32>,
      %add3A_1729 = arith.constant 1 : i32
      %add3A_1730 = arith.addi %squeeze3A_1718, %add3A_1729 : i32
      %broadcast_in_dim3A_1731 = vector.broadcast %add3A_1730 : i32 to vector<16xi32>
      %mul3A_1732 = arith.constant 16 : i32
      %mul3A_1733 = arith.muli %squeeze3A_1711, %mul3A_1732 : i32
      %swap3A_1734 = arith.index_cast %mul3A_1733 : i32 to index
      %swap3A_1735 = tpu.vector_load %arg9[%swap3A_1734] {strides = array<i32>} : memref<256xi32, #tpu.memory_space<vmem>>, vector<16xi32>,
      %swap3A_1736 = vector.shape_cast %swap3A_1735 : vector<16xi32> to vector<16xi32>
      %swap3A_1737 = vector.shape_cast %broadcast_in_dim3A_1731 : vector<16xi32> to vector<16xi32>
      tpu.vector_store %arg9[%swap3A_1734], %swap3A_1737 {strides = array<i32>} : memref<256xi32, #tpu.memory_space<vmem>>, vector<16xi32>,
      %slice3A_1738 = vector.extract_strided_slice %min3A_1562 {offsets = [6], sizes = [1], strides = [1]} : vector<16xi32> to vector<1xi32>
      %squeeze3A_1739 = vector.extract %slice3A_1738[0] : i32 from vector<1xi32>
      %mul3A_1740 = arith.constant 16 : i32
      %mul3A_1741 = arith.muli %squeeze3A_1739, %mul3A_1740 : i32
      %get3A_1742 = arith.index_cast %mul3A_1741 : i32 to index
      %get3A_1743 = tpu.vector_load %arg9[%get3A_1742] {strides = array<i32>} : memref<256xi32, #tpu.memory_space<vmem>>, vector<16xi32>,
      %get3A_1744 = vector.shape_cast %get3A_1743 : vector<16xi32> to vector<16xi32>
      %slice3A_1745 = vector.extract_strided_slice %get3A_1744 {offsets = [0], sizes = [1], strides = [1]} : vector<16xi32> to vector<1xi32>
      %squeeze3A_1746 = vector.extract %slice3A_1745[0] : i32 from vector<1xi32>
      %slice3A_1747 = vector.extract_strided_slice %add3A_1569 {offsets = [6], sizes = [1], strides = [1]} : vector<16xi32> to vector<1xi32>
      %squeeze3A_1748 = vector.extract %slice3A_1747[0] : i32 from vector<1xi32>
      %broadcast_in_dim3A_1749 = vector.broadcast %squeeze3A_1748 : i32 to vector<16xi32>
      %mul3A_1750 = arith.constant 6144 : i32
      %mul3A_1751 = arith.muli %squeeze3A_1739, %mul3A_1750 : i32
      %add3A_1752 = arith.addi %mul3A_1751, %squeeze3A_1746 : i32
      %swap3A_1753 = arith.index_cast %add3A_1752 : i32 to index
      %swap3A_1754 = tpu.vector_load %arg8[%swap3A_1753] {strides = array<i32>} : memref<98304xi32, #tpu.memory_space<vmem>>, vector<16xi32>,
      %swap3A_1755 = vector.shape_cast %swap3A_1754 : vector<16xi32> to vector<16xi32>
      %swap3A_1756 = vector.shape_cast %broadcast_in_dim3A_1749 : vector<16xi32> to vector<16xi32>
      tpu.vector_store %arg8[%swap3A_1753], %swap3A_1756 {strides = array<i32>} : memref<98304xi32, #tpu.memory_space<vmem>>, vector<16xi32>,
      %add3A_1757 = arith.constant 1 : i32
      %add3A_1758 = arith.addi %squeeze3A_1746, %add3A_1757 : i32
      %broadcast_in_dim3A_1759 = vector.broadcast %add3A_1758 : i32 to vector<16xi32>
      %mul3A_1760 = arith.constant 16 : i32
      %mul3A_1761 = arith.muli %squeeze3A_1739, %mul3A_1760 : i32
      %swap3A_1762 = arith.index_cast %mul3A_1761 : i32 to index
      %swap3A_1763 = tpu.vector_load %arg9[%swap3A_1762] {strides = array<i32>} : memref<256xi32, #tpu.memory_space<vmem>>, vector<16xi32>,
      %swap3A_1764 = vector.shape_cast %swap3A_1763 : vector<16xi32> to vector<16xi32>
      %swap3A_1765 = vector.shape_cast %broadcast_in_dim3A_1759 : vector<16xi32> to vector<16xi32>
      tpu.vector_store %arg9[%swap3A_1762], %swap3A_1765 {strides = array<i32>} : memref<256xi32, #tpu.memory_space<vmem>>, vector<16xi32>,
      %slice3A_1766 = vector.extract_strided_slice %min3A_1562 {offsets = [7], sizes = [1], strides = [1]} : vector<16xi32> to vector<1xi32>
      %squeeze3A_1767 = vector.extract %slice3A_1766[0] : i32 from vector<1xi32>
      %mul3A_1768 = arith.constant 16 : i32
      %mul3A_1769 = arith.muli %squeeze3A_1767, %mul3A_1768 : i32
      %get3A_1770 = arith.index_cast %mul3A_1769 : i32 to index
      %get3A_1771 = tpu.vector_load %arg9[%get3A_1770] {strides = array<i32>} : memref<256xi32, #tpu.memory_space<vmem>>, vector<16xi32>,
      %get3A_1772 = vector.shape_cast %get3A_1771 : vector<16xi32> to vector<16xi32>
      %slice3A_1773 = vector.extract_strided_slice %get3A_1772 {offsets = [0], sizes = [1], strides = [1]} : vector<16xi32> to vector<1xi32>
      %squeeze3A_1774 = vector.extract %slice3A_1773[0] : i32 from vector<1xi32>
      %slice3A_1775 = vector.extract_strided_slice %add3A_1569 {offsets = [7], sizes = [1], strides = [1]} : vector<16xi32> to vector<1xi32>
      %squeeze3A_1776 = vector.extract %slice3A_1775[0] : i32 from vector<1xi32>
      %broadcast_in_dim3A_1777 = vector.broadcast %squeeze3A_1776 : i32 to vector<16xi32>
      %mul3A_1778 = arith.constant 6144 : i32
      %mul3A_1779 = arith.muli %squeeze3A_1767, %mul3A_1778 : i32
      %add3A_1780 = arith.addi %mul3A_1779, %squeeze3A_1774 : i32
      %swap3A_1781 = arith.index_cast %add3A_1780 : i32 to index
      %swap3A_1782 = tpu.vector_load %arg8[%swap3A_1781] {strides = array<i32>} : memref<98304xi32, #tpu.memory_space<vmem>>, vector<16xi32>,
      %swap3A_1783 = vector.shape_cast %swap3A_1782 : vector<16xi32> to vector<16xi32>
      %swap3A_1784 = vector.shape_cast %broadcast_in_dim3A_1777 : vector<16xi32> to vector<16xi32>
      tpu.vector_store %arg8[%swap3A_1781], %swap3A_1784 {strides = array<i32>} : memref<98304xi32, #tpu.memory_space<vmem>>, vector<16xi32>,
      %add3A_1785 = arith.constant 1 : i32
      %add3A_1786 = arith.addi %squeeze3A_1774, %add3A_1785 : i32
      %broadcast_in_dim3A_1787 = vector.broadcast %add3A_1786 : i32 to vector<16xi32>
      %mul3A_1788 = arith.constant 16 : i32
      %mul3A_1789 = arith.muli %squeeze3A_1767, %mul3A_1788 : i32
      %swap3A_1790 = arith.index_cast %mul3A_1789 : i32 to index
      %swap3A_1791 = tpu.vector_load %arg9[%swap3A_1790] {strides = array<i32>} : memref<256xi32, #tpu.memory_space<vmem>>, vector<16xi32>,
      %swap3A_1792 = vector.shape_cast %swap3A_1791 : vector<16xi32> to vector<16xi32>
      %swap3A_1793 = vector.shape_cast %broadcast_in_dim3A_1787 : vector<16xi32> to vector<16xi32>
      tpu.vector_store %arg9[%swap3A_1790], %swap3A_1793 {strides = array<i32>} : memref<256xi32, #tpu.memory_space<vmem>>, vector<16xi32>,
      %slice3A_1794 = vector.extract_strided_slice %min3A_1562 {offsets = [8], sizes = [1], strides = [1]} : vector<16xi32> to vector<1xi32>
      %squeeze3A_1795 = vector.extract %slice3A_1794[0] : i32 from vector<1xi32>
      %mul3A_1796 = arith.constant 16 : i32
      %mul3A_1797 = arith.muli %squeeze3A_1795, %mul3A_1796 : i32
      %get3A_1798 = arith.index_cast %mul3A_1797 : i32 to index
      %get3A_1799 = tpu.vector_load %arg9[%get3A_1798] {strides = array<i32>} : memref<256xi32, #tpu.memory_space<vmem>>, vector<16xi32>,
      %get3A_1800 = vector.shape_cast %get3A_1799 : vector<16xi32> to vector<16xi32>
      %slice3A_1801 = vector.extract_strided_slice %get3A_1800 {offsets = [0], sizes = [1], strides = [1]} : vector<16xi32> to vector<1xi32>
      %squeeze3A_1802 = vector.extract %slice3A_1801[0] : i32 from vector<1xi32>
      %slice3A_1803 = vector.extract_strided_slice %add3A_1569 {offsets = [8], sizes = [1], strides = [1]} : vector<16xi32> to vector<1xi32>
      %squeeze3A_1804 = vector.extract %slice3A_1803[0] : i32 from vector<1xi32>
      %broadcast_in_dim3A_1805 = vector.broadcast %squeeze3A_1804 : i32 to vector<16xi32>
      %mul3A_1806 = arith.constant 6144 : i32
      %mul3A_1807 = arith.muli %squeeze3A_1795, %mul3A_1806 : i32
      %add3A_1808 = arith.addi %mul3A_1807, %squeeze3A_1802 : i32
      %swap3A_1809 = arith.index_cast %add3A_1808 : i32 to index
      %swap3A_1810 = tpu.vector_load %arg8[%swap3A_1809] {strides = array<i32>} : memref<98304xi32, #tpu.memory_space<vmem>>, vector<16xi32>,
      %swap3A_1811 = vector.shape_cast %swap3A_1810 : vector<16xi32> to vector<16xi32>
      %swap3A_1812 = vector.shape_cast %broadcast_in_dim3A_1805 : vector<16xi32> to vector<16xi32>
      tpu.vector_store %arg8[%swap3A_1809], %swap3A_1812 {strides = array<i32>} : memref<98304xi32, #tpu.memory_space<vmem>>, vector<16xi32>,
      %add3A_1813 = arith.constant 1 : i32
      %add3A_1814 = arith.addi %squeeze3A_1802, %add3A_1813 : i32
      %broadcast_in_dim3A_1815 = vector.broadcast %add3A_1814 : i32 to vector<16xi32>
      %mul3A_1816 = arith.constant 16 : i32
      %mul3A_1817 = arith.muli %squeeze3A_1795, %mul3A_1816 : i32
      %swap3A_1818 = arith.index_cast %mul3A_1817 : i32 to index
      %swap3A_1819 = tpu.vector_load %arg9[%swap3A_1818] {strides = array<i32>} : memref<256xi32, #tpu.memory_space<vmem>>, vector<16xi32>,
      %swap3A_1820 = vector.shape_cast %swap3A_1819 : vector<16xi32> to vector<16xi32>
      %swap3A_1821 = vector.shape_cast %broadcast_in_dim3A_1815 : vector<16xi32> to vector<16xi32>
      tpu.vector_store %arg9[%swap3A_1818], %swap3A_1821 {strides = array<i32>} : memref<256xi32, #tpu.memory_space<vmem>>, vector<16xi32>,
      %slice3A_1822 = vector.extract_strided_slice %min3A_1562 {offsets = [9], sizes = [1], strides = [1]} : vector<16xi32> to vector<1xi32>
      %squeeze3A_1823 = vector.extract %slice3A_1822[0] : i32 from vector<1xi32>
      %mul3A_1824 = arith.constant 16 : i32
      %mul3A_1825 = arith.muli %squeeze3A_1823, %mul3A_1824 : i32
      %get3A_1826 = arith.index_cast %mul3A_1825 : i32 to index
      %get3A_1827 = tpu.vector_load %arg9[%get3A_1826] {strides = array<i32>} : memref<256xi32, #tpu.memory_space<vmem>>, vector<16xi32>,
      %get3A_1828 = vector.shape_cast %get3A_1827 : vector<16xi32> to vector<16xi32>
      %slice3A_1829 = vector.extract_strided_slice %get3A_1828 {offsets = [0], sizes = [1], strides = [1]} : vector<16xi32> to vector<1xi32>
      %squeeze3A_1830 = vector.extract %slice3A_1829[0] : i32 from vector<1xi32>
      %slice3A_1831 = vector.extract_strided_slice %add3A_1569 {offsets = [9], sizes = [1], strides = [1]} : vector<16xi32> to vector<1xi32>
      %squeeze3A_1832 = vector.extract %slice3A_1831[0] : i32 from vector<1xi32>
      %broadcast_in_dim3A_1833 = vector.broadcast %squeeze3A_1832 : i32 to vector<16xi32>
      %mul3A_1834 = arith.constant 6144 : i32
      %mul3A_1835 = arith.muli %squeeze3A_1823, %mul3A_1834 : i32
      %add3A_1836 = arith.addi %mul3A_1835, %squeeze3A_1830 : i32
      %swap3A_1837 = arith.index_cast %add3A_1836 : i32 to index
      %swap3A_1838 = tpu.vector_load %arg8[%swap3A_1837] {strides = array<i32>} : memref<98304xi32, #tpu.memory_space<vmem>>, vector<16xi32>,
      %swap3A_1839 = vector.shape_cast %swap3A_1838 : vector<16xi32> to vector<16xi32>
      %swap3A_1840 = vector.shape_cast %broadcast_in_dim3A_1833 : vector<16xi32> to vector<16xi32>
      tpu.vector_store %arg8[%swap3A_1837], %swap3A_1840 {strides = array<i32>} : memref<98304xi32, #tpu.memory_space<vmem>>, vector<16xi32>,
      %add3A_1841 = arith.constant 1 : i32
      %add3A_1842 = arith.addi %squeeze3A_1830, %add3A_1841 : i32
      %broadcast_in_dim3A_1843 = vector.broadcast %add3A_1842 : i32 to vector<16xi32>
      %mul3A_1844 = arith.constant 16 : i32
      %mul3A_1845 = arith.muli %squeeze3A_1823, %mul3A_1844 : i32
      %swap3A_1846 = arith.index_cast %mul3A_1845 : i32 to index
      %swap3A_1847 = tpu.vector_load %arg9[%swap3A_1846] {strides = array<i32>} : memref<256xi32, #tpu.memory_space<vmem>>, vector<16xi32>,
      %swap3A_1848 = vector.shape_cast %swap3A_1847 : vector<16xi32> to vector<16xi32>
      %swap3A_1849 = vector.shape_cast %broadcast_in_dim3A_1843 : vector<16xi32> to vector<16xi32>
      tpu.vector_store %arg9[%swap3A_1846], %swap3A_1849 {strides = array<i32>} : memref<256xi32, #tpu.memory_space<vmem>>, vector<16xi32>,
      %slice3A_1850 = vector.extract_strided_slice %min3A_1562 {offsets = [10], sizes = [1], strides = [1]} : vector<16xi32> to vector<1xi32>
      %squeeze3A_1851 = vector.extract %slice3A_1850[0] : i32 from vector<1xi32>
      %mul3A_1852 = arith.constant 16 : i32
      %mul3A_1853 = arith.muli %squeeze3A_1851, %mul3A_1852 : i32
      %get3A_1854 = arith.index_cast %mul3A_1853 : i32 to index
      %get3A_1855 = tpu.vector_load %arg9[%get3A_1854] {strides = array<i32>} : memref<256xi32, #tpu.memory_space<vmem>>, vector<16xi32>,
      %get3A_1856 = vector.shape_cast %get3A_1855 : vector<16xi32> to vector<16xi32>
      %slice3A_1857 = vector.extract_strided_slice %get3A_1856 {offsets = [0], sizes = [1], strides = [1]} : vector<16xi32> to vector<1xi32>
      %squeeze3A_1858 = vector.extract %slice3A_1857[0] : i32 from vector<1xi32>
      %slice3A_1859 = vector.extract_strided_slice %add3A_1569 {offsets = [10], sizes = [1], strides = [1]} : vector<16xi32> to vector<1xi32>
      %squeeze3A_1860 = vector.extract %slice3A_1859[0] : i32 from vector<1xi32>
      %broadcast_in_dim3A_1861 = vector.broadcast %squeeze3A_1860 : i32 to vector<16xi32>
      %mul3A_1862 = arith.constant 6144 : i32
      %mul3A_1863 = arith.muli %squeeze3A_1851, %mul3A_1862 : i32
      %add3A_1864 = arith.addi %mul3A_1863, %squeeze3A_1858 : i32
      %swap3A_1865 = arith.index_cast %add3A_1864 : i32 to index
      %swap3A_1866 = tpu.vector_load %arg8[%swap3A_1865] {strides = array<i32>} : memref<98304xi32, #tpu.memory_space<vmem>>, vector<16xi32>,
      %swap3A_1867 = vector.shape_cast %swap3A_1866 : vector<16xi32> to vector<16xi32>
      %swap3A_1868 = vector.shape_cast %broadcast_in_dim3A_1861 : vector<16xi32> to vector<16xi32>
      tpu.vector_store %arg8[%swap3A_1865], %swap3A_1868 {strides = array<i32>} : memref<98304xi32, #tpu.memory_space<vmem>>, vector<16xi32>,
      %add3A_1869 = arith.constant 1 : i32
      %add3A_1870 = arith.addi %squeeze3A_1858, %add3A_1869 : i32
      %broadcast_in_dim3A_1871 = vector.broadcast %add3A_1870 : i32 to vector<16xi32>
      %mul3A_1872 = arith.constant 16 : i32
      %mul3A_1873 = arith.muli %squeeze3A_1851, %mul3A_1872 : i32
      %swap3A_1874 = arith.index_cast %mul3A_1873 : i32 to index
      %swap3A_1875 = tpu.vector_load %arg9[%swap3A_1874] {strides = array<i32>} : memref<256xi32, #tpu.memory_space<vmem>>, vector<16xi32>,
      %swap3A_1876 = vector.shape_cast %swap3A_1875 : vector<16xi32> to vector<16xi32>
      %swap3A_1877 = vector.shape_cast %broadcast_in_dim3A_1871 : vector<16xi32> to vector<16xi32>
      tpu.vector_store %arg9[%swap3A_1874], %swap3A_1877 {strides = array<i32>} : memref<256xi32, #tpu.memory_space<vmem>>, vector<16xi32>,
      %slice3A_1878 = vector.extract_strided_slice %min3A_1562 {offsets = [11], sizes = [1], strides = [1]} : vector<16xi32> to vector<1xi32>
      %squeeze3A_1879 = vector.extract %slice3A_1878[0] : i32 from vector<1xi32>
      %mul3A_1880 = arith.constant 16 : i32
      %mul3A_1881 = arith.muli %squeeze3A_1879, %mul3A_1880 : i32
      %get3A_1882 = arith.index_cast %mul3A_1881 : i32 to index
      %get3A_1883 = tpu.vector_load %arg9[%get3A_1882] {strides = array<i32>} : memref<256xi32, #tpu.memory_space<vmem>>, vector<16xi32>,
      %get3A_1884 = vector.shape_cast %get3A_1883 : vector<16xi32> to vector<16xi32>
      %slice3A_1885 = vector.extract_strided_slice %get3A_1884 {offsets = [0], sizes = [1], strides = [1]} : vector<16xi32> to vector<1xi32>
      %squeeze3A_1886 = vector.extract %slice3A_1885[0] : i32 from vector<1xi32>
      %slice3A_1887 = vector.extract_strided_slice %add3A_1569 {offsets = [11], sizes = [1], strides = [1]} : vector<16xi32> to vector<1xi32>
      %squeeze3A_1888 = vector.extract %slice3A_1887[0] : i32 from vector<1xi32>
      %broadcast_in_dim3A_1889 = vector.broadcast %squeeze3A_1888 : i32 to vector<16xi32>
      %mul3A_1890 = arith.constant 6144 : i32
      %mul3A_1891 = arith.muli %squeeze3A_1879, %mul3A_1890 : i32
      %add3A_1892 = arith.addi %mul3A_1891, %squeeze3A_1886 : i32
      %swap3A_1893 = arith.index_cast %add3A_1892 : i32 to index
      %swap3A_1894 = tpu.vector_load %arg8[%swap3A_1893] {strides = array<i32>} : memref<98304xi32, #tpu.memory_space<vmem>>, vector<16xi32>,
      %swap3A_1895 = vector.shape_cast %swap3A_1894 : vector<16xi32> to vector<16xi32>
      %swap3A_1896 = vector.shape_cast %broadcast_in_dim3A_1889 : vector<16xi32> to vector<16xi32>
      tpu.vector_store %arg8[%swap3A_1893], %swap3A_1896 {strides = array<i32>} : memref<98304xi32, #tpu.memory_space<vmem>>, vector<16xi32>,
      %add3A_1897 = arith.constant 1 : i32
      %add3A_1898 = arith.addi %squeeze3A_1886, %add3A_1897 : i32
      %broadcast_in_dim3A_1899 = vector.broadcast %add3A_1898 : i32 to vector<16xi32>
      %mul3A_1900 = arith.constant 16 : i32
      %mul3A_1901 = arith.muli %squeeze3A_1879, %mul3A_1900 : i32
      %swap3A_1902 = arith.index_cast %mul3A_1901 : i32 to index
      %swap3A_1903 = tpu.vector_load %arg9[%swap3A_1902] {strides = array<i32>} : memref<256xi32, #tpu.memory_space<vmem>>, vector<16xi32>,
      %swap3A_1904 = vector.shape_cast %swap3A_1903 : vector<16xi32> to vector<16xi32>
      %swap3A_1905 = vector.shape_cast %broadcast_in_dim3A_1899 : vector<16xi32> to vector<16xi32>
      tpu.vector_store %arg9[%swap3A_1902], %swap3A_1905 {strides = array<i32>} : memref<256xi32, #tpu.memory_space<vmem>>, vector<16xi32>,
      %slice3A_1906 = vector.extract_strided_slice %min3A_1562 {offsets = [12], sizes = [1], strides = [1]} : vector<16xi32> to vector<1xi32>
      %squeeze3A_1907 = vector.extract %slice3A_1906[0] : i32 from vector<1xi32>
      %mul3A_1908 = arith.constant 16 : i32
      %mul3A_1909 = arith.muli %squeeze3A_1907, %mul3A_1908 : i32
      %get3A_1910 = arith.index_cast %mul3A_1909 : i32 to index
      %get3A_1911 = tpu.vector_load %arg9[%get3A_1910] {strides = array<i32>} : memref<256xi32, #tpu.memory_space<vmem>>, vector<16xi32>,
      %get3A_1912 = vector.shape_cast %get3A_1911 : vector<16xi32> to vector<16xi32>
      %slice3A_1913 = vector.extract_strided_slice %get3A_1912 {offsets = [0], sizes = [1], strides = [1]} : vector<16xi32> to vector<1xi32>
      %squeeze3A_1914 = vector.extract %slice3A_1913[0] : i32 from vector<1xi32>
      %slice3A_1915 = vector.extract_strided_slice %add3A_1569 {offsets = [12], sizes = [1], strides = [1]} : vector<16xi32> to vector<1xi32>
      %squeeze3A_1916 = vector.extract %slice3A_1915[0] : i32 from vector<1xi32>
      %broadcast_in_dim3A_1917 = vector.broadcast %squeeze3A_1916 : i32 to vector<16xi32>
      %mul3A_1918 = arith.constant 6144 : i32
      %mul3A_1919 = arith.muli %squeeze3A_1907, %mul3A_1918 : i32
      %add3A_1920 = arith.addi %mul3A_1919, %squeeze3A_1914 : i32
      %swap3A_1921 = arith.index_cast %add3A_1920 : i32 to index
      %swap3A_1922 = tpu.vector_load %arg8[%swap3A_1921] {strides = array<i32>} : memref<98304xi32, #tpu.memory_space<vmem>>, vector<16xi32>,
      %swap3A_1923 = vector.shape_cast %swap3A_1922 : vector<16xi32> to vector<16xi32>
      %swap3A_1924 = vector.shape_cast %broadcast_in_dim3A_1917 : vector<16xi32> to vector<16xi32>
      tpu.vector_store %arg8[%swap3A_1921], %swap3A_1924 {strides = array<i32>} : memref<98304xi32, #tpu.memory_space<vmem>>, vector<16xi32>,
      %add3A_1925 = arith.constant 1 : i32
      %add3A_1926 = arith.addi %squeeze3A_1914, %add3A_1925 : i32
      %broadcast_in_dim3A_1927 = vector.broadcast %add3A_1926 : i32 to vector<16xi32>
      %mul3A_1928 = arith.constant 16 : i32
      %mul3A_1929 = arith.muli %squeeze3A_1907, %mul3A_1928 : i32
      %swap3A_1930 = arith.index_cast %mul3A_1929 : i32 to index
      %swap3A_1931 = tpu.vector_load %arg9[%swap3A_1930] {strides = array<i32>} : memref<256xi32, #tpu.memory_space<vmem>>, vector<16xi32>,
      %swap3A_1932 = vector.shape_cast %swap3A_1931 : vector<16xi32> to vector<16xi32>
      %swap3A_1933 = vector.shape_cast %broadcast_in_dim3A_1927 : vector<16xi32> to vector<16xi32>
      tpu.vector_store %arg9[%swap3A_1930], %swap3A_1933 {strides = array<i32>} : memref<256xi32, #tpu.memory_space<vmem>>, vector<16xi32>,
      %slice3A_1934 = vector.extract_strided_slice %min3A_1562 {offsets = [13], sizes = [1], strides = [1]} : vector<16xi32> to vector<1xi32>
      %squeeze3A_1935 = vector.extract %slice3A_1934[0] : i32 from vector<1xi32>
      %mul3A_1936 = arith.constant 16 : i32
      %mul3A_1937 = arith.muli %squeeze3A_1935, %mul3A_1936 : i32
      %get3A_1938 = arith.index_cast %mul3A_1937 : i32 to index
      %get3A_1939 = tpu.vector_load %arg9[%get3A_1938] {strides = array<i32>} : memref<256xi32, #tpu.memory_space<vmem>>, vector<16xi32>,
      %get3A_1940 = vector.shape_cast %get3A_1939 : vector<16xi32> to vector<16xi32>
      %slice3A_1941 = vector.extract_strided_slice %get3A_1940 {offsets = [0], sizes = [1], strides = [1]} : vector<16xi32> to vector<1xi32>
      %squeeze3A_1942 = vector.extract %slice3A_1941[0] : i32 from vector<1xi32>
      %slice3A_1943 = vector.extract_strided_slice %add3A_1569 {offsets = [13], sizes = [1], strides = [1]} : vector<16xi32> to vector<1xi32>
      %squeeze3A_1944 = vector.extract %slice3A_1943[0] : i32 from vector<1xi32>
      %broadcast_in_dim3A_1945 = vector.broadcast %squeeze3A_1944 : i32 to vector<16xi32>
      %mul3A_1946 = arith.constant 6144 : i32
      %mul3A_1947 = arith.muli %squeeze3A_1935, %mul3A_1946 : i32
      %add3A_1948 = arith.addi %mul3A_1947, %squeeze3A_1942 : i32
      %swap3A_1949 = arith.index_cast %add3A_1948 : i32 to index
      %swap3A_1950 = tpu.vector_load %arg8[%swap3A_1949] {strides = array<i32>} : memref<98304xi32, #tpu.memory_space<vmem>>, vector<16xi32>,
      %swap3A_1951 = vector.shape_cast %swap3A_1950 : vector<16xi32> to vector<16xi32>
      %swap3A_1952 = vector.shape_cast %broadcast_in_dim3A_1945 : vector<16xi32> to vector<16xi32>
      tpu.vector_store %arg8[%swap3A_1949], %swap3A_1952 {strides = array<i32>} : memref<98304xi32, #tpu.memory_space<vmem>>, vector<16xi32>,
      %add3A_1953 = arith.constant 1 : i32
      %add3A_1954 = arith.addi %squeeze3A_1942, %add3A_1953 : i32
      %broadcast_in_dim3A_1955 = vector.broadcast %add3A_1954 : i32 to vector<16xi32>
      %mul3A_1956 = arith.constant 16 : i32
      %mul3A_1957 = arith.muli %squeeze3A_1935, %mul3A_1956 : i32
      %swap3A_1958 = arith.index_cast %mul3A_1957 : i32 to index
      %swap3A_1959 = tpu.vector_load %arg9[%swap3A_1958] {strides = array<i32>} : memref<256xi32, #tpu.memory_space<vmem>>, vector<16xi32>,
      %swap3A_1960 = vector.shape_cast %swap3A_1959 : vector<16xi32> to vector<16xi32>
      %swap3A_1961 = vector.shape_cast %broadcast_in_dim3A_1955 : vector<16xi32> to vector<16xi32>
      tpu.vector_store %arg9[%swap3A_1958], %swap3A_1961 {strides = array<i32>} : memref<256xi32, #tpu.memory_space<vmem>>, vector<16xi32>,
      %slice3A_1962 = vector.extract_strided_slice %min3A_1562 {offsets = [14], sizes = [1], strides = [1]} : vector<16xi32> to vector<1xi32>
      %squeeze3A_1963 = vector.extract %slice3A_1962[0] : i32 from vector<1xi32>
      %mul3A_1964 = arith.constant 16 : i32
      %mul3A_1965 = arith.muli %squeeze3A_1963, %mul3A_1964 : i32
      %get3A_1966 = arith.index_cast %mul3A_1965 : i32 to index
      %get3A_1967 = tpu.vector_load %arg9[%get3A_1966] {strides = array<i32>} : memref<256xi32, #tpu.memory_space<vmem>>, vector<16xi32>,
      %get3A_1968 = vector.shape_cast %get3A_1967 : vector<16xi32> to vector<16xi32>
      %slice3A_1969 = vector.extract_strided_slice %get3A_1968 {offsets = [0], sizes = [1], strides = [1]} : vector<16xi32> to vector<1xi32>
      %squeeze3A_1970 = vector.extract %slice3A_1969[0] : i32 from vector<1xi32>
      %slice3A_1971 = vector.extract_strided_slice %add3A_1569 {offsets = [14], sizes = [1], strides = [1]} : vector<16xi32> to vector<1xi32>
      %squeeze3A_1972 = vector.extract %slice3A_1971[0] : i32 from vector<1xi32>
      %broadcast_in_dim3A_1973 = vector.broadcast %squeeze3A_1972 : i32 to vector<16xi32>
      %mul3A_1974 = arith.constant 6144 : i32
      %mul3A_1975 = arith.muli %squeeze3A_1963, %mul3A_1974 : i32
      %add3A_1976 = arith.addi %mul3A_1975, %squeeze3A_1970 : i32
      %swap3A_1977 = arith.index_cast %add3A_1976 : i32 to index
      %swap3A_1978 = tpu.vector_load %arg8[%swap3A_1977] {strides = array<i32>} : memref<98304xi32, #tpu.memory_space<vmem>>, vector<16xi32>,
      %swap3A_1979 = vector.shape_cast %swap3A_1978 : vector<16xi32> to vector<16xi32>
      %swap3A_1980 = vector.shape_cast %broadcast_in_dim3A_1973 : vector<16xi32> to vector<16xi32>
      tpu.vector_store %arg8[%swap3A_1977], %swap3A_1980 {strides = array<i32>} : memref<98304xi32, #tpu.memory_space<vmem>>, vector<16xi32>,
      %add3A_1981 = arith.constant 1 : i32
      %add3A_1982 = arith.addi %squeeze3A_1970, %add3A_1981 : i32
      %broadcast_in_dim3A_1983 = vector.broadcast %add3A_1982 : i32 to vector<16xi32>
      %mul3A_1984 = arith.constant 16 : i32
      %mul3A_1985 = arith.muli %squeeze3A_1963, %mul3A_1984 : i32
      %swap3A_1986 = arith.index_cast %mul3A_1985 : i32 to index
      %swap3A_1987 = tpu.vector_load %arg9[%swap3A_1986] {strides = array<i32>} : memref<256xi32, #tpu.memory_space<vmem>>, vector<16xi32>,
      %swap3A_1988 = vector.shape_cast %swap3A_1987 : vector<16xi32> to vector<16xi32>
      %swap3A_1989 = vector.shape_cast %broadcast_in_dim3A_1983 : vector<16xi32> to vector<16xi32>
      tpu.vector_store %arg9[%swap3A_1986], %swap3A_1989 {strides = array<i32>} : memref<256xi32, #tpu.memory_space<vmem>>, vector<16xi32>,
      %slice3A_1990 = vector.extract_strided_slice %min3A_1562 {offsets = [15], sizes = [1], strides = [1]} : vector<16xi32> to vector<1xi32>
      %squeeze3A_1991 = vector.extract %slice3A_1990[0] : i32 from vector<1xi32>
      %mul3A_1992 = arith.constant 16 : i32
      %mul3A_1993 = arith.muli %squeeze3A_1991, %mul3A_1992 : i32
      %get3A_1994 = arith.index_cast %mul3A_1993 : i32 to index
      %get3A_1995 = tpu.vector_load %arg9[%get3A_1994] {strides = array<i32>} : memref<256xi32, #tpu.memory_space<vmem>>, vector<16xi32>,
      %get3A_1996 = vector.shape_cast %get3A_1995 : vector<16xi32> to vector<16xi32>
      %slice3A_1997 = vector.extract_strided_slice %get3A_1996 {offsets = [0], sizes = [1], strides = [1]} : vector<16xi32> to vector<1xi32>
      %squeeze3A_1998 = vector.extract %slice3A_1997[0] : i32 from vector<1xi32>
      %slice3A_1999 = vector.extract_strided_slice %add3A_1569 {offsets = [15], sizes = [1], strides = [1]} : vector<16xi32> to vector<1xi32>
      %squeeze3A_2000 = vector.extract %slice3A_1999[0] : i32 from vector<1xi32>
      %broadcast_in_dim3A_2001 = vector.broadcast %squeeze3A_2000 : i32 to vector<16xi32>
      %mul3A_2002 = arith.constant 6144 : i32
      %mul3A_2003 = arith.muli %squeeze3A_1991, %mul3A_2002 : i32
      %add3A_2004 = arith.addi %mul3A_2003, %squeeze3A_1998 : i32
      %swap3A_2005 = arith.index_cast %add3A_2004 : i32 to index
      %swap3A_2006 = tpu.vector_load %arg8[%swap3A_2005] {strides = array<i32>} : memref<98304xi32, #tpu.memory_space<vmem>>, vector<16xi32>,
      %swap3A_2007 = vector.shape_cast %swap3A_2006 : vector<16xi32> to vector<16xi32>
      %swap3A_2008 = vector.shape_cast %broadcast_in_dim3A_2001 : vector<16xi32> to vector<16xi32>
      tpu.vector_store %arg8[%swap3A_2005], %swap3A_2008 {strides = array<i32>} : memref<98304xi32, #tpu.memory_space<vmem>>, vector<16xi32>,
      %add3A_2009 = arith.constant 1 : i32
      %add3A_2010 = arith.addi %squeeze3A_1998, %add3A_2009 : i32
      %broadcast_in_dim3A_2011 = vector.broadcast %add3A_2010 : i32 to vector<16xi32>
      %mul3A_2012 = arith.constant 16 : i32
      %mul3A_2013 = arith.muli %squeeze3A_1991, %mul3A_2012 : i32
      %swap3A_2014 = arith.index_cast %mul3A_2013 : i32 to index
      %swap3A_2015 = tpu.vector_load %arg9[%swap3A_2014] {strides = array<i32>} : memref<256xi32, #tpu.memory_space<vmem>>, vector<16xi32>,
      %swap3A_2016 = vector.shape_cast %swap3A_2015 : vector<16xi32> to vector<16xi32>
      %swap3A_2017 = vector.shape_cast %broadcast_in_dim3A_2011 : vector<16xi32> to vector<16xi32>
      tpu.vector_store %arg9[%swap3A_2014], %swap3A_2017 {strides = array<i32>} : memref<256xi32, #tpu.memory_space<vmem>>, vector<16xi32>,
    }
    %scan3A_73 = arith.constant 320 : i32
    %broadcast_in_dim3A_74 = arith.constant 640 : i32
    %broadcast_in_dim3A_75 = vector.broadcast %broadcast_in_dim3A_74 : i32 to vector<16xi32>
    %get3A = arith.constant 0 : index
    %get3A_76 = tpu.vector_load %arg9[%get3A] {strides = array<i32>} : memref<256xi32, #tpu.memory_space<vmem>>, vector<16xi32>,
    %get3A_77 = vector.shape_cast %get3A_76 : vector<16xi32> to vector<16xi32>
    %slice3A = vector.extract_strided_slice %get3A_77 {offsets = [0], sizes = [1], strides = [1]} : vector<16xi32> to vector<1xi32>
    %squeeze3A = vector.extract %slice3A[0] : i32 from vector<1xi32>
    %add3A_78 = arith.constant 0 : i32
    %add3A_79 = arith.addi %add3A_78, %squeeze3A : i32
    %add3A_80 = arith.constant 0 : i32
    %add3A_81 = arith.addi %add3A_79, %add3A_80 : i32
    %swap3A_82 = arith.index_cast %add3A_81 : i32 to index
    %swap3A_83 = tpu.vector_load %arg8[%swap3A_82] {strides = array<i32>} : memref<98304xi32, #tpu.memory_space<vmem>>, vector<16xi32>,
    %swap3A_84 = vector.shape_cast %swap3A_83 : vector<16xi32> to vector<16xi32>
    %swap3A_85 = vector.shape_cast %broadcast_in_dim3A_75 : vector<16xi32> to vector<16xi32>
    tpu.vector_store %arg8[%swap3A_82], %swap3A_85 {strides = array<i32>} : memref<98304xi32, #tpu.memory_space<vmem>>, vector<16xi32>,
    %add3A_86 = arith.constant 0 : i32
    %add3A_87 = arith.addi %add3A_86, %squeeze3A : i32
    %add3A_88 = arith.constant 16 : i32
    %add3A_89 = arith.addi %add3A_87, %add3A_88 : i32
    %swap3A_90 = arith.index_cast %add3A_89 : i32 to index
    %swap3A_91 = tpu.vector_load %arg8[%swap3A_90] {strides = array<i32>} : memref<98304xi32, #tpu.memory_space<vmem>>, vector<16xi32>,
    %swap3A_92 = vector.shape_cast %swap3A_91 : vector<16xi32> to vector<16xi32>
    %swap3A_93 = vector.shape_cast %broadcast_in_dim3A_75 : vector<16xi32> to vector<16xi32>
    tpu.vector_store %arg8[%swap3A_90], %swap3A_93 {strides = array<i32>} : memref<98304xi32, #tpu.memory_space<vmem>>, vector<16xi32>,
    %add3A_94 = arith.constant 0 : i32
    %add3A_95 = arith.addi %add3A_94, %squeeze3A : i32
    %add3A_96 = arith.constant 32 : i32
    %add3A_97 = arith.addi %add3A_95, %add3A_96 : i32
    %swap3A_98 = arith.index_cast %add3A_97 : i32 to index
    %swap3A_99 = tpu.vector_load %arg8[%swap3A_98] {strides = array<i32>} : memref<98304xi32, #tpu.memory_space<vmem>>, vector<16xi32>,
    %swap3A_100 = vector.shape_cast %swap3A_99 : vector<16xi32> to vector<16xi32>
    %swap3A_101 = vector.shape_cast %broadcast_in_dim3A_75 : vector<16xi32> to vector<16xi32>
    tpu.vector_store %arg8[%swap3A_98], %swap3A_101 {strides = array<i32>} : memref<98304xi32, #tpu.memory_space<vmem>>, vector<16xi32>,
    %add3A_102 = arith.constant 0 : i32
    %add3A_103 = arith.addi %add3A_102, %squeeze3A : i32
    %add3A_104 = arith.constant 48 : i32
    %add3A_105 = arith.addi %add3A_103, %add3A_104 : i32
    %swap3A_106 = arith.index_cast %add3A_105 : i32 to index
    %swap3A_107 = tpu.vector_load %arg8[%swap3A_106] {strides = array<i32>} : memref<98304xi32, #tpu.memory_space<vmem>>, vector<16xi32>,
    %swap3A_108 = vector.shape_cast %swap3A_107 : vector<16xi32> to vector<16xi32>
    %swap3A_109 = vector.shape_cast %broadcast_in_dim3A_75 : vector<16xi32> to vector<16xi32>
    tpu.vector_store %arg8[%swap3A_106], %swap3A_109 {strides = array<i32>} : memref<98304xi32, #tpu.memory_space<vmem>>, vector<16xi32>,
    %add3A_110 = arith.constant 0 : i32
    %add3A_111 = arith.addi %add3A_110, %squeeze3A : i32
    %add3A_112 = arith.constant 64 : i32
    %add3A_113 = arith.addi %add3A_111, %add3A_112 : i32
    %swap3A_114 = arith.index_cast %add3A_113 : i32 to index
    %swap3A_115 = tpu.vector_load %arg8[%swap3A_114] {strides = array<i32>} : memref<98304xi32, #tpu.memory_space<vmem>>, vector<16xi32>,
    %swap3A_116 = vector.shape_cast %swap3A_115 : vector<16xi32> to vector<16xi32>
    %swap3A_117 = vector.shape_cast %broadcast_in_dim3A_75 : vector<16xi32> to vector<16xi32>
    tpu.vector_store %arg8[%swap3A_114], %swap3A_117 {strides = array<i32>} : memref<98304xi32, #tpu.memory_space<vmem>>, vector<16xi32>,
    %add3A_118 = arith.constant 0 : i32
    %add3A_119 = arith.addi %add3A_118, %squeeze3A : i32
    %add3A_120 = arith.constant 80 : i32
    %add3A_121 = arith.addi %add3A_119, %add3A_120 : i32
    %swap3A_122 = arith.index_cast %add3A_121 : i32 to index
    %swap3A_123 = tpu.vector_load %arg8[%swap3A_122] {strides = array<i32>} : memref<98304xi32, #tpu.memory_space<vmem>>, vector<16xi32>,
    %swap3A_124 = vector.shape_cast %swap3A_123 : vector<16xi32> to vector<16xi32>
    %swap3A_125 = vector.shape_cast %broadcast_in_dim3A_75 : vector<16xi32> to vector<16xi32>
    tpu.vector_store %arg8[%swap3A_122], %swap3A_125 {strides = array<i32>} : memref<98304xi32, #tpu.memory_space<vmem>>, vector<16xi32>,
    %add3A_126 = arith.constant 0 : i32
    %add3A_127 = arith.addi %add3A_126, %squeeze3A : i32
    %add3A_128 = arith.constant 96 : i32
    %add3A_129 = arith.addi %add3A_127, %add3A_128 : i32
    %swap3A_130 = arith.index_cast %add3A_129 : i32 to index
    %swap3A_131 = tpu.vector_load %arg8[%swap3A_130] {strides = array<i32>} : memref<98304xi32, #tpu.memory_space<vmem>>, vector<16xi32>,
    %swap3A_132 = vector.shape_cast %swap3A_131 : vector<16xi32> to vector<16xi32>
    %swap3A_133 = vector.shape_cast %broadcast_in_dim3A_75 : vector<16xi32> to vector<16xi32>
    tpu.vector_store %arg8[%swap3A_130], %swap3A_133 {strides = array<i32>} : memref<98304xi32, #tpu.memory_space<vmem>>, vector<16xi32>,
    %add3A_134 = arith.constant 0 : i32
    %add3A_135 = arith.addi %add3A_134, %squeeze3A : i32
    %add3A_136 = arith.constant 112 : i32
    %add3A_137 = arith.addi %add3A_135, %add3A_136 : i32
    %swap3A_138 = arith.index_cast %add3A_137 : i32 to index
    %swap3A_139 = tpu.vector_load %arg8[%swap3A_138] {strides = array<i32>} : memref<98304xi32, #tpu.memory_space<vmem>>, vector<16xi32>,
    %swap3A_140 = vector.shape_cast %swap3A_139 : vector<16xi32> to vector<16xi32>
    %swap3A_141 = vector.shape_cast %broadcast_in_dim3A_75 : vector<16xi32> to vector<16xi32>
    tpu.vector_store %arg8[%swap3A_138], %swap3A_141 {strides = array<i32>} : memref<98304xi32, #tpu.memory_space<vmem>>, vector<16xi32>,
    %add3A_142 = arith.constant 0 : i32
    %add3A_143 = arith.addi %add3A_142, %squeeze3A : i32
    %add3A_144 = arith.constant 128 : i32
    %add3A_145 = arith.addi %add3A_143, %add3A_144 : i32
    %swap3A_146 = arith.index_cast %add3A_145 : i32 to index
    %swap3A_147 = tpu.vector_load %arg8[%swap3A_146] {strides = array<i32>} : memref<98304xi32, #tpu.memory_space<vmem>>, vector<16xi32>,
    %swap3A_148 = vector.shape_cast %swap3A_147 : vector<16xi32> to vector<16xi32>
    %swap3A_149 = vector.shape_cast %broadcast_in_dim3A_75 : vector<16xi32> to vector<16xi32>
    tpu.vector_store %arg8[%swap3A_146], %swap3A_149 {strides = array<i32>} : memref<98304xi32, #tpu.memory_space<vmem>>, vector<16xi32>,
    %get3A_150 = arith.constant 16 : index
    %get3A_151 = tpu.vector_load %arg9[%get3A_150] {strides = array<i32>} : memref<256xi32, #tpu.memory_space<vmem>>, vector<16xi32>,
    %get3A_152 = vector.shape_cast %get3A_151 : vector<16xi32> to vector<16xi32>
    %slice3A_153 = vector.extract_strided_slice %get3A_152 {offsets = [0], sizes = [1], strides = [1]} : vector<16xi32> to vector<1xi32>
    %squeeze3A_154 = vector.extract %slice3A_153[0] : i32 from vector<1xi32>
    %add3A_155 = arith.constant 6144 : i32
    %add3A_156 = arith.addi %add3A_155, %squeeze3A_154 : i32
    %add3A_157 = arith.constant 0 : i32
    %add3A_158 = arith.addi %add3A_156, %add3A_157 : i32
    %swap3A_159 = arith.index_cast %add3A_158 : i32 to index
    %swap3A_160 = tpu.vector_load %arg8[%swap3A_159] {strides = array<i32>} : memref<98304xi32, #tpu.memory_space<vmem>>, vector<16xi32>,
    %swap3A_161 = vector.shape_cast %swap3A_160 : vector<16xi32> to vector<16xi32>
    %swap3A_162 = vector.shape_cast %broadcast_in_dim3A_75 : vector<16xi32> to vector<16xi32>
    tpu.vector_store %arg8[%swap3A_159], %swap3A_162 {strides = array<i32>} : memref<98304xi32, #tpu.memory_space<vmem>>, vector<16xi32>,
    %add3A_163 = arith.constant 6144 : i32
    %add3A_164 = arith.addi %add3A_163, %squeeze3A_154 : i32
    %add3A_165 = arith.constant 16 : i32
    %add3A_166 = arith.addi %add3A_164, %add3A_165 : i32
    %swap3A_167 = arith.index_cast %add3A_166 : i32 to index
    %swap3A_168 = tpu.vector_load %arg8[%swap3A_167] {strides = array<i32>} : memref<98304xi32, #tpu.memory_space<vmem>>, vector<16xi32>,
    %swap3A_169 = vector.shape_cast %swap3A_168 : vector<16xi32> to vector<16xi32>
    %swap3A_170 = vector.shape_cast %broadcast_in_dim3A_75 : vector<16xi32> to vector<16xi32>
    tpu.vector_store %arg8[%swap3A_167], %swap3A_170 {strides = array<i32>} : memref<98304xi32, #tpu.memory_space<vmem>>, vector<16xi32>,
    %add3A_171 = arith.constant 6144 : i32
    %add3A_172 = arith.addi %add3A_171, %squeeze3A_154 : i32
    %add3A_173 = arith.constant 32 : i32
    %add3A_174 = arith.addi %add3A_172, %add3A_173 : i32
    %swap3A_175 = arith.index_cast %add3A_174 : i32 to index
    %swap3A_176 = tpu.vector_load %arg8[%swap3A_175] {strides = array<i32>} : memref<98304xi32, #tpu.memory_space<vmem>>, vector<16xi32>,
    %swap3A_177 = vector.shape_cast %swap3A_176 : vector<16xi32> to vector<16xi32>
    %swap3A_178 = vector.shape_cast %broadcast_in_dim3A_75 : vector<16xi32> to vector<16xi32>
    tpu.vector_store %arg8[%swap3A_175], %swap3A_178 {strides = array<i32>} : memref<98304xi32, #tpu.memory_space<vmem>>, vector<16xi32>,
    %add3A_179 = arith.constant 6144 : i32
    %add3A_180 = arith.addi %add3A_179, %squeeze3A_154 : i32
    %add3A_181 = arith.constant 48 : i32
    %add3A_182 = arith.addi %add3A_180, %add3A_181 : i32
    %swap3A_183 = arith.index_cast %add3A_182 : i32 to index
    %swap3A_184 = tpu.vector_load %arg8[%swap3A_183] {strides = array<i32>} : memref<98304xi32, #tpu.memory_space<vmem>>, vector<16xi32>,
    %swap3A_185 = vector.shape_cast %swap3A_184 : vector<16xi32> to vector<16xi32>
    %swap3A_186 = vector.shape_cast %broadcast_in_dim3A_75 : vector<16xi32> to vector<16xi32>
    tpu.vector_store %arg8[%swap3A_183], %swap3A_186 {strides = array<i32>} : memref<98304xi32, #tpu.memory_space<vmem>>, vector<16xi32>,
    %add3A_187 = arith.constant 6144 : i32
    %add3A_188 = arith.addi %add3A_187, %squeeze3A_154 : i32
    %add3A_189 = arith.constant 64 : i32
    %add3A_190 = arith.addi %add3A_188, %add3A_189 : i32
    %swap3A_191 = arith.index_cast %add3A_190 : i32 to index
    %swap3A_192 = tpu.vector_load %arg8[%swap3A_191] {strides = array<i32>} : memref<98304xi32, #tpu.memory_space<vmem>>, vector<16xi32>,
    %swap3A_193 = vector.shape_cast %swap3A_192 : vector<16xi32> to vector<16xi32>
    %swap3A_194 = vector.shape_cast %broadcast_in_dim3A_75 : vector<16xi32> to vector<16xi32>
    tpu.vector_store %arg8[%swap3A_191], %swap3A_194 {strides = array<i32>} : memref<98304xi32, #tpu.memory_space<vmem>>, vector<16xi32>,
    %add3A_195 = arith.constant 6144 : i32
    %add3A_196 = arith.addi %add3A_195, %squeeze3A_154 : i32
    %add3A_197 = arith.constant 80 : i32
    %add3A_198 = arith.addi %add3A_196, %add3A_197 : i32
    %swap3A_199 = arith.index_cast %add3A_198 : i32 to index
    %swap3A_200 = tpu.vector_load %arg8[%swap3A_199] {strides = array<i32>} : memref<98304xi32, #tpu.memory_space<vmem>>, vector<16xi32>,
    %swap3A_201 = vector.shape_cast %swap3A_200 : vector<16xi32> to vector<16xi32>
    %swap3A_202 = vector.shape_cast %broadcast_in_dim3A_75 : vector<16xi32> to vector<16xi32>
    tpu.vector_store %arg8[%swap3A_199], %swap3A_202 {strides = array<i32>} : memref<98304xi32, #tpu.memory_space<vmem>>, vector<16xi32>,
    %add3A_203 = arith.constant 6144 : i32
    %add3A_204 = arith.addi %add3A_203, %squeeze3A_154 : i32
    %add3A_205 = arith.constant 96 : i32
    %add3A_206 = arith.addi %add3A_204, %add3A_205 : i32
    %swap3A_207 = arith.index_cast %add3A_206 : i32 to index
    %swap3A_208 = tpu.vector_load %arg8[%swap3A_207] {strides = array<i32>} : memref<98304xi32, #tpu.memory_space<vmem>>, vector<16xi32>,
    %swap3A_209 = vector.shape_cast %swap3A_208 : vector<16xi32> to vector<16xi32>
    %swap3A_210 = vector.shape_cast %broadcast_in_dim3A_75 : vector<16xi32> to vector<16xi32>
    tpu.vector_store %arg8[%swap3A_207], %swap3A_210 {strides = array<i32>} : memref<98304xi32, #tpu.memory_space<vmem>>, vector<16xi32>,
    %add3A_211 = arith.constant 6144 : i32
    %add3A_212 = arith.addi %add3A_211, %squeeze3A_154 : i32
    %add3A_213 = arith.constant 112 : i32
    %add3A_214 = arith.addi %add3A_212, %add3A_213 : i32
    %swap3A_215 = arith.index_cast %add3A_214 : i32 to index
    %swap3A_216 = tpu.vector_load %arg8[%swap3A_215] {strides = array<i32>} : memref<98304xi32, #tpu.memory_space<vmem>>, vector<16xi32>,
    %swap3A_217 = vector.shape_cast %swap3A_216 : vector<16xi32> to vector<16xi32>
    %swap3A_218 = vector.shape_cast %broadcast_in_dim3A_75 : vector<16xi32> to vector<16xi32>
    tpu.vector_store %arg8[%swap3A_215], %swap3A_218 {strides = array<i32>} : memref<98304xi32, #tpu.memory_space<vmem>>, vector<16xi32>,
    %add3A_219 = arith.constant 6144 : i32
    %add3A_220 = arith.addi %add3A_219, %squeeze3A_154 : i32
    %add3A_221 = arith.constant 128 : i32
    %add3A_222 = arith.addi %add3A_220, %add3A_221 : i32
    %swap3A_223 = arith.index_cast %add3A_222 : i32 to index
    %swap3A_224 = tpu.vector_load %arg8[%swap3A_223] {strides = array<i32>} : memref<98304xi32, #tpu.memory_space<vmem>>, vector<16xi32>,
    %swap3A_225 = vector.shape_cast %swap3A_224 : vector<16xi32> to vector<16xi32>
    %swap3A_226 = vector.shape_cast %broadcast_in_dim3A_75 : vector<16xi32> to vector<16xi32>
    tpu.vector_store %arg8[%swap3A_223], %swap3A_226 {strides = array<i32>} : memref<98304xi32, #tpu.memory_space<vmem>>, vector<16xi32>,
    %get3A_227 = arith.constant 32 : index
    %get3A_228 = tpu.vector_load %arg9[%get3A_227] {strides = array<i32>} : memref<256xi32, #tpu.memory_space<vmem>>, vector<16xi32>,
    %get3A_229 = vector.shape_cast %get3A_228 : vector<16xi32> to vector<16xi32>
    %slice3A_230 = vector.extract_strided_slice %get3A_229 {offsets = [0], sizes = [1], strides = [1]} : vector<16xi32> to vector<1xi32>
    %squeeze3A_231 = vector.extract %slice3A_230[0] : i32 from vector<1xi32>
    %add3A_232 = arith.constant 12288 : i32
    %add3A_233 = arith.addi %add3A_232, %squeeze3A_231 : i32
    %add3A_234 = arith.constant 0 : i32
    %add3A_235 = arith.addi %add3A_233, %add3A_234 : i32
    %swap3A_236 = arith.index_cast %add3A_235 : i32 to index
    %swap3A_237 = tpu.vector_load %arg8[%swap3A_236] {strides = array<i32>} : memref<98304xi32, #tpu.memory_space<vmem>>, vector<16xi32>,
    %swap3A_238 = vector.shape_cast %swap3A_237 : vector<16xi32> to vector<16xi32>
    %swap3A_239 = vector.shape_cast %broadcast_in_dim3A_75 : vector<16xi32> to vector<16xi32>
    tpu.vector_store %arg8[%swap3A_236], %swap3A_239 {strides = array<i32>} : memref<98304xi32, #tpu.memory_space<vmem>>, vector<16xi32>,
    %add3A_240 = arith.constant 12288 : i32
    %add3A_241 = arith.addi %add3A_240, %squeeze3A_231 : i32
    %add3A_242 = arith.constant 16 : i32
    %add3A_243 = arith.addi %add3A_241, %add3A_242 : i32
    %swap3A_244 = arith.index_cast %add3A_243 : i32 to index
    %swap3A_245 = tpu.vector_load %arg8[%swap3A_244] {strides = array<i32>} : memref<98304xi32, #tpu.memory_space<vmem>>, vector<16xi32>,
    %swap3A_246 = vector.shape_cast %swap3A_245 : vector<16xi32> to vector<16xi32>
    %swap3A_247 = vector.shape_cast %broadcast_in_dim3A_75 : vector<16xi32> to vector<16xi32>
    tpu.vector_store %arg8[%swap3A_244], %swap3A_247 {strides = array<i32>} : memref<98304xi32, #tpu.memory_space<vmem>>, vector<16xi32>,
    %add3A_248 = arith.constant 12288 : i32
    %add3A_249 = arith.addi %add3A_248, %squeeze3A_231 : i32
    %add3A_250 = arith.constant 32 : i32
    %add3A_251 = arith.addi %add3A_249, %add3A_250 : i32
    %swap3A_252 = arith.index_cast %add3A_251 : i32 to index
    %swap3A_253 = tpu.vector_load %arg8[%swap3A_252] {strides = array<i32>} : memref<98304xi32, #tpu.memory_space<vmem>>, vector<16xi32>,
    %swap3A_254 = vector.shape_cast %swap3A_253 : vector<16xi32> to vector<16xi32>
    %swap3A_255 = vector.shape_cast %broadcast_in_dim3A_75 : vector<16xi32> to vector<16xi32>
    tpu.vector_store %arg8[%swap3A_252], %swap3A_255 {strides = array<i32>} : memref<98304xi32, #tpu.memory_space<vmem>>, vector<16xi32>,
    %add3A_256 = arith.constant 12288 : i32
    %add3A_257 = arith.addi %add3A_256, %squeeze3A_231 : i32
    %add3A_258 = arith.constant 48 : i32
    %add3A_259 = arith.addi %add3A_257, %add3A_258 : i32
    %swap3A_260 = arith.index_cast %add3A_259 : i32 to index
    %swap3A_261 = tpu.vector_load %arg8[%swap3A_260] {strides = array<i32>} : memref<98304xi32, #tpu.memory_space<vmem>>, vector<16xi32>,
    %swap3A_262 = vector.shape_cast %swap3A_261 : vector<16xi32> to vector<16xi32>
    %swap3A_263 = vector.shape_cast %broadcast_in_dim3A_75 : vector<16xi32> to vector<16xi32>
    tpu.vector_store %arg8[%swap3A_260], %swap3A_263 {strides = array<i32>} : memref<98304xi32, #tpu.memory_space<vmem>>, vector<16xi32>,
    %add3A_264 = arith.constant 12288 : i32
    %add3A_265 = arith.addi %add3A_264, %squeeze3A_231 : i32
    %add3A_266 = arith.constant 64 : i32
    %add3A_267 = arith.addi %add3A_265, %add3A_266 : i32
    %swap3A_268 = arith.index_cast %add3A_267 : i32 to index
    %swap3A_269 = tpu.vector_load %arg8[%swap3A_268] {strides = array<i32>} : memref<98304xi32, #tpu.memory_space<vmem>>, vector<16xi32>,
    %swap3A_270 = vector.shape_cast %swap3A_269 : vector<16xi32> to vector<16xi32>
    %swap3A_271 = vector.shape_cast %broadcast_in_dim3A_75 : vector<16xi32> to vector<16xi32>
    tpu.vector_store %arg8[%swap3A_268], %swap3A_271 {strides = array<i32>} : memref<98304xi32, #tpu.memory_space<vmem>>, vector<16xi32>,
    %add3A_272 = arith.constant 12288 : i32
    %add3A_273 = arith.addi %add3A_272, %squeeze3A_231 : i32
    %add3A_274 = arith.constant 80 : i32
    %add3A_275 = arith.addi %add3A_273, %add3A_274 : i32
    %swap3A_276 = arith.index_cast %add3A_275 : i32 to index
    %swap3A_277 = tpu.vector_load %arg8[%swap3A_276] {strides = array<i32>} : memref<98304xi32, #tpu.memory_space<vmem>>, vector<16xi32>,
    %swap3A_278 = vector.shape_cast %swap3A_277 : vector<16xi32> to vector<16xi32>
    %swap3A_279 = vector.shape_cast %broadcast_in_dim3A_75 : vector<16xi32> to vector<16xi32>
    tpu.vector_store %arg8[%swap3A_276], %swap3A_279 {strides = array<i32>} : memref<98304xi32, #tpu.memory_space<vmem>>, vector<16xi32>,
    %add3A_280 = arith.constant 12288 : i32
    %add3A_281 = arith.addi %add3A_280, %squeeze3A_231 : i32
    %add3A_282 = arith.constant 96 : i32
    %add3A_283 = arith.addi %add3A_281, %add3A_282 : i32
    %swap3A_284 = arith.index_cast %add3A_283 : i32 to index
    %swap3A_285 = tpu.vector_load %arg8[%swap3A_284] {strides = array<i32>} : memref<98304xi32, #tpu.memory_space<vmem>>, vector<16xi32>,
    %swap3A_286 = vector.shape_cast %swap3A_285 : vector<16xi32> to vector<16xi32>
    %swap3A_287 = vector.shape_cast %broadcast_in_dim3A_75 : vector<16xi32> to vector<16xi32>
    tpu.vector_store %arg8[%swap3A_284], %swap3A_287 {strides = array<i32>} : memref<98304xi32, #tpu.memory_space<vmem>>, vector<16xi32>,
    %add3A_288 = arith.constant 12288 : i32
    %add3A_289 = arith.addi %add3A_288, %squeeze3A_231 : i32
    %add3A_290 = arith.constant 112 : i32
    %add3A_291 = arith.addi %add3A_289, %add3A_290 : i32
    %swap3A_292 = arith.index_cast %add3A_291 : i32 to index
    %swap3A_293 = tpu.vector_load %arg8[%swap3A_292] {strides = array<i32>} : memref<98304xi32, #tpu.memory_space<vmem>>, vector<16xi32>,
    %swap3A_294 = vector.shape_cast %swap3A_293 : vector<16xi32> to vector<16xi32>
    %swap3A_295 = vector.shape_cast %broadcast_in_dim3A_75 : vector<16xi32> to vector<16xi32>
    tpu.vector_store %arg8[%swap3A_292], %swap3A_295 {strides = array<i32>} : memref<98304xi32, #tpu.memory_space<vmem>>, vector<16xi32>,
    %add3A_296 = arith.constant 12288 : i32
    %add3A_297 = arith.addi %add3A_296, %squeeze3A_231 : i32
    %add3A_298 = arith.constant 128 : i32
    %add3A_299 = arith.addi %add3A_297, %add3A_298 : i32
    %swap3A_300 = arith.index_cast %add3A_299 : i32 to index
    %swap3A_301 = tpu.vector_load %arg8[%swap3A_300] {strides = array<i32>} : memref<98304xi32, #tpu.memory_space<vmem>>, vector<16xi32>,
    %swap3A_302 = vector.shape_cast %swap3A_301 : vector<16xi32> to vector<16xi32>
    %swap3A_303 = vector.shape_cast %broadcast_in_dim3A_75 : vector<16xi32> to vector<16xi32>
    tpu.vector_store %arg8[%swap3A_300], %swap3A_303 {strides = array<i32>} : memref<98304xi32, #tpu.memory_space<vmem>>, vector<16xi32>,
    %get3A_304 = arith.constant 48 : index
    %get3A_305 = tpu.vector_load %arg9[%get3A_304] {strides = array<i32>} : memref<256xi32, #tpu.memory_space<vmem>>, vector<16xi32>,
    %get3A_306 = vector.shape_cast %get3A_305 : vector<16xi32> to vector<16xi32>
    %slice3A_307 = vector.extract_strided_slice %get3A_306 {offsets = [0], sizes = [1], strides = [1]} : vector<16xi32> to vector<1xi32>
    %squeeze3A_308 = vector.extract %slice3A_307[0] : i32 from vector<1xi32>
    %add3A_309 = arith.constant 18432 : i32
    %add3A_310 = arith.addi %add3A_309, %squeeze3A_308 : i32
    %add3A_311 = arith.constant 0 : i32
    %add3A_312 = arith.addi %add3A_310, %add3A_311 : i32
    %swap3A_313 = arith.index_cast %add3A_312 : i32 to index
    %swap3A_314 = tpu.vector_load %arg8[%swap3A_313] {strides = array<i32>} : memref<98304xi32, #tpu.memory_space<vmem>>, vector<16xi32>,
    %swap3A_315 = vector.shape_cast %swap3A_314 : vector<16xi32> to vector<16xi32>
    %swap3A_316 = vector.shape_cast %broadcast_in_dim3A_75 : vector<16xi32> to vector<16xi32>
    tpu.vector_store %arg8[%swap3A_313], %swap3A_316 {strides = array<i32>} : memref<98304xi32, #tpu.memory_space<vmem>>, vector<16xi32>,
    %add3A_317 = arith.constant 18432 : i32
    %add3A_318 = arith.addi %add3A_317, %squeeze3A_308 : i32
    %add3A_319 = arith.constant 16 : i32
    %add3A_320 = arith.addi %add3A_318, %add3A_319 : i32
    %swap3A_321 = arith.index_cast %add3A_320 : i32 to index
    %swap3A_322 = tpu.vector_load %arg8[%swap3A_321] {strides = array<i32>} : memref<98304xi32, #tpu.memory_space<vmem>>, vector<16xi32>,
    %swap3A_323 = vector.shape_cast %swap3A_322 : vector<16xi32> to vector<16xi32>
    %swap3A_324 = vector.shape_cast %broadcast_in_dim3A_75 : vector<16xi32> to vector<16xi32>
    tpu.vector_store %arg8[%swap3A_321], %swap3A_324 {strides = array<i32>} : memref<98304xi32, #tpu.memory_space<vmem>>, vector<16xi32>,
    %add3A_325 = arith.constant 18432 : i32
    %add3A_326 = arith.addi %add3A_325, %squeeze3A_308 : i32
    %add3A_327 = arith.constant 32 : i32
    %add3A_328 = arith.addi %add3A_326, %add3A_327 : i32
    %swap3A_329 = arith.index_cast %add3A_328 : i32 to index
    %swap3A_330 = tpu.vector_load %arg8[%swap3A_329] {strides = array<i32>} : memref<98304xi32, #tpu.memory_space<vmem>>, vector<16xi32>,
    %swap3A_331 = vector.shape_cast %swap3A_330 : vector<16xi32> to vector<16xi32>
    %swap3A_332 = vector.shape_cast %broadcast_in_dim3A_75 : vector<16xi32> to vector<16xi32>
    tpu.vector_store %arg8[%swap3A_329], %swap3A_332 {strides = array<i32>} : memref<98304xi32, #tpu.memory_space<vmem>>, vector<16xi32>,
    %add3A_333 = arith.constant 18432 : i32
    %add3A_334 = arith.addi %add3A_333, %squeeze3A_308 : i32
    %add3A_335 = arith.constant 48 : i32
    %add3A_336 = arith.addi %add3A_334, %add3A_335 : i32
    %swap3A_337 = arith.index_cast %add3A_336 : i32 to index
    %swap3A_338 = tpu.vector_load %arg8[%swap3A_337] {strides = array<i32>} : memref<98304xi32, #tpu.memory_space<vmem>>, vector<16xi32>,
    %swap3A_339 = vector.shape_cast %swap3A_338 : vector<16xi32> to vector<16xi32>
    %swap3A_340 = vector.shape_cast %broadcast_in_dim3A_75 : vector<16xi32> to vector<16xi32>
    tpu.vector_store %arg8[%swap3A_337], %swap3A_340 {strides = array<i32>} : memref<98304xi32, #tpu.memory_space<vmem>>, vector<16xi32>,
    %add3A_341 = arith.constant 18432 : i32
    %add3A_342 = arith.addi %add3A_341, %squeeze3A_308 : i32
    %add3A_343 = arith.constant 64 : i32
    %add3A_344 = arith.addi %add3A_342, %add3A_343 : i32
    %swap3A_345 = arith.index_cast %add3A_344 : i32 to index
    %swap3A_346 = tpu.vector_load %arg8[%swap3A_345] {strides = array<i32>} : memref<98304xi32, #tpu.memory_space<vmem>>, vector<16xi32>,
    %swap3A_347 = vector.shape_cast %swap3A_346 : vector<16xi32> to vector<16xi32>
    %swap3A_348 = vector.shape_cast %broadcast_in_dim3A_75 : vector<16xi32> to vector<16xi32>
    tpu.vector_store %arg8[%swap3A_345], %swap3A_348 {strides = array<i32>} : memref<98304xi32, #tpu.memory_space<vmem>>, vector<16xi32>,
    %add3A_349 = arith.constant 18432 : i32
    %add3A_350 = arith.addi %add3A_349, %squeeze3A_308 : i32
    %add3A_351 = arith.constant 80 : i32
    %add3A_352 = arith.addi %add3A_350, %add3A_351 : i32
    %swap3A_353 = arith.index_cast %add3A_352 : i32 to index
    %swap3A_354 = tpu.vector_load %arg8[%swap3A_353] {strides = array<i32>} : memref<98304xi32, #tpu.memory_space<vmem>>, vector<16xi32>,
    %swap3A_355 = vector.shape_cast %swap3A_354 : vector<16xi32> to vector<16xi32>
    %swap3A_356 = vector.shape_cast %broadcast_in_dim3A_75 : vector<16xi32> to vector<16xi32>
    tpu.vector_store %arg8[%swap3A_353], %swap3A_356 {strides = array<i32>} : memref<98304xi32, #tpu.memory_space<vmem>>, vector<16xi32>,
    %add3A_357 = arith.constant 18432 : i32
    %add3A_358 = arith.addi %add3A_357, %squeeze3A_308 : i32
    %add3A_359 = arith.constant 96 : i32
    %add3A_360 = arith.addi %add3A_358, %add3A_359 : i32
    %swap3A_361 = arith.index_cast %add3A_360 : i32 to index
    %swap3A_362 = tpu.vector_load %arg8[%swap3A_361] {strides = array<i32>} : memref<98304xi32, #tpu.memory_space<vmem>>, vector<16xi32>,
    %swap3A_363 = vector.shape_cast %swap3A_362 : vector<16xi32> to vector<16xi32>
    %swap3A_364 = vector.shape_cast %broadcast_in_dim3A_75 : vector<16xi32> to vector<16xi32>
    tpu.vector_store %arg8[%swap3A_361], %swap3A_364 {strides = array<i32>} : memref<98304xi32, #tpu.memory_space<vmem>>, vector<16xi32>,
    %add3A_365 = arith.constant 18432 : i32
    %add3A_366 = arith.addi %add3A_365, %squeeze3A_308 : i32
    %add3A_367 = arith.constant 112 : i32
    %add3A_368 = arith.addi %add3A_366, %add3A_367 : i32
    %swap3A_369 = arith.index_cast %add3A_368 : i32 to index
    %swap3A_370 = tpu.vector_load %arg8[%swap3A_369] {strides = array<i32>} : memref<98304xi32, #tpu.memory_space<vmem>>, vector<16xi32>,
    %swap3A_371 = vector.shape_cast %swap3A_370 : vector<16xi32> to vector<16xi32>
    %swap3A_372 = vector.shape_cast %broadcast_in_dim3A_75 : vector<16xi32> to vector<16xi32>
    tpu.vector_store %arg8[%swap3A_369], %swap3A_372 {strides = array<i32>} : memref<98304xi32, #tpu.memory_space<vmem>>, vector<16xi32>,
    %add3A_373 = arith.constant 18432 : i32
    %add3A_374 = arith.addi %add3A_373, %squeeze3A_308 : i32
    %add3A_375 = arith.constant 128 : i32
    %add3A_376 = arith.addi %add3A_374, %add3A_375 : i32
    %swap3A_377 = arith.index_cast %add3A_376 : i32 to index
    %swap3A_378 = tpu.vector_load %arg8[%swap3A_377] {strides = array<i32>} : memref<98304xi32, #tpu.memory_space<vmem>>, vector<16xi32>,
    %swap3A_379 = vector.shape_cast %swap3A_378 : vector<16xi32> to vector<16xi32>
    %swap3A_380 = vector.shape_cast %broadcast_in_dim3A_75 : vector<16xi32> to vector<16xi32>
    tpu.vector_store %arg8[%swap3A_377], %swap3A_380 {strides = array<i32>} : memref<98304xi32, #tpu.memory_space<vmem>>, vector<16xi32>,
    %get3A_381 = arith.constant 64 : index
    %get3A_382 = tpu.vector_load %arg9[%get3A_381] {strides = array<i32>} : memref<256xi32, #tpu.memory_space<vmem>>, vector<16xi32>,
    %get3A_383 = vector.shape_cast %get3A_382 : vector<16xi32> to vector<16xi32>
    %slice3A_384 = vector.extract_strided_slice %get3A_383 {offsets = [0], sizes = [1], strides = [1]} : vector<16xi32> to vector<1xi32>
    %squeeze3A_385 = vector.extract %slice3A_384[0] : i32 from vector<1xi32>
    %add3A_386 = arith.constant 24576 : i32
    %add3A_387 = arith.addi %add3A_386, %squeeze3A_385 : i32
    %add3A_388 = arith.constant 0 : i32
    %add3A_389 = arith.addi %add3A_387, %add3A_388 : i32
    %swap3A_390 = arith.index_cast %add3A_389 : i32 to index
    %swap3A_391 = tpu.vector_load %arg8[%swap3A_390] {strides = array<i32>} : memref<98304xi32, #tpu.memory_space<vmem>>, vector<16xi32>,
    %swap3A_392 = vector.shape_cast %swap3A_391 : vector<16xi32> to vector<16xi32>
    %swap3A_393 = vector.shape_cast %broadcast_in_dim3A_75 : vector<16xi32> to vector<16xi32>
    tpu.vector_store %arg8[%swap3A_390], %swap3A_393 {strides = array<i32>} : memref<98304xi32, #tpu.memory_space<vmem>>, vector<16xi32>,
    %add3A_394 = arith.constant 24576 : i32
    %add3A_395 = arith.addi %add3A_394, %squeeze3A_385 : i32
    %add3A_396 = arith.constant 16 : i32
    %add3A_397 = arith.addi %add3A_395, %add3A_396 : i32
    %swap3A_398 = arith.index_cast %add3A_397 : i32 to index
    %swap3A_399 = tpu.vector_load %arg8[%swap3A_398] {strides = array<i32>} : memref<98304xi32, #tpu.memory_space<vmem>>, vector<16xi32>,
    %swap3A_400 = vector.shape_cast %swap3A_399 : vector<16xi32> to vector<16xi32>
    %swap3A_401 = vector.shape_cast %broadcast_in_dim3A_75 : vector<16xi32> to vector<16xi32>
    tpu.vector_store %arg8[%swap3A_398], %swap3A_401 {strides = array<i32>} : memref<98304xi32, #tpu.memory_space<vmem>>, vector<16xi32>,
    %add3A_402 = arith.constant 24576 : i32
    %add3A_403 = arith.addi %add3A_402, %squeeze3A_385 : i32
    %add3A_404 = arith.constant 32 : i32
    %add3A_405 = arith.addi %add3A_403, %add3A_404 : i32
    %swap3A_406 = arith.index_cast %add3A_405 : i32 to index
    %swap3A_407 = tpu.vector_load %arg8[%swap3A_406] {strides = array<i32>} : memref<98304xi32, #tpu.memory_space<vmem>>, vector<16xi32>,
    %swap3A_408 = vector.shape_cast %swap3A_407 : vector<16xi32> to vector<16xi32>
    %swap3A_409 = vector.shape_cast %broadcast_in_dim3A_75 : vector<16xi32> to vector<16xi32>
    tpu.vector_store %arg8[%swap3A_406], %swap3A_409 {strides = array<i32>} : memref<98304xi32, #tpu.memory_space<vmem>>, vector<16xi32>,
    %add3A_410 = arith.constant 24576 : i32
    %add3A_411 = arith.addi %add3A_410, %squeeze3A_385 : i32
    %add3A_412 = arith.constant 48 : i32
    %add3A_413 = arith.addi %add3A_411, %add3A_412 : i32
    %swap3A_414 = arith.index_cast %add3A_413 : i32 to index
    %swap3A_415 = tpu.vector_load %arg8[%swap3A_414] {strides = array<i32>} : memref<98304xi32, #tpu.memory_space<vmem>>, vector<16xi32>,
    %swap3A_416 = vector.shape_cast %swap3A_415 : vector<16xi32> to vector<16xi32>
    %swap3A_417 = vector.shape_cast %broadcast_in_dim3A_75 : vector<16xi32> to vector<16xi32>
    tpu.vector_store %arg8[%swap3A_414], %swap3A_417 {strides = array<i32>} : memref<98304xi32, #tpu.memory_space<vmem>>, vector<16xi32>,
    %add3A_418 = arith.constant 24576 : i32
    %add3A_419 = arith.addi %add3A_418, %squeeze3A_385 : i32
    %add3A_420 = arith.constant 64 : i32
    %add3A_421 = arith.addi %add3A_419, %add3A_420 : i32
    %swap3A_422 = arith.index_cast %add3A_421 : i32 to index
    %swap3A_423 = tpu.vector_load %arg8[%swap3A_422] {strides = array<i32>} : memref<98304xi32, #tpu.memory_space<vmem>>, vector<16xi32>,
    %swap3A_424 = vector.shape_cast %swap3A_423 : vector<16xi32> to vector<16xi32>
    %swap3A_425 = vector.shape_cast %broadcast_in_dim3A_75 : vector<16xi32> to vector<16xi32>
    tpu.vector_store %arg8[%swap3A_422], %swap3A_425 {strides = array<i32>} : memref<98304xi32, #tpu.memory_space<vmem>>, vector<16xi32>,
    %add3A_426 = arith.constant 24576 : i32
    %add3A_427 = arith.addi %add3A_426, %squeeze3A_385 : i32
    %add3A_428 = arith.constant 80 : i32
    %add3A_429 = arith.addi %add3A_427, %add3A_428 : i32
    %swap3A_430 = arith.index_cast %add3A_429 : i32 to index
    %swap3A_431 = tpu.vector_load %arg8[%swap3A_430] {strides = array<i32>} : memref<98304xi32, #tpu.memory_space<vmem>>, vector<16xi32>,
    %swap3A_432 = vector.shape_cast %swap3A_431 : vector<16xi32> to vector<16xi32>
    %swap3A_433 = vector.shape_cast %broadcast_in_dim3A_75 : vector<16xi32> to vector<16xi32>
    tpu.vector_store %arg8[%swap3A_430], %swap3A_433 {strides = array<i32>} : memref<98304xi32, #tpu.memory_space<vmem>>, vector<16xi32>,
    %add3A_434 = arith.constant 24576 : i32
    %add3A_435 = arith.addi %add3A_434, %squeeze3A_385 : i32
    %add3A_436 = arith.constant 96 : i32
    %add3A_437 = arith.addi %add3A_435, %add3A_436 : i32
    %swap3A_438 = arith.index_cast %add3A_437 : i32 to index
    %swap3A_439 = tpu.vector_load %arg8[%swap3A_438] {strides = array<i32>} : memref<98304xi32, #tpu.memory_space<vmem>>, vector<16xi32>,
    %swap3A_440 = vector.shape_cast %swap3A_439 : vector<16xi32> to vector<16xi32>
    %swap3A_441 = vector.shape_cast %broadcast_in_dim3A_75 : vector<16xi32> to vector<16xi32>
    tpu.vector_store %arg8[%swap3A_438], %swap3A_441 {strides = array<i32>} : memref<98304xi32, #tpu.memory_space<vmem>>, vector<16xi32>,
    %add3A_442 = arith.constant 24576 : i32
    %add3A_443 = arith.addi %add3A_442, %squeeze3A_385 : i32
    %add3A_444 = arith.constant 112 : i32
    %add3A_445 = arith.addi %add3A_443, %add3A_444 : i32
    %swap3A_446 = arith.index_cast %add3A_445 : i32 to index
    %swap3A_447 = tpu.vector_load %arg8[%swap3A_446] {strides = array<i32>} : memref<98304xi32, #tpu.memory_space<vmem>>, vector<16xi32>,
    %swap3A_448 = vector.shape_cast %swap3A_447 : vector<16xi32> to vector<16xi32>
    %swap3A_449 = vector.shape_cast %broadcast_in_dim3A_75 : vector<16xi32> to vector<16xi32>
    tpu.vector_store %arg8[%swap3A_446], %swap3A_449 {strides = array<i32>} : memref<98304xi32, #tpu.memory_space<vmem>>, vector<16xi32>,
    %add3A_450 = arith.constant 24576 : i32
    %add3A_451 = arith.addi %add3A_450, %squeeze3A_385 : i32
    %add3A_452 = arith.constant 128 : i32
    %add3A_453 = arith.addi %add3A_451, %add3A_452 : i32
    %swap3A_454 = arith.index_cast %add3A_453 : i32 to index
    %swap3A_455 = tpu.vector_load %arg8[%swap3A_454] {strides = array<i32>} : memref<98304xi32, #tpu.memory_space<vmem>>, vector<16xi32>,
    %swap3A_456 = vector.shape_cast %swap3A_455 : vector<16xi32> to vector<16xi32>
    %swap3A_457 = vector.shape_cast %broadcast_in_dim3A_75 : vector<16xi32> to vector<16xi32>
    tpu.vector_store %arg8[%swap3A_454], %swap3A_457 {strides = array<i32>} : memref<98304xi32, #tpu.memory_space<vmem>>, vector<16xi32>,
    %get3A_458 = arith.constant 80 : index
    %get3A_459 = tpu.vector_load %arg9[%get3A_458] {strides = array<i32>} : memref<256xi32, #tpu.memory_space<vmem>>, vector<16xi32>,
    %get3A_460 = vector.shape_cast %get3A_459 : vector<16xi32> to vector<16xi32>
    %slice3A_461 = vector.extract_strided_slice %get3A_460 {offsets = [0], sizes = [1], strides = [1]} : vector<16xi32> to vector<1xi32>
    %squeeze3A_462 = vector.extract %slice3A_461[0] : i32 from vector<1xi32>
    %add3A_463 = arith.constant 30720 : i32
    %add3A_464 = arith.addi %add3A_463, %squeeze3A_462 : i32
    %add3A_465 = arith.constant 0 : i32
    %add3A_466 = arith.addi %add3A_464, %add3A_465 : i32
    %swap3A_467 = arith.index_cast %add3A_466 : i32 to index
    %swap3A_468 = tpu.vector_load %arg8[%swap3A_467] {strides = array<i32>} : memref<98304xi32, #tpu.memory_space<vmem>>, vector<16xi32>,
    %swap3A_469 = vector.shape_cast %swap3A_468 : vector<16xi32> to vector<16xi32>
    %swap3A_470 = vector.shape_cast %broadcast_in_dim3A_75 : vector<16xi32> to vector<16xi32>
    tpu.vector_store %arg8[%swap3A_467], %swap3A_470 {strides = array<i32>} : memref<98304xi32, #tpu.memory_space<vmem>>, vector<16xi32>,
    %add3A_471 = arith.constant 30720 : i32
    %add3A_472 = arith.addi %add3A_471, %squeeze3A_462 : i32
    %add3A_473 = arith.constant 16 : i32
    %add3A_474 = arith.addi %add3A_472, %add3A_473 : i32
    %swap3A_475 = arith.index_cast %add3A_474 : i32 to index
    %swap3A_476 = tpu.vector_load %arg8[%swap3A_475] {strides = array<i32>} : memref<98304xi32, #tpu.memory_space<vmem>>, vector<16xi32>,
    %swap3A_477 = vector.shape_cast %swap3A_476 : vector<16xi32> to vector<16xi32>
    %swap3A_478 = vector.shape_cast %broadcast_in_dim3A_75 : vector<16xi32> to vector<16xi32>
    tpu.vector_store %arg8[%swap3A_475], %swap3A_478 {strides = array<i32>} : memref<98304xi32, #tpu.memory_space<vmem>>, vector<16xi32>,
    %add3A_479 = arith.constant 30720 : i32
    %add3A_480 = arith.addi %add3A_479, %squeeze3A_462 : i32
    %add3A_481 = arith.constant 32 : i32
    %add3A_482 = arith.addi %add3A_480, %add3A_481 : i32
    %swap3A_483 = arith.index_cast %add3A_482 : i32 to index
    %swap3A_484 = tpu.vector_load %arg8[%swap3A_483] {strides = array<i32>} : memref<98304xi32, #tpu.memory_space<vmem>>, vector<16xi32>,
    %swap3A_485 = vector.shape_cast %swap3A_484 : vector<16xi32> to vector<16xi32>
    %swap3A_486 = vector.shape_cast %broadcast_in_dim3A_75 : vector<16xi32> to vector<16xi32>
    tpu.vector_store %arg8[%swap3A_483], %swap3A_486 {strides = array<i32>} : memref<98304xi32, #tpu.memory_space<vmem>>, vector<16xi32>,
    %add3A_487 = arith.constant 30720 : i32
    %add3A_488 = arith.addi %add3A_487, %squeeze3A_462 : i32
    %add3A_489 = arith.constant 48 : i32
    %add3A_490 = arith.addi %add3A_488, %add3A_489 : i32
    %swap3A_491 = arith.index_cast %add3A_490 : i32 to index
    %swap3A_492 = tpu.vector_load %arg8[%swap3A_491] {strides = array<i32>} : memref<98304xi32, #tpu.memory_space<vmem>>, vector<16xi32>,
    %swap3A_493 = vector.shape_cast %swap3A_492 : vector<16xi32> to vector<16xi32>
    %swap3A_494 = vector.shape_cast %broadcast_in_dim3A_75 : vector<16xi32> to vector<16xi32>
    tpu.vector_store %arg8[%swap3A_491], %swap3A_494 {strides = array<i32>} : memref<98304xi32, #tpu.memory_space<vmem>>, vector<16xi32>,
    %add3A_495 = arith.constant 30720 : i32
    %add3A_496 = arith.addi %add3A_495, %squeeze3A_462 : i32
    %add3A_497 = arith.constant 64 : i32
    %add3A_498 = arith.addi %add3A_496, %add3A_497 : i32
    %swap3A_499 = arith.index_cast %add3A_498 : i32 to index
    %swap3A_500 = tpu.vector_load %arg8[%swap3A_499] {strides = array<i32>} : memref<98304xi32, #tpu.memory_space<vmem>>, vector<16xi32>,
    %swap3A_501 = vector.shape_cast %swap3A_500 : vector<16xi32> to vector<16xi32>
    %swap3A_502 = vector.shape_cast %broadcast_in_dim3A_75 : vector<16xi32> to vector<16xi32>
    tpu.vector_store %arg8[%swap3A_499], %swap3A_502 {strides = array<i32>} : memref<98304xi32, #tpu.memory_space<vmem>>, vector<16xi32>,
    %add3A_503 = arith.constant 30720 : i32
    %add3A_504 = arith.addi %add3A_503, %squeeze3A_462 : i32
    %add3A_505 = arith.constant 80 : i32
    %add3A_506 = arith.addi %add3A_504, %add3A_505 : i32
    %swap3A_507 = arith.index_cast %add3A_506 : i32 to index
    %swap3A_508 = tpu.vector_load %arg8[%swap3A_507] {strides = array<i32>} : memref<98304xi32, #tpu.memory_space<vmem>>, vector<16xi32>,
    %swap3A_509 = vector.shape_cast %swap3A_508 : vector<16xi32> to vector<16xi32>
    %swap3A_510 = vector.shape_cast %broadcast_in_dim3A_75 : vector<16xi32> to vector<16xi32>
    tpu.vector_store %arg8[%swap3A_507], %swap3A_510 {strides = array<i32>} : memref<98304xi32, #tpu.memory_space<vmem>>, vector<16xi32>,
    %add3A_511 = arith.constant 30720 : i32
    %add3A_512 = arith.addi %add3A_511, %squeeze3A_462 : i32
    %add3A_513 = arith.constant 96 : i32
    %add3A_514 = arith.addi %add3A_512, %add3A_513 : i32
    %swap3A_515 = arith.index_cast %add3A_514 : i32 to index
    %swap3A_516 = tpu.vector_load %arg8[%swap3A_515] {strides = array<i32>} : memref<98304xi32, #tpu.memory_space<vmem>>, vector<16xi32>,
    %swap3A_517 = vector.shape_cast %swap3A_516 : vector<16xi32> to vector<16xi32>
    %swap3A_518 = vector.shape_cast %broadcast_in_dim3A_75 : vector<16xi32> to vector<16xi32>
    tpu.vector_store %arg8[%swap3A_515], %swap3A_518 {strides = array<i32>} : memref<98304xi32, #tpu.memory_space<vmem>>, vector<16xi32>,
    %add3A_519 = arith.constant 30720 : i32
    %add3A_520 = arith.addi %add3A_519, %squeeze3A_462 : i32
    %add3A_521 = arith.constant 112 : i32
    %add3A_522 = arith.addi %add3A_520, %add3A_521 : i32
    %swap3A_523 = arith.index_cast %add3A_522 : i32 to index
    %swap3A_524 = tpu.vector_load %arg8[%swap3A_523] {strides = array<i32>} : memref<98304xi32, #tpu.memory_space<vmem>>, vector<16xi32>,
    %swap3A_525 = vector.shape_cast %swap3A_524 : vector<16xi32> to vector<16xi32>
    %swap3A_526 = vector.shape_cast %broadcast_in_dim3A_75 : vector<16xi32> to vector<16xi32>
    tpu.vector_store %arg8[%swap3A_523], %swap3A_526 {strides = array<i32>} : memref<98304xi32, #tpu.memory_space<vmem>>, vector<16xi32>,
    %add3A_527 = arith.constant 30720 : i32
    %add3A_528 = arith.addi %add3A_527, %squeeze3A_462 : i32
    %add3A_529 = arith.constant 128 : i32
    %add3A_530 = arith.addi %add3A_528, %add3A_529 : i32
    %swap3A_531 = arith.index_cast %add3A_530 : i32 to index
    %swap3A_532 = tpu.vector_load %arg8[%swap3A_531] {strides = array<i32>} : memref<98304xi32, #tpu.memory_space<vmem>>, vector<16xi32>,
    %swap3A_533 = vector.shape_cast %swap3A_532 : vector<16xi32> to vector<16xi32>
    %swap3A_534 = vector.shape_cast %broadcast_in_dim3A_75 : vector<16xi32> to vector<16xi32>
    tpu.vector_store %arg8[%swap3A_531], %swap3A_534 {strides = array<i32>} : memref<98304xi32, #tpu.memory_space<vmem>>, vector<16xi32>,
    %get3A_535 = arith.constant 96 : index
    %get3A_536 = tpu.vector_load %arg9[%get3A_535] {strides = array<i32>} : memref<256xi32, #tpu.memory_space<vmem>>, vector<16xi32>,
    %get3A_537 = vector.shape_cast %get3A_536 : vector<16xi32> to vector<16xi32>
    %slice3A_538 = vector.extract_strided_slice %get3A_537 {offsets = [0], sizes = [1], strides = [1]} : vector<16xi32> to vector<1xi32>
    %squeeze3A_539 = vector.extract %slice3A_538[0] : i32 from vector<1xi32>
    %add3A_540 = arith.constant 36864 : i32
    %add3A_541 = arith.addi %add3A_540, %squeeze3A_539 : i32
    %add3A_542 = arith.constant 0 : i32
    %add3A_543 = arith.addi %add3A_541, %add3A_542 : i32
    %swap3A_544 = arith.index_cast %add3A_543 : i32 to index
    %swap3A_545 = tpu.vector_load %arg8[%swap3A_544] {strides = array<i32>} : memref<98304xi32, #tpu.memory_space<vmem>>, vector<16xi32>,
    %swap3A_546 = vector.shape_cast %swap3A_545 : vector<16xi32> to vector<16xi32>
    %swap3A_547 = vector.shape_cast %broadcast_in_dim3A_75 : vector<16xi32> to vector<16xi32>
    tpu.vector_store %arg8[%swap3A_544], %swap3A_547 {strides = array<i32>} : memref<98304xi32, #tpu.memory_space<vmem>>, vector<16xi32>,
    %add3A_548 = arith.constant 36864 : i32
    %add3A_549 = arith.addi %add3A_548, %squeeze3A_539 : i32
    %add3A_550 = arith.constant 16 : i32
    %add3A_551 = arith.addi %add3A_549, %add3A_550 : i32
    %swap3A_552 = arith.index_cast %add3A_551 : i32 to index
    %swap3A_553 = tpu.vector_load %arg8[%swap3A_552] {strides = array<i32>} : memref<98304xi32, #tpu.memory_space<vmem>>, vector<16xi32>,
    %swap3A_554 = vector.shape_cast %swap3A_553 : vector<16xi32> to vector<16xi32>
    %swap3A_555 = vector.shape_cast %broadcast_in_dim3A_75 : vector<16xi32> to vector<16xi32>
    tpu.vector_store %arg8[%swap3A_552], %swap3A_555 {strides = array<i32>} : memref<98304xi32, #tpu.memory_space<vmem>>, vector<16xi32>,
    %add3A_556 = arith.constant 36864 : i32
    %add3A_557 = arith.addi %add3A_556, %squeeze3A_539 : i32
    %add3A_558 = arith.constant 32 : i32
    %add3A_559 = arith.addi %add3A_557, %add3A_558 : i32
    %swap3A_560 = arith.index_cast %add3A_559 : i32 to index
    %swap3A_561 = tpu.vector_load %arg8[%swap3A_560] {strides = array<i32>} : memref<98304xi32, #tpu.memory_space<vmem>>, vector<16xi32>,
    %swap3A_562 = vector.shape_cast %swap3A_561 : vector<16xi32> to vector<16xi32>
    %swap3A_563 = vector.shape_cast %broadcast_in_dim3A_75 : vector<16xi32> to vector<16xi32>
    tpu.vector_store %arg8[%swap3A_560], %swap3A_563 {strides = array<i32>} : memref<98304xi32, #tpu.memory_space<vmem>>, vector<16xi32>,
    %add3A_564 = arith.constant 36864 : i32
    %add3A_565 = arith.addi %add3A_564, %squeeze3A_539 : i32
    %add3A_566 = arith.constant 48 : i32
    %add3A_567 = arith.addi %add3A_565, %add3A_566 : i32
    %swap3A_568 = arith.index_cast %add3A_567 : i32 to index
    %swap3A_569 = tpu.vector_load %arg8[%swap3A_568] {strides = array<i32>} : memref<98304xi32, #tpu.memory_space<vmem>>, vector<16xi32>,
    %swap3A_570 = vector.shape_cast %swap3A_569 : vector<16xi32> to vector<16xi32>
    %swap3A_571 = vector.shape_cast %broadcast_in_dim3A_75 : vector<16xi32> to vector<16xi32>
    tpu.vector_store %arg8[%swap3A_568], %swap3A_571 {strides = array<i32>} : memref<98304xi32, #tpu.memory_space<vmem>>, vector<16xi32>,
    %add3A_572 = arith.constant 36864 : i32
    %add3A_573 = arith.addi %add3A_572, %squeeze3A_539 : i32
    %add3A_574 = arith.constant 64 : i32
    %add3A_575 = arith.addi %add3A_573, %add3A_574 : i32
    %swap3A_576 = arith.index_cast %add3A_575 : i32 to index
    %swap3A_577 = tpu.vector_load %arg8[%swap3A_576] {strides = array<i32>} : memref<98304xi32, #tpu.memory_space<vmem>>, vector<16xi32>,
    %swap3A_578 = vector.shape_cast %swap3A_577 : vector<16xi32> to vector<16xi32>
    %swap3A_579 = vector.shape_cast %broadcast_in_dim3A_75 : vector<16xi32> to vector<16xi32>
    tpu.vector_store %arg8[%swap3A_576], %swap3A_579 {strides = array<i32>} : memref<98304xi32, #tpu.memory_space<vmem>>, vector<16xi32>,
    %add3A_580 = arith.constant 36864 : i32
    %add3A_581 = arith.addi %add3A_580, %squeeze3A_539 : i32
    %add3A_582 = arith.constant 80 : i32
    %add3A_583 = arith.addi %add3A_581, %add3A_582 : i32
    %swap3A_584 = arith.index_cast %add3A_583 : i32 to index
    %swap3A_585 = tpu.vector_load %arg8[%swap3A_584] {strides = array<i32>} : memref<98304xi32, #tpu.memory_space<vmem>>, vector<16xi32>,
    %swap3A_586 = vector.shape_cast %swap3A_585 : vector<16xi32> to vector<16xi32>
    %swap3A_587 = vector.shape_cast %broadcast_in_dim3A_75 : vector<16xi32> to vector<16xi32>
    tpu.vector_store %arg8[%swap3A_584], %swap3A_587 {strides = array<i32>} : memref<98304xi32, #tpu.memory_space<vmem>>, vector<16xi32>,
    %add3A_588 = arith.constant 36864 : i32
    %add3A_589 = arith.addi %add3A_588, %squeeze3A_539 : i32
    %add3A_590 = arith.constant 96 : i32
    %add3A_591 = arith.addi %add3A_589, %add3A_590 : i32
    %swap3A_592 = arith.index_cast %add3A_591 : i32 to index
    %swap3A_593 = tpu.vector_load %arg8[%swap3A_592] {strides = array<i32>} : memref<98304xi32, #tpu.memory_space<vmem>>, vector<16xi32>,
    %swap3A_594 = vector.shape_cast %swap3A_593 : vector<16xi32> to vector<16xi32>
    %swap3A_595 = vector.shape_cast %broadcast_in_dim3A_75 : vector<16xi32> to vector<16xi32>
    tpu.vector_store %arg8[%swap3A_592], %swap3A_595 {strides = array<i32>} : memref<98304xi32, #tpu.memory_space<vmem>>, vector<16xi32>,
    %add3A_596 = arith.constant 36864 : i32
    %add3A_597 = arith.addi %add3A_596, %squeeze3A_539 : i32
    %add3A_598 = arith.constant 112 : i32
    %add3A_599 = arith.addi %add3A_597, %add3A_598 : i32
    %swap3A_600 = arith.index_cast %add3A_599 : i32 to index
    %swap3A_601 = tpu.vector_load %arg8[%swap3A_600] {strides = array<i32>} : memref<98304xi32, #tpu.memory_space<vmem>>, vector<16xi32>,
    %swap3A_602 = vector.shape_cast %swap3A_601 : vector<16xi32> to vector<16xi32>
    %swap3A_603 = vector.shape_cast %broadcast_in_dim3A_75 : vector<16xi32> to vector<16xi32>
    tpu.vector_store %arg8[%swap3A_600], %swap3A_603 {strides = array<i32>} : memref<98304xi32, #tpu.memory_space<vmem>>, vector<16xi32>,
    %add3A_604 = arith.constant 36864 : i32
    %add3A_605 = arith.addi %add3A_604, %squeeze3A_539 : i32
    %add3A_606 = arith.constant 128 : i32
    %add3A_607 = arith.addi %add3A_605, %add3A_606 : i32
    %swap3A_608 = arith.index_cast %add3A_607 : i32 to index
    %swap3A_609 = tpu.vector_load %arg8[%swap3A_608] {strides = array<i32>} : memref<98304xi32, #tpu.memory_space<vmem>>, vector<16xi32>,
    %swap3A_610 = vector.shape_cast %swap3A_609 : vector<16xi32> to vector<16xi32>
    %swap3A_611 = vector.shape_cast %broadcast_in_dim3A_75 : vector<16xi32> to vector<16xi32>
    tpu.vector_store %arg8[%swap3A_608], %swap3A_611 {strides = array<i32>} : memref<98304xi32, #tpu.memory_space<vmem>>, vector<16xi32>,
    %get3A_612 = arith.constant 112 : index
    %get3A_613 = tpu.vector_load %arg9[%get3A_612] {strides = array<i32>} : memref<256xi32, #tpu.memory_space<vmem>>, vector<16xi32>,
    %get3A_614 = vector.shape_cast %get3A_613 : vector<16xi32> to vector<16xi32>
    %slice3A_615 = vector.extract_strided_slice %get3A_614 {offsets = [0], sizes = [1], strides = [1]} : vector<16xi32> to vector<1xi32>
    %squeeze3A_616 = vector.extract %slice3A_615[0] : i32 from vector<1xi32>
    %add3A_617 = arith.constant 43008 : i32
    %add3A_618 = arith.addi %add3A_617, %squeeze3A_616 : i32
    %add3A_619 = arith.constant 0 : i32
    %add3A_620 = arith.addi %add3A_618, %add3A_619 : i32
    %swap3A_621 = arith.index_cast %add3A_620 : i32 to index
    %swap3A_622 = tpu.vector_load %arg8[%swap3A_621] {strides = array<i32>} : memref<98304xi32, #tpu.memory_space<vmem>>, vector<16xi32>,
    %swap3A_623 = vector.shape_cast %swap3A_622 : vector<16xi32> to vector<16xi32>
    %swap3A_624 = vector.shape_cast %broadcast_in_dim3A_75 : vector<16xi32> to vector<16xi32>
    tpu.vector_store %arg8[%swap3A_621], %swap3A_624 {strides = array<i32>} : memref<98304xi32, #tpu.memory_space<vmem>>, vector<16xi32>,
    %add3A_625 = arith.constant 43008 : i32
    %add3A_626 = arith.addi %add3A_625, %squeeze3A_616 : i32
    %add3A_627 = arith.constant 16 : i32
    %add3A_628 = arith.addi %add3A_626, %add3A_627 : i32
    %swap3A_629 = arith.index_cast %add3A_628 : i32 to index
    %swap3A_630 = tpu.vector_load %arg8[%swap3A_629] {strides = array<i32>} : memref<98304xi32, #tpu.memory_space<vmem>>, vector<16xi32>,
    %swap3A_631 = vector.shape_cast %swap3A_630 : vector<16xi32> to vector<16xi32>
    %swap3A_632 = vector.shape_cast %broadcast_in_dim3A_75 : vector<16xi32> to vector<16xi32>
    tpu.vector_store %arg8[%swap3A_629], %swap3A_632 {strides = array<i32>} : memref<98304xi32, #tpu.memory_space<vmem>>, vector<16xi32>,
    %add3A_633 = arith.constant 43008 : i32
    %add3A_634 = arith.addi %add3A_633, %squeeze3A_616 : i32
    %add3A_635 = arith.constant 32 : i32
    %add3A_636 = arith.addi %add3A_634, %add3A_635 : i32
    %swap3A_637 = arith.index_cast %add3A_636 : i32 to index
    %swap3A_638 = tpu.vector_load %arg8[%swap3A_637] {strides = array<i32>} : memref<98304xi32, #tpu.memory_space<vmem>>, vector<16xi32>,
    %swap3A_639 = vector.shape_cast %swap3A_638 : vector<16xi32> to vector<16xi32>
    %swap3A_640 = vector.shape_cast %broadcast_in_dim3A_75 : vector<16xi32> to vector<16xi32>
    tpu.vector_store %arg8[%swap3A_637], %swap3A_640 {strides = array<i32>} : memref<98304xi32, #tpu.memory_space<vmem>>, vector<16xi32>,
    %add3A_641 = arith.constant 43008 : i32
    %add3A_642 = arith.addi %add3A_641, %squeeze3A_616 : i32
    %add3A_643 = arith.constant 48 : i32
    %add3A_644 = arith.addi %add3A_642, %add3A_643 : i32
    %swap3A_645 = arith.index_cast %add3A_644 : i32 to index
    %swap3A_646 = tpu.vector_load %arg8[%swap3A_645] {strides = array<i32>} : memref<98304xi32, #tpu.memory_space<vmem>>, vector<16xi32>,
    %swap3A_647 = vector.shape_cast %swap3A_646 : vector<16xi32> to vector<16xi32>
    %swap3A_648 = vector.shape_cast %broadcast_in_dim3A_75 : vector<16xi32> to vector<16xi32>
    tpu.vector_store %arg8[%swap3A_645], %swap3A_648 {strides = array<i32>} : memref<98304xi32, #tpu.memory_space<vmem>>, vector<16xi32>,
    %add3A_649 = arith.constant 43008 : i32
    %add3A_650 = arith.addi %add3A_649, %squeeze3A_616 : i32
    %add3A_651 = arith.constant 64 : i32
    %add3A_652 = arith.addi %add3A_650, %add3A_651 : i32
    %swap3A_653 = arith.index_cast %add3A_652 : i32 to index
    %swap3A_654 = tpu.vector_load %arg8[%swap3A_653] {strides = array<i32>} : memref<98304xi32, #tpu.memory_space<vmem>>, vector<16xi32>,
    %swap3A_655 = vector.shape_cast %swap3A_654 : vector<16xi32> to vector<16xi32>
    %swap3A_656 = vector.shape_cast %broadcast_in_dim3A_75 : vector<16xi32> to vector<16xi32>
    tpu.vector_store %arg8[%swap3A_653], %swap3A_656 {strides = array<i32>} : memref<98304xi32, #tpu.memory_space<vmem>>, vector<16xi32>,
    %add3A_657 = arith.constant 43008 : i32
    %add3A_658 = arith.addi %add3A_657, %squeeze3A_616 : i32
    %add3A_659 = arith.constant 80 : i32
    %add3A_660 = arith.addi %add3A_658, %add3A_659 : i32
    %swap3A_661 = arith.index_cast %add3A_660 : i32 to index
    %swap3A_662 = tpu.vector_load %arg8[%swap3A_661] {strides = array<i32>} : memref<98304xi32, #tpu.memory_space<vmem>>, vector<16xi32>,
    %swap3A_663 = vector.shape_cast %swap3A_662 : vector<16xi32> to vector<16xi32>
    %swap3A_664 = vector.shape_cast %broadcast_in_dim3A_75 : vector<16xi32> to vector<16xi32>
    tpu.vector_store %arg8[%swap3A_661], %swap3A_664 {strides = array<i32>} : memref<98304xi32, #tpu.memory_space<vmem>>, vector<16xi32>,
    %add3A_665 = arith.constant 43008 : i32
    %add3A_666 = arith.addi %add3A_665, %squeeze3A_616 : i32
    %add3A_667 = arith.constant 96 : i32
    %add3A_668 = arith.addi %add3A_666, %add3A_667 : i32
    %swap3A_669 = arith.index_cast %add3A_668 : i32 to index
    %swap3A_670 = tpu.vector_load %arg8[%swap3A_669] {strides = array<i32>} : memref<98304xi32, #tpu.memory_space<vmem>>, vector<16xi32>,
    %swap3A_671 = vector.shape_cast %swap3A_670 : vector<16xi32> to vector<16xi32>
    %swap3A_672 = vector.shape_cast %broadcast_in_dim3A_75 : vector<16xi32> to vector<16xi32>
    tpu.vector_store %arg8[%swap3A_669], %swap3A_672 {strides = array<i32>} : memref<98304xi32, #tpu.memory_space<vmem>>, vector<16xi32>,
    %add3A_673 = arith.constant 43008 : i32
    %add3A_674 = arith.addi %add3A_673, %squeeze3A_616 : i32
    %add3A_675 = arith.constant 112 : i32
    %add3A_676 = arith.addi %add3A_674, %add3A_675 : i32
    %swap3A_677 = arith.index_cast %add3A_676 : i32 to index
    %swap3A_678 = tpu.vector_load %arg8[%swap3A_677] {strides = array<i32>} : memref<98304xi32, #tpu.memory_space<vmem>>, vector<16xi32>,
    %swap3A_679 = vector.shape_cast %swap3A_678 : vector<16xi32> to vector<16xi32>
    %swap3A_680 = vector.shape_cast %broadcast_in_dim3A_75 : vector<16xi32> to vector<16xi32>
    tpu.vector_store %arg8[%swap3A_677], %swap3A_680 {strides = array<i32>} : memref<98304xi32, #tpu.memory_space<vmem>>, vector<16xi32>,
    %add3A_681 = arith.constant 43008 : i32
    %add3A_682 = arith.addi %add3A_681, %squeeze3A_616 : i32
    %add3A_683 = arith.constant 128 : i32
    %add3A_684 = arith.addi %add3A_682, %add3A_683 : i32
    %swap3A_685 = arith.index_cast %add3A_684 : i32 to index
    %swap3A_686 = tpu.vector_load %arg8[%swap3A_685] {strides = array<i32>} : memref<98304xi32, #tpu.memory_space<vmem>>, vector<16xi32>,
    %swap3A_687 = vector.shape_cast %swap3A_686 : vector<16xi32> to vector<16xi32>
    %swap3A_688 = vector.shape_cast %broadcast_in_dim3A_75 : vector<16xi32> to vector<16xi32>
    tpu.vector_store %arg8[%swap3A_685], %swap3A_688 {strides = array<i32>} : memref<98304xi32, #tpu.memory_space<vmem>>, vector<16xi32>,
    %get3A_689 = arith.constant 128 : index
    %get3A_690 = tpu.vector_load %arg9[%get3A_689] {strides = array<i32>} : memref<256xi32, #tpu.memory_space<vmem>>, vector<16xi32>,
    %get3A_691 = vector.shape_cast %get3A_690 : vector<16xi32> to vector<16xi32>
    %slice3A_692 = vector.extract_strided_slice %get3A_691 {offsets = [0], sizes = [1], strides = [1]} : vector<16xi32> to vector<1xi32>
    %squeeze3A_693 = vector.extract %slice3A_692[0] : i32 from vector<1xi32>
    %add3A_694 = arith.constant 49152 : i32
    %add3A_695 = arith.addi %add3A_694, %squeeze3A_693 : i32
    %add3A_696 = arith.constant 0 : i32
    %add3A_697 = arith.addi %add3A_695, %add3A_696 : i32
    %swap3A_698 = arith.index_cast %add3A_697 : i32 to index
    %swap3A_699 = tpu.vector_load %arg8[%swap3A_698] {strides = array<i32>} : memref<98304xi32, #tpu.memory_space<vmem>>, vector<16xi32>,
    %swap3A_700 = vector.shape_cast %swap3A_699 : vector<16xi32> to vector<16xi32>
    %swap3A_701 = vector.shape_cast %broadcast_in_dim3A_75 : vector<16xi32> to vector<16xi32>
    tpu.vector_store %arg8[%swap3A_698], %swap3A_701 {strides = array<i32>} : memref<98304xi32, #tpu.memory_space<vmem>>, vector<16xi32>,
    %add3A_702 = arith.constant 49152 : i32
    %add3A_703 = arith.addi %add3A_702, %squeeze3A_693 : i32
    %add3A_704 = arith.constant 16 : i32
    %add3A_705 = arith.addi %add3A_703, %add3A_704 : i32
    %swap3A_706 = arith.index_cast %add3A_705 : i32 to index
    %swap3A_707 = tpu.vector_load %arg8[%swap3A_706] {strides = array<i32>} : memref<98304xi32, #tpu.memory_space<vmem>>, vector<16xi32>,
    %swap3A_708 = vector.shape_cast %swap3A_707 : vector<16xi32> to vector<16xi32>
    %swap3A_709 = vector.shape_cast %broadcast_in_dim3A_75 : vector<16xi32> to vector<16xi32>
    tpu.vector_store %arg8[%swap3A_706], %swap3A_709 {strides = array<i32>} : memref<98304xi32, #tpu.memory_space<vmem>>, vector<16xi32>,
    %add3A_710 = arith.constant 49152 : i32
    %add3A_711 = arith.addi %add3A_710, %squeeze3A_693 : i32
    %add3A_712 = arith.constant 32 : i32
    %add3A_713 = arith.addi %add3A_711, %add3A_712 : i32
    %swap3A_714 = arith.index_cast %add3A_713 : i32 to index
    %swap3A_715 = tpu.vector_load %arg8[%swap3A_714] {strides = array<i32>} : memref<98304xi32, #tpu.memory_space<vmem>>, vector<16xi32>,
    %swap3A_716 = vector.shape_cast %swap3A_715 : vector<16xi32> to vector<16xi32>
    %swap3A_717 = vector.shape_cast %broadcast_in_dim3A_75 : vector<16xi32> to vector<16xi32>
    tpu.vector_store %arg8[%swap3A_714], %swap3A_717 {strides = array<i32>} : memref<98304xi32, #tpu.memory_space<vmem>>, vector<16xi32>,
    %add3A_718 = arith.constant 49152 : i32
    %add3A_719 = arith.addi %add3A_718, %squeeze3A_693 : i32
    %add3A_720 = arith.constant 48 : i32
    %add3A_721 = arith.addi %add3A_719, %add3A_720 : i32
    %swap3A_722 = arith.index_cast %add3A_721 : i32 to index
    %swap3A_723 = tpu.vector_load %arg8[%swap3A_722] {strides = array<i32>} : memref<98304xi32, #tpu.memory_space<vmem>>, vector<16xi32>,
    %swap3A_724 = vector.shape_cast %swap3A_723 : vector<16xi32> to vector<16xi32>
    %swap3A_725 = vector.shape_cast %broadcast_in_dim3A_75 : vector<16xi32> to vector<16xi32>
    tpu.vector_store %arg8[%swap3A_722], %swap3A_725 {strides = array<i32>} : memref<98304xi32, #tpu.memory_space<vmem>>, vector<16xi32>,
    %add3A_726 = arith.constant 49152 : i32
    %add3A_727 = arith.addi %add3A_726, %squeeze3A_693 : i32
    %add3A_728 = arith.constant 64 : i32
    %add3A_729 = arith.addi %add3A_727, %add3A_728 : i32
    %swap3A_730 = arith.index_cast %add3A_729 : i32 to index
    %swap3A_731 = tpu.vector_load %arg8[%swap3A_730] {strides = array<i32>} : memref<98304xi32, #tpu.memory_space<vmem>>, vector<16xi32>,
    %swap3A_732 = vector.shape_cast %swap3A_731 : vector<16xi32> to vector<16xi32>
    %swap3A_733 = vector.shape_cast %broadcast_in_dim3A_75 : vector<16xi32> to vector<16xi32>
    tpu.vector_store %arg8[%swap3A_730], %swap3A_733 {strides = array<i32>} : memref<98304xi32, #tpu.memory_space<vmem>>, vector<16xi32>,
    %add3A_734 = arith.constant 49152 : i32
    %add3A_735 = arith.addi %add3A_734, %squeeze3A_693 : i32
    %add3A_736 = arith.constant 80 : i32
    %add3A_737 = arith.addi %add3A_735, %add3A_736 : i32
    %swap3A_738 = arith.index_cast %add3A_737 : i32 to index
    %swap3A_739 = tpu.vector_load %arg8[%swap3A_738] {strides = array<i32>} : memref<98304xi32, #tpu.memory_space<vmem>>, vector<16xi32>,
    %swap3A_740 = vector.shape_cast %swap3A_739 : vector<16xi32> to vector<16xi32>
    %swap3A_741 = vector.shape_cast %broadcast_in_dim3A_75 : vector<16xi32> to vector<16xi32>
    tpu.vector_store %arg8[%swap3A_738], %swap3A_741 {strides = array<i32>} : memref<98304xi32, #tpu.memory_space<vmem>>, vector<16xi32>,
    %add3A_742 = arith.constant 49152 : i32
    %add3A_743 = arith.addi %add3A_742, %squeeze3A_693 : i32
    %add3A_744 = arith.constant 96 : i32
    %add3A_745 = arith.addi %add3A_743, %add3A_744 : i32
    %swap3A_746 = arith.index_cast %add3A_745 : i32 to index
    %swap3A_747 = tpu.vector_load %arg8[%swap3A_746] {strides = array<i32>} : memref<98304xi32, #tpu.memory_space<vmem>>, vector<16xi32>,
    %swap3A_748 = vector.shape_cast %swap3A_747 : vector<16xi32> to vector<16xi32>
    %swap3A_749 = vector.shape_cast %broadcast_in_dim3A_75 : vector<16xi32> to vector<16xi32>
    tpu.vector_store %arg8[%swap3A_746], %swap3A_749 {strides = array<i32>} : memref<98304xi32, #tpu.memory_space<vmem>>, vector<16xi32>,
    %add3A_750 = arith.constant 49152 : i32
    %add3A_751 = arith.addi %add3A_750, %squeeze3A_693 : i32
    %add3A_752 = arith.constant 112 : i32
    %add3A_753 = arith.addi %add3A_751, %add3A_752 : i32
    %swap3A_754 = arith.index_cast %add3A_753 : i32 to index
    %swap3A_755 = tpu.vector_load %arg8[%swap3A_754] {strides = array<i32>} : memref<98304xi32, #tpu.memory_space<vmem>>, vector<16xi32>,
    %swap3A_756 = vector.shape_cast %swap3A_755 : vector<16xi32> to vector<16xi32>
    %swap3A_757 = vector.shape_cast %broadcast_in_dim3A_75 : vector<16xi32> to vector<16xi32>
    tpu.vector_store %arg8[%swap3A_754], %swap3A_757 {strides = array<i32>} : memref<98304xi32, #tpu.memory_space<vmem>>, vector<16xi32>,
    %add3A_758 = arith.constant 49152 : i32
    %add3A_759 = arith.addi %add3A_758, %squeeze3A_693 : i32
    %add3A_760 = arith.constant 128 : i32
    %add3A_761 = arith.addi %add3A_759, %add3A_760 : i32
    %swap3A_762 = arith.index_cast %add3A_761 : i32 to index
    %swap3A_763 = tpu.vector_load %arg8[%swap3A_762] {strides = array<i32>} : memref<98304xi32, #tpu.memory_space<vmem>>, vector<16xi32>,
    %swap3A_764 = vector.shape_cast %swap3A_763 : vector<16xi32> to vector<16xi32>
    %swap3A_765 = vector.shape_cast %broadcast_in_dim3A_75 : vector<16xi32> to vector<16xi32>
    tpu.vector_store %arg8[%swap3A_762], %swap3A_765 {strides = array<i32>} : memref<98304xi32, #tpu.memory_space<vmem>>, vector<16xi32>,
    %get3A_766 = arith.constant 144 : index
    %get3A_767 = tpu.vector_load %arg9[%get3A_766] {strides = array<i32>} : memref<256xi32, #tpu.memory_space<vmem>>, vector<16xi32>,
    %get3A_768 = vector.shape_cast %get3A_767 : vector<16xi32> to vector<16xi32>
    %slice3A_769 = vector.extract_strided_slice %get3A_768 {offsets = [0], sizes = [1], strides = [1]} : vector<16xi32> to vector<1xi32>
    %squeeze3A_770 = vector.extract %slice3A_769[0] : i32 from vector<1xi32>
    %add3A_771 = arith.constant 55296 : i32
    %add3A_772 = arith.addi %add3A_771, %squeeze3A_770 : i32
    %add3A_773 = arith.constant 0 : i32
    %add3A_774 = arith.addi %add3A_772, %add3A_773 : i32
    %swap3A_775 = arith.index_cast %add3A_774 : i32 to index
    %swap3A_776 = tpu.vector_load %arg8[%swap3A_775] {strides = array<i32>} : memref<98304xi32, #tpu.memory_space<vmem>>, vector<16xi32>,
    %swap3A_777 = vector.shape_cast %swap3A_776 : vector<16xi32> to vector<16xi32>
    %swap3A_778 = vector.shape_cast %broadcast_in_dim3A_75 : vector<16xi32> to vector<16xi32>
    tpu.vector_store %arg8[%swap3A_775], %swap3A_778 {strides = array<i32>} : memref<98304xi32, #tpu.memory_space<vmem>>, vector<16xi32>,
    %add3A_779 = arith.constant 55296 : i32
    %add3A_780 = arith.addi %add3A_779, %squeeze3A_770 : i32
    %add3A_781 = arith.constant 16 : i32
    %add3A_782 = arith.addi %add3A_780, %add3A_781 : i32
    %swap3A_783 = arith.index_cast %add3A_782 : i32 to index
    %swap3A_784 = tpu.vector_load %arg8[%swap3A_783] {strides = array<i32>} : memref<98304xi32, #tpu.memory_space<vmem>>, vector<16xi32>,
    %swap3A_785 = vector.shape_cast %swap3A_784 : vector<16xi32> to vector<16xi32>
    %swap3A_786 = vector.shape_cast %broadcast_in_dim3A_75 : vector<16xi32> to vector<16xi32>
    tpu.vector_store %arg8[%swap3A_783], %swap3A_786 {strides = array<i32>} : memref<98304xi32, #tpu.memory_space<vmem>>, vector<16xi32>,
    %add3A_787 = arith.constant 55296 : i32
    %add3A_788 = arith.addi %add3A_787, %squeeze3A_770 : i32
    %add3A_789 = arith.constant 32 : i32
    %add3A_790 = arith.addi %add3A_788, %add3A_789 : i32
    %swap3A_791 = arith.index_cast %add3A_790 : i32 to index
    %swap3A_792 = tpu.vector_load %arg8[%swap3A_791] {strides = array<i32>} : memref<98304xi32, #tpu.memory_space<vmem>>, vector<16xi32>,
    %swap3A_793 = vector.shape_cast %swap3A_792 : vector<16xi32> to vector<16xi32>
    %swap3A_794 = vector.shape_cast %broadcast_in_dim3A_75 : vector<16xi32> to vector<16xi32>
    tpu.vector_store %arg8[%swap3A_791], %swap3A_794 {strides = array<i32>} : memref<98304xi32, #tpu.memory_space<vmem>>, vector<16xi32>,
    %add3A_795 = arith.constant 55296 : i32
    %add3A_796 = arith.addi %add3A_795, %squeeze3A_770 : i32
    %add3A_797 = arith.constant 48 : i32
    %add3A_798 = arith.addi %add3A_796, %add3A_797 : i32
    %swap3A_799 = arith.index_cast %add3A_798 : i32 to index
    %swap3A_800 = tpu.vector_load %arg8[%swap3A_799] {strides = array<i32>} : memref<98304xi32, #tpu.memory_space<vmem>>, vector<16xi32>,
    %swap3A_801 = vector.shape_cast %swap3A_800 : vector<16xi32> to vector<16xi32>
    %swap3A_802 = vector.shape_cast %broadcast_in_dim3A_75 : vector<16xi32> to vector<16xi32>
    tpu.vector_store %arg8[%swap3A_799], %swap3A_802 {strides = array<i32>} : memref<98304xi32, #tpu.memory_space<vmem>>, vector<16xi32>,
    %add3A_803 = arith.constant 55296 : i32
    %add3A_804 = arith.addi %add3A_803, %squeeze3A_770 : i32
    %add3A_805 = arith.constant 64 : i32
    %add3A_806 = arith.addi %add3A_804, %add3A_805 : i32
    %swap3A_807 = arith.index_cast %add3A_806 : i32 to index
    %swap3A_808 = tpu.vector_load %arg8[%swap3A_807] {strides = array<i32>} : memref<98304xi32, #tpu.memory_space<vmem>>, vector<16xi32>,
    %swap3A_809 = vector.shape_cast %swap3A_808 : vector<16xi32> to vector<16xi32>
    %swap3A_810 = vector.shape_cast %broadcast_in_dim3A_75 : vector<16xi32> to vector<16xi32>
    tpu.vector_store %arg8[%swap3A_807], %swap3A_810 {strides = array<i32>} : memref<98304xi32, #tpu.memory_space<vmem>>, vector<16xi32>,
    %add3A_811 = arith.constant 55296 : i32
    %add3A_812 = arith.addi %add3A_811, %squeeze3A_770 : i32
    %add3A_813 = arith.constant 80 : i32
    %add3A_814 = arith.addi %add3A_812, %add3A_813 : i32
    %swap3A_815 = arith.index_cast %add3A_814 : i32 to index
    %swap3A_816 = tpu.vector_load %arg8[%swap3A_815] {strides = array<i32>} : memref<98304xi32, #tpu.memory_space<vmem>>, vector<16xi32>,
    %swap3A_817 = vector.shape_cast %swap3A_816 : vector<16xi32> to vector<16xi32>
    %swap3A_818 = vector.shape_cast %broadcast_in_dim3A_75 : vector<16xi32> to vector<16xi32>
    tpu.vector_store %arg8[%swap3A_815], %swap3A_818 {strides = array<i32>} : memref<98304xi32, #tpu.memory_space<vmem>>, vector<16xi32>,
    %add3A_819 = arith.constant 55296 : i32
    %add3A_820 = arith.addi %add3A_819, %squeeze3A_770 : i32
    %add3A_821 = arith.constant 96 : i32
    %add3A_822 = arith.addi %add3A_820, %add3A_821 : i32
    %swap3A_823 = arith.index_cast %add3A_822 : i32 to index
    %swap3A_824 = tpu.vector_load %arg8[%swap3A_823] {strides = array<i32>} : memref<98304xi32, #tpu.memory_space<vmem>>, vector<16xi32>,
    %swap3A_825 = vector.shape_cast %swap3A_824 : vector<16xi32> to vector<16xi32>
    %swap3A_826 = vector.shape_cast %broadcast_in_dim3A_75 : vector<16xi32> to vector<16xi32>
    tpu.vector_store %arg8[%swap3A_823], %swap3A_826 {strides = array<i32>} : memref<98304xi32, #tpu.memory_space<vmem>>, vector<16xi32>,
    %add3A_827 = arith.constant 55296 : i32
    %add3A_828 = arith.addi %add3A_827, %squeeze3A_770 : i32
    %add3A_829 = arith.constant 112 : i32
    %add3A_830 = arith.addi %add3A_828, %add3A_829 : i32
    %swap3A_831 = arith.index_cast %add3A_830 : i32 to index
    %swap3A_832 = tpu.vector_load %arg8[%swap3A_831] {strides = array<i32>} : memref<98304xi32, #tpu.memory_space<vmem>>, vector<16xi32>,
    %swap3A_833 = vector.shape_cast %swap3A_832 : vector<16xi32> to vector<16xi32>
    %swap3A_834 = vector.shape_cast %broadcast_in_dim3A_75 : vector<16xi32> to vector<16xi32>
    tpu.vector_store %arg8[%swap3A_831], %swap3A_834 {strides = array<i32>} : memref<98304xi32, #tpu.memory_space<vmem>>, vector<16xi32>,
    %add3A_835 = arith.constant 55296 : i32
    %add3A_836 = arith.addi %add3A_835, %squeeze3A_770 : i32
    %add3A_837 = arith.constant 128 : i32
    %add3A_838 = arith.addi %add3A_836, %add3A_837 : i32
    %swap3A_839 = arith.index_cast %add3A_838 : i32 to index
    %swap3A_840 = tpu.vector_load %arg8[%swap3A_839] {strides = array<i32>} : memref<98304xi32, #tpu.memory_space<vmem>>, vector<16xi32>,
    %swap3A_841 = vector.shape_cast %swap3A_840 : vector<16xi32> to vector<16xi32>
    %swap3A_842 = vector.shape_cast %broadcast_in_dim3A_75 : vector<16xi32> to vector<16xi32>
    tpu.vector_store %arg8[%swap3A_839], %swap3A_842 {strides = array<i32>} : memref<98304xi32, #tpu.memory_space<vmem>>, vector<16xi32>,
    %get3A_843 = arith.constant 160 : index
    %get3A_844 = tpu.vector_load %arg9[%get3A_843] {strides = array<i32>} : memref<256xi32, #tpu.memory_space<vmem>>, vector<16xi32>,
    %get3A_845 = vector.shape_cast %get3A_844 : vector<16xi32> to vector<16xi32>
    %slice3A_846 = vector.extract_strided_slice %get3A_845 {offsets = [0], sizes = [1], strides = [1]} : vector<16xi32> to vector<1xi32>
    %squeeze3A_847 = vector.extract %slice3A_846[0] : i32 from vector<1xi32>
    %add3A_848 = arith.constant 61440 : i32
    %add3A_849 = arith.addi %add3A_848, %squeeze3A_847 : i32
    %add3A_850 = arith.constant 0 : i32
    %add3A_851 = arith.addi %add3A_849, %add3A_850 : i32
    %swap3A_852 = arith.index_cast %add3A_851 : i32 to index
    %swap3A_853 = tpu.vector_load %arg8[%swap3A_852] {strides = array<i32>} : memref<98304xi32, #tpu.memory_space<vmem>>, vector<16xi32>,
    %swap3A_854 = vector.shape_cast %swap3A_853 : vector<16xi32> to vector<16xi32>
    %swap3A_855 = vector.shape_cast %broadcast_in_dim3A_75 : vector<16xi32> to vector<16xi32>
    tpu.vector_store %arg8[%swap3A_852], %swap3A_855 {strides = array<i32>} : memref<98304xi32, #tpu.memory_space<vmem>>, vector<16xi32>,
    %add3A_856 = arith.constant 61440 : i32
    %add3A_857 = arith.addi %add3A_856, %squeeze3A_847 : i32
    %add3A_858 = arith.constant 16 : i32
    %add3A_859 = arith.addi %add3A_857, %add3A_858 : i32
    %swap3A_860 = arith.index_cast %add3A_859 : i32 to index
    %swap3A_861 = tpu.vector_load %arg8[%swap3A_860] {strides = array<i32>} : memref<98304xi32, #tpu.memory_space<vmem>>, vector<16xi32>,
    %swap3A_862 = vector.shape_cast %swap3A_861 : vector<16xi32> to vector<16xi32>
    %swap3A_863 = vector.shape_cast %broadcast_in_dim3A_75 : vector<16xi32> to vector<16xi32>
    tpu.vector_store %arg8[%swap3A_860], %swap3A_863 {strides = array<i32>} : memref<98304xi32, #tpu.memory_space<vmem>>, vector<16xi32>,
    %add3A_864 = arith.constant 61440 : i32
    %add3A_865 = arith.addi %add3A_864, %squeeze3A_847 : i32
    %add3A_866 = arith.constant 32 : i32
    %add3A_867 = arith.addi %add3A_865, %add3A_866 : i32
    %swap3A_868 = arith.index_cast %add3A_867 : i32 to index
    %swap3A_869 = tpu.vector_load %arg8[%swap3A_868] {strides = array<i32>} : memref<98304xi32, #tpu.memory_space<vmem>>, vector<16xi32>,
    %swap3A_870 = vector.shape_cast %swap3A_869 : vector<16xi32> to vector<16xi32>
    %swap3A_871 = vector.shape_cast %broadcast_in_dim3A_75 : vector<16xi32> to vector<16xi32>
    tpu.vector_store %arg8[%swap3A_868], %swap3A_871 {strides = array<i32>} : memref<98304xi32, #tpu.memory_space<vmem>>, vector<16xi32>,
    %add3A_872 = arith.constant 61440 : i32
    %add3A_873 = arith.addi %add3A_872, %squeeze3A_847 : i32
    %add3A_874 = arith.constant 48 : i32
    %add3A_875 = arith.addi %add3A_873, %add3A_874 : i32
    %swap3A_876 = arith.index_cast %add3A_875 : i32 to index
    %swap3A_877 = tpu.vector_load %arg8[%swap3A_876] {strides = array<i32>} : memref<98304xi32, #tpu.memory_space<vmem>>, vector<16xi32>,
    %swap3A_878 = vector.shape_cast %swap3A_877 : vector<16xi32> to vector<16xi32>
    %swap3A_879 = vector.shape_cast %broadcast_in_dim3A_75 : vector<16xi32> to vector<16xi32>
    tpu.vector_store %arg8[%swap3A_876], %swap3A_879 {strides = array<i32>} : memref<98304xi32, #tpu.memory_space<vmem>>, vector<16xi32>,
    %add3A_880 = arith.constant 61440 : i32
    %add3A_881 = arith.addi %add3A_880, %squeeze3A_847 : i32
    %add3A_882 = arith.constant 64 : i32
    %add3A_883 = arith.addi %add3A_881, %add3A_882 : i32
    %swap3A_884 = arith.index_cast %add3A_883 : i32 to index
    %swap3A_885 = tpu.vector_load %arg8[%swap3A_884] {strides = array<i32>} : memref<98304xi32, #tpu.memory_space<vmem>>, vector<16xi32>,
    %swap3A_886 = vector.shape_cast %swap3A_885 : vector<16xi32> to vector<16xi32>
    %swap3A_887 = vector.shape_cast %broadcast_in_dim3A_75 : vector<16xi32> to vector<16xi32>
    tpu.vector_store %arg8[%swap3A_884], %swap3A_887 {strides = array<i32>} : memref<98304xi32, #tpu.memory_space<vmem>>, vector<16xi32>,
    %add3A_888 = arith.constant 61440 : i32
    %add3A_889 = arith.addi %add3A_888, %squeeze3A_847 : i32
    %add3A_890 = arith.constant 80 : i32
    %add3A_891 = arith.addi %add3A_889, %add3A_890 : i32
    %swap3A_892 = arith.index_cast %add3A_891 : i32 to index
    %swap3A_893 = tpu.vector_load %arg8[%swap3A_892] {strides = array<i32>} : memref<98304xi32, #tpu.memory_space<vmem>>, vector<16xi32>,
    %swap3A_894 = vector.shape_cast %swap3A_893 : vector<16xi32> to vector<16xi32>
    %swap3A_895 = vector.shape_cast %broadcast_in_dim3A_75 : vector<16xi32> to vector<16xi32>
    tpu.vector_store %arg8[%swap3A_892], %swap3A_895 {strides = array<i32>} : memref<98304xi32, #tpu.memory_space<vmem>>, vector<16xi32>,
    %add3A_896 = arith.constant 61440 : i32
    %add3A_897 = arith.addi %add3A_896, %squeeze3A_847 : i32
    %add3A_898 = arith.constant 96 : i32
    %add3A_899 = arith.addi %add3A_897, %add3A_898 : i32
    %swap3A_900 = arith.index_cast %add3A_899 : i32 to index
    %swap3A_901 = tpu.vector_load %arg8[%swap3A_900] {strides = array<i32>} : memref<98304xi32, #tpu.memory_space<vmem>>, vector<16xi32>,
    %swap3A_902 = vector.shape_cast %swap3A_901 : vector<16xi32> to vector<16xi32>
    %swap3A_903 = vector.shape_cast %broadcast_in_dim3A_75 : vector<16xi32> to vector<16xi32>
    tpu.vector_store %arg8[%swap3A_900], %swap3A_903 {strides = array<i32>} : memref<98304xi32, #tpu.memory_space<vmem>>, vector<16xi32>,
    %add3A_904 = arith.constant 61440 : i32
    %add3A_905 = arith.addi %add3A_904, %squeeze3A_847 : i32
    %add3A_906 = arith.constant 112 : i32
    %add3A_907 = arith.addi %add3A_905, %add3A_906 : i32
    %swap3A_908 = arith.index_cast %add3A_907 : i32 to index
    %swap3A_909 = tpu.vector_load %arg8[%swap3A_908] {strides = array<i32>} : memref<98304xi32, #tpu.memory_space<vmem>>, vector<16xi32>,
    %swap3A_910 = vector.shape_cast %swap3A_909 : vector<16xi32> to vector<16xi32>
    %swap3A_911 = vector.shape_cast %broadcast_in_dim3A_75 : vector<16xi32> to vector<16xi32>
    tpu.vector_store %arg8[%swap3A_908], %swap3A_911 {strides = array<i32>} : memref<98304xi32, #tpu.memory_space<vmem>>, vector<16xi32>,
    %add3A_912 = arith.constant 61440 : i32
    %add3A_913 = arith.addi %add3A_912, %squeeze3A_847 : i32
    %add3A_914 = arith.constant 128 : i32
    %add3A_915 = arith.addi %add3A_913, %add3A_914 : i32
    %swap3A_916 = arith.index_cast %add3A_915 : i32 to index
    %swap3A_917 = tpu.vector_load %arg8[%swap3A_916] {strides = array<i32>} : memref<98304xi32, #tpu.memory_space<vmem>>, vector<16xi32>,
    %swap3A_918 = vector.shape_cast %swap3A_917 : vector<16xi32> to vector<16xi32>
    %swap3A_919 = vector.shape_cast %broadcast_in_dim3A_75 : vector<16xi32> to vector<16xi32>
    tpu.vector_store %arg8[%swap3A_916], %swap3A_919 {strides = array<i32>} : memref<98304xi32, #tpu.memory_space<vmem>>, vector<16xi32>,
    %get3A_920 = arith.constant 176 : index
    %get3A_921 = tpu.vector_load %arg9[%get3A_920] {strides = array<i32>} : memref<256xi32, #tpu.memory_space<vmem>>, vector<16xi32>,
    %get3A_922 = vector.shape_cast %get3A_921 : vector<16xi32> to vector<16xi32>
    %slice3A_923 = vector.extract_strided_slice %get3A_922 {offsets = [0], sizes = [1], strides = [1]} : vector<16xi32> to vector<1xi32>
    %squeeze3A_924 = vector.extract %slice3A_923[0] : i32 from vector<1xi32>
    %add3A_925 = arith.constant 67584 : i32
    %add3A_926 = arith.addi %add3A_925, %squeeze3A_924 : i32
    %add3A_927 = arith.constant 0 : i32
    %add3A_928 = arith.addi %add3A_926, %add3A_927 : i32
    %swap3A_929 = arith.index_cast %add3A_928 : i32 to index
    %swap3A_930 = tpu.vector_load %arg8[%swap3A_929] {strides = array<i32>} : memref<98304xi32, #tpu.memory_space<vmem>>, vector<16xi32>,
    %swap3A_931 = vector.shape_cast %swap3A_930 : vector<16xi32> to vector<16xi32>
    %swap3A_932 = vector.shape_cast %broadcast_in_dim3A_75 : vector<16xi32> to vector<16xi32>
    tpu.vector_store %arg8[%swap3A_929], %swap3A_932 {strides = array<i32>} : memref<98304xi32, #tpu.memory_space<vmem>>, vector<16xi32>,
    %add3A_933 = arith.constant 67584 : i32
    %add3A_934 = arith.addi %add3A_933, %squeeze3A_924 : i32
    %add3A_935 = arith.constant 16 : i32
    %add3A_936 = arith.addi %add3A_934, %add3A_935 : i32
    %swap3A_937 = arith.index_cast %add3A_936 : i32 to index
    %swap3A_938 = tpu.vector_load %arg8[%swap3A_937] {strides = array<i32>} : memref<98304xi32, #tpu.memory_space<vmem>>, vector<16xi32>,
    %swap3A_939 = vector.shape_cast %swap3A_938 : vector<16xi32> to vector<16xi32>
    %swap3A_940 = vector.shape_cast %broadcast_in_dim3A_75 : vector<16xi32> to vector<16xi32>
    tpu.vector_store %arg8[%swap3A_937], %swap3A_940 {strides = array<i32>} : memref<98304xi32, #tpu.memory_space<vmem>>, vector<16xi32>,
    %add3A_941 = arith.constant 67584 : i32
    %add3A_942 = arith.addi %add3A_941, %squeeze3A_924 : i32
    %add3A_943 = arith.constant 32 : i32
    %add3A_944 = arith.addi %add3A_942, %add3A_943 : i32
    %swap3A_945 = arith.index_cast %add3A_944 : i32 to index
    %swap3A_946 = tpu.vector_load %arg8[%swap3A_945] {strides = array<i32>} : memref<98304xi32, #tpu.memory_space<vmem>>, vector<16xi32>,
    %swap3A_947 = vector.shape_cast %swap3A_946 : vector<16xi32> to vector<16xi32>
    %swap3A_948 = vector.shape_cast %broadcast_in_dim3A_75 : vector<16xi32> to vector<16xi32>
    tpu.vector_store %arg8[%swap3A_945], %swap3A_948 {strides = array<i32>} : memref<98304xi32, #tpu.memory_space<vmem>>, vector<16xi32>,
    %add3A_949 = arith.constant 67584 : i32
    %add3A_950 = arith.addi %add3A_949, %squeeze3A_924 : i32
    %add3A_951 = arith.constant 48 : i32
    %add3A_952 = arith.addi %add3A_950, %add3A_951 : i32
    %swap3A_953 = arith.index_cast %add3A_952 : i32 to index
    %swap3A_954 = tpu.vector_load %arg8[%swap3A_953] {strides = array<i32>} : memref<98304xi32, #tpu.memory_space<vmem>>, vector<16xi32>,
    %swap3A_955 = vector.shape_cast %swap3A_954 : vector<16xi32> to vector<16xi32>
    %swap3A_956 = vector.shape_cast %broadcast_in_dim3A_75 : vector<16xi32> to vector<16xi32>
    tpu.vector_store %arg8[%swap3A_953], %swap3A_956 {strides = array<i32>} : memref<98304xi32, #tpu.memory_space<vmem>>, vector<16xi32>,
    %add3A_957 = arith.constant 67584 : i32
    %add3A_958 = arith.addi %add3A_957, %squeeze3A_924 : i32
    %add3A_959 = arith.constant 64 : i32
    %add3A_960 = arith.addi %add3A_958, %add3A_959 : i32
    %swap3A_961 = arith.index_cast %add3A_960 : i32 to index
    %swap3A_962 = tpu.vector_load %arg8[%swap3A_961] {strides = array<i32>} : memref<98304xi32, #tpu.memory_space<vmem>>, vector<16xi32>,
    %swap3A_963 = vector.shape_cast %swap3A_962 : vector<16xi32> to vector<16xi32>
    %swap3A_964 = vector.shape_cast %broadcast_in_dim3A_75 : vector<16xi32> to vector<16xi32>
    tpu.vector_store %arg8[%swap3A_961], %swap3A_964 {strides = array<i32>} : memref<98304xi32, #tpu.memory_space<vmem>>, vector<16xi32>,
    %add3A_965 = arith.constant 67584 : i32
    %add3A_966 = arith.addi %add3A_965, %squeeze3A_924 : i32
    %add3A_967 = arith.constant 80 : i32
    %add3A_968 = arith.addi %add3A_966, %add3A_967 : i32
    %swap3A_969 = arith.index_cast %add3A_968 : i32 to index
    %swap3A_970 = tpu.vector_load %arg8[%swap3A_969] {strides = array<i32>} : memref<98304xi32, #tpu.memory_space<vmem>>, vector<16xi32>,
    %swap3A_971 = vector.shape_cast %swap3A_970 : vector<16xi32> to vector<16xi32>
    %swap3A_972 = vector.shape_cast %broadcast_in_dim3A_75 : vector<16xi32> to vector<16xi32>
    tpu.vector_store %arg8[%swap3A_969], %swap3A_972 {strides = array<i32>} : memref<98304xi32, #tpu.memory_space<vmem>>, vector<16xi32>,
    %add3A_973 = arith.constant 67584 : i32
    %add3A_974 = arith.addi %add3A_973, %squeeze3A_924 : i32
    %add3A_975 = arith.constant 96 : i32
    %add3A_976 = arith.addi %add3A_974, %add3A_975 : i32
    %swap3A_977 = arith.index_cast %add3A_976 : i32 to index
    %swap3A_978 = tpu.vector_load %arg8[%swap3A_977] {strides = array<i32>} : memref<98304xi32, #tpu.memory_space<vmem>>, vector<16xi32>,
    %swap3A_979 = vector.shape_cast %swap3A_978 : vector<16xi32> to vector<16xi32>
    %swap3A_980 = vector.shape_cast %broadcast_in_dim3A_75 : vector<16xi32> to vector<16xi32>
    tpu.vector_store %arg8[%swap3A_977], %swap3A_980 {strides = array<i32>} : memref<98304xi32, #tpu.memory_space<vmem>>, vector<16xi32>,
    %add3A_981 = arith.constant 67584 : i32
    %add3A_982 = arith.addi %add3A_981, %squeeze3A_924 : i32
    %add3A_983 = arith.constant 112 : i32
    %add3A_984 = arith.addi %add3A_982, %add3A_983 : i32
    %swap3A_985 = arith.index_cast %add3A_984 : i32 to index
    %swap3A_986 = tpu.vector_load %arg8[%swap3A_985] {strides = array<i32>} : memref<98304xi32, #tpu.memory_space<vmem>>, vector<16xi32>,
    %swap3A_987 = vector.shape_cast %swap3A_986 : vector<16xi32> to vector<16xi32>
    %swap3A_988 = vector.shape_cast %broadcast_in_dim3A_75 : vector<16xi32> to vector<16xi32>
    tpu.vector_store %arg8[%swap3A_985], %swap3A_988 {strides = array<i32>} : memref<98304xi32, #tpu.memory_space<vmem>>, vector<16xi32>,
    %add3A_989 = arith.constant 67584 : i32
    %add3A_990 = arith.addi %add3A_989, %squeeze3A_924 : i32
    %add3A_991 = arith.constant 128 : i32
    %add3A_992 = arith.addi %add3A_990, %add3A_991 : i32
    %swap3A_993 = arith.index_cast %add3A_992 : i32 to index
    %swap3A_994 = tpu.vector_load %arg8[%swap3A_993] {strides = array<i32>} : memref<98304xi32, #tpu.memory_space<vmem>>, vector<16xi32>,
    %swap3A_995 = vector.shape_cast %swap3A_994 : vector<16xi32> to vector<16xi32>
    %swap3A_996 = vector.shape_cast %broadcast_in_dim3A_75 : vector<16xi32> to vector<16xi32>
    tpu.vector_store %arg8[%swap3A_993], %swap3A_996 {strides = array<i32>} : memref<98304xi32, #tpu.memory_space<vmem>>, vector<16xi32>,
    %get3A_997 = arith.constant 192 : index
    %get3A_998 = tpu.vector_load %arg9[%get3A_997] {strides = array<i32>} : memref<256xi32, #tpu.memory_space<vmem>>, vector<16xi32>,
    %get3A_999 = vector.shape_cast %get3A_998 : vector<16xi32> to vector<16xi32>
    %slice3A_1000 = vector.extract_strided_slice %get3A_999 {offsets = [0], sizes = [1], strides = [1]} : vector<16xi32> to vector<1xi32>
    %squeeze3A_1001 = vector.extract %slice3A_1000[0] : i32 from vector<1xi32>
    %add3A_1002 = arith.constant 73728 : i32
    %add3A_1003 = arith.addi %add3A_1002, %squeeze3A_1001 : i32
    %add3A_1004 = arith.constant 0 : i32
    %add3A_1005 = arith.addi %add3A_1003, %add3A_1004 : i32
    %swap3A_1006 = arith.index_cast %add3A_1005 : i32 to index
    %swap3A_1007 = tpu.vector_load %arg8[%swap3A_1006] {strides = array<i32>} : memref<98304xi32, #tpu.memory_space<vmem>>, vector<16xi32>,
    %swap3A_1008 = vector.shape_cast %swap3A_1007 : vector<16xi32> to vector<16xi32>
    %swap3A_1009 = vector.shape_cast %broadcast_in_dim3A_75 : vector<16xi32> to vector<16xi32>
    tpu.vector_store %arg8[%swap3A_1006], %swap3A_1009 {strides = array<i32>} : memref<98304xi32, #tpu.memory_space<vmem>>, vector<16xi32>,
    %add3A_1010 = arith.constant 73728 : i32
    %add3A_1011 = arith.addi %add3A_1010, %squeeze3A_1001 : i32
    %add3A_1012 = arith.constant 16 : i32
    %add3A_1013 = arith.addi %add3A_1011, %add3A_1012 : i32
    %swap3A_1014 = arith.index_cast %add3A_1013 : i32 to index
    %swap3A_1015 = tpu.vector_load %arg8[%swap3A_1014] {strides = array<i32>} : memref<98304xi32, #tpu.memory_space<vmem>>, vector<16xi32>,
    %swap3A_1016 = vector.shape_cast %swap3A_1015 : vector<16xi32> to vector<16xi32>
    %swap3A_1017 = vector.shape_cast %broadcast_in_dim3A_75 : vector<16xi32> to vector<16xi32>
    tpu.vector_store %arg8[%swap3A_1014], %swap3A_1017 {strides = array<i32>} : memref<98304xi32, #tpu.memory_space<vmem>>, vector<16xi32>,
    %add3A_1018 = arith.constant 73728 : i32
    %add3A_1019 = arith.addi %add3A_1018, %squeeze3A_1001 : i32
    %add3A_1020 = arith.constant 32 : i32
    %add3A_1021 = arith.addi %add3A_1019, %add3A_1020 : i32
    %swap3A_1022 = arith.index_cast %add3A_1021 : i32 to index
    %swap3A_1023 = tpu.vector_load %arg8[%swap3A_1022] {strides = array<i32>} : memref<98304xi32, #tpu.memory_space<vmem>>, vector<16xi32>,
    %swap3A_1024 = vector.shape_cast %swap3A_1023 : vector<16xi32> to vector<16xi32>
    %swap3A_1025 = vector.shape_cast %broadcast_in_dim3A_75 : vector<16xi32> to vector<16xi32>
    tpu.vector_store %arg8[%swap3A_1022], %swap3A_1025 {strides = array<i32>} : memref<98304xi32, #tpu.memory_space<vmem>>, vector<16xi32>,
    %add3A_1026 = arith.constant 73728 : i32
    %add3A_1027 = arith.addi %add3A_1026, %squeeze3A_1001 : i32
    %add3A_1028 = arith.constant 48 : i32
    %add3A_1029 = arith.addi %add3A_1027, %add3A_1028 : i32
    %swap3A_1030 = arith.index_cast %add3A_1029 : i32 to index
    %swap3A_1031 = tpu.vector_load %arg8[%swap3A_1030] {strides = array<i32>} : memref<98304xi32, #tpu.memory_space<vmem>>, vector<16xi32>,
    %swap3A_1032 = vector.shape_cast %swap3A_1031 : vector<16xi32> to vector<16xi32>
    %swap3A_1033 = vector.shape_cast %broadcast_in_dim3A_75 : vector<16xi32> to vector<16xi32>
    tpu.vector_store %arg8[%swap3A_1030], %swap3A_1033 {strides = array<i32>} : memref<98304xi32, #tpu.memory_space<vmem>>, vector<16xi32>,
    %add3A_1034 = arith.constant 73728 : i32
    %add3A_1035 = arith.addi %add3A_1034, %squeeze3A_1001 : i32
    %add3A_1036 = arith.constant 64 : i32
    %add3A_1037 = arith.addi %add3A_1035, %add3A_1036 : i32
    %swap3A_1038 = arith.index_cast %add3A_1037 : i32 to index
    %swap3A_1039 = tpu.vector_load %arg8[%swap3A_1038] {strides = array<i32>} : memref<98304xi32, #tpu.memory_space<vmem>>, vector<16xi32>,
    %swap3A_1040 = vector.shape_cast %swap3A_1039 : vector<16xi32> to vector<16xi32>
    %swap3A_1041 = vector.shape_cast %broadcast_in_dim3A_75 : vector<16xi32> to vector<16xi32>
    tpu.vector_store %arg8[%swap3A_1038], %swap3A_1041 {strides = array<i32>} : memref<98304xi32, #tpu.memory_space<vmem>>, vector<16xi32>,
    %add3A_1042 = arith.constant 73728 : i32
    %add3A_1043 = arith.addi %add3A_1042, %squeeze3A_1001 : i32
    %add3A_1044 = arith.constant 80 : i32
    %add3A_1045 = arith.addi %add3A_1043, %add3A_1044 : i32
    %swap3A_1046 = arith.index_cast %add3A_1045 : i32 to index
    %swap3A_1047 = tpu.vector_load %arg8[%swap3A_1046] {strides = array<i32>} : memref<98304xi32, #tpu.memory_space<vmem>>, vector<16xi32>,
    %swap3A_1048 = vector.shape_cast %swap3A_1047 : vector<16xi32> to vector<16xi32>
    %swap3A_1049 = vector.shape_cast %broadcast_in_dim3A_75 : vector<16xi32> to vector<16xi32>
    tpu.vector_store %arg8[%swap3A_1046], %swap3A_1049 {strides = array<i32>} : memref<98304xi32, #tpu.memory_space<vmem>>, vector<16xi32>,
    %add3A_1050 = arith.constant 73728 : i32
    %add3A_1051 = arith.addi %add3A_1050, %squeeze3A_1001 : i32
    %add3A_1052 = arith.constant 96 : i32
    %add3A_1053 = arith.addi %add3A_1051, %add3A_1052 : i32
    %swap3A_1054 = arith.index_cast %add3A_1053 : i32 to index
    %swap3A_1055 = tpu.vector_load %arg8[%swap3A_1054] {strides = array<i32>} : memref<98304xi32, #tpu.memory_space<vmem>>, vector<16xi32>,
    %swap3A_1056 = vector.shape_cast %swap3A_1055 : vector<16xi32> to vector<16xi32>
    %swap3A_1057 = vector.shape_cast %broadcast_in_dim3A_75 : vector<16xi32> to vector<16xi32>
    tpu.vector_store %arg8[%swap3A_1054], %swap3A_1057 {strides = array<i32>} : memref<98304xi32, #tpu.memory_space<vmem>>, vector<16xi32>,
    %add3A_1058 = arith.constant 73728 : i32
    %add3A_1059 = arith.addi %add3A_1058, %squeeze3A_1001 : i32
    %add3A_1060 = arith.constant 112 : i32
    %add3A_1061 = arith.addi %add3A_1059, %add3A_1060 : i32
    %swap3A_1062 = arith.index_cast %add3A_1061 : i32 to index
    %swap3A_1063 = tpu.vector_load %arg8[%swap3A_1062] {strides = array<i32>} : memref<98304xi32, #tpu.memory_space<vmem>>, vector<16xi32>,
    %swap3A_1064 = vector.shape_cast %swap3A_1063 : vector<16xi32> to vector<16xi32>
    %swap3A_1065 = vector.shape_cast %broadcast_in_dim3A_75 : vector<16xi32> to vector<16xi32>
    tpu.vector_store %arg8[%swap3A_1062], %swap3A_1065 {strides = array<i32>} : memref<98304xi32, #tpu.memory_space<vmem>>, vector<16xi32>,
    %add3A_1066 = arith.constant 73728 : i32
    %add3A_1067 = arith.addi %add3A_1066, %squeeze3A_1001 : i32
    %add3A_1068 = arith.constant 128 : i32
    %add3A_1069 = arith.addi %add3A_1067, %add3A_1068 : i32
    %swap3A_1070 = arith.index_cast %add3A_1069 : i32 to index
    %swap3A_1071 = tpu.vector_load %arg8[%swap3A_1070] {strides = array<i32>} : memref<98304xi32, #tpu.memory_space<vmem>>, vector<16xi32>,
    %swap3A_1072 = vector.shape_cast %swap3A_1071 : vector<16xi32> to vector<16xi32>
    %swap3A_1073 = vector.shape_cast %broadcast_in_dim3A_75 : vector<16xi32> to vector<16xi32>
    tpu.vector_store %arg8[%swap3A_1070], %swap3A_1073 {strides = array<i32>} : memref<98304xi32, #tpu.memory_space<vmem>>, vector<16xi32>,
    %get3A_1074 = arith.constant 208 : index
    %get3A_1075 = tpu.vector_load %arg9[%get3A_1074] {strides = array<i32>} : memref<256xi32, #tpu.memory_space<vmem>>, vector<16xi32>,
    %get3A_1076 = vector.shape_cast %get3A_1075 : vector<16xi32> to vector<16xi32>
    %slice3A_1077 = vector.extract_strided_slice %get3A_1076 {offsets = [0], sizes = [1], strides = [1]} : vector<16xi32> to vector<1xi32>
    %squeeze3A_1078 = vector.extract %slice3A_1077[0] : i32 from vector<1xi32>
    %add3A_1079 = arith.constant 79872 : i32
    %add3A_1080 = arith.addi %add3A_1079, %squeeze3A_1078 : i32
    %add3A_1081 = arith.constant 0 : i32
    %add3A_1082 = arith.addi %add3A_1080, %add3A_1081 : i32
    %swap3A_1083 = arith.index_cast %add3A_1082 : i32 to index
    %swap3A_1084 = tpu.vector_load %arg8[%swap3A_1083] {strides = array<i32>} : memref<98304xi32, #tpu.memory_space<vmem>>, vector<16xi32>,
    %swap3A_1085 = vector.shape_cast %swap3A_1084 : vector<16xi32> to vector<16xi32>
    %swap3A_1086 = vector.shape_cast %broadcast_in_dim3A_75 : vector<16xi32> to vector<16xi32>
    tpu.vector_store %arg8[%swap3A_1083], %swap3A_1086 {strides = array<i32>} : memref<98304xi32, #tpu.memory_space<vmem>>, vector<16xi32>,
    %add3A_1087 = arith.constant 79872 : i32
    %add3A_1088 = arith.addi %add3A_1087, %squeeze3A_1078 : i32
    %add3A_1089 = arith.constant 16 : i32
    %add3A_1090 = arith.addi %add3A_1088, %add3A_1089 : i32
    %swap3A_1091 = arith.index_cast %add3A_1090 : i32 to index
    %swap3A_1092 = tpu.vector_load %arg8[%swap3A_1091] {strides = array<i32>} : memref<98304xi32, #tpu.memory_space<vmem>>, vector<16xi32>,
    %swap3A_1093 = vector.shape_cast %swap3A_1092 : vector<16xi32> to vector<16xi32>
    %swap3A_1094 = vector.shape_cast %broadcast_in_dim3A_75 : vector<16xi32> to vector<16xi32>
    tpu.vector_store %arg8[%swap3A_1091], %swap3A_1094 {strides = array<i32>} : memref<98304xi32, #tpu.memory_space<vmem>>, vector<16xi32>,
    %add3A_1095 = arith.constant 79872 : i32
    %add3A_1096 = arith.addi %add3A_1095, %squeeze3A_1078 : i32
    %add3A_1097 = arith.constant 32 : i32
    %add3A_1098 = arith.addi %add3A_1096, %add3A_1097 : i32
    %swap3A_1099 = arith.index_cast %add3A_1098 : i32 to index
    %swap3A_1100 = tpu.vector_load %arg8[%swap3A_1099] {strides = array<i32>} : memref<98304xi32, #tpu.memory_space<vmem>>, vector<16xi32>,
    %swap3A_1101 = vector.shape_cast %swap3A_1100 : vector<16xi32> to vector<16xi32>
    %swap3A_1102 = vector.shape_cast %broadcast_in_dim3A_75 : vector<16xi32> to vector<16xi32>
    tpu.vector_store %arg8[%swap3A_1099], %swap3A_1102 {strides = array<i32>} : memref<98304xi32, #tpu.memory_space<vmem>>, vector<16xi32>,
    %add3A_1103 = arith.constant 79872 : i32
    %add3A_1104 = arith.addi %add3A_1103, %squeeze3A_1078 : i32
    %add3A_1105 = arith.constant 48 : i32
    %add3A_1106 = arith.addi %add3A_1104, %add3A_1105 : i32
    %swap3A_1107 = arith.index_cast %add3A_1106 : i32 to index
    %swap3A_1108 = tpu.vector_load %arg8[%swap3A_1107] {strides = array<i32>} : memref<98304xi32, #tpu.memory_space<vmem>>, vector<16xi32>,
    %swap3A_1109 = vector.shape_cast %swap3A_1108 : vector<16xi32> to vector<16xi32>
    %swap3A_1110 = vector.shape_cast %broadcast_in_dim3A_75 : vector<16xi32> to vector<16xi32>
    tpu.vector_store %arg8[%swap3A_1107], %swap3A_1110 {strides = array<i32>} : memref<98304xi32, #tpu.memory_space<vmem>>, vector<16xi32>,
    %add3A_1111 = arith.constant 79872 : i32
    %add3A_1112 = arith.addi %add3A_1111, %squeeze3A_1078 : i32
    %add3A_1113 = arith.constant 64 : i32
    %add3A_1114 = arith.addi %add3A_1112, %add3A_1113 : i32
    %swap3A_1115 = arith.index_cast %add3A_1114 : i32 to index
    %swap3A_1116 = tpu.vector_load %arg8[%swap3A_1115] {strides = array<i32>} : memref<98304xi32, #tpu.memory_space<vmem>>, vector<16xi32>,
    %swap3A_1117 = vector.shape_cast %swap3A_1116 : vector<16xi32> to vector<16xi32>
    %swap3A_1118 = vector.shape_cast %broadcast_in_dim3A_75 : vector<16xi32> to vector<16xi32>
    tpu.vector_store %arg8[%swap3A_1115], %swap3A_1118 {strides = array<i32>} : memref<98304xi32, #tpu.memory_space<vmem>>, vector<16xi32>,
    %add3A_1119 = arith.constant 79872 : i32
    %add3A_1120 = arith.addi %add3A_1119, %squeeze3A_1078 : i32
    %add3A_1121 = arith.constant 80 : i32
    %add3A_1122 = arith.addi %add3A_1120, %add3A_1121 : i32
    %swap3A_1123 = arith.index_cast %add3A_1122 : i32 to index
    %swap3A_1124 = tpu.vector_load %arg8[%swap3A_1123] {strides = array<i32>} : memref<98304xi32, #tpu.memory_space<vmem>>, vector<16xi32>,
    %swap3A_1125 = vector.shape_cast %swap3A_1124 : vector<16xi32> to vector<16xi32>
    %swap3A_1126 = vector.shape_cast %broadcast_in_dim3A_75 : vector<16xi32> to vector<16xi32>
    tpu.vector_store %arg8[%swap3A_1123], %swap3A_1126 {strides = array<i32>} : memref<98304xi32, #tpu.memory_space<vmem>>, vector<16xi32>,
    %add3A_1127 = arith.constant 79872 : i32
    %add3A_1128 = arith.addi %add3A_1127, %squeeze3A_1078 : i32
    %add3A_1129 = arith.constant 96 : i32
    %add3A_1130 = arith.addi %add3A_1128, %add3A_1129 : i32
    %swap3A_1131 = arith.index_cast %add3A_1130 : i32 to index
    %swap3A_1132 = tpu.vector_load %arg8[%swap3A_1131] {strides = array<i32>} : memref<98304xi32, #tpu.memory_space<vmem>>, vector<16xi32>,
    %swap3A_1133 = vector.shape_cast %swap3A_1132 : vector<16xi32> to vector<16xi32>
    %swap3A_1134 = vector.shape_cast %broadcast_in_dim3A_75 : vector<16xi32> to vector<16xi32>
    tpu.vector_store %arg8[%swap3A_1131], %swap3A_1134 {strides = array<i32>} : memref<98304xi32, #tpu.memory_space<vmem>>, vector<16xi32>,
    %add3A_1135 = arith.constant 79872 : i32
    %add3A_1136 = arith.addi %add3A_1135, %squeeze3A_1078 : i32
    %add3A_1137 = arith.constant 112 : i32
    %add3A_1138 = arith.addi %add3A_1136, %add3A_1137 : i32
    %swap3A_1139 = arith.index_cast %add3A_1138 : i32 to index
    %swap3A_1140 = tpu.vector_load %arg8[%swap3A_1139] {strides = array<i32>} : memref<98304xi32, #tpu.memory_space<vmem>>, vector<16xi32>,
    %swap3A_1141 = vector.shape_cast %swap3A_1140 : vector<16xi32> to vector<16xi32>
    %swap3A_1142 = vector.shape_cast %broadcast_in_dim3A_75 : vector<16xi32> to vector<16xi32>
    tpu.vector_store %arg8[%swap3A_1139], %swap3A_1142 {strides = array<i32>} : memref<98304xi32, #tpu.memory_space<vmem>>, vector<16xi32>,
    %add3A_1143 = arith.constant 79872 : i32
    %add3A_1144 = arith.addi %add3A_1143, %squeeze3A_1078 : i32
    %add3A_1145 = arith.constant 128 : i32
    %add3A_1146 = arith.addi %add3A_1144, %add3A_1145 : i32
    %swap3A_1147 = arith.index_cast %add3A_1146 : i32 to index
    %swap3A_1148 = tpu.vector_load %arg8[%swap3A_1147] {strides = array<i32>} : memref<98304xi32, #tpu.memory_space<vmem>>, vector<16xi32>,
    %swap3A_1149 = vector.shape_cast %swap3A_1148 : vector<16xi32> to vector<16xi32>
    %swap3A_1150 = vector.shape_cast %broadcast_in_dim3A_75 : vector<16xi32> to vector<16xi32>
    tpu.vector_store %arg8[%swap3A_1147], %swap3A_1150 {strides = array<i32>} : memref<98304xi32, #tpu.memory_space<vmem>>, vector<16xi32>,
    %get3A_1151 = arith.constant 224 : index
    %get3A_1152 = tpu.vector_load %arg9[%get3A_1151] {strides = array<i32>} : memref<256xi32, #tpu.memory_space<vmem>>, vector<16xi32>,
    %get3A_1153 = vector.shape_cast %get3A_1152 : vector<16xi32> to vector<16xi32>
    %slice3A_1154 = vector.extract_strided_slice %get3A_1153 {offsets = [0], sizes = [1], strides = [1]} : vector<16xi32> to vector<1xi32>
    %squeeze3A_1155 = vector.extract %slice3A_1154[0] : i32 from vector<1xi32>
    %add3A_1156 = arith.constant 86016 : i32
    %add3A_1157 = arith.addi %add3A_1156, %squeeze3A_1155 : i32
    %add3A_1158 = arith.constant 0 : i32
    %add3A_1159 = arith.addi %add3A_1157, %add3A_1158 : i32
    %swap3A_1160 = arith.index_cast %add3A_1159 : i32 to index
    %swap3A_1161 = tpu.vector_load %arg8[%swap3A_1160] {strides = array<i32>} : memref<98304xi32, #tpu.memory_space<vmem>>, vector<16xi32>,
    %swap3A_1162 = vector.shape_cast %swap3A_1161 : vector<16xi32> to vector<16xi32>
    %swap3A_1163 = vector.shape_cast %broadcast_in_dim3A_75 : vector<16xi32> to vector<16xi32>
    tpu.vector_store %arg8[%swap3A_1160], %swap3A_1163 {strides = array<i32>} : memref<98304xi32, #tpu.memory_space<vmem>>, vector<16xi32>,
    %add3A_1164 = arith.constant 86016 : i32
    %add3A_1165 = arith.addi %add3A_1164, %squeeze3A_1155 : i32
    %add3A_1166 = arith.constant 16 : i32
    %add3A_1167 = arith.addi %add3A_1165, %add3A_1166 : i32
    %swap3A_1168 = arith.index_cast %add3A_1167 : i32 to index
    %swap3A_1169 = tpu.vector_load %arg8[%swap3A_1168] {strides = array<i32>} : memref<98304xi32, #tpu.memory_space<vmem>>, vector<16xi32>,
    %swap3A_1170 = vector.shape_cast %swap3A_1169 : vector<16xi32> to vector<16xi32>
    %swap3A_1171 = vector.shape_cast %broadcast_in_dim3A_75 : vector<16xi32> to vector<16xi32>
    tpu.vector_store %arg8[%swap3A_1168], %swap3A_1171 {strides = array<i32>} : memref<98304xi32, #tpu.memory_space<vmem>>, vector<16xi32>,
    %add3A_1172 = arith.constant 86016 : i32
    %add3A_1173 = arith.addi %add3A_1172, %squeeze3A_1155 : i32
    %add3A_1174 = arith.constant 32 : i32
    %add3A_1175 = arith.addi %add3A_1173, %add3A_1174 : i32
    %swap3A_1176 = arith.index_cast %add3A_1175 : i32 to index
    %swap3A_1177 = tpu.vector_load %arg8[%swap3A_1176] {strides = array<i32>} : memref<98304xi32, #tpu.memory_space<vmem>>, vector<16xi32>,
    %swap3A_1178 = vector.shape_cast %swap3A_1177 : vector<16xi32> to vector<16xi32>
    %swap3A_1179 = vector.shape_cast %broadcast_in_dim3A_75 : vector<16xi32> to vector<16xi32>
    tpu.vector_store %arg8[%swap3A_1176], %swap3A_1179 {strides = array<i32>} : memref<98304xi32, #tpu.memory_space<vmem>>, vector<16xi32>,
    %add3A_1180 = arith.constant 86016 : i32
    %add3A_1181 = arith.addi %add3A_1180, %squeeze3A_1155 : i32
    %add3A_1182 = arith.constant 48 : i32
    %add3A_1183 = arith.addi %add3A_1181, %add3A_1182 : i32
    %swap3A_1184 = arith.index_cast %add3A_1183 : i32 to index
    %swap3A_1185 = tpu.vector_load %arg8[%swap3A_1184] {strides = array<i32>} : memref<98304xi32, #tpu.memory_space<vmem>>, vector<16xi32>,
    %swap3A_1186 = vector.shape_cast %swap3A_1185 : vector<16xi32> to vector<16xi32>
    %swap3A_1187 = vector.shape_cast %broadcast_in_dim3A_75 : vector<16xi32> to vector<16xi32>
    tpu.vector_store %arg8[%swap3A_1184], %swap3A_1187 {strides = array<i32>} : memref<98304xi32, #tpu.memory_space<vmem>>, vector<16xi32>,
    %add3A_1188 = arith.constant 86016 : i32
    %add3A_1189 = arith.addi %add3A_1188, %squeeze3A_1155 : i32
    %add3A_1190 = arith.constant 64 : i32
    %add3A_1191 = arith.addi %add3A_1189, %add3A_1190 : i32
    %swap3A_1192 = arith.index_cast %add3A_1191 : i32 to index
    %swap3A_1193 = tpu.vector_load %arg8[%swap3A_1192] {strides = array<i32>} : memref<98304xi32, #tpu.memory_space<vmem>>, vector<16xi32>,
    %swap3A_1194 = vector.shape_cast %swap3A_1193 : vector<16xi32> to vector<16xi32>
    %swap3A_1195 = vector.shape_cast %broadcast_in_dim3A_75 : vector<16xi32> to vector<16xi32>
    tpu.vector_store %arg8[%swap3A_1192], %swap3A_1195 {strides = array<i32>} : memref<98304xi32, #tpu.memory_space<vmem>>, vector<16xi32>,
    %add3A_1196 = arith.constant 86016 : i32
    %add3A_1197 = arith.addi %add3A_1196, %squeeze3A_1155 : i32
    %add3A_1198 = arith.constant 80 : i32
    %add3A_1199 = arith.addi %add3A_1197, %add3A_1198 : i32
    %swap3A_1200 = arith.index_cast %add3A_1199 : i32 to index
    %swap3A_1201 = tpu.vector_load %arg8[%swap3A_1200] {strides = array<i32>} : memref<98304xi32, #tpu.memory_space<vmem>>, vector<16xi32>,
    %swap3A_1202 = vector.shape_cast %swap3A_1201 : vector<16xi32> to vector<16xi32>
    %swap3A_1203 = vector.shape_cast %broadcast_in_dim3A_75 : vector<16xi32> to vector<16xi32>
    tpu.vector_store %arg8[%swap3A_1200], %swap3A_1203 {strides = array<i32>} : memref<98304xi32, #tpu.memory_space<vmem>>, vector<16xi32>,
    %add3A_1204 = arith.constant 86016 : i32
    %add3A_1205 = arith.addi %add3A_1204, %squeeze3A_1155 : i32
    %add3A_1206 = arith.constant 96 : i32
    %add3A_1207 = arith.addi %add3A_1205, %add3A_1206 : i32
    %swap3A_1208 = arith.index_cast %add3A_1207 : i32 to index
    %swap3A_1209 = tpu.vector_load %arg8[%swap3A_1208] {strides = array<i32>} : memref<98304xi32, #tpu.memory_space<vmem>>, vector<16xi32>,
    %swap3A_1210 = vector.shape_cast %swap3A_1209 : vector<16xi32> to vector<16xi32>
    %swap3A_1211 = vector.shape_cast %broadcast_in_dim3A_75 : vector<16xi32> to vector<16xi32>
    tpu.vector_store %arg8[%swap3A_1208], %swap3A_1211 {strides = array<i32>} : memref<98304xi32, #tpu.memory_space<vmem>>, vector<16xi32>,
    %add3A_1212 = arith.constant 86016 : i32
    %add3A_1213 = arith.addi %add3A_1212, %squeeze3A_1155 : i32
    %add3A_1214 = arith.constant 112 : i32
    %add3A_1215 = arith.addi %add3A_1213, %add3A_1214 : i32
    %swap3A_1216 = arith.index_cast %add3A_1215 : i32 to index
    %swap3A_1217 = tpu.vector_load %arg8[%swap3A_1216] {strides = array<i32>} : memref<98304xi32, #tpu.memory_space<vmem>>, vector<16xi32>,
    %swap3A_1218 = vector.shape_cast %swap3A_1217 : vector<16xi32> to vector<16xi32>
    %swap3A_1219 = vector.shape_cast %broadcast_in_dim3A_75 : vector<16xi32> to vector<16xi32>
    tpu.vector_store %arg8[%swap3A_1216], %swap3A_1219 {strides = array<i32>} : memref<98304xi32, #tpu.memory_space<vmem>>, vector<16xi32>,
    %add3A_1220 = arith.constant 86016 : i32
    %add3A_1221 = arith.addi %add3A_1220, %squeeze3A_1155 : i32
    %add3A_1222 = arith.constant 128 : i32
    %add3A_1223 = arith.addi %add3A_1221, %add3A_1222 : i32
    %swap3A_1224 = arith.index_cast %add3A_1223 : i32 to index
    %swap3A_1225 = tpu.vector_load %arg8[%swap3A_1224] {strides = array<i32>} : memref<98304xi32, #tpu.memory_space<vmem>>, vector<16xi32>,
    %swap3A_1226 = vector.shape_cast %swap3A_1225 : vector<16xi32> to vector<16xi32>
    %swap3A_1227 = vector.shape_cast %broadcast_in_dim3A_75 : vector<16xi32> to vector<16xi32>
    tpu.vector_store %arg8[%swap3A_1224], %swap3A_1227 {strides = array<i32>} : memref<98304xi32, #tpu.memory_space<vmem>>, vector<16xi32>,
    %get3A_1228 = arith.constant 240 : index
    %get3A_1229 = tpu.vector_load %arg9[%get3A_1228] {strides = array<i32>} : memref<256xi32, #tpu.memory_space<vmem>>, vector<16xi32>,
    %get3A_1230 = vector.shape_cast %get3A_1229 : vector<16xi32> to vector<16xi32>
    %slice3A_1231 = vector.extract_strided_slice %get3A_1230 {offsets = [0], sizes = [1], strides = [1]} : vector<16xi32> to vector<1xi32>
    %squeeze3A_1232 = vector.extract %slice3A_1231[0] : i32 from vector<1xi32>
    %add3A_1233 = arith.constant 92160 : i32
    %add3A_1234 = arith.addi %add3A_1233, %squeeze3A_1232 : i32
    %add3A_1235 = arith.constant 0 : i32
    %add3A_1236 = arith.addi %add3A_1234, %add3A_1235 : i32
    %swap3A_1237 = arith.index_cast %add3A_1236 : i32 to index
    %swap3A_1238 = tpu.vector_load %arg8[%swap3A_1237] {strides = array<i32>} : memref<98304xi32, #tpu.memory_space<vmem>>, vector<16xi32>,
    %swap3A_1239 = vector.shape_cast %swap3A_1238 : vector<16xi32> to vector<16xi32>
    %swap3A_1240 = vector.shape_cast %broadcast_in_dim3A_75 : vector<16xi32> to vector<16xi32>
    tpu.vector_store %arg8[%swap3A_1237], %swap3A_1240 {strides = array<i32>} : memref<98304xi32, #tpu.memory_space<vmem>>, vector<16xi32>,
    %add3A_1241 = arith.constant 92160 : i32
    %add3A_1242 = arith.addi %add3A_1241, %squeeze3A_1232 : i32
    %add3A_1243 = arith.constant 16 : i32
    %add3A_1244 = arith.addi %add3A_1242, %add3A_1243 : i32
    %swap3A_1245 = arith.index_cast %add3A_1244 : i32 to index
    %swap3A_1246 = tpu.vector_load %arg8[%swap3A_1245] {strides = array<i32>} : memref<98304xi32, #tpu.memory_space<vmem>>, vector<16xi32>,
    %swap3A_1247 = vector.shape_cast %swap3A_1246 : vector<16xi32> to vector<16xi32>
    %swap3A_1248 = vector.shape_cast %broadcast_in_dim3A_75 : vector<16xi32> to vector<16xi32>
    tpu.vector_store %arg8[%swap3A_1245], %swap3A_1248 {strides = array<i32>} : memref<98304xi32, #tpu.memory_space<vmem>>, vector<16xi32>,
    %add3A_1249 = arith.constant 92160 : i32
    %add3A_1250 = arith.addi %add3A_1249, %squeeze3A_1232 : i32
    %add3A_1251 = arith.constant 32 : i32
    %add3A_1252 = arith.addi %add3A_1250, %add3A_1251 : i32
    %swap3A_1253 = arith.index_cast %add3A_1252 : i32 to index
    %swap3A_1254 = tpu.vector_load %arg8[%swap3A_1253] {strides = array<i32>} : memref<98304xi32, #tpu.memory_space<vmem>>, vector<16xi32>,
    %swap3A_1255 = vector.shape_cast %swap3A_1254 : vector<16xi32> to vector<16xi32>
    %swap3A_1256 = vector.shape_cast %broadcast_in_dim3A_75 : vector<16xi32> to vector<16xi32>
    tpu.vector_store %arg8[%swap3A_1253], %swap3A_1256 {strides = array<i32>} : memref<98304xi32, #tpu.memory_space<vmem>>, vector<16xi32>,
    %add3A_1257 = arith.constant 92160 : i32
    %add3A_1258 = arith.addi %add3A_1257, %squeeze3A_1232 : i32
    %add3A_1259 = arith.constant 48 : i32
    %add3A_1260 = arith.addi %add3A_1258, %add3A_1259 : i32
    %swap3A_1261 = arith.index_cast %add3A_1260 : i32 to index
    %swap3A_1262 = tpu.vector_load %arg8[%swap3A_1261] {strides = array<i32>} : memref<98304xi32, #tpu.memory_space<vmem>>, vector<16xi32>,
    %swap3A_1263 = vector.shape_cast %swap3A_1262 : vector<16xi32> to vector<16xi32>
    %swap3A_1264 = vector.shape_cast %broadcast_in_dim3A_75 : vector<16xi32> to vector<16xi32>
    tpu.vector_store %arg8[%swap3A_1261], %swap3A_1264 {strides = array<i32>} : memref<98304xi32, #tpu.memory_space<vmem>>, vector<16xi32>,
    %add3A_1265 = arith.constant 92160 : i32
    %add3A_1266 = arith.addi %add3A_1265, %squeeze3A_1232 : i32
    %add3A_1267 = arith.constant 64 : i32
    %add3A_1268 = arith.addi %add3A_1266, %add3A_1267 : i32
    %swap3A_1269 = arith.index_cast %add3A_1268 : i32 to index
    %swap3A_1270 = tpu.vector_load %arg8[%swap3A_1269] {strides = array<i32>} : memref<98304xi32, #tpu.memory_space<vmem>>, vector<16xi32>,
    %swap3A_1271 = vector.shape_cast %swap3A_1270 : vector<16xi32> to vector<16xi32>
    %swap3A_1272 = vector.shape_cast %broadcast_in_dim3A_75 : vector<16xi32> to vector<16xi32>
    tpu.vector_store %arg8[%swap3A_1269], %swap3A_1272 {strides = array<i32>} : memref<98304xi32, #tpu.memory_space<vmem>>, vector<16xi32>,
    %add3A_1273 = arith.constant 92160 : i32
    %add3A_1274 = arith.addi %add3A_1273, %squeeze3A_1232 : i32
    %add3A_1275 = arith.constant 80 : i32
    %add3A_1276 = arith.addi %add3A_1274, %add3A_1275 : i32
    %swap3A_1277 = arith.index_cast %add3A_1276 : i32 to index
    %swap3A_1278 = tpu.vector_load %arg8[%swap3A_1277] {strides = array<i32>} : memref<98304xi32, #tpu.memory_space<vmem>>, vector<16xi32>,
    %swap3A_1279 = vector.shape_cast %swap3A_1278 : vector<16xi32> to vector<16xi32>
    %swap3A_1280 = vector.shape_cast %broadcast_in_dim3A_75 : vector<16xi32> to vector<16xi32>
    tpu.vector_store %arg8[%swap3A_1277], %swap3A_1280 {strides = array<i32>} : memref<98304xi32, #tpu.memory_space<vmem>>, vector<16xi32>,
    %add3A_1281 = arith.constant 92160 : i32
    %add3A_1282 = arith.addi %add3A_1281, %squeeze3A_1232 : i32
    %add3A_1283 = arith.constant 96 : i32
    %add3A_1284 = arith.addi %add3A_1282, %add3A_1283 : i32
    %swap3A_1285 = arith.index_cast %add3A_1284 : i32 to index
    %swap3A_1286 = tpu.vector_load %arg8[%swap3A_1285] {strides = array<i32>} : memref<98304xi32, #tpu.memory_space<vmem>>, vector<16xi32>,
    %swap3A_1287 = vector.shape_cast %swap3A_1286 : vector<16xi32> to vector<16xi32>
    %swap3A_1288 = vector.shape_cast %broadcast_in_dim3A_75 : vector<16xi32> to vector<16xi32>
    tpu.vector_store %arg8[%swap3A_1285], %swap3A_1288 {strides = array<i32>} : memref<98304xi32, #tpu.memory_space<vmem>>, vector<16xi32>,
    %add3A_1289 = arith.constant 92160 : i32
    %add3A_1290 = arith.addi %add3A_1289, %squeeze3A_1232 : i32
    %add3A_1291 = arith.constant 112 : i32
    %add3A_1292 = arith.addi %add3A_1290, %add3A_1291 : i32
    %swap3A_1293 = arith.index_cast %add3A_1292 : i32 to index
    %swap3A_1294 = tpu.vector_load %arg8[%swap3A_1293] {strides = array<i32>} : memref<98304xi32, #tpu.memory_space<vmem>>, vector<16xi32>,
    %swap3A_1295 = vector.shape_cast %swap3A_1294 : vector<16xi32> to vector<16xi32>
    %swap3A_1296 = vector.shape_cast %broadcast_in_dim3A_75 : vector<16xi32> to vector<16xi32>
    tpu.vector_store %arg8[%swap3A_1293], %swap3A_1296 {strides = array<i32>} : memref<98304xi32, #tpu.memory_space<vmem>>, vector<16xi32>,
    %add3A_1297 = arith.constant 92160 : i32
    %add3A_1298 = arith.addi %add3A_1297, %squeeze3A_1232 : i32
    %add3A_1299 = arith.constant 128 : i32
    %add3A_1300 = arith.addi %add3A_1298, %add3A_1299 : i32
    %swap3A_1301 = arith.index_cast %add3A_1300 : i32 to index
    %swap3A_1302 = tpu.vector_load %arg8[%swap3A_1301] {strides = array<i32>} : memref<98304xi32, #tpu.memory_space<vmem>>, vector<16xi32>,
    %swap3A_1303 = vector.shape_cast %swap3A_1302 : vector<16xi32> to vector<16xi32>
    %swap3A_1304 = vector.shape_cast %broadcast_in_dim3A_75 : vector<16xi32> to vector<16xi32>
    tpu.vector_store %arg8[%swap3A_1301], %swap3A_1304 {strides = array<i32>} : memref<98304xi32, #tpu.memory_space<vmem>>, vector<16xi32>,
    %add3A_1305 = arith.constant 0 : i32
    %add3A_1306 = arith.addi %add3A_1305, %add3A : i32
    %mul3A_1307 = arith.constant 6144 : i32
    %mul3A_1308 = arith.muli %add3A_1306, %mul3A_1307 : i32
    "tpu.region"() ({
      %run_scoped3A = tpu.sem_alloc : memref<!tpu.dma_semaphore, #tpu.memory_space<semaphore_mem>>
      %dma_start3A = arith.constant 0 : i32
      %dma_start3A_1545 = tpu.memref_slice %arg8[%dma_start3A] : memref<98304xi32, #tpu.memory_space<vmem>> -> memref<6144xi32, #tpu.memory_space<vmem>>
      %dma_start3A_1546 = tpu.memref_slice %arg4[%mul3A_1308] : memref<3145728xi32, #tpu.memory_space<hbm>> -> memref<6144xi32, #tpu.memory_space<hbm>>
      %dma_start3A_1547 = tpu.memref_slice %arg4[%mul3A_1308] : memref<3145728xi32, #tpu.memory_space<hbm>> -> memref<6144xi32, #tpu.memory_space<hbm>>
      %dma_start3A_1548 = arith.constant 0 : i32
      %dma_start3A_1549 = tpu.memref_slice %arg8[%dma_start3A_1548] : memref<98304xi32, #tpu.memory_space<vmem>> -> memref<6144xi32, #tpu.memory_space<vmem>>
      tpu.enqueue_dma source(%dma_start3A_1549 : memref<6144xi32, #tpu.memory_space<vmem>>) target(%dma_start3A_1547 : memref<6144xi32, #tpu.memory_space<hbm>>) target_semaphore(%run_scoped3A : memref<!tpu.dma_semaphore, #tpu.memory_space<semaphore_mem>>)
      %dma_wait3A = arith.constant 0 : i32
      %dma_wait3A_1550 = tpu.memref_slice %arg8[%dma_wait3A] : memref<98304xi32, #tpu.memory_space<vmem>> -> memref<6144xi32, #tpu.memory_space<vmem>>
      %dma_wait3A_1551 = tpu.memref_slice %arg4[%mul3A_1308] : memref<3145728xi32, #tpu.memory_space<hbm>> -> memref<6144xi32, #tpu.memory_space<hbm>>
      %dma_wait3A_1552 = tpu.memref_slice %arg4[%mul3A_1308] : memref<3145728xi32, #tpu.memory_space<hbm>> -> memref<6144xi32, #tpu.memory_space<hbm>>
      %dma_wait3A_1553 = arith.constant 0 : i32
      %dma_wait3A_1554 = tpu.memref_slice %arg8[%dma_wait3A_1553] : memref<98304xi32, #tpu.memory_space<vmem>> -> memref<6144xi32, #tpu.memory_space<vmem>>
      tpu.wait_dma2 semaphore(%run_scoped3A : memref<!tpu.dma_semaphore, #tpu.memory_space<semaphore_mem>>) src(%dma_wait3A_1554 : memref<6144xi32, #tpu.memory_space<vmem>>) dst(%dma_wait3A_1552 : memref<6144xi32, #tpu.memory_space<hbm>>)
      tpu.yield
    }) : () -> ()
    %get3A_1309 = arith.constant 0 : index
    %get3A_1310 = tpu.vector_load %arg9[%get3A_1309] {strides = array<i32>} : memref<256xi32, #tpu.memory_space<vmem>>, vector<16xi32>,
    %get3A_1311 = vector.shape_cast %get3A_1310 : vector<16xi32> to vector<16xi32>
    %swap3A_1312 = arith.constant 0 : index
    %swap3A_1313 = tpu.vector_load %arg10[%swap3A_1312] {strides = array<i32>} : memref<1024xi32, #tpu.memory_space<vmem>>, vector<16xi32>,
    %swap3A_1314 = vector.shape_cast %swap3A_1313 : vector<16xi32> to vector<16xi32>
    %swap3A_1315 = vector.shape_cast %get3A_1311 : vector<16xi32> to vector<16xi32>
    tpu.vector_store %arg10[%swap3A_1312], %swap3A_1315 {strides = array<i32>} : memref<1024xi32, #tpu.memory_space<vmem>>, vector<16xi32>,
    %add3A_1316 = arith.constant 0 : i32
    %add3A_1317 = arith.addi %add3A_1316, %add3A : i32
    %mul3A_1318 = arith.constant 1024 : i32
    %mul3A_1319 = arith.muli %add3A_1317, %mul3A_1318 : i32
    "tpu.region"() ({
      %run_scoped3A = tpu.sem_alloc : memref<!tpu.dma_semaphore, #tpu.memory_space<semaphore_mem>>
      %dma_start3A = tpu.memref_slice %arg5[%mul3A_1319] : memref<524288xi32, #tpu.memory_space<hbm>> -> memref<1024xi32, #tpu.memory_space<hbm>>
      %dma_start3A_1545 = tpu.memref_slice %arg5[%mul3A_1319] : memref<524288xi32, #tpu.memory_space<hbm>> -> memref<1024xi32, #tpu.memory_space<hbm>>
      tpu.enqueue_dma source(%arg10 : memref<1024xi32, #tpu.memory_space<vmem>>) target(%dma_start3A_1545 : memref<1024xi32, #tpu.memory_space<hbm>>) target_semaphore(%run_scoped3A : memref<!tpu.dma_semaphore, #tpu.memory_space<semaphore_mem>>)
      %dma_wait3A = tpu.memref_slice %arg5[%mul3A_1319] : memref<524288xi32, #tpu.memory_space<hbm>> -> memref<1024xi32, #tpu.memory_space<hbm>>
      %dma_wait3A_1546 = tpu.memref_slice %arg5[%mul3A_1319] : memref<524288xi32, #tpu.memory_space<hbm>> -> memref<1024xi32, #tpu.memory_space<hbm>>
      tpu.wait_dma2 semaphore(%run_scoped3A : memref<!tpu.dma_semaphore, #tpu.memory_space<semaphore_mem>>) src(%arg10 : memref<1024xi32, #tpu.memory_space<vmem>>) dst(%dma_wait3A_1546 : memref<1024xi32, #tpu.memory_space<hbm>>)
      tpu.yield
    }) : () -> ()
    %add3A_1320 = arith.constant 32 : i32
    %add3A_1321 = arith.addi %add3A_1320, %add3A : i32
    %mul3A_1322 = arith.constant 6144 : i32
    %mul3A_1323 = arith.muli %add3A_1321, %mul3A_1322 : i32
    "tpu.region"() ({
      %run_scoped3A = tpu.sem_alloc : memref<!tpu.dma_semaphore, #tpu.memory_space<semaphore_mem>>
      %dma_start3A = arith.constant 6144 : i32
      %dma_start3A_1545 = tpu.memref_slice %arg8[%dma_start3A] : memref<98304xi32, #tpu.memory_space<vmem>> -> memref<6144xi32, #tpu.memory_space<vmem>>
      %dma_start3A_1546 = tpu.memref_slice %arg4[%mul3A_1323] : memref<3145728xi32, #tpu.memory_space<hbm>> -> memref<6144xi32, #tpu.memory_space<hbm>>
      %dma_start3A_1547 = tpu.memref_slice %arg4[%mul3A_1323] : memref<3145728xi32, #tpu.memory_space<hbm>> -> memref<6144xi32, #tpu.memory_space<hbm>>
      %dma_start3A_1548 = arith.constant 6144 : i32
      %dma_start3A_1549 = tpu.memref_slice %arg8[%dma_start3A_1548] : memref<98304xi32, #tpu.memory_space<vmem>> -> memref<6144xi32, #tpu.memory_space<vmem>>
      tpu.enqueue_dma source(%dma_start3A_1549 : memref<6144xi32, #tpu.memory_space<vmem>>) target(%dma_start3A_1547 : memref<6144xi32, #tpu.memory_space<hbm>>) target_semaphore(%run_scoped3A : memref<!tpu.dma_semaphore, #tpu.memory_space<semaphore_mem>>)
      %dma_wait3A = arith.constant 6144 : i32
      %dma_wait3A_1550 = tpu.memref_slice %arg8[%dma_wait3A] : memref<98304xi32, #tpu.memory_space<vmem>> -> memref<6144xi32, #tpu.memory_space<vmem>>
      %dma_wait3A_1551 = tpu.memref_slice %arg4[%mul3A_1323] : memref<3145728xi32, #tpu.memory_space<hbm>> -> memref<6144xi32, #tpu.memory_space<hbm>>
      %dma_wait3A_1552 = tpu.memref_slice %arg4[%mul3A_1323] : memref<3145728xi32, #tpu.memory_space<hbm>> -> memref<6144xi32, #tpu.memory_space<hbm>>
      %dma_wait3A_1553 = arith.constant 6144 : i32
      %dma_wait3A_1554 = tpu.memref_slice %arg8[%dma_wait3A_1553] : memref<98304xi32, #tpu.memory_space<vmem>> -> memref<6144xi32, #tpu.memory_space<vmem>>
      tpu.wait_dma2 semaphore(%run_scoped3A : memref<!tpu.dma_semaphore, #tpu.memory_space<semaphore_mem>>) src(%dma_wait3A_1554 : memref<6144xi32, #tpu.memory_space<vmem>>) dst(%dma_wait3A_1552 : memref<6144xi32, #tpu.memory_space<hbm>>)
      tpu.yield
    }) : () -> ()
    %get3A_1324 = arith.constant 16 : index
    %get3A_1325 = tpu.vector_load %arg9[%get3A_1324] {strides = array<i32>} : memref<256xi32, #tpu.memory_space<vmem>>, vector<16xi32>,
    %get3A_1326 = vector.shape_cast %get3A_1325 : vector<16xi32> to vector<16xi32>
    %swap3A_1327 = arith.constant 0 : index
    %swap3A_1328 = tpu.vector_load %arg10[%swap3A_1327] {strides = array<i32>} : memref<1024xi32, #tpu.memory_space<vmem>>, vector<16xi32>,
    %swap3A_1329 = vector.shape_cast %swap3A_1328 : vector<16xi32> to vector<16xi32>
    %swap3A_1330 = vector.shape_cast %get3A_1326 : vector<16xi32> to vector<16xi32>
    tpu.vector_store %arg10[%swap3A_1327], %swap3A_1330 {strides = array<i32>} : memref<1024xi32, #tpu.memory_space<vmem>>, vector<16xi32>,
    %add3A_1331 = arith.constant 32 : i32
    %add3A_1332 = arith.addi %add3A_1331, %add3A : i32
    %mul3A_1333 = arith.constant 1024 : i32
    %mul3A_1334 = arith.muli %add3A_1332, %mul3A_1333 : i32
    "tpu.region"() ({
      %run_scoped3A = tpu.sem_alloc : memref<!tpu.dma_semaphore, #tpu.memory_space<semaphore_mem>>
      %dma_start3A = tpu.memref_slice %arg5[%mul3A_1334] : memref<524288xi32, #tpu.memory_space<hbm>> -> memref<1024xi32, #tpu.memory_space<hbm>>
      %dma_start3A_1545 = tpu.memref_slice %arg5[%mul3A_1334] : memref<524288xi32, #tpu.memory_space<hbm>> -> memref<1024xi32, #tpu.memory_space<hbm>>
      tpu.enqueue_dma source(%arg10 : memref<1024xi32, #tpu.memory_space<vmem>>) target(%dma_start3A_1545 : memref<1024xi32, #tpu.memory_space<hbm>>) target_semaphore(%run_scoped3A : memref<!tpu.dma_semaphore, #tpu.memory_space<semaphore_mem>>)
      %dma_wait3A = tpu.memref_slice %arg5[%mul3A_1334] : memref<524288xi32, #tpu.memory_space<hbm>> -> memref<1024xi32, #tpu.memory_space<hbm>>
      %dma_wait3A_1546 = tpu.memref_slice %arg5[%mul3A_1334] : memref<524288xi32, #tpu.memory_space<hbm>> -> memref<1024xi32, #tpu.memory_space<hbm>>
      tpu.wait_dma2 semaphore(%run_scoped3A : memref<!tpu.dma_semaphore, #tpu.memory_space<semaphore_mem>>) src(%arg10 : memref<1024xi32, #tpu.memory_space<vmem>>) dst(%dma_wait3A_1546 : memref<1024xi32, #tpu.memory_space<hbm>>)
      tpu.yield
    }) : () -> ()
    %add3A_1335 = arith.constant 64 : i32
    %add3A_1336 = arith.addi %add3A_1335, %add3A : i32
    %mul3A_1337 = arith.constant 6144 : i32
    %mul3A_1338 = arith.muli %add3A_1336, %mul3A_1337 : i32
    "tpu.region"() ({
      %run_scoped3A = tpu.sem_alloc : memref<!tpu.dma_semaphore, #tpu.memory_space<semaphore_mem>>
      %dma_start3A = arith.constant 12288 : i32
      %dma_start3A_1545 = tpu.memref_slice %arg8[%dma_start3A] : memref<98304xi32, #tpu.memory_space<vmem>> -> memref<6144xi32, #tpu.memory_space<vmem>>
      %dma_start3A_1546 = tpu.memref_slice %arg4[%mul3A_1338] : memref<3145728xi32, #tpu.memory_space<hbm>> -> memref<6144xi32, #tpu.memory_space<hbm>>
      %dma_start3A_1547 = tpu.memref_slice %arg4[%mul3A_1338] : memref<3145728xi32, #tpu.memory_space<hbm>> -> memref<6144xi32, #tpu.memory_space<hbm>>
      %dma_start3A_1548 = arith.constant 12288 : i32
      %dma_start3A_1549 = tpu.memref_slice %arg8[%dma_start3A_1548] : memref<98304xi32, #tpu.memory_space<vmem>> -> memref<6144xi32, #tpu.memory_space<vmem>>
      tpu.enqueue_dma source(%dma_start3A_1549 : memref<6144xi32, #tpu.memory_space<vmem>>) target(%dma_start3A_1547 : memref<6144xi32, #tpu.memory_space<hbm>>) target_semaphore(%run_scoped3A : memref<!tpu.dma_semaphore, #tpu.memory_space<semaphore_mem>>)
      %dma_wait3A = arith.constant 12288 : i32
      %dma_wait3A_1550 = tpu.memref_slice %arg8[%dma_wait3A] : memref<98304xi32, #tpu.memory_space<vmem>> -> memref<6144xi32, #tpu.memory_space<vmem>>
      %dma_wait3A_1551 = tpu.memref_slice %arg4[%mul3A_1338] : memref<3145728xi32, #tpu.memory_space<hbm>> -> memref<6144xi32, #tpu.memory_space<hbm>>
      %dma_wait3A_1552 = tpu.memref_slice %arg4[%mul3A_1338] : memref<3145728xi32, #tpu.memory_space<hbm>> -> memref<6144xi32, #tpu.memory_space<hbm>>
      %dma_wait3A_1553 = arith.constant 12288 : i32
      %dma_wait3A_1554 = tpu.memref_slice %arg8[%dma_wait3A_1553] : memref<98304xi32, #tpu.memory_space<vmem>> -> memref<6144xi32, #tpu.memory_space<vmem>>
      tpu.wait_dma2 semaphore(%run_scoped3A : memref<!tpu.dma_semaphore, #tpu.memory_space<semaphore_mem>>) src(%dma_wait3A_1554 : memref<6144xi32, #tpu.memory_space<vmem>>) dst(%dma_wait3A_1552 : memref<6144xi32, #tpu.memory_space<hbm>>)
      tpu.yield
    }) : () -> ()
    %get3A_1339 = arith.constant 32 : index
    %get3A_1340 = tpu.vector_load %arg9[%get3A_1339] {strides = array<i32>} : memref<256xi32, #tpu.memory_space<vmem>>, vector<16xi32>,
    %get3A_1341 = vector.shape_cast %get3A_1340 : vector<16xi32> to vector<16xi32>
    %swap3A_1342 = arith.constant 0 : index
    %swap3A_1343 = tpu.vector_load %arg10[%swap3A_1342] {strides = array<i32>} : memref<1024xi32, #tpu.memory_space<vmem>>, vector<16xi32>,
    %swap3A_1344 = vector.shape_cast %swap3A_1343 : vector<16xi32> to vector<16xi32>
    %swap3A_1345 = vector.shape_cast %get3A_1341 : vector<16xi32> to vector<16xi32>
    tpu.vector_store %arg10[%swap3A_1342], %swap3A_1345 {strides = array<i32>} : memref<1024xi32, #tpu.memory_space<vmem>>, vector<16xi32>,
    %add3A_1346 = arith.constant 64 : i32
    %add3A_1347 = arith.addi %add3A_1346, %add3A : i32
    %mul3A_1348 = arith.constant 1024 : i32
    %mul3A_1349 = arith.muli %add3A_1347, %mul3A_1348 : i32
    "tpu.region"() ({
      %run_scoped3A = tpu.sem_alloc : memref<!tpu.dma_semaphore, #tpu.memory_space<semaphore_mem>>
      %dma_start3A = tpu.memref_slice %arg5[%mul3A_1349] : memref<524288xi32, #tpu.memory_space<hbm>> -> memref<1024xi32, #tpu.memory_space<hbm>>
      %dma_start3A_1545 = tpu.memref_slice %arg5[%mul3A_1349] : memref<524288xi32, #tpu.memory_space<hbm>> -> memref<1024xi32, #tpu.memory_space<hbm>>
      tpu.enqueue_dma source(%arg10 : memref<1024xi32, #tpu.memory_space<vmem>>) target(%dma_start3A_1545 : memref<1024xi32, #tpu.memory_space<hbm>>) target_semaphore(%run_scoped3A : memref<!tpu.dma_semaphore, #tpu.memory_space<semaphore_mem>>)
      %dma_wait3A = tpu.memref_slice %arg5[%mul3A_1349] : memref<524288xi32, #tpu.memory_space<hbm>> -> memref<1024xi32, #tpu.memory_space<hbm>>
      %dma_wait3A_1546 = tpu.memref_slice %arg5[%mul3A_1349] : memref<524288xi32, #tpu.memory_space<hbm>> -> memref<1024xi32, #tpu.memory_space<hbm>>
      tpu.wait_dma2 semaphore(%run_scoped3A : memref<!tpu.dma_semaphore, #tpu.memory_space<semaphore_mem>>) src(%arg10 : memref<1024xi32, #tpu.memory_space<vmem>>) dst(%dma_wait3A_1546 : memref<1024xi32, #tpu.memory_space<hbm>>)
      tpu.yield
    }) : () -> ()
    %add3A_1350 = arith.constant 96 : i32
    %add3A_1351 = arith.addi %add3A_1350, %add3A : i32
    %mul3A_1352 = arith.constant 6144 : i32
    %mul3A_1353 = arith.muli %add3A_1351, %mul3A_1352 : i32
    "tpu.region"() ({
      %run_scoped3A = tpu.sem_alloc : memref<!tpu.dma_semaphore, #tpu.memory_space<semaphore_mem>>
      %dma_start3A = arith.constant 18432 : i32
      %dma_start3A_1545 = tpu.memref_slice %arg8[%dma_start3A] : memref<98304xi32, #tpu.memory_space<vmem>> -> memref<6144xi32, #tpu.memory_space<vmem>>
      %dma_start3A_1546 = tpu.memref_slice %arg4[%mul3A_1353] : memref<3145728xi32, #tpu.memory_space<hbm>> -> memref<6144xi32, #tpu.memory_space<hbm>>
      %dma_start3A_1547 = tpu.memref_slice %arg4[%mul3A_1353] : memref<3145728xi32, #tpu.memory_space<hbm>> -> memref<6144xi32, #tpu.memory_space<hbm>>
      %dma_start3A_1548 = arith.constant 18432 : i32
      %dma_start3A_1549 = tpu.memref_slice %arg8[%dma_start3A_1548] : memref<98304xi32, #tpu.memory_space<vmem>> -> memref<6144xi32, #tpu.memory_space<vmem>>
      tpu.enqueue_dma source(%dma_start3A_1549 : memref<6144xi32, #tpu.memory_space<vmem>>) target(%dma_start3A_1547 : memref<6144xi32, #tpu.memory_space<hbm>>) target_semaphore(%run_scoped3A : memref<!tpu.dma_semaphore, #tpu.memory_space<semaphore_mem>>)
      %dma_wait3A = arith.constant 18432 : i32
      %dma_wait3A_1550 = tpu.memref_slice %arg8[%dma_wait3A] : memref<98304xi32, #tpu.memory_space<vmem>> -> memref<6144xi32, #tpu.memory_space<vmem>>
      %dma_wait3A_1551 = tpu.memref_slice %arg4[%mul3A_1353] : memref<3145728xi32, #tpu.memory_space<hbm>> -> memref<6144xi32, #tpu.memory_space<hbm>>
      %dma_wait3A_1552 = tpu.memref_slice %arg4[%mul3A_1353] : memref<3145728xi32, #tpu.memory_space<hbm>> -> memref<6144xi32, #tpu.memory_space<hbm>>
      %dma_wait3A_1553 = arith.constant 18432 : i32
      %dma_wait3A_1554 = tpu.memref_slice %arg8[%dma_wait3A_1553] : memref<98304xi32, #tpu.memory_space<vmem>> -> memref<6144xi32, #tpu.memory_space<vmem>>
      tpu.wait_dma2 semaphore(%run_scoped3A : memref<!tpu.dma_semaphore, #tpu.memory_space<semaphore_mem>>) src(%dma_wait3A_1554 : memref<6144xi32, #tpu.memory_space<vmem>>) dst(%dma_wait3A_1552 : memref<6144xi32, #tpu.memory_space<hbm>>)
      tpu.yield
    }) : () -> ()
    %get3A_1354 = arith.constant 48 : index
    %get3A_1355 = tpu.vector_load %arg9[%get3A_1354] {strides = array<i32>} : memref<256xi32, #tpu.memory_space<vmem>>, vector<16xi32>,
    %get3A_1356 = vector.shape_cast %get3A_1355 : vector<16xi32> to vector<16xi32>
    %swap3A_1357 = arith.constant 0 : index
    %swap3A_1358 = tpu.vector_load %arg10[%swap3A_1357] {strides = array<i32>} : memref<1024xi32, #tpu.memory_space<vmem>>, vector<16xi32>,
    %swap3A_1359 = vector.shape_cast %swap3A_1358 : vector<16xi32> to vector<16xi32>
    %swap3A_1360 = vector.shape_cast %get3A_1356 : vector<16xi32> to vector<16xi32>
    tpu.vector_store %arg10[%swap3A_1357], %swap3A_1360 {strides = array<i32>} : memref<1024xi32, #tpu.memory_space<vmem>>, vector<16xi32>,
    %add3A_1361 = arith.constant 96 : i32
    %add3A_1362 = arith.addi %add3A_1361, %add3A : i32
    %mul3A_1363 = arith.constant 1024 : i32
    %mul3A_1364 = arith.muli %add3A_1362, %mul3A_1363 : i32
    "tpu.region"() ({
      %run_scoped3A = tpu.sem_alloc : memref<!tpu.dma_semaphore, #tpu.memory_space<semaphore_mem>>
      %dma_start3A = tpu.memref_slice %arg5[%mul3A_1364] : memref<524288xi32, #tpu.memory_space<hbm>> -> memref<1024xi32, #tpu.memory_space<hbm>>
      %dma_start3A_1545 = tpu.memref_slice %arg5[%mul3A_1364] : memref<524288xi32, #tpu.memory_space<hbm>> -> memref<1024xi32, #tpu.memory_space<hbm>>
      tpu.enqueue_dma source(%arg10 : memref<1024xi32, #tpu.memory_space<vmem>>) target(%dma_start3A_1545 : memref<1024xi32, #tpu.memory_space<hbm>>) target_semaphore(%run_scoped3A : memref<!tpu.dma_semaphore, #tpu.memory_space<semaphore_mem>>)
      %dma_wait3A = tpu.memref_slice %arg5[%mul3A_1364] : memref<524288xi32, #tpu.memory_space<hbm>> -> memref<1024xi32, #tpu.memory_space<hbm>>
      %dma_wait3A_1546 = tpu.memref_slice %arg5[%mul3A_1364] : memref<524288xi32, #tpu.memory_space<hbm>> -> memref<1024xi32, #tpu.memory_space<hbm>>
      tpu.wait_dma2 semaphore(%run_scoped3A : memref<!tpu.dma_semaphore, #tpu.memory_space<semaphore_mem>>) src(%arg10 : memref<1024xi32, #tpu.memory_space<vmem>>) dst(%dma_wait3A_1546 : memref<1024xi32, #tpu.memory_space<hbm>>)
      tpu.yield
    }) : () -> ()
    %add3A_1365 = arith.constant 128 : i32
    %add3A_1366 = arith.addi %add3A_1365, %add3A : i32
    %mul3A_1367 = arith.constant 6144 : i32
    %mul3A_1368 = arith.muli %add3A_1366, %mul3A_1367 : i32
    "tpu.region"() ({
      %run_scoped3A = tpu.sem_alloc : memref<!tpu.dma_semaphore, #tpu.memory_space<semaphore_mem>>
      %dma_start3A = arith.constant 24576 : i32
      %dma_start3A_1545 = tpu.memref_slice %arg8[%dma_start3A] : memref<98304xi32, #tpu.memory_space<vmem>> -> memref<6144xi32, #tpu.memory_space<vmem>>
      %dma_start3A_1546 = tpu.memref_slice %arg4[%mul3A_1368] : memref<3145728xi32, #tpu.memory_space<hbm>> -> memref<6144xi32, #tpu.memory_space<hbm>>
      %dma_start3A_1547 = tpu.memref_slice %arg4[%mul3A_1368] : memref<3145728xi32, #tpu.memory_space<hbm>> -> memref<6144xi32, #tpu.memory_space<hbm>>
      %dma_start3A_1548 = arith.constant 24576 : i32
      %dma_start3A_1549 = tpu.memref_slice %arg8[%dma_start3A_1548] : memref<98304xi32, #tpu.memory_space<vmem>> -> memref<6144xi32, #tpu.memory_space<vmem>>
      tpu.enqueue_dma source(%dma_start3A_1549 : memref<6144xi32, #tpu.memory_space<vmem>>) target(%dma_start3A_1547 : memref<6144xi32, #tpu.memory_space<hbm>>) target_semaphore(%run_scoped3A : memref<!tpu.dma_semaphore, #tpu.memory_space<semaphore_mem>>)
      %dma_wait3A = arith.constant 24576 : i32
      %dma_wait3A_1550 = tpu.memref_slice %arg8[%dma_wait3A] : memref<98304xi32, #tpu.memory_space<vmem>> -> memref<6144xi32, #tpu.memory_space<vmem>>
      %dma_wait3A_1551 = tpu.memref_slice %arg4[%mul3A_1368] : memref<3145728xi32, #tpu.memory_space<hbm>> -> memref<6144xi32, #tpu.memory_space<hbm>>
      %dma_wait3A_1552 = tpu.memref_slice %arg4[%mul3A_1368] : memref<3145728xi32, #tpu.memory_space<hbm>> -> memref<6144xi32, #tpu.memory_space<hbm>>
      %dma_wait3A_1553 = arith.constant 24576 : i32
      %dma_wait3A_1554 = tpu.memref_slice %arg8[%dma_wait3A_1553] : memref<98304xi32, #tpu.memory_space<vmem>> -> memref<6144xi32, #tpu.memory_space<vmem>>
      tpu.wait_dma2 semaphore(%run_scoped3A : memref<!tpu.dma_semaphore, #tpu.memory_space<semaphore_mem>>) src(%dma_wait3A_1554 : memref<6144xi32, #tpu.memory_space<vmem>>) dst(%dma_wait3A_1552 : memref<6144xi32, #tpu.memory_space<hbm>>)
      tpu.yield
    }) : () -> ()
    %get3A_1369 = arith.constant 64 : index
    %get3A_1370 = tpu.vector_load %arg9[%get3A_1369] {strides = array<i32>} : memref<256xi32, #tpu.memory_space<vmem>>, vector<16xi32>,
    %get3A_1371 = vector.shape_cast %get3A_1370 : vector<16xi32> to vector<16xi32>
    %swap3A_1372 = arith.constant 0 : index
    %swap3A_1373 = tpu.vector_load %arg10[%swap3A_1372] {strides = array<i32>} : memref<1024xi32, #tpu.memory_space<vmem>>, vector<16xi32>,
    %swap3A_1374 = vector.shape_cast %swap3A_1373 : vector<16xi32> to vector<16xi32>
    %swap3A_1375 = vector.shape_cast %get3A_1371 : vector<16xi32> to vector<16xi32>
    tpu.vector_store %arg10[%swap3A_1372], %swap3A_1375 {strides = array<i32>} : memref<1024xi32, #tpu.memory_space<vmem>>, vector<16xi32>,
    %add3A_1376 = arith.constant 128 : i32
    %add3A_1377 = arith.addi %add3A_1376, %add3A : i32
    %mul3A_1378 = arith.constant 1024 : i32
    %mul3A_1379 = arith.muli %add3A_1377, %mul3A_1378 : i32
    "tpu.region"() ({
      %run_scoped3A = tpu.sem_alloc : memref<!tpu.dma_semaphore, #tpu.memory_space<semaphore_mem>>
      %dma_start3A = tpu.memref_slice %arg5[%mul3A_1379] : memref<524288xi32, #tpu.memory_space<hbm>> -> memref<1024xi32, #tpu.memory_space<hbm>>
      %dma_start3A_1545 = tpu.memref_slice %arg5[%mul3A_1379] : memref<524288xi32, #tpu.memory_space<hbm>> -> memref<1024xi32, #tpu.memory_space<hbm>>
      tpu.enqueue_dma source(%arg10 : memref<1024xi32, #tpu.memory_space<vmem>>) target(%dma_start3A_1545 : memref<1024xi32, #tpu.memory_space<hbm>>) target_semaphore(%run_scoped3A : memref<!tpu.dma_semaphore, #tpu.memory_space<semaphore_mem>>)
      %dma_wait3A = tpu.memref_slice %arg5[%mul3A_1379] : memref<524288xi32, #tpu.memory_space<hbm>> -> memref<1024xi32, #tpu.memory_space<hbm>>
      %dma_wait3A_1546 = tpu.memref_slice %arg5[%mul3A_1379] : memref<524288xi32, #tpu.memory_space<hbm>> -> memref<1024xi32, #tpu.memory_space<hbm>>
      tpu.wait_dma2 semaphore(%run_scoped3A : memref<!tpu.dma_semaphore, #tpu.memory_space<semaphore_mem>>) src(%arg10 : memref<1024xi32, #tpu.memory_space<vmem>>) dst(%dma_wait3A_1546 : memref<1024xi32, #tpu.memory_space<hbm>>)
      tpu.yield
    }) : () -> ()
    %add3A_1380 = arith.constant 160 : i32
    %add3A_1381 = arith.addi %add3A_1380, %add3A : i32
    %mul3A_1382 = arith.constant 6144 : i32
    %mul3A_1383 = arith.muli %add3A_1381, %mul3A_1382 : i32
    "tpu.region"() ({
      %run_scoped3A = tpu.sem_alloc : memref<!tpu.dma_semaphore, #tpu.memory_space<semaphore_mem>>
      %dma_start3A = arith.constant 30720 : i32
      %dma_start3A_1545 = tpu.memref_slice %arg8[%dma_start3A] : memref<98304xi32, #tpu.memory_space<vmem>> -> memref<6144xi32, #tpu.memory_space<vmem>>
      %dma_start3A_1546 = tpu.memref_slice %arg4[%mul3A_1383] : memref<3145728xi32, #tpu.memory_space<hbm>> -> memref<6144xi32, #tpu.memory_space<hbm>>
      %dma_start3A_1547 = tpu.memref_slice %arg4[%mul3A_1383] : memref<3145728xi32, #tpu.memory_space<hbm>> -> memref<6144xi32, #tpu.memory_space<hbm>>
      %dma_start3A_1548 = arith.constant 30720 : i32
      %dma_start3A_1549 = tpu.memref_slice %arg8[%dma_start3A_1548] : memref<98304xi32, #tpu.memory_space<vmem>> -> memref<6144xi32, #tpu.memory_space<vmem>>
      tpu.enqueue_dma source(%dma_start3A_1549 : memref<6144xi32, #tpu.memory_space<vmem>>) target(%dma_start3A_1547 : memref<6144xi32, #tpu.memory_space<hbm>>) target_semaphore(%run_scoped3A : memref<!tpu.dma_semaphore, #tpu.memory_space<semaphore_mem>>)
      %dma_wait3A = arith.constant 30720 : i32
      %dma_wait3A_1550 = tpu.memref_slice %arg8[%dma_wait3A] : memref<98304xi32, #tpu.memory_space<vmem>> -> memref<6144xi32, #tpu.memory_space<vmem>>
      %dma_wait3A_1551 = tpu.memref_slice %arg4[%mul3A_1383] : memref<3145728xi32, #tpu.memory_space<hbm>> -> memref<6144xi32, #tpu.memory_space<hbm>>
      %dma_wait3A_1552 = tpu.memref_slice %arg4[%mul3A_1383] : memref<3145728xi32, #tpu.memory_space<hbm>> -> memref<6144xi32, #tpu.memory_space<hbm>>
      %dma_wait3A_1553 = arith.constant 30720 : i32
      %dma_wait3A_1554 = tpu.memref_slice %arg8[%dma_wait3A_1553] : memref<98304xi32, #tpu.memory_space<vmem>> -> memref<6144xi32, #tpu.memory_space<vmem>>
      tpu.wait_dma2 semaphore(%run_scoped3A : memref<!tpu.dma_semaphore, #tpu.memory_space<semaphore_mem>>) src(%dma_wait3A_1554 : memref<6144xi32, #tpu.memory_space<vmem>>) dst(%dma_wait3A_1552 : memref<6144xi32, #tpu.memory_space<hbm>>)
      tpu.yield
    }) : () -> ()
    %get3A_1384 = arith.constant 80 : index
    %get3A_1385 = tpu.vector_load %arg9[%get3A_1384] {strides = array<i32>} : memref<256xi32, #tpu.memory_space<vmem>>, vector<16xi32>,
    %get3A_1386 = vector.shape_cast %get3A_1385 : vector<16xi32> to vector<16xi32>
    %swap3A_1387 = arith.constant 0 : index
    %swap3A_1388 = tpu.vector_load %arg10[%swap3A_1387] {strides = array<i32>} : memref<1024xi32, #tpu.memory_space<vmem>>, vector<16xi32>,
    %swap3A_1389 = vector.shape_cast %swap3A_1388 : vector<16xi32> to vector<16xi32>
    %swap3A_1390 = vector.shape_cast %get3A_1386 : vector<16xi32> to vector<16xi32>
    tpu.vector_store %arg10[%swap3A_1387], %swap3A_1390 {strides = array<i32>} : memref<1024xi32, #tpu.memory_space<vmem>>, vector<16xi32>,
    %add3A_1391 = arith.constant 160 : i32
    %add3A_1392 = arith.addi %add3A_1391, %add3A : i32
    %mul3A_1393 = arith.constant 1024 : i32
    %mul3A_1394 = arith.muli %add3A_1392, %mul3A_1393 : i32
    "tpu.region"() ({
      %run_scoped3A = tpu.sem_alloc : memref<!tpu.dma_semaphore, #tpu.memory_space<semaphore_mem>>
      %dma_start3A = tpu.memref_slice %arg5[%mul3A_1394] : memref<524288xi32, #tpu.memory_space<hbm>> -> memref<1024xi32, #tpu.memory_space<hbm>>
      %dma_start3A_1545 = tpu.memref_slice %arg5[%mul3A_1394] : memref<524288xi32, #tpu.memory_space<hbm>> -> memref<1024xi32, #tpu.memory_space<hbm>>
      tpu.enqueue_dma source(%arg10 : memref<1024xi32, #tpu.memory_space<vmem>>) target(%dma_start3A_1545 : memref<1024xi32, #tpu.memory_space<hbm>>) target_semaphore(%run_scoped3A : memref<!tpu.dma_semaphore, #tpu.memory_space<semaphore_mem>>)
      %dma_wait3A = tpu.memref_slice %arg5[%mul3A_1394] : memref<524288xi32, #tpu.memory_space<hbm>> -> memref<1024xi32, #tpu.memory_space<hbm>>
      %dma_wait3A_1546 = tpu.memref_slice %arg5[%mul3A_1394] : memref<524288xi32, #tpu.memory_space<hbm>> -> memref<1024xi32, #tpu.memory_space<hbm>>
      tpu.wait_dma2 semaphore(%run_scoped3A : memref<!tpu.dma_semaphore, #tpu.memory_space<semaphore_mem>>) src(%arg10 : memref<1024xi32, #tpu.memory_space<vmem>>) dst(%dma_wait3A_1546 : memref<1024xi32, #tpu.memory_space<hbm>>)
      tpu.yield
    }) : () -> ()
    %add3A_1395 = arith.constant 192 : i32
    %add3A_1396 = arith.addi %add3A_1395, %add3A : i32
    %mul3A_1397 = arith.constant 6144 : i32
    %mul3A_1398 = arith.muli %add3A_1396, %mul3A_1397 : i32
    "tpu.region"() ({
      %run_scoped3A = tpu.sem_alloc : memref<!tpu.dma_semaphore, #tpu.memory_space<semaphore_mem>>
      %dma_start3A = arith.constant 36864 : i32
      %dma_start3A_1545 = tpu.memref_slice %arg8[%dma_start3A] : memref<98304xi32, #tpu.memory_space<vmem>> -> memref<6144xi32, #tpu.memory_space<vmem>>
      %dma_start3A_1546 = tpu.memref_slice %arg4[%mul3A_1398] : memref<3145728xi32, #tpu.memory_space<hbm>> -> memref<6144xi32, #tpu.memory_space<hbm>>
      %dma_start3A_1547 = tpu.memref_slice %arg4[%mul3A_1398] : memref<3145728xi32, #tpu.memory_space<hbm>> -> memref<6144xi32, #tpu.memory_space<hbm>>
      %dma_start3A_1548 = arith.constant 36864 : i32
      %dma_start3A_1549 = tpu.memref_slice %arg8[%dma_start3A_1548] : memref<98304xi32, #tpu.memory_space<vmem>> -> memref<6144xi32, #tpu.memory_space<vmem>>
      tpu.enqueue_dma source(%dma_start3A_1549 : memref<6144xi32, #tpu.memory_space<vmem>>) target(%dma_start3A_1547 : memref<6144xi32, #tpu.memory_space<hbm>>) target_semaphore(%run_scoped3A : memref<!tpu.dma_semaphore, #tpu.memory_space<semaphore_mem>>)
      %dma_wait3A = arith.constant 36864 : i32
      %dma_wait3A_1550 = tpu.memref_slice %arg8[%dma_wait3A] : memref<98304xi32, #tpu.memory_space<vmem>> -> memref<6144xi32, #tpu.memory_space<vmem>>
      %dma_wait3A_1551 = tpu.memref_slice %arg4[%mul3A_1398] : memref<3145728xi32, #tpu.memory_space<hbm>> -> memref<6144xi32, #tpu.memory_space<hbm>>
      %dma_wait3A_1552 = tpu.memref_slice %arg4[%mul3A_1398] : memref<3145728xi32, #tpu.memory_space<hbm>> -> memref<6144xi32, #tpu.memory_space<hbm>>
      %dma_wait3A_1553 = arith.constant 36864 : i32
      %dma_wait3A_1554 = tpu.memref_slice %arg8[%dma_wait3A_1553] : memref<98304xi32, #tpu.memory_space<vmem>> -> memref<6144xi32, #tpu.memory_space<vmem>>
      tpu.wait_dma2 semaphore(%run_scoped3A : memref<!tpu.dma_semaphore, #tpu.memory_space<semaphore_mem>>) src(%dma_wait3A_1554 : memref<6144xi32, #tpu.memory_space<vmem>>) dst(%dma_wait3A_1552 : memref<6144xi32, #tpu.memory_space<hbm>>)
      tpu.yield
    }) : () -> ()
    %get3A_1399 = arith.constant 96 : index
    %get3A_1400 = tpu.vector_load %arg9[%get3A_1399] {strides = array<i32>} : memref<256xi32, #tpu.memory_space<vmem>>, vector<16xi32>,
    %get3A_1401 = vector.shape_cast %get3A_1400 : vector<16xi32> to vector<16xi32>
    %swap3A_1402 = arith.constant 0 : index
    %swap3A_1403 = tpu.vector_load %arg10[%swap3A_1402] {strides = array<i32>} : memref<1024xi32, #tpu.memory_space<vmem>>, vector<16xi32>,
    %swap3A_1404 = vector.shape_cast %swap3A_1403 : vector<16xi32> to vector<16xi32>
    %swap3A_1405 = vector.shape_cast %get3A_1401 : vector<16xi32> to vector<16xi32>
    tpu.vector_store %arg10[%swap3A_1402], %swap3A_1405 {strides = array<i32>} : memref<1024xi32, #tpu.memory_space<vmem>>, vector<16xi32>,
    %add3A_1406 = arith.constant 192 : i32
    %add3A_1407 = arith.addi %add3A_1406, %add3A : i32
    %mul3A_1408 = arith.constant 1024 : i32
    %mul3A_1409 = arith.muli %add3A_1407, %mul3A_1408 : i32
    "tpu.region"() ({
      %run_scoped3A = tpu.sem_alloc : memref<!tpu.dma_semaphore, #tpu.memory_space<semaphore_mem>>
      %dma_start3A = tpu.memref_slice %arg5[%mul3A_1409] : memref<524288xi32, #tpu.memory_space<hbm>> -> memref<1024xi32, #tpu.memory_space<hbm>>
      %dma_start3A_1545 = tpu.memref_slice %arg5[%mul3A_1409] : memref<524288xi32, #tpu.memory_space<hbm>> -> memref<1024xi32, #tpu.memory_space<hbm>>
      tpu.enqueue_dma source(%arg10 : memref<1024xi32, #tpu.memory_space<vmem>>) target(%dma_start3A_1545 : memref<1024xi32, #tpu.memory_space<hbm>>) target_semaphore(%run_scoped3A : memref<!tpu.dma_semaphore, #tpu.memory_space<semaphore_mem>>)
      %dma_wait3A = tpu.memref_slice %arg5[%mul3A_1409] : memref<524288xi32, #tpu.memory_space<hbm>> -> memref<1024xi32, #tpu.memory_space<hbm>>
      %dma_wait3A_1546 = tpu.memref_slice %arg5[%mul3A_1409] : memref<524288xi32, #tpu.memory_space<hbm>> -> memref<1024xi32, #tpu.memory_space<hbm>>
      tpu.wait_dma2 semaphore(%run_scoped3A : memref<!tpu.dma_semaphore, #tpu.memory_space<semaphore_mem>>) src(%arg10 : memref<1024xi32, #tpu.memory_space<vmem>>) dst(%dma_wait3A_1546 : memref<1024xi32, #tpu.memory_space<hbm>>)
      tpu.yield
    }) : () -> ()
    %add3A_1410 = arith.constant 224 : i32
    %add3A_1411 = arith.addi %add3A_1410, %add3A : i32
    %mul3A_1412 = arith.constant 6144 : i32
    %mul3A_1413 = arith.muli %add3A_1411, %mul3A_1412 : i32
    "tpu.region"() ({
      %run_scoped3A = tpu.sem_alloc : memref<!tpu.dma_semaphore, #tpu.memory_space<semaphore_mem>>
      %dma_start3A = arith.constant 43008 : i32
      %dma_start3A_1545 = tpu.memref_slice %arg8[%dma_start3A] : memref<98304xi32, #tpu.memory_space<vmem>> -> memref<6144xi32, #tpu.memory_space<vmem>>
      %dma_start3A_1546 = tpu.memref_slice %arg4[%mul3A_1413] : memref<3145728xi32, #tpu.memory_space<hbm>> -> memref<6144xi32, #tpu.memory_space<hbm>>
      %dma_start3A_1547 = tpu.memref_slice %arg4[%mul3A_1413] : memref<3145728xi32, #tpu.memory_space<hbm>> -> memref<6144xi32, #tpu.memory_space<hbm>>
      %dma_start3A_1548 = arith.constant 43008 : i32
      %dma_start3A_1549 = tpu.memref_slice %arg8[%dma_start3A_1548] : memref<98304xi32, #tpu.memory_space<vmem>> -> memref<6144xi32, #tpu.memory_space<vmem>>
      tpu.enqueue_dma source(%dma_start3A_1549 : memref<6144xi32, #tpu.memory_space<vmem>>) target(%dma_start3A_1547 : memref<6144xi32, #tpu.memory_space<hbm>>) target_semaphore(%run_scoped3A : memref<!tpu.dma_semaphore, #tpu.memory_space<semaphore_mem>>)
      %dma_wait3A = arith.constant 43008 : i32
      %dma_wait3A_1550 = tpu.memref_slice %arg8[%dma_wait3A] : memref<98304xi32, #tpu.memory_space<vmem>> -> memref<6144xi32, #tpu.memory_space<vmem>>
      %dma_wait3A_1551 = tpu.memref_slice %arg4[%mul3A_1413] : memref<3145728xi32, #tpu.memory_space<hbm>> -> memref<6144xi32, #tpu.memory_space<hbm>>
      %dma_wait3A_1552 = tpu.memref_slice %arg4[%mul3A_1413] : memref<3145728xi32, #tpu.memory_space<hbm>> -> memref<6144xi32, #tpu.memory_space<hbm>>
      %dma_wait3A_1553 = arith.constant 43008 : i32
      %dma_wait3A_1554 = tpu.memref_slice %arg8[%dma_wait3A_1553] : memref<98304xi32, #tpu.memory_space<vmem>> -> memref<6144xi32, #tpu.memory_space<vmem>>
      tpu.wait_dma2 semaphore(%run_scoped3A : memref<!tpu.dma_semaphore, #tpu.memory_space<semaphore_mem>>) src(%dma_wait3A_1554 : memref<6144xi32, #tpu.memory_space<vmem>>) dst(%dma_wait3A_1552 : memref<6144xi32, #tpu.memory_space<hbm>>)
      tpu.yield
    }) : () -> ()
    %get3A_1414 = arith.constant 112 : index
    %get3A_1415 = tpu.vector_load %arg9[%get3A_1414] {strides = array<i32>} : memref<256xi32, #tpu.memory_space<vmem>>, vector<16xi32>,
    %get3A_1416 = vector.shape_cast %get3A_1415 : vector<16xi32> to vector<16xi32>
    %swap3A_1417 = arith.constant 0 : index
    %swap3A_1418 = tpu.vector_load %arg10[%swap3A_1417] {strides = array<i32>} : memref<1024xi32, #tpu.memory_space<vmem>>, vector<16xi32>,
    %swap3A_1419 = vector.shape_cast %swap3A_1418 : vector<16xi32> to vector<16xi32>
    %swap3A_1420 = vector.shape_cast %get3A_1416 : vector<16xi32> to vector<16xi32>
    tpu.vector_store %arg10[%swap3A_1417], %swap3A_1420 {strides = array<i32>} : memref<1024xi32, #tpu.memory_space<vmem>>, vector<16xi32>,
    %add3A_1421 = arith.constant 224 : i32
    %add3A_1422 = arith.addi %add3A_1421, %add3A : i32
    %mul3A_1423 = arith.constant 1024 : i32
    %mul3A_1424 = arith.muli %add3A_1422, %mul3A_1423 : i32
    "tpu.region"() ({
      %run_scoped3A = tpu.sem_alloc : memref<!tpu.dma_semaphore, #tpu.memory_space<semaphore_mem>>
      %dma_start3A = tpu.memref_slice %arg5[%mul3A_1424] : memref<524288xi32, #tpu.memory_space<hbm>> -> memref<1024xi32, #tpu.memory_space<hbm>>
      %dma_start3A_1545 = tpu.memref_slice %arg5[%mul3A_1424] : memref<524288xi32, #tpu.memory_space<hbm>> -> memref<1024xi32, #tpu.memory_space<hbm>>
      tpu.enqueue_dma source(%arg10 : memref<1024xi32, #tpu.memory_space<vmem>>) target(%dma_start3A_1545 : memref<1024xi32, #tpu.memory_space<hbm>>) target_semaphore(%run_scoped3A : memref<!tpu.dma_semaphore, #tpu.memory_space<semaphore_mem>>)
      %dma_wait3A = tpu.memref_slice %arg5[%mul3A_1424] : memref<524288xi32, #tpu.memory_space<hbm>> -> memref<1024xi32, #tpu.memory_space<hbm>>
      %dma_wait3A_1546 = tpu.memref_slice %arg5[%mul3A_1424] : memref<524288xi32, #tpu.memory_space<hbm>> -> memref<1024xi32, #tpu.memory_space<hbm>>
      tpu.wait_dma2 semaphore(%run_scoped3A : memref<!tpu.dma_semaphore, #tpu.memory_space<semaphore_mem>>) src(%arg10 : memref<1024xi32, #tpu.memory_space<vmem>>) dst(%dma_wait3A_1546 : memref<1024xi32, #tpu.memory_space<hbm>>)
      tpu.yield
    }) : () -> ()
    %add3A_1425 = arith.constant 256 : i32
    %add3A_1426 = arith.addi %add3A_1425, %add3A : i32
    %mul3A_1427 = arith.constant 6144 : i32
    %mul3A_1428 = arith.muli %add3A_1426, %mul3A_1427 : i32
    "tpu.region"() ({
      %run_scoped3A = tpu.sem_alloc : memref<!tpu.dma_semaphore, #tpu.memory_space<semaphore_mem>>
      %dma_start3A = arith.constant 49152 : i32
      %dma_start3A_1545 = tpu.memref_slice %arg8[%dma_start3A] : memref<98304xi32, #tpu.memory_space<vmem>> -> memref<6144xi32, #tpu.memory_space<vmem>>
      %dma_start3A_1546 = tpu.memref_slice %arg4[%mul3A_1428] : memref<3145728xi32, #tpu.memory_space<hbm>> -> memref<6144xi32, #tpu.memory_space<hbm>>
      %dma_start3A_1547 = tpu.memref_slice %arg4[%mul3A_1428] : memref<3145728xi32, #tpu.memory_space<hbm>> -> memref<6144xi32, #tpu.memory_space<hbm>>
      %dma_start3A_1548 = arith.constant 49152 : i32
      %dma_start3A_1549 = tpu.memref_slice %arg8[%dma_start3A_1548] : memref<98304xi32, #tpu.memory_space<vmem>> -> memref<6144xi32, #tpu.memory_space<vmem>>
      tpu.enqueue_dma source(%dma_start3A_1549 : memref<6144xi32, #tpu.memory_space<vmem>>) target(%dma_start3A_1547 : memref<6144xi32, #tpu.memory_space<hbm>>) target_semaphore(%run_scoped3A : memref<!tpu.dma_semaphore, #tpu.memory_space<semaphore_mem>>)
      %dma_wait3A = arith.constant 49152 : i32
      %dma_wait3A_1550 = tpu.memref_slice %arg8[%dma_wait3A] : memref<98304xi32, #tpu.memory_space<vmem>> -> memref<6144xi32, #tpu.memory_space<vmem>>
      %dma_wait3A_1551 = tpu.memref_slice %arg4[%mul3A_1428] : memref<3145728xi32, #tpu.memory_space<hbm>> -> memref<6144xi32, #tpu.memory_space<hbm>>
      %dma_wait3A_1552 = tpu.memref_slice %arg4[%mul3A_1428] : memref<3145728xi32, #tpu.memory_space<hbm>> -> memref<6144xi32, #tpu.memory_space<hbm>>
      %dma_wait3A_1553 = arith.constant 49152 : i32
      %dma_wait3A_1554 = tpu.memref_slice %arg8[%dma_wait3A_1553] : memref<98304xi32, #tpu.memory_space<vmem>> -> memref<6144xi32, #tpu.memory_space<vmem>>
      tpu.wait_dma2 semaphore(%run_scoped3A : memref<!tpu.dma_semaphore, #tpu.memory_space<semaphore_mem>>) src(%dma_wait3A_1554 : memref<6144xi32, #tpu.memory_space<vmem>>) dst(%dma_wait3A_1552 : memref<6144xi32, #tpu.memory_space<hbm>>)
      tpu.yield
    }) : () -> ()
    %get3A_1429 = arith.constant 128 : index
    %get3A_1430 = tpu.vector_load %arg9[%get3A_1429] {strides = array<i32>} : memref<256xi32, #tpu.memory_space<vmem>>, vector<16xi32>,
    %get3A_1431 = vector.shape_cast %get3A_1430 : vector<16xi32> to vector<16xi32>
    %swap3A_1432 = arith.constant 0 : index
    %swap3A_1433 = tpu.vector_load %arg10[%swap3A_1432] {strides = array<i32>} : memref<1024xi32, #tpu.memory_space<vmem>>, vector<16xi32>,
    %swap3A_1434 = vector.shape_cast %swap3A_1433 : vector<16xi32> to vector<16xi32>
    %swap3A_1435 = vector.shape_cast %get3A_1431 : vector<16xi32> to vector<16xi32>
    tpu.vector_store %arg10[%swap3A_1432], %swap3A_1435 {strides = array<i32>} : memref<1024xi32, #tpu.memory_space<vmem>>, vector<16xi32>,
    %add3A_1436 = arith.constant 256 : i32
    %add3A_1437 = arith.addi %add3A_1436, %add3A : i32
    %mul3A_1438 = arith.constant 1024 : i32
    %mul3A_1439 = arith.muli %add3A_1437, %mul3A_1438 : i32
    "tpu.region"() ({
      %run_scoped3A = tpu.sem_alloc : memref<!tpu.dma_semaphore, #tpu.memory_space<semaphore_mem>>
      %dma_start3A = tpu.memref_slice %arg5[%mul3A_1439] : memref<524288xi32, #tpu.memory_space<hbm>> -> memref<1024xi32, #tpu.memory_space<hbm>>
      %dma_start3A_1545 = tpu.memref_slice %arg5[%mul3A_1439] : memref<524288xi32, #tpu.memory_space<hbm>> -> memref<1024xi32, #tpu.memory_space<hbm>>
      tpu.enqueue_dma source(%arg10 : memref<1024xi32, #tpu.memory_space<vmem>>) target(%dma_start3A_1545 : memref<1024xi32, #tpu.memory_space<hbm>>) target_semaphore(%run_scoped3A : memref<!tpu.dma_semaphore, #tpu.memory_space<semaphore_mem>>)
      %dma_wait3A = tpu.memref_slice %arg5[%mul3A_1439] : memref<524288xi32, #tpu.memory_space<hbm>> -> memref<1024xi32, #tpu.memory_space<hbm>>
      %dma_wait3A_1546 = tpu.memref_slice %arg5[%mul3A_1439] : memref<524288xi32, #tpu.memory_space<hbm>> -> memref<1024xi32, #tpu.memory_space<hbm>>
      tpu.wait_dma2 semaphore(%run_scoped3A : memref<!tpu.dma_semaphore, #tpu.memory_space<semaphore_mem>>) src(%arg10 : memref<1024xi32, #tpu.memory_space<vmem>>) dst(%dma_wait3A_1546 : memref<1024xi32, #tpu.memory_space<hbm>>)
      tpu.yield
    }) : () -> ()
    %add3A_1440 = arith.constant 288 : i32
    %add3A_1441 = arith.addi %add3A_1440, %add3A : i32
    %mul3A_1442 = arith.constant 6144 : i32
    %mul3A_1443 = arith.muli %add3A_1441, %mul3A_1442 : i32
    "tpu.region"() ({
      %run_scoped3A = tpu.sem_alloc : memref<!tpu.dma_semaphore, #tpu.memory_space<semaphore_mem>>
      %dma_start3A = arith.constant 55296 : i32
      %dma_start3A_1545 = tpu.memref_slice %arg8[%dma_start3A] : memref<98304xi32, #tpu.memory_space<vmem>> -> memref<6144xi32, #tpu.memory_space<vmem>>
      %dma_start3A_1546 = tpu.memref_slice %arg4[%mul3A_1443] : memref<3145728xi32, #tpu.memory_space<hbm>> -> memref<6144xi32, #tpu.memory_space<hbm>>
      %dma_start3A_1547 = tpu.memref_slice %arg4[%mul3A_1443] : memref<3145728xi32, #tpu.memory_space<hbm>> -> memref<6144xi32, #tpu.memory_space<hbm>>
      %dma_start3A_1548 = arith.constant 55296 : i32
      %dma_start3A_1549 = tpu.memref_slice %arg8[%dma_start3A_1548] : memref<98304xi32, #tpu.memory_space<vmem>> -> memref<6144xi32, #tpu.memory_space<vmem>>
      tpu.enqueue_dma source(%dma_start3A_1549 : memref<6144xi32, #tpu.memory_space<vmem>>) target(%dma_start3A_1547 : memref<6144xi32, #tpu.memory_space<hbm>>) target_semaphore(%run_scoped3A : memref<!tpu.dma_semaphore, #tpu.memory_space<semaphore_mem>>)
      %dma_wait3A = arith.constant 55296 : i32
      %dma_wait3A_1550 = tpu.memref_slice %arg8[%dma_wait3A] : memref<98304xi32, #tpu.memory_space<vmem>> -> memref<6144xi32, #tpu.memory_space<vmem>>
      %dma_wait3A_1551 = tpu.memref_slice %arg4[%mul3A_1443] : memref<3145728xi32, #tpu.memory_space<hbm>> -> memref<6144xi32, #tpu.memory_space<hbm>>
      %dma_wait3A_1552 = tpu.memref_slice %arg4[%mul3A_1443] : memref<3145728xi32, #tpu.memory_space<hbm>> -> memref<6144xi32, #tpu.memory_space<hbm>>
      %dma_wait3A_1553 = arith.constant 55296 : i32
      %dma_wait3A_1554 = tpu.memref_slice %arg8[%dma_wait3A_1553] : memref<98304xi32, #tpu.memory_space<vmem>> -> memref<6144xi32, #tpu.memory_space<vmem>>
      tpu.wait_dma2 semaphore(%run_scoped3A : memref<!tpu.dma_semaphore, #tpu.memory_space<semaphore_mem>>) src(%dma_wait3A_1554 : memref<6144xi32, #tpu.memory_space<vmem>>) dst(%dma_wait3A_1552 : memref<6144xi32, #tpu.memory_space<hbm>>)
      tpu.yield
    }) : () -> ()
    %get3A_1444 = arith.constant 144 : index
    %get3A_1445 = tpu.vector_load %arg9[%get3A_1444] {strides = array<i32>} : memref<256xi32, #tpu.memory_space<vmem>>, vector<16xi32>,
    %get3A_1446 = vector.shape_cast %get3A_1445 : vector<16xi32> to vector<16xi32>
    %swap3A_1447 = arith.constant 0 : index
    %swap3A_1448 = tpu.vector_load %arg10[%swap3A_1447] {strides = array<i32>} : memref<1024xi32, #tpu.memory_space<vmem>>, vector<16xi32>,
    %swap3A_1449 = vector.shape_cast %swap3A_1448 : vector<16xi32> to vector<16xi32>
    %swap3A_1450 = vector.shape_cast %get3A_1446 : vector<16xi32> to vector<16xi32>
    tpu.vector_store %arg10[%swap3A_1447], %swap3A_1450 {strides = array<i32>} : memref<1024xi32, #tpu.memory_space<vmem>>, vector<16xi32>,
    %add3A_1451 = arith.constant 288 : i32
    %add3A_1452 = arith.addi %add3A_1451, %add3A : i32
    %mul3A_1453 = arith.constant 1024 : i32
    %mul3A_1454 = arith.muli %add3A_1452, %mul3A_1453 : i32
    "tpu.region"() ({
      %run_scoped3A = tpu.sem_alloc : memref<!tpu.dma_semaphore, #tpu.memory_space<semaphore_mem>>
      %dma_start3A = tpu.memref_slice %arg5[%mul3A_1454] : memref<524288xi32, #tpu.memory_space<hbm>> -> memref<1024xi32, #tpu.memory_space<hbm>>
      %dma_start3A_1545 = tpu.memref_slice %arg5[%mul3A_1454] : memref<524288xi32, #tpu.memory_space<hbm>> -> memref<1024xi32, #tpu.memory_space<hbm>>
      tpu.enqueue_dma source(%arg10 : memref<1024xi32, #tpu.memory_space<vmem>>) target(%dma_start3A_1545 : memref<1024xi32, #tpu.memory_space<hbm>>) target_semaphore(%run_scoped3A : memref<!tpu.dma_semaphore, #tpu.memory_space<semaphore_mem>>)
      %dma_wait3A = tpu.memref_slice %arg5[%mul3A_1454] : memref<524288xi32, #tpu.memory_space<hbm>> -> memref<1024xi32, #tpu.memory_space<hbm>>
      %dma_wait3A_1546 = tpu.memref_slice %arg5[%mul3A_1454] : memref<524288xi32, #tpu.memory_space<hbm>> -> memref<1024xi32, #tpu.memory_space<hbm>>
      tpu.wait_dma2 semaphore(%run_scoped3A : memref<!tpu.dma_semaphore, #tpu.memory_space<semaphore_mem>>) src(%arg10 : memref<1024xi32, #tpu.memory_space<vmem>>) dst(%dma_wait3A_1546 : memref<1024xi32, #tpu.memory_space<hbm>>)
      tpu.yield
    }) : () -> ()
    %add3A_1455 = arith.constant 320 : i32
    %add3A_1456 = arith.addi %add3A_1455, %add3A : i32
    %mul3A_1457 = arith.constant 6144 : i32
    %mul3A_1458 = arith.muli %add3A_1456, %mul3A_1457 : i32
    "tpu.region"() ({
      %run_scoped3A = tpu.sem_alloc : memref<!tpu.dma_semaphore, #tpu.memory_space<semaphore_mem>>
      %dma_start3A = arith.constant 61440 : i32
      %dma_start3A_1545 = tpu.memref_slice %arg8[%dma_start3A] : memref<98304xi32, #tpu.memory_space<vmem>> -> memref<6144xi32, #tpu.memory_space<vmem>>
      %dma_start3A_1546 = tpu.memref_slice %arg4[%mul3A_1458] : memref<3145728xi32, #tpu.memory_space<hbm>> -> memref<6144xi32, #tpu.memory_space<hbm>>
      %dma_start3A_1547 = tpu.memref_slice %arg4[%mul3A_1458] : memref<3145728xi32, #tpu.memory_space<hbm>> -> memref<6144xi32, #tpu.memory_space<hbm>>
      %dma_start3A_1548 = arith.constant 61440 : i32
      %dma_start3A_1549 = tpu.memref_slice %arg8[%dma_start3A_1548] : memref<98304xi32, #tpu.memory_space<vmem>> -> memref<6144xi32, #tpu.memory_space<vmem>>
      tpu.enqueue_dma source(%dma_start3A_1549 : memref<6144xi32, #tpu.memory_space<vmem>>) target(%dma_start3A_1547 : memref<6144xi32, #tpu.memory_space<hbm>>) target_semaphore(%run_scoped3A : memref<!tpu.dma_semaphore, #tpu.memory_space<semaphore_mem>>)
      %dma_wait3A = arith.constant 61440 : i32
      %dma_wait3A_1550 = tpu.memref_slice %arg8[%dma_wait3A] : memref<98304xi32, #tpu.memory_space<vmem>> -> memref<6144xi32, #tpu.memory_space<vmem>>
      %dma_wait3A_1551 = tpu.memref_slice %arg4[%mul3A_1458] : memref<3145728xi32, #tpu.memory_space<hbm>> -> memref<6144xi32, #tpu.memory_space<hbm>>
      %dma_wait3A_1552 = tpu.memref_slice %arg4[%mul3A_1458] : memref<3145728xi32, #tpu.memory_space<hbm>> -> memref<6144xi32, #tpu.memory_space<hbm>>
      %dma_wait3A_1553 = arith.constant 61440 : i32
      %dma_wait3A_1554 = tpu.memref_slice %arg8[%dma_wait3A_1553] : memref<98304xi32, #tpu.memory_space<vmem>> -> memref<6144xi32, #tpu.memory_space<vmem>>
      tpu.wait_dma2 semaphore(%run_scoped3A : memref<!tpu.dma_semaphore, #tpu.memory_space<semaphore_mem>>) src(%dma_wait3A_1554 : memref<6144xi32, #tpu.memory_space<vmem>>) dst(%dma_wait3A_1552 : memref<6144xi32, #tpu.memory_space<hbm>>)
      tpu.yield
    }) : () -> ()
    %get3A_1459 = arith.constant 160 : index
    %get3A_1460 = tpu.vector_load %arg9[%get3A_1459] {strides = array<i32>} : memref<256xi32, #tpu.memory_space<vmem>>, vector<16xi32>,
    %get3A_1461 = vector.shape_cast %get3A_1460 : vector<16xi32> to vector<16xi32>
    %swap3A_1462 = arith.constant 0 : index
    %swap3A_1463 = tpu.vector_load %arg10[%swap3A_1462] {strides = array<i32>} : memref<1024xi32, #tpu.memory_space<vmem>>, vector<16xi32>,
    %swap3A_1464 = vector.shape_cast %swap3A_1463 : vector<16xi32> to vector<16xi32>
    %swap3A_1465 = vector.shape_cast %get3A_1461 : vector<16xi32> to vector<16xi32>
    tpu.vector_store %arg10[%swap3A_1462], %swap3A_1465 {strides = array<i32>} : memref<1024xi32, #tpu.memory_space<vmem>>, vector<16xi32>,
    %add3A_1466 = arith.constant 320 : i32
    %add3A_1467 = arith.addi %add3A_1466, %add3A : i32
    %mul3A_1468 = arith.constant 1024 : i32
    %mul3A_1469 = arith.muli %add3A_1467, %mul3A_1468 : i32
    "tpu.region"() ({
      %run_scoped3A = tpu.sem_alloc : memref<!tpu.dma_semaphore, #tpu.memory_space<semaphore_mem>>
      %dma_start3A = tpu.memref_slice %arg5[%mul3A_1469] : memref<524288xi32, #tpu.memory_space<hbm>> -> memref<1024xi32, #tpu.memory_space<hbm>>
      %dma_start3A_1545 = tpu.memref_slice %arg5[%mul3A_1469] : memref<524288xi32, #tpu.memory_space<hbm>> -> memref<1024xi32, #tpu.memory_space<hbm>>
      tpu.enqueue_dma source(%arg10 : memref<1024xi32, #tpu.memory_space<vmem>>) target(%dma_start3A_1545 : memref<1024xi32, #tpu.memory_space<hbm>>) target_semaphore(%run_scoped3A : memref<!tpu.dma_semaphore, #tpu.memory_space<semaphore_mem>>)
      %dma_wait3A = tpu.memref_slice %arg5[%mul3A_1469] : memref<524288xi32, #tpu.memory_space<hbm>> -> memref<1024xi32, #tpu.memory_space<hbm>>
      %dma_wait3A_1546 = tpu.memref_slice %arg5[%mul3A_1469] : memref<524288xi32, #tpu.memory_space<hbm>> -> memref<1024xi32, #tpu.memory_space<hbm>>
      tpu.wait_dma2 semaphore(%run_scoped3A : memref<!tpu.dma_semaphore, #tpu.memory_space<semaphore_mem>>) src(%arg10 : memref<1024xi32, #tpu.memory_space<vmem>>) dst(%dma_wait3A_1546 : memref<1024xi32, #tpu.memory_space<hbm>>)
      tpu.yield
    }) : () -> ()
    %add3A_1470 = arith.constant 352 : i32
    %add3A_1471 = arith.addi %add3A_1470, %add3A : i32
    %mul3A_1472 = arith.constant 6144 : i32
    %mul3A_1473 = arith.muli %add3A_1471, %mul3A_1472 : i32
    "tpu.region"() ({
      %run_scoped3A = tpu.sem_alloc : memref<!tpu.dma_semaphore, #tpu.memory_space<semaphore_mem>>
      %dma_start3A = arith.constant 67584 : i32
      %dma_start3A_1545 = tpu.memref_slice %arg8[%dma_start3A] : memref<98304xi32, #tpu.memory_space<vmem>> -> memref<6144xi32, #tpu.memory_space<vmem>>
      %dma_start3A_1546 = tpu.memref_slice %arg4[%mul3A_1473] : memref<3145728xi32, #tpu.memory_space<hbm>> -> memref<6144xi32, #tpu.memory_space<hbm>>
      %dma_start3A_1547 = tpu.memref_slice %arg4[%mul3A_1473] : memref<3145728xi32, #tpu.memory_space<hbm>> -> memref<6144xi32, #tpu.memory_space<hbm>>
      %dma_start3A_1548 = arith.constant 67584 : i32
      %dma_start3A_1549 = tpu.memref_slice %arg8[%dma_start3A_1548] : memref<98304xi32, #tpu.memory_space<vmem>> -> memref<6144xi32, #tpu.memory_space<vmem>>
      tpu.enqueue_dma source(%dma_start3A_1549 : memref<6144xi32, #tpu.memory_space<vmem>>) target(%dma_start3A_1547 : memref<6144xi32, #tpu.memory_space<hbm>>) target_semaphore(%run_scoped3A : memref<!tpu.dma_semaphore, #tpu.memory_space<semaphore_mem>>)
      %dma_wait3A = arith.constant 67584 : i32
      %dma_wait3A_1550 = tpu.memref_slice %arg8[%dma_wait3A] : memref<98304xi32, #tpu.memory_space<vmem>> -> memref<6144xi32, #tpu.memory_space<vmem>>
      %dma_wait3A_1551 = tpu.memref_slice %arg4[%mul3A_1473] : memref<3145728xi32, #tpu.memory_space<hbm>> -> memref<6144xi32, #tpu.memory_space<hbm>>
      %dma_wait3A_1552 = tpu.memref_slice %arg4[%mul3A_1473] : memref<3145728xi32, #tpu.memory_space<hbm>> -> memref<6144xi32, #tpu.memory_space<hbm>>
      %dma_wait3A_1553 = arith.constant 67584 : i32
      %dma_wait3A_1554 = tpu.memref_slice %arg8[%dma_wait3A_1553] : memref<98304xi32, #tpu.memory_space<vmem>> -> memref<6144xi32, #tpu.memory_space<vmem>>
      tpu.wait_dma2 semaphore(%run_scoped3A : memref<!tpu.dma_semaphore, #tpu.memory_space<semaphore_mem>>) src(%dma_wait3A_1554 : memref<6144xi32, #tpu.memory_space<vmem>>) dst(%dma_wait3A_1552 : memref<6144xi32, #tpu.memory_space<hbm>>)
      tpu.yield
    }) : () -> ()
    %get3A_1474 = arith.constant 176 : index
    %get3A_1475 = tpu.vector_load %arg9[%get3A_1474] {strides = array<i32>} : memref<256xi32, #tpu.memory_space<vmem>>, vector<16xi32>,
    %get3A_1476 = vector.shape_cast %get3A_1475 : vector<16xi32> to vector<16xi32>
    %swap3A_1477 = arith.constant 0 : index
    %swap3A_1478 = tpu.vector_load %arg10[%swap3A_1477] {strides = array<i32>} : memref<1024xi32, #tpu.memory_space<vmem>>, vector<16xi32>,
    %swap3A_1479 = vector.shape_cast %swap3A_1478 : vector<16xi32> to vector<16xi32>
    %swap3A_1480 = vector.shape_cast %get3A_1476 : vector<16xi32> to vector<16xi32>
    tpu.vector_store %arg10[%swap3A_1477], %swap3A_1480 {strides = array<i32>} : memref<1024xi32, #tpu.memory_space<vmem>>, vector<16xi32>,
    %add3A_1481 = arith.constant 352 : i32
    %add3A_1482 = arith.addi %add3A_1481, %add3A : i32
    %mul3A_1483 = arith.constant 1024 : i32
    %mul3A_1484 = arith.muli %add3A_1482, %mul3A_1483 : i32
    "tpu.region"() ({
      %run_scoped3A = tpu.sem_alloc : memref<!tpu.dma_semaphore, #tpu.memory_space<semaphore_mem>>
      %dma_start3A = tpu.memref_slice %arg5[%mul3A_1484] : memref<524288xi32, #tpu.memory_space<hbm>> -> memref<1024xi32, #tpu.memory_space<hbm>>
      %dma_start3A_1545 = tpu.memref_slice %arg5[%mul3A_1484] : memref<524288xi32, #tpu.memory_space<hbm>> -> memref<1024xi32, #tpu.memory_space<hbm>>
      tpu.enqueue_dma source(%arg10 : memref<1024xi32, #tpu.memory_space<vmem>>) target(%dma_start3A_1545 : memref<1024xi32, #tpu.memory_space<hbm>>) target_semaphore(%run_scoped3A : memref<!tpu.dma_semaphore, #tpu.memory_space<semaphore_mem>>)
      %dma_wait3A = tpu.memref_slice %arg5[%mul3A_1484] : memref<524288xi32, #tpu.memory_space<hbm>> -> memref<1024xi32, #tpu.memory_space<hbm>>
      %dma_wait3A_1546 = tpu.memref_slice %arg5[%mul3A_1484] : memref<524288xi32, #tpu.memory_space<hbm>> -> memref<1024xi32, #tpu.memory_space<hbm>>
      tpu.wait_dma2 semaphore(%run_scoped3A : memref<!tpu.dma_semaphore, #tpu.memory_space<semaphore_mem>>) src(%arg10 : memref<1024xi32, #tpu.memory_space<vmem>>) dst(%dma_wait3A_1546 : memref<1024xi32, #tpu.memory_space<hbm>>)
      tpu.yield
    }) : () -> ()
    %add3A_1485 = arith.constant 384 : i32
    %add3A_1486 = arith.addi %add3A_1485, %add3A : i32
    %mul3A_1487 = arith.constant 6144 : i32
    %mul3A_1488 = arith.muli %add3A_1486, %mul3A_1487 : i32
    "tpu.region"() ({
      %run_scoped3A = tpu.sem_alloc : memref<!tpu.dma_semaphore, #tpu.memory_space<semaphore_mem>>
      %dma_start3A = arith.constant 73728 : i32
      %dma_start3A_1545 = tpu.memref_slice %arg8[%dma_start3A] : memref<98304xi32, #tpu.memory_space<vmem>> -> memref<6144xi32, #tpu.memory_space<vmem>>
      %dma_start3A_1546 = tpu.memref_slice %arg4[%mul3A_1488] : memref<3145728xi32, #tpu.memory_space<hbm>> -> memref<6144xi32, #tpu.memory_space<hbm>>
      %dma_start3A_1547 = tpu.memref_slice %arg4[%mul3A_1488] : memref<3145728xi32, #tpu.memory_space<hbm>> -> memref<6144xi32, #tpu.memory_space<hbm>>
      %dma_start3A_1548 = arith.constant 73728 : i32
      %dma_start3A_1549 = tpu.memref_slice %arg8[%dma_start3A_1548] : memref<98304xi32, #tpu.memory_space<vmem>> -> memref<6144xi32, #tpu.memory_space<vmem>>
      tpu.enqueue_dma source(%dma_start3A_1549 : memref<6144xi32, #tpu.memory_space<vmem>>) target(%dma_start3A_1547 : memref<6144xi32, #tpu.memory_space<hbm>>) target_semaphore(%run_scoped3A : memref<!tpu.dma_semaphore, #tpu.memory_space<semaphore_mem>>)
      %dma_wait3A = arith.constant 73728 : i32
      %dma_wait3A_1550 = tpu.memref_slice %arg8[%dma_wait3A] : memref<98304xi32, #tpu.memory_space<vmem>> -> memref<6144xi32, #tpu.memory_space<vmem>>
      %dma_wait3A_1551 = tpu.memref_slice %arg4[%mul3A_1488] : memref<3145728xi32, #tpu.memory_space<hbm>> -> memref<6144xi32, #tpu.memory_space<hbm>>
      %dma_wait3A_1552 = tpu.memref_slice %arg4[%mul3A_1488] : memref<3145728xi32, #tpu.memory_space<hbm>> -> memref<6144xi32, #tpu.memory_space<hbm>>
      %dma_wait3A_1553 = arith.constant 73728 : i32
      %dma_wait3A_1554 = tpu.memref_slice %arg8[%dma_wait3A_1553] : memref<98304xi32, #tpu.memory_space<vmem>> -> memref<6144xi32, #tpu.memory_space<vmem>>
      tpu.wait_dma2 semaphore(%run_scoped3A : memref<!tpu.dma_semaphore, #tpu.memory_space<semaphore_mem>>) src(%dma_wait3A_1554 : memref<6144xi32, #tpu.memory_space<vmem>>) dst(%dma_wait3A_1552 : memref<6144xi32, #tpu.memory_space<hbm>>)
      tpu.yield
    }) : () -> ()
    %get3A_1489 = arith.constant 192 : index
    %get3A_1490 = tpu.vector_load %arg9[%get3A_1489] {strides = array<i32>} : memref<256xi32, #tpu.memory_space<vmem>>, vector<16xi32>,
    %get3A_1491 = vector.shape_cast %get3A_1490 : vector<16xi32> to vector<16xi32>
    %swap3A_1492 = arith.constant 0 : index
    %swap3A_1493 = tpu.vector_load %arg10[%swap3A_1492] {strides = array<i32>} : memref<1024xi32, #tpu.memory_space<vmem>>, vector<16xi32>,
    %swap3A_1494 = vector.shape_cast %swap3A_1493 : vector<16xi32> to vector<16xi32>
    %swap3A_1495 = vector.shape_cast %get3A_1491 : vector<16xi32> to vector<16xi32>
    tpu.vector_store %arg10[%swap3A_1492], %swap3A_1495 {strides = array<i32>} : memref<1024xi32, #tpu.memory_space<vmem>>, vector<16xi32>,
    %add3A_1496 = arith.constant 384 : i32
    %add3A_1497 = arith.addi %add3A_1496, %add3A : i32
    %mul3A_1498 = arith.constant 1024 : i32
    %mul3A_1499 = arith.muli %add3A_1497, %mul3A_1498 : i32
    "tpu.region"() ({
      %run_scoped3A = tpu.sem_alloc : memref<!tpu.dma_semaphore, #tpu.memory_space<semaphore_mem>>
      %dma_start3A = tpu.memref_slice %arg5[%mul3A_1499] : memref<524288xi32, #tpu.memory_space<hbm>> -> memref<1024xi32, #tpu.memory_space<hbm>>
      %dma_start3A_1545 = tpu.memref_slice %arg5[%mul3A_1499] : memref<524288xi32, #tpu.memory_space<hbm>> -> memref<1024xi32, #tpu.memory_space<hbm>>
      tpu.enqueue_dma source(%arg10 : memref<1024xi32, #tpu.memory_space<vmem>>) target(%dma_start3A_1545 : memref<1024xi32, #tpu.memory_space<hbm>>) target_semaphore(%run_scoped3A : memref<!tpu.dma_semaphore, #tpu.memory_space<semaphore_mem>>)
      %dma_wait3A = tpu.memref_slice %arg5[%mul3A_1499] : memref<524288xi32, #tpu.memory_space<hbm>> -> memref<1024xi32, #tpu.memory_space<hbm>>
      %dma_wait3A_1546 = tpu.memref_slice %arg5[%mul3A_1499] : memref<524288xi32, #tpu.memory_space<hbm>> -> memref<1024xi32, #tpu.memory_space<hbm>>
      tpu.wait_dma2 semaphore(%run_scoped3A : memref<!tpu.dma_semaphore, #tpu.memory_space<semaphore_mem>>) src(%arg10 : memref<1024xi32, #tpu.memory_space<vmem>>) dst(%dma_wait3A_1546 : memref<1024xi32, #tpu.memory_space<hbm>>)
      tpu.yield
    }) : () -> ()
    %add3A_1500 = arith.constant 416 : i32
    %add3A_1501 = arith.addi %add3A_1500, %add3A : i32
    %mul3A_1502 = arith.constant 6144 : i32
    %mul3A_1503 = arith.muli %add3A_1501, %mul3A_1502 : i32
    "tpu.region"() ({
      %run_scoped3A = tpu.sem_alloc : memref<!tpu.dma_semaphore, #tpu.memory_space<semaphore_mem>>
      %dma_start3A = arith.constant 79872 : i32
      %dma_start3A_1545 = tpu.memref_slice %arg8[%dma_start3A] : memref<98304xi32, #tpu.memory_space<vmem>> -> memref<6144xi32, #tpu.memory_space<vmem>>
      %dma_start3A_1546 = tpu.memref_slice %arg4[%mul3A_1503] : memref<3145728xi32, #tpu.memory_space<hbm>> -> memref<6144xi32, #tpu.memory_space<hbm>>
      %dma_start3A_1547 = tpu.memref_slice %arg4[%mul3A_1503] : memref<3145728xi32, #tpu.memory_space<hbm>> -> memref<6144xi32, #tpu.memory_space<hbm>>
      %dma_start3A_1548 = arith.constant 79872 : i32
      %dma_start3A_1549 = tpu.memref_slice %arg8[%dma_start3A_1548] : memref<98304xi32, #tpu.memory_space<vmem>> -> memref<6144xi32, #tpu.memory_space<vmem>>
      tpu.enqueue_dma source(%dma_start3A_1549 : memref<6144xi32, #tpu.memory_space<vmem>>) target(%dma_start3A_1547 : memref<6144xi32, #tpu.memory_space<hbm>>) target_semaphore(%run_scoped3A : memref<!tpu.dma_semaphore, #tpu.memory_space<semaphore_mem>>)
      %dma_wait3A = arith.constant 79872 : i32
      %dma_wait3A_1550 = tpu.memref_slice %arg8[%dma_wait3A] : memref<98304xi32, #tpu.memory_space<vmem>> -> memref<6144xi32, #tpu.memory_space<vmem>>
      %dma_wait3A_1551 = tpu.memref_slice %arg4[%mul3A_1503] : memref<3145728xi32, #tpu.memory_space<hbm>> -> memref<6144xi32, #tpu.memory_space<hbm>>
      %dma_wait3A_1552 = tpu.memref_slice %arg4[%mul3A_1503] : memref<3145728xi32, #tpu.memory_space<hbm>> -> memref<6144xi32, #tpu.memory_space<hbm>>
      %dma_wait3A_1553 = arith.constant 79872 : i32
      %dma_wait3A_1554 = tpu.memref_slice %arg8[%dma_wait3A_1553] : memref<98304xi32, #tpu.memory_space<vmem>> -> memref<6144xi32, #tpu.memory_space<vmem>>
      tpu.wait_dma2 semaphore(%run_scoped3A : memref<!tpu.dma_semaphore, #tpu.memory_space<semaphore_mem>>) src(%dma_wait3A_1554 : memref<6144xi32, #tpu.memory_space<vmem>>) dst(%dma_wait3A_1552 : memref<6144xi32, #tpu.memory_space<hbm>>)
      tpu.yield
    }) : () -> ()
    %get3A_1504 = arith.constant 208 : index
    %get3A_1505 = tpu.vector_load %arg9[%get3A_1504] {strides = array<i32>} : memref<256xi32, #tpu.memory_space<vmem>>, vector<16xi32>,
    %get3A_1506 = vector.shape_cast %get3A_1505 : vector<16xi32> to vector<16xi32>
    %swap3A_1507 = arith.constant 0 : index
    %swap3A_1508 = tpu.vector_load %arg10[%swap3A_1507] {strides = array<i32>} : memref<1024xi32, #tpu.memory_space<vmem>>, vector<16xi32>,
    %swap3A_1509 = vector.shape_cast %swap3A_1508 : vector<16xi32> to vector<16xi32>
    %swap3A_1510 = vector.shape_cast %get3A_1506 : vector<16xi32> to vector<16xi32>
    tpu.vector_store %arg10[%swap3A_1507], %swap3A_1510 {strides = array<i32>} : memref<1024xi32, #tpu.memory_space<vmem>>, vector<16xi32>,
    %add3A_1511 = arith.constant 416 : i32
    %add3A_1512 = arith.addi %add3A_1511, %add3A : i32
    %mul3A_1513 = arith.constant 1024 : i32
    %mul3A_1514 = arith.muli %add3A_1512, %mul3A_1513 : i32
    "tpu.region"() ({
      %run_scoped3A = tpu.sem_alloc : memref<!tpu.dma_semaphore, #tpu.memory_space<semaphore_mem>>
      %dma_start3A = tpu.memref_slice %arg5[%mul3A_1514] : memref<524288xi32, #tpu.memory_space<hbm>> -> memref<1024xi32, #tpu.memory_space<hbm>>
      %dma_start3A_1545 = tpu.memref_slice %arg5[%mul3A_1514] : memref<524288xi32, #tpu.memory_space<hbm>> -> memref<1024xi32, #tpu.memory_space<hbm>>
      tpu.enqueue_dma source(%arg10 : memref<1024xi32, #tpu.memory_space<vmem>>) target(%dma_start3A_1545 : memref<1024xi32, #tpu.memory_space<hbm>>) target_semaphore(%run_scoped3A : memref<!tpu.dma_semaphore, #tpu.memory_space<semaphore_mem>>)
      %dma_wait3A = tpu.memref_slice %arg5[%mul3A_1514] : memref<524288xi32, #tpu.memory_space<hbm>> -> memref<1024xi32, #tpu.memory_space<hbm>>
      %dma_wait3A_1546 = tpu.memref_slice %arg5[%mul3A_1514] : memref<524288xi32, #tpu.memory_space<hbm>> -> memref<1024xi32, #tpu.memory_space<hbm>>
      tpu.wait_dma2 semaphore(%run_scoped3A : memref<!tpu.dma_semaphore, #tpu.memory_space<semaphore_mem>>) src(%arg10 : memref<1024xi32, #tpu.memory_space<vmem>>) dst(%dma_wait3A_1546 : memref<1024xi32, #tpu.memory_space<hbm>>)
      tpu.yield
    }) : () -> ()
    %add3A_1515 = arith.constant 448 : i32
    %add3A_1516 = arith.addi %add3A_1515, %add3A : i32
    %mul3A_1517 = arith.constant 6144 : i32
    %mul3A_1518 = arith.muli %add3A_1516, %mul3A_1517 : i32
    "tpu.region"() ({
      %run_scoped3A = tpu.sem_alloc : memref<!tpu.dma_semaphore, #tpu.memory_space<semaphore_mem>>
      %dma_start3A = arith.constant 86016 : i32
      %dma_start3A_1545 = tpu.memref_slice %arg8[%dma_start3A] : memref<98304xi32, #tpu.memory_space<vmem>> -> memref<6144xi32, #tpu.memory_space<vmem>>
      %dma_start3A_1546 = tpu.memref_slice %arg4[%mul3A_1518] : memref<3145728xi32, #tpu.memory_space<hbm>> -> memref<6144xi32, #tpu.memory_space<hbm>>
      %dma_start3A_1547 = tpu.memref_slice %arg4[%mul3A_1518] : memref<3145728xi32, #tpu.memory_space<hbm>> -> memref<6144xi32, #tpu.memory_space<hbm>>
      %dma_start3A_1548 = arith.constant 86016 : i32
      %dma_start3A_1549 = tpu.memref_slice %arg8[%dma_start3A_1548] : memref<98304xi32, #tpu.memory_space<vmem>> -> memref<6144xi32, #tpu.memory_space<vmem>>
      tpu.enqueue_dma source(%dma_start3A_1549 : memref<6144xi32, #tpu.memory_space<vmem>>) target(%dma_start3A_1547 : memref<6144xi32, #tpu.memory_space<hbm>>) target_semaphore(%run_scoped3A : memref<!tpu.dma_semaphore, #tpu.memory_space<semaphore_mem>>)
      %dma_wait3A = arith.constant 86016 : i32
      %dma_wait3A_1550 = tpu.memref_slice %arg8[%dma_wait3A] : memref<98304xi32, #tpu.memory_space<vmem>> -> memref<6144xi32, #tpu.memory_space<vmem>>
      %dma_wait3A_1551 = tpu.memref_slice %arg4[%mul3A_1518] : memref<3145728xi32, #tpu.memory_space<hbm>> -> memref<6144xi32, #tpu.memory_space<hbm>>
      %dma_wait3A_1552 = tpu.memref_slice %arg4[%mul3A_1518] : memref<3145728xi32, #tpu.memory_space<hbm>> -> memref<6144xi32, #tpu.memory_space<hbm>>
      %dma_wait3A_1553 = arith.constant 86016 : i32
      %dma_wait3A_1554 = tpu.memref_slice %arg8[%dma_wait3A_1553] : memref<98304xi32, #tpu.memory_space<vmem>> -> memref<6144xi32, #tpu.memory_space<vmem>>
      tpu.wait_dma2 semaphore(%run_scoped3A : memref<!tpu.dma_semaphore, #tpu.memory_space<semaphore_mem>>) src(%dma_wait3A_1554 : memref<6144xi32, #tpu.memory_space<vmem>>) dst(%dma_wait3A_1552 : memref<6144xi32, #tpu.memory_space<hbm>>)
      tpu.yield
    }) : () -> ()
    %get3A_1519 = arith.constant 224 : index
    %get3A_1520 = tpu.vector_load %arg9[%get3A_1519] {strides = array<i32>} : memref<256xi32, #tpu.memory_space<vmem>>, vector<16xi32>,
    %get3A_1521 = vector.shape_cast %get3A_1520 : vector<16xi32> to vector<16xi32>
    %swap3A_1522 = arith.constant 0 : index
    %swap3A_1523 = tpu.vector_load %arg10[%swap3A_1522] {strides = array<i32>} : memref<1024xi32, #tpu.memory_space<vmem>>, vector<16xi32>,
    %swap3A_1524 = vector.shape_cast %swap3A_1523 : vector<16xi32> to vector<16xi32>
    %swap3A_1525 = vector.shape_cast %get3A_1521 : vector<16xi32> to vector<16xi32>
    tpu.vector_store %arg10[%swap3A_1522], %swap3A_1525 {strides = array<i32>} : memref<1024xi32, #tpu.memory_space<vmem>>, vector<16xi32>,
    %add3A_1526 = arith.constant 448 : i32
    %add3A_1527 = arith.addi %add3A_1526, %add3A : i32
    %mul3A_1528 = arith.constant 1024 : i32
    %mul3A_1529 = arith.muli %add3A_1527, %mul3A_1528 : i32
    "tpu.region"() ({
      %run_scoped3A = tpu.sem_alloc : memref<!tpu.dma_semaphore, #tpu.memory_space<semaphore_mem>>
      %dma_start3A = tpu.memref_slice %arg5[%mul3A_1529] : memref<524288xi32, #tpu.memory_space<hbm>> -> memref<1024xi32, #tpu.memory_space<hbm>>
      %dma_start3A_1545 = tpu.memref_slice %arg5[%mul3A_1529] : memref<524288xi32, #tpu.memory_space<hbm>> -> memref<1024xi32, #tpu.memory_space<hbm>>
      tpu.enqueue_dma source(%arg10 : memref<1024xi32, #tpu.memory_space<vmem>>) target(%dma_start3A_1545 : memref<1024xi32, #tpu.memory_space<hbm>>) target_semaphore(%run_scoped3A : memref<!tpu.dma_semaphore, #tpu.memory_space<semaphore_mem>>)
      %dma_wait3A = tpu.memref_slice %arg5[%mul3A_1529] : memref<524288xi32, #tpu.memory_space<hbm>> -> memref<1024xi32, #tpu.memory_space<hbm>>
      %dma_wait3A_1546 = tpu.memref_slice %arg5[%mul3A_1529] : memref<524288xi32, #tpu.memory_space<hbm>> -> memref<1024xi32, #tpu.memory_space<hbm>>
      tpu.wait_dma2 semaphore(%run_scoped3A : memref<!tpu.dma_semaphore, #tpu.memory_space<semaphore_mem>>) src(%arg10 : memref<1024xi32, #tpu.memory_space<vmem>>) dst(%dma_wait3A_1546 : memref<1024xi32, #tpu.memory_space<hbm>>)
      tpu.yield
    }) : () -> ()
    %add3A_1530 = arith.constant 480 : i32
    %add3A_1531 = arith.addi %add3A_1530, %add3A : i32
    %mul3A_1532 = arith.constant 6144 : i32
    %mul3A_1533 = arith.muli %add3A_1531, %mul3A_1532 : i32
    "tpu.region"() ({
      %run_scoped3A = tpu.sem_alloc : memref<!tpu.dma_semaphore, #tpu.memory_space<semaphore_mem>>
      %dma_start3A = arith.constant 92160 : i32
      %dma_start3A_1545 = tpu.memref_slice %arg8[%dma_start3A] : memref<98304xi32, #tpu.memory_space<vmem>> -> memref<6144xi32, #tpu.memory_space<vmem>>
      %dma_start3A_1546 = tpu.memref_slice %arg4[%mul3A_1533] : memref<3145728xi32, #tpu.memory_space<hbm>> -> memref<6144xi32, #tpu.memory_space<hbm>>
      %dma_start3A_1547 = tpu.memref_slice %arg4[%mul3A_1533] : memref<3145728xi32, #tpu.memory_space<hbm>> -> memref<6144xi32, #tpu.memory_space<hbm>>
      %dma_start3A_1548 = arith.constant 92160 : i32
      %dma_start3A_1549 = tpu.memref_slice %arg8[%dma_start3A_1548] : memref<98304xi32, #tpu.memory_space<vmem>> -> memref<6144xi32, #tpu.memory_space<vmem>>
      tpu.enqueue_dma source(%dma_start3A_1549 : memref<6144xi32, #tpu.memory_space<vmem>>) target(%dma_start3A_1547 : memref<6144xi32, #tpu.memory_space<hbm>>) target_semaphore(%run_scoped3A : memref<!tpu.dma_semaphore, #tpu.memory_space<semaphore_mem>>)
      %dma_wait3A = arith.constant 92160 : i32
      %dma_wait3A_1550 = tpu.memref_slice %arg8[%dma_wait3A] : memref<98304xi32, #tpu.memory_space<vmem>> -> memref<6144xi32, #tpu.memory_space<vmem>>
      %dma_wait3A_1551 = tpu.memref_slice %arg4[%mul3A_1533] : memref<3145728xi32, #tpu.memory_space<hbm>> -> memref<6144xi32, #tpu.memory_space<hbm>>
      %dma_wait3A_1552 = tpu.memref_slice %arg4[%mul3A_1533] : memref<3145728xi32, #tpu.memory_space<hbm>> -> memref<6144xi32, #tpu.memory_space<hbm>>
      %dma_wait3A_1553 = arith.constant 92160 : i32
      %dma_wait3A_1554 = tpu.memref_slice %arg8[%dma_wait3A_1553] : memref<98304xi32, #tpu.memory_space<vmem>> -> memref<6144xi32, #tpu.memory_space<vmem>>
      tpu.wait_dma2 semaphore(%run_scoped3A : memref<!tpu.dma_semaphore, #tpu.memory_space<semaphore_mem>>) src(%dma_wait3A_1554 : memref<6144xi32, #tpu.memory_space<vmem>>) dst(%dma_wait3A_1552 : memref<6144xi32, #tpu.memory_space<hbm>>)
      tpu.yield
    }) : () -> ()
    %get3A_1534 = arith.constant 240 : index
    %get3A_1535 = tpu.vector_load %arg9[%get3A_1534] {strides = array<i32>} : memref<256xi32, #tpu.memory_space<vmem>>, vector<16xi32>,
    %get3A_1536 = vector.shape_cast %get3A_1535 : vector<16xi32> to vector<16xi32>
    %swap3A_1537 = arith.constant 0 : index
    %swap3A_1538 = tpu.vector_load %arg10[%swap3A_1537] {strides = array<i32>} : memref<1024xi32, #tpu.memory_space<vmem>>, vector<16xi32>,
    %swap3A_1539 = vector.shape_cast %swap3A_1538 : vector<16xi32> to vector<16xi32>
    %swap3A_1540 = vector.shape_cast %get3A_1536 : vector<16xi32> to vector<16xi32>
    tpu.vector_store %arg10[%swap3A_1537], %swap3A_1540 {strides = array<i32>} : memref<1024xi32, #tpu.memory_space<vmem>>, vector<16xi32>,
    %add3A_1541 = arith.constant 480 : i32
    %add3A_1542 = arith.addi %add3A_1541, %add3A : i32
    %mul3A_1543 = arith.constant 1024 : i32
    %mul3A_1544 = arith.muli %add3A_1542, %mul3A_1543 : i32
    "tpu.region"() ({
      %run_scoped3A = tpu.sem_alloc : memref<!tpu.dma_semaphore, #tpu.memory_space<semaphore_mem>>
      %dma_start3A = tpu.memref_slice %arg5[%mul3A_1544] : memref<524288xi32, #tpu.memory_space<hbm>> -> memref<1024xi32, #tpu.memory_space<hbm>>
      %dma_start3A_1545 = tpu.memref_slice %arg5[%mul3A_1544] : memref<524288xi32, #tpu.memory_space<hbm>> -> memref<1024xi32, #tpu.memory_space<hbm>>
      tpu.enqueue_dma source(%arg10 : memref<1024xi32, #tpu.memory_space<vmem>>) target(%dma_start3A_1545 : memref<1024xi32, #tpu.memory_space<hbm>>) target_semaphore(%run_scoped3A : memref<!tpu.dma_semaphore, #tpu.memory_space<semaphore_mem>>)
      %dma_wait3A = tpu.memref_slice %arg5[%mul3A_1544] : memref<524288xi32, #tpu.memory_space<hbm>> -> memref<1024xi32, #tpu.memory_space<hbm>>
      %dma_wait3A_1546 = tpu.memref_slice %arg5[%mul3A_1544] : memref<524288xi32, #tpu.memory_space<hbm>> -> memref<1024xi32, #tpu.memory_space<hbm>>
      tpu.wait_dma2 semaphore(%run_scoped3A : memref<!tpu.dma_semaphore, #tpu.memory_space<semaphore_mem>>) src(%arg10 : memref<1024xi32, #tpu.memory_space<vmem>>) dst(%dma_wait3A_1546 : memref<1024xi32, #tpu.memory_space<hbm>>)
      tpu.yield
    }) : () -> ()
    return
  }
}

#map = affine_map<(d0, d1) -> (0, 0)>
#map1 = affine_map<(d0, d1) -> (0)>
module attributes {stable_mosaic.version = 14 : i64} {
  func.func @_acc_kernel(%arg0: i32, %arg1: i32, %arg2: memref<10240x128xf32, #tpu.memory_space<hbm>>, %arg3: memref<10240x128xf32, #tpu.memory_space<hbm>>, %arg4: memref<3145728xi32, #tpu.memory_space<hbm>>, %arg5: memref<524288xi32, #tpu.memory_space<hbm>>, %arg6: memref<648x128xf32, #tpu.memory_space<hbm>>, %arg7: memref<10240x256xf32, #tpu.memory_space<hbm>>, %arg8: memref<6160xi32, #tpu.memory_space<vmem>>, %arg9: memref<1024xi32, #tpu.memory_space<vmem>>, %arg10: memref<128xi32, #tpu.memory_space<vmem>>, %arg11: memref<128x128xf32, #tpu.memory_space<vmem>>, %arg12: memref<648x128xf32, #tpu.memory_space<vmem>>) attributes {dimension_semantics = [#tpu.dimension_semantics<core_parallel>, #tpu.dimension_semantics<subcore_parallel>], iteration_bounds = array<i64: 2, 16>, scalar_prefetch = 0 : i64, scratch_operands = 5 : i64, tpu.core_type = #tpu.core_type<sc_vector_subcore>, window_params = [{transform_indices = #map}, {transform_indices = #map}, {transform_indices = #map1}, {transform_indices = #map1}, {transform_indices = #map}, {transform_indices = #map}]} {
    "tpu.region"() ({
      %run_scoped3A = tpu.sem_alloc : memref<!tpu.dma_semaphore, #tpu.memory_space<semaphore_mem>>
      tpu.enqueue_dma source(%arg6 : memref<648x128xf32, #tpu.memory_space<hbm>>) target(%arg12 : memref<648x128xf32, #tpu.memory_space<vmem>>) target_semaphore(%run_scoped3A : memref<!tpu.dma_semaphore, #tpu.memory_space<semaphore_mem>>)
      tpu.wait_dma2 semaphore(%run_scoped3A : memref<!tpu.dma_semaphore, #tpu.memory_space<semaphore_mem>>) src(%arg6 : memref<648x128xf32, #tpu.memory_space<hbm>>) dst(%arg12 : memref<648x128xf32, #tpu.memory_space<vmem>>)
      tpu.yield
    }) : () -> ()
    %eq3A = arith.constant 0 : i32
    %eq3A_0 = arith.cmpi eq, %arg0, %eq3A : i32
    %convert_element_type3A = arith.extui %eq3A_0 : i1 to i32
    %cond3A = arith.constant 0 : i32
    %cond3A_1 = arith.cmpi ne, %convert_element_type3A, %cond3A : i32
    scf.if %cond3A_1 {
      %scan3A = arith.constant 0 : i32
      %scan3A_10 = arith.constant 0 : i32
      %scan3A_11 = arith.constant 32 : i32
      %scan3A_12 = arith.addi %scan3A_10, %scan3A_11 : i32
      %scan3A_13 = arith.constant 1 : i32
      scf.for %scan3A_15 = %scan3A_10 to %scan3A_12 step %scan3A_13  : i32 {
        %mul3A_16 = arith.constant 32 : i32
        %mul3A_17 = arith.muli %arg1, %mul3A_16 : i32
        %add3A = arith.addi %mul3A_17, %scan3A_15 : i32
        %mul3A_18 = arith.constant 6144 : i32
        %mul3A_19 = arith.muli %add3A, %mul3A_18 : i32
        "tpu.region"() ({
          %run_scoped3A = tpu.sem_alloc : memref<!tpu.dma_semaphore, #tpu.memory_space<semaphore_mem>>
          %dma_start3A = arith.constant 0 : i32
          %dma_start3A_54 = tpu.memref_slice %arg8[%dma_start3A] : memref<6160xi32, #tpu.memory_space<vmem>> -> memref<6144xi32, #tpu.memory_space<vmem>>
          %dma_start3A_55 = tpu.memref_slice %arg4[%mul3A_19] : memref<3145728xi32, #tpu.memory_space<hbm>> -> memref<6144xi32, #tpu.memory_space<hbm>>
          %dma_start3A_56 = arith.constant 0 : i32
          %dma_start3A_57 = tpu.memref_slice %arg8[%dma_start3A_56] : memref<6160xi32, #tpu.memory_space<vmem>> -> memref<6144xi32, #tpu.memory_space<vmem>>
          %dma_start3A_58 = tpu.memref_slice %arg4[%mul3A_19] : memref<3145728xi32, #tpu.memory_space<hbm>> -> memref<6144xi32, #tpu.memory_space<hbm>>
          tpu.enqueue_dma source(%dma_start3A_58 : memref<6144xi32, #tpu.memory_space<hbm>>) target(%dma_start3A_57 : memref<6144xi32, #tpu.memory_space<vmem>>) target_semaphore(%run_scoped3A : memref<!tpu.dma_semaphore, #tpu.memory_space<semaphore_mem>>)
          %dma_wait3A = arith.constant 0 : i32
          %dma_wait3A_59 = tpu.memref_slice %arg8[%dma_wait3A] : memref<6160xi32, #tpu.memory_space<vmem>> -> memref<6144xi32, #tpu.memory_space<vmem>>
          %dma_wait3A_60 = tpu.memref_slice %arg4[%mul3A_19] : memref<3145728xi32, #tpu.memory_space<hbm>> -> memref<6144xi32, #tpu.memory_space<hbm>>
          %dma_wait3A_61 = arith.constant 0 : i32
          %dma_wait3A_62 = tpu.memref_slice %arg8[%dma_wait3A_61] : memref<6160xi32, #tpu.memory_space<vmem>> -> memref<6144xi32, #tpu.memory_space<vmem>>
          %dma_wait3A_63 = tpu.memref_slice %arg4[%mul3A_19] : memref<3145728xi32, #tpu.memory_space<hbm>> -> memref<6144xi32, #tpu.memory_space<hbm>>
          tpu.wait_dma2 semaphore(%run_scoped3A : memref<!tpu.dma_semaphore, #tpu.memory_space<semaphore_mem>>) src(%dma_wait3A_63 : memref<6144xi32, #tpu.memory_space<hbm>>) dst(%dma_wait3A_62 : memref<6144xi32, #tpu.memory_space<vmem>>)
          tpu.yield
        }) : () -> ()
        %mul3A_20 = arith.constant 32 : i32
        %mul3A_21 = arith.muli %arg1, %mul3A_20 : i32
        %add3A_22 = arith.addi %mul3A_21, %scan3A_15 : i32
        %mul3A_23 = arith.constant 1024 : i32
        %mul3A_24 = arith.muli %add3A_22, %mul3A_23 : i32
        "tpu.region"() ({
          %run_scoped3A = tpu.sem_alloc : memref<!tpu.dma_semaphore, #tpu.memory_space<semaphore_mem>>
          %dma_start3A = tpu.memref_slice %arg5[%mul3A_24] : memref<524288xi32, #tpu.memory_space<hbm>> -> memref<1024xi32, #tpu.memory_space<hbm>>
          %dma_start3A_54 = tpu.memref_slice %arg5[%mul3A_24] : memref<524288xi32, #tpu.memory_space<hbm>> -> memref<1024xi32, #tpu.memory_space<hbm>>
          tpu.enqueue_dma source(%dma_start3A_54 : memref<1024xi32, #tpu.memory_space<hbm>>) target(%arg9 : memref<1024xi32, #tpu.memory_space<vmem>>) target_semaphore(%run_scoped3A : memref<!tpu.dma_semaphore, #tpu.memory_space<semaphore_mem>>)
          %dma_wait3A = tpu.memref_slice %arg5[%mul3A_24] : memref<524288xi32, #tpu.memory_space<hbm>> -> memref<1024xi32, #tpu.memory_space<hbm>>
          %dma_wait3A_55 = tpu.memref_slice %arg5[%mul3A_24] : memref<524288xi32, #tpu.memory_space<hbm>> -> memref<1024xi32, #tpu.memory_space<hbm>>
          tpu.wait_dma2 semaphore(%run_scoped3A : memref<!tpu.dma_semaphore, #tpu.memory_space<semaphore_mem>>) src(%dma_wait3A_55 : memref<1024xi32, #tpu.memory_space<hbm>>) dst(%arg9 : memref<1024xi32, #tpu.memory_space<vmem>>)
          tpu.yield
        }) : () -> ()
        %get3A = arith.constant 0 : index
        %get3A_25 = tpu.vector_load %arg9[%get3A] {strides = array<i32>} : memref<1024xi32, #tpu.memory_space<vmem>>, vector<16xi32>,
        %get3A_26 = vector.shape_cast %get3A_25 : vector<16xi32> to vector<16xi32>
        %slice3A = vector.extract_strided_slice %get3A_26 {offsets = [0], sizes = [1], strides = [1]} : vector<16xi32> to vector<1xi32>
        %squeeze3A = vector.extract %slice3A[0] : i32 from vector<1xi32>
        %add3A_27 = arith.constant 127 : i32
        %add3A_28 = arith.addi %squeeze3A, %add3A_27 : i32
        %jit3A = arith.constant 128 : i32
        %div3A = arith.divsi %add3A_28, %jit3A : i32
        %sign3A = arith.constant 0 : i32
        %sign3A_29 = arith.cmpi sgt, %add3A_28, %sign3A : i32
        %sign3A_30 = arith.extui %sign3A_29 : i1 to i32
        %sign3A_31 = arith.constant 0 : i32
        %sign3A_32 = arith.cmpi slt, %add3A_28, %sign3A_31 : i32
        %sign3A_33 = arith.extui %sign3A_32 : i1 to i32
        %sign3A_34 = arith.subi %sign3A_30, %sign3A_33 : i32
        %sign3A_35 = arith.constant 0 : i32
        %sign3A_36 = arith.cmpi sgt, %jit3A, %sign3A_35 : i32
        %sign3A_37 = arith.extui %sign3A_36 : i1 to i32
        %sign3A_38 = arith.constant 0 : i32
        %sign3A_39 = arith.cmpi slt, %jit3A, %sign3A_38 : i32
        %sign3A_40 = arith.extui %sign3A_39 : i1 to i32
        %sign3A_41 = arith.subi %sign3A_37, %sign3A_40 : i32
        %ne3A = arith.cmpi ne, %sign3A_34, %sign3A_41 : i32
        %rem3A = arith.remsi %add3A_28, %jit3A : i32
        %ne3A_42 = arith.constant 0 : i32
        %ne3A_43 = arith.cmpi ne, %rem3A, %ne3A_42 : i32
        %and3A = arith.andi %ne3A, %ne3A_43 : i1
        %sub3A = arith.constant 1 : i32
        %sub3A_44 = arith.subi %div3A, %sub3A : i32
        %select_n3A = arith.select %and3A, %sub3A_44, %div3A : i32
        %while3A = arith.constant 0 : i32
        %while3A_45 = arith.constant 0 : i32
        %while3A_46 = arith.subi %select_n3A, %while3A_45 : i32
        %while3A_47 = arith.addi %while3A_45, %while3A_46 : i32
        %while3A_48 = arith.constant 1 : i32
        %while3A_49 = arith.divsi %while3A_46, %while3A_48 : i32
        %while3A_50 = arith.muli %while3A_49, %while3A_48 : i32
        %while3A_51 = arith.addi %while3A_45, %while3A_50 : i32
        %while3A_52 = arith.constant 1 : i32
        scf.for %while3A_54 = %while3A_45 to %while3A_51 step %while3A_52  : i32 {
          %mul3A_55 = arith.constant 128 : i32
          %mul3A_56 = arith.muli %while3A_54, %mul3A_55 : i32
          %add3A_57 = arith.constant 0 : i32
          %add3A_58 = arith.addi %mul3A_56, %add3A_57 : i32
          %get3A_59 = arith.index_cast %add3A_58 : i32 to index
          %get3A_60 = tpu.vector_load %arg8[%get3A_59] {strides = array<i32>} : memref<6160xi32, #tpu.memory_space<vmem>>, vector<16xi32>,
          %get3A_61 = vector.shape_cast %get3A_60 : vector<16xi32> to vector<16xi32>
          %shift_right_arithmetic3A = arith.constant 10 : i32
          %shift_right_arithmetic3A_62 = vector.broadcast %shift_right_arithmetic3A : i32 to vector<16xi32>
          %shift_right_arithmetic3A_63 = arith.shrsi %get3A_61, %shift_right_arithmetic3A_62 : vector<16xi32>
          %swap3A = arith.constant 0 : index
          %swap3A_64 = tpu.vector_load %arg10[%swap3A] {strides = array<i32>} : memref<128xi32, #tpu.memory_space<vmem>>, vector<16xi32>,
          %swap3A_65 = vector.shape_cast %swap3A_64 : vector<16xi32> to vector<16xi32>
          %swap3A_66 = vector.shape_cast %shift_right_arithmetic3A_63 : vector<16xi32> to vector<16xi32>
          tpu.vector_store %arg10[%swap3A], %swap3A_66 {strides = array<i32>} : memref<128xi32, #tpu.memory_space<vmem>>, vector<16xi32>,
          %mul3A_67 = arith.constant 128 : i32
          %mul3A_68 = arith.muli %while3A_54, %mul3A_67 : i32
          %add3A_69 = arith.constant 16 : i32
          %add3A_70 = arith.addi %mul3A_68, %add3A_69 : i32
          %get3A_71 = arith.index_cast %add3A_70 : i32 to index
          %get3A_72 = tpu.vector_load %arg8[%get3A_71] {strides = array<i32>} : memref<6160xi32, #tpu.memory_space<vmem>>, vector<16xi32>,
          %get3A_73 = vector.shape_cast %get3A_72 : vector<16xi32> to vector<16xi32>
          %shift_right_arithmetic3A_74 = arith.constant 10 : i32
          %shift_right_arithmetic3A_75 = vector.broadcast %shift_right_arithmetic3A_74 : i32 to vector<16xi32>
          %shift_right_arithmetic3A_76 = arith.shrsi %get3A_73, %shift_right_arithmetic3A_75 : vector<16xi32>
          %swap3A_77 = arith.constant 16 : index
          %swap3A_78 = tpu.vector_load %arg10[%swap3A_77] {strides = array<i32>} : memref<128xi32, #tpu.memory_space<vmem>>, vector<16xi32>,
          %swap3A_79 = vector.shape_cast %swap3A_78 : vector<16xi32> to vector<16xi32>
          %swap3A_80 = vector.shape_cast %shift_right_arithmetic3A_76 : vector<16xi32> to vector<16xi32>
          tpu.vector_store %arg10[%swap3A_77], %swap3A_80 {strides = array<i32>} : memref<128xi32, #tpu.memory_space<vmem>>, vector<16xi32>,
          %mul3A_81 = arith.constant 128 : i32
          %mul3A_82 = arith.muli %while3A_54, %mul3A_81 : i32
          %add3A_83 = arith.constant 32 : i32
          %add3A_84 = arith.addi %mul3A_82, %add3A_83 : i32
          %get3A_85 = arith.index_cast %add3A_84 : i32 to index
          %get3A_86 = tpu.vector_load %arg8[%get3A_85] {strides = array<i32>} : memref<6160xi32, #tpu.memory_space<vmem>>, vector<16xi32>,
          %get3A_87 = vector.shape_cast %get3A_86 : vector<16xi32> to vector<16xi32>
          %shift_right_arithmetic3A_88 = arith.constant 10 : i32
          %shift_right_arithmetic3A_89 = vector.broadcast %shift_right_arithmetic3A_88 : i32 to vector<16xi32>
          %shift_right_arithmetic3A_90 = arith.shrsi %get3A_87, %shift_right_arithmetic3A_89 : vector<16xi32>
          %swap3A_91 = arith.constant 32 : index
          %swap3A_92 = tpu.vector_load %arg10[%swap3A_91] {strides = array<i32>} : memref<128xi32, #tpu.memory_space<vmem>>, vector<16xi32>,
          %swap3A_93 = vector.shape_cast %swap3A_92 : vector<16xi32> to vector<16xi32>
          %swap3A_94 = vector.shape_cast %shift_right_arithmetic3A_90 : vector<16xi32> to vector<16xi32>
          tpu.vector_store %arg10[%swap3A_91], %swap3A_94 {strides = array<i32>} : memref<128xi32, #tpu.memory_space<vmem>>, vector<16xi32>,
          %mul3A_95 = arith.constant 128 : i32
          %mul3A_96 = arith.muli %while3A_54, %mul3A_95 : i32
          %add3A_97 = arith.constant 48 : i32
          %add3A_98 = arith.addi %mul3A_96, %add3A_97 : i32
          %get3A_99 = arith.index_cast %add3A_98 : i32 to index
          %get3A_100 = tpu.vector_load %arg8[%get3A_99] {strides = array<i32>} : memref<6160xi32, #tpu.memory_space<vmem>>, vector<16xi32>,
          %get3A_101 = vector.shape_cast %get3A_100 : vector<16xi32> to vector<16xi32>
          %shift_right_arithmetic3A_102 = arith.constant 10 : i32
          %shift_right_arithmetic3A_103 = vector.broadcast %shift_right_arithmetic3A_102 : i32 to vector<16xi32>
          %shift_right_arithmetic3A_104 = arith.shrsi %get3A_101, %shift_right_arithmetic3A_103 : vector<16xi32>
          %swap3A_105 = arith.constant 48 : index
          %swap3A_106 = tpu.vector_load %arg10[%swap3A_105] {strides = array<i32>} : memref<128xi32, #tpu.memory_space<vmem>>, vector<16xi32>,
          %swap3A_107 = vector.shape_cast %swap3A_106 : vector<16xi32> to vector<16xi32>
          %swap3A_108 = vector.shape_cast %shift_right_arithmetic3A_104 : vector<16xi32> to vector<16xi32>
          tpu.vector_store %arg10[%swap3A_105], %swap3A_108 {strides = array<i32>} : memref<128xi32, #tpu.memory_space<vmem>>, vector<16xi32>,
          %mul3A_109 = arith.constant 128 : i32
          %mul3A_110 = arith.muli %while3A_54, %mul3A_109 : i32
          %add3A_111 = arith.constant 64 : i32
          %add3A_112 = arith.addi %mul3A_110, %add3A_111 : i32
          %get3A_113 = arith.index_cast %add3A_112 : i32 to index
          %get3A_114 = tpu.vector_load %arg8[%get3A_113] {strides = array<i32>} : memref<6160xi32, #tpu.memory_space<vmem>>, vector<16xi32>,
          %get3A_115 = vector.shape_cast %get3A_114 : vector<16xi32> to vector<16xi32>
          %shift_right_arithmetic3A_116 = arith.constant 10 : i32
          %shift_right_arithmetic3A_117 = vector.broadcast %shift_right_arithmetic3A_116 : i32 to vector<16xi32>
          %shift_right_arithmetic3A_118 = arith.shrsi %get3A_115, %shift_right_arithmetic3A_117 : vector<16xi32>
          %swap3A_119 = arith.constant 64 : index
          %swap3A_120 = tpu.vector_load %arg10[%swap3A_119] {strides = array<i32>} : memref<128xi32, #tpu.memory_space<vmem>>, vector<16xi32>,
          %swap3A_121 = vector.shape_cast %swap3A_120 : vector<16xi32> to vector<16xi32>
          %swap3A_122 = vector.shape_cast %shift_right_arithmetic3A_118 : vector<16xi32> to vector<16xi32>
          tpu.vector_store %arg10[%swap3A_119], %swap3A_122 {strides = array<i32>} : memref<128xi32, #tpu.memory_space<vmem>>, vector<16xi32>,
          %mul3A_123 = arith.constant 128 : i32
          %mul3A_124 = arith.muli %while3A_54, %mul3A_123 : i32
          %add3A_125 = arith.constant 80 : i32
          %add3A_126 = arith.addi %mul3A_124, %add3A_125 : i32
          %get3A_127 = arith.index_cast %add3A_126 : i32 to index
          %get3A_128 = tpu.vector_load %arg8[%get3A_127] {strides = array<i32>} : memref<6160xi32, #tpu.memory_space<vmem>>, vector<16xi32>,
          %get3A_129 = vector.shape_cast %get3A_128 : vector<16xi32> to vector<16xi32>
          %shift_right_arithmetic3A_130 = arith.constant 10 : i32
          %shift_right_arithmetic3A_131 = vector.broadcast %shift_right_arithmetic3A_130 : i32 to vector<16xi32>
          %shift_right_arithmetic3A_132 = arith.shrsi %get3A_129, %shift_right_arithmetic3A_131 : vector<16xi32>
          %swap3A_133 = arith.constant 80 : index
          %swap3A_134 = tpu.vector_load %arg10[%swap3A_133] {strides = array<i32>} : memref<128xi32, #tpu.memory_space<vmem>>, vector<16xi32>,
          %swap3A_135 = vector.shape_cast %swap3A_134 : vector<16xi32> to vector<16xi32>
          %swap3A_136 = vector.shape_cast %shift_right_arithmetic3A_132 : vector<16xi32> to vector<16xi32>
          tpu.vector_store %arg10[%swap3A_133], %swap3A_136 {strides = array<i32>} : memref<128xi32, #tpu.memory_space<vmem>>, vector<16xi32>,
          %mul3A_137 = arith.constant 128 : i32
          %mul3A_138 = arith.muli %while3A_54, %mul3A_137 : i32
          %add3A_139 = arith.constant 96 : i32
          %add3A_140 = arith.addi %mul3A_138, %add3A_139 : i32
          %get3A_141 = arith.index_cast %add3A_140 : i32 to index
          %get3A_142 = tpu.vector_load %arg8[%get3A_141] {strides = array<i32>} : memref<6160xi32, #tpu.memory_space<vmem>>, vector<16xi32>,
          %get3A_143 = vector.shape_cast %get3A_142 : vector<16xi32> to vector<16xi32>
          %shift_right_arithmetic3A_144 = arith.constant 10 : i32
          %shift_right_arithmetic3A_145 = vector.broadcast %shift_right_arithmetic3A_144 : i32 to vector<16xi32>
          %shift_right_arithmetic3A_146 = arith.shrsi %get3A_143, %shift_right_arithmetic3A_145 : vector<16xi32>
          %swap3A_147 = arith.constant 96 : index
          %swap3A_148 = tpu.vector_load %arg10[%swap3A_147] {strides = array<i32>} : memref<128xi32, #tpu.memory_space<vmem>>, vector<16xi32>,
          %swap3A_149 = vector.shape_cast %swap3A_148 : vector<16xi32> to vector<16xi32>
          %swap3A_150 = vector.shape_cast %shift_right_arithmetic3A_146 : vector<16xi32> to vector<16xi32>
          tpu.vector_store %arg10[%swap3A_147], %swap3A_150 {strides = array<i32>} : memref<128xi32, #tpu.memory_space<vmem>>, vector<16xi32>,
          %mul3A_151 = arith.constant 128 : i32
          %mul3A_152 = arith.muli %while3A_54, %mul3A_151 : i32
          %add3A_153 = arith.constant 112 : i32
          %add3A_154 = arith.addi %mul3A_152, %add3A_153 : i32
          %get3A_155 = arith.index_cast %add3A_154 : i32 to index
          %get3A_156 = tpu.vector_load %arg8[%get3A_155] {strides = array<i32>} : memref<6160xi32, #tpu.memory_space<vmem>>, vector<16xi32>,
          %get3A_157 = vector.shape_cast %get3A_156 : vector<16xi32> to vector<16xi32>
          %shift_right_arithmetic3A_158 = arith.constant 10 : i32
          %shift_right_arithmetic3A_159 = vector.broadcast %shift_right_arithmetic3A_158 : i32 to vector<16xi32>
          %shift_right_arithmetic3A_160 = arith.shrsi %get3A_157, %shift_right_arithmetic3A_159 : vector<16xi32>
          %swap3A_161 = arith.constant 112 : index
          %swap3A_162 = tpu.vector_load %arg10[%swap3A_161] {strides = array<i32>} : memref<128xi32, #tpu.memory_space<vmem>>, vector<16xi32>,
          %swap3A_163 = vector.shape_cast %swap3A_162 : vector<16xi32> to vector<16xi32>
          %swap3A_164 = vector.shape_cast %shift_right_arithmetic3A_160 : vector<16xi32> to vector<16xi32>
          tpu.vector_store %arg10[%swap3A_161], %swap3A_164 {strides = array<i32>} : memref<128xi32, #tpu.memory_space<vmem>>, vector<16xi32>,
          "tpu.region"() ({
            %run_scoped3A = tpu.sem_alloc : memref<!tpu.dma_semaphore, #tpu.memory_space<semaphore_mem>>
            %dma_start3A = arith.constant 0 : i32
            %dma_start3A_171 = arith.constant 0 : i32
            %dma_start3A_172 = tpu.memref_slice %arg2[%dma_start3A, %dma_start3A_171] : memref<10240x128xf32, #tpu.memory_space<hbm>> -> memref<10240x128xf32, #tpu.memory_space<hbm>>
            tpu.enqueue_indirect_dma source(%dma_start3A_172 : memref<10240x128xf32, #tpu.memory_space<hbm>>) target(%arg11 : memref<128x128xf32, #tpu.memory_space<vmem>>) offsets(%arg10 : memref<128xi32, #tpu.memory_space<vmem>>) semaphore(%run_scoped3A : memref<!tpu.dma_semaphore, #tpu.memory_space<semaphore_mem>>)
            %dma_wait3A = arith.constant 0 : i32
            %dma_wait3A_173 = arith.constant 0 : i32
            %dma_wait3A_174 = tpu.memref_slice %arg2[%dma_wait3A, %dma_wait3A_173] : memref<10240x128xf32, #tpu.memory_space<hbm>> -> memref<10240x128xf32, #tpu.memory_space<hbm>>
            tpu.wait_indirect_dma semaphore(%run_scoped3A : memref<!tpu.dma_semaphore, #tpu.memory_space<semaphore_mem>>) src(%dma_wait3A_174 : memref<10240x128xf32, #tpu.memory_space<hbm>>) dst(%arg11 : memref<128x128xf32, #tpu.memory_space<vmem>>)
            tpu.yield
          }) : () -> ()
          %scan3A_165 = arith.constant 0 : i32
          %scan3A_166 = arith.constant 0 : i32
          %scan3A_167 = arith.constant 128 : i32
          %scan3A_168 = arith.addi %scan3A_166, %scan3A_167 : i32
          %scan3A_169 = arith.constant 1 : i32
          scf.for %scan3A_171 = %scan3A_166 to %scan3A_168 step %scan3A_169  : i32 {
            %mul3A_172 = arith.constant 128 : i32
            %mul3A_173 = arith.muli %while3A_54, %mul3A_172 : i32
            %add3A_174 = arith.addi %mul3A_173, %scan3A_171 : i32
            %get3A_175 = arith.index_cast %add3A_174 : i32 to index
            %get3A_176 = tpu.vector_load %arg8[%get3A_175] {strides = array<i32>} : memref<6160xi32, #tpu.memory_space<vmem>>, vector<16xi32>,
            %get3A_177 = vector.shape_cast %get3A_176 : vector<16xi32> to vector<16xi32>
            %slice3A_178 = vector.extract_strided_slice %get3A_177 {offsets = [0], sizes = [1], strides = [1]} : vector<16xi32> to vector<1xi32>
            %squeeze3A_179 = vector.extract %slice3A_178[0] : i32 from vector<1xi32>
            %and3A_180 = arith.constant 1023 : i32
            %and3A_181 = arith.andi %squeeze3A_179, %and3A_180 : i32
            %get3A_182 = arith.index_cast %scan3A_171 : i32 to index
            %get3A_183 = arith.constant 0 : index
            %get3A_184 = tpu.vector_load %arg11[%get3A_182, %get3A_183] {strides = array<i32>} : memref<128x128xf32, #tpu.memory_space<vmem>>, vector<1x16xf32>,
            %get3A_185 = vector.shape_cast %get3A_184 : vector<1x16xf32> to vector<16xf32>
            %swap3A_186 = arith.index_cast %and3A_181 : i32 to index
            %swap3A_187 = arith.constant 0 : index
            %swap3A_188 = tpu.vector_load %arg12[%swap3A_186, %swap3A_187] {strides = array<i32>} : memref<648x128xf32, #tpu.memory_space<vmem>>, vector<1x16xf32>,
            %swap3A_189 = vector.shape_cast %swap3A_188 : vector<1x16xf32> to vector<16xf32>
            %swap3A_190 = vector.shape_cast %get3A_185 : vector<16xf32> to vector<1x16xf32>
            tpu.vector_store %arg12[%swap3A_186, %swap3A_187], %swap3A_190 {add = true, strides = array<i32>} : memref<648x128xf32, #tpu.memory_space<vmem>>, vector<1x16xf32>,
            %get3A_191 = arith.index_cast %scan3A_171 : i32 to index
            %get3A_192 = arith.constant 16 : index
            %get3A_193 = tpu.vector_load %arg11[%get3A_191, %get3A_192] {strides = array<i32>} : memref<128x128xf32, #tpu.memory_space<vmem>>, vector<1x16xf32>,
            %get3A_194 = vector.shape_cast %get3A_193 : vector<1x16xf32> to vector<16xf32>
            %swap3A_195 = arith.index_cast %and3A_181 : i32 to index
            %swap3A_196 = arith.constant 16 : index
            %swap3A_197 = tpu.vector_load %arg12[%swap3A_195, %swap3A_196] {strides = array<i32>} : memref<648x128xf32, #tpu.memory_space<vmem>>, vector<1x16xf32>,
            %swap3A_198 = vector.shape_cast %swap3A_197 : vector<1x16xf32> to vector<16xf32>
            %swap3A_199 = vector.shape_cast %get3A_194 : vector<16xf32> to vector<1x16xf32>
            tpu.vector_store %arg12[%swap3A_195, %swap3A_196], %swap3A_199 {add = true, strides = array<i32>} : memref<648x128xf32, #tpu.memory_space<vmem>>, vector<1x16xf32>,
            %get3A_200 = arith.index_cast %scan3A_171 : i32 to index
            %get3A_201 = arith.constant 32 : index
            %get3A_202 = tpu.vector_load %arg11[%get3A_200, %get3A_201] {strides = array<i32>} : memref<128x128xf32, #tpu.memory_space<vmem>>, vector<1x16xf32>,
            %get3A_203 = vector.shape_cast %get3A_202 : vector<1x16xf32> to vector<16xf32>
            %swap3A_204 = arith.index_cast %and3A_181 : i32 to index
            %swap3A_205 = arith.constant 32 : index
            %swap3A_206 = tpu.vector_load %arg12[%swap3A_204, %swap3A_205] {strides = array<i32>} : memref<648x128xf32, #tpu.memory_space<vmem>>, vector<1x16xf32>,
            %swap3A_207 = vector.shape_cast %swap3A_206 : vector<1x16xf32> to vector<16xf32>
            %swap3A_208 = vector.shape_cast %get3A_203 : vector<16xf32> to vector<1x16xf32>
            tpu.vector_store %arg12[%swap3A_204, %swap3A_205], %swap3A_208 {add = true, strides = array<i32>} : memref<648x128xf32, #tpu.memory_space<vmem>>, vector<1x16xf32>,
            %get3A_209 = arith.index_cast %scan3A_171 : i32 to index
            %get3A_210 = arith.constant 48 : index
            %get3A_211 = tpu.vector_load %arg11[%get3A_209, %get3A_210] {strides = array<i32>} : memref<128x128xf32, #tpu.memory_space<vmem>>, vector<1x16xf32>,
            %get3A_212 = vector.shape_cast %get3A_211 : vector<1x16xf32> to vector<16xf32>
            %swap3A_213 = arith.index_cast %and3A_181 : i32 to index
            %swap3A_214 = arith.constant 48 : index
            %swap3A_215 = tpu.vector_load %arg12[%swap3A_213, %swap3A_214] {strides = array<i32>} : memref<648x128xf32, #tpu.memory_space<vmem>>, vector<1x16xf32>,
            %swap3A_216 = vector.shape_cast %swap3A_215 : vector<1x16xf32> to vector<16xf32>
            %swap3A_217 = vector.shape_cast %get3A_212 : vector<16xf32> to vector<1x16xf32>
            tpu.vector_store %arg12[%swap3A_213, %swap3A_214], %swap3A_217 {add = true, strides = array<i32>} : memref<648x128xf32, #tpu.memory_space<vmem>>, vector<1x16xf32>,
            %get3A_218 = arith.index_cast %scan3A_171 : i32 to index
            %get3A_219 = arith.constant 64 : index
            %get3A_220 = tpu.vector_load %arg11[%get3A_218, %get3A_219] {strides = array<i32>} : memref<128x128xf32, #tpu.memory_space<vmem>>, vector<1x16xf32>,
            %get3A_221 = vector.shape_cast %get3A_220 : vector<1x16xf32> to vector<16xf32>
            %swap3A_222 = arith.index_cast %and3A_181 : i32 to index
            %swap3A_223 = arith.constant 64 : index
            %swap3A_224 = tpu.vector_load %arg12[%swap3A_222, %swap3A_223] {strides = array<i32>} : memref<648x128xf32, #tpu.memory_space<vmem>>, vector<1x16xf32>,
            %swap3A_225 = vector.shape_cast %swap3A_224 : vector<1x16xf32> to vector<16xf32>
            %swap3A_226 = vector.shape_cast %get3A_221 : vector<16xf32> to vector<1x16xf32>
            tpu.vector_store %arg12[%swap3A_222, %swap3A_223], %swap3A_226 {add = true, strides = array<i32>} : memref<648x128xf32, #tpu.memory_space<vmem>>, vector<1x16xf32>,
            %get3A_227 = arith.index_cast %scan3A_171 : i32 to index
            %get3A_228 = arith.constant 80 : index
            %get3A_229 = tpu.vector_load %arg11[%get3A_227, %get3A_228] {strides = array<i32>} : memref<128x128xf32, #tpu.memory_space<vmem>>, vector<1x16xf32>,
            %get3A_230 = vector.shape_cast %get3A_229 : vector<1x16xf32> to vector<16xf32>
            %swap3A_231 = arith.index_cast %and3A_181 : i32 to index
            %swap3A_232 = arith.constant 80 : index
            %swap3A_233 = tpu.vector_load %arg12[%swap3A_231, %swap3A_232] {strides = array<i32>} : memref<648x128xf32, #tpu.memory_space<vmem>>, vector<1x16xf32>,
            %swap3A_234 = vector.shape_cast %swap3A_233 : vector<1x16xf32> to vector<16xf32>
            %swap3A_235 = vector.shape_cast %get3A_230 : vector<16xf32> to vector<1x16xf32>
            tpu.vector_store %arg12[%swap3A_231, %swap3A_232], %swap3A_235 {add = true, strides = array<i32>} : memref<648x128xf32, #tpu.memory_space<vmem>>, vector<1x16xf32>,
            %get3A_236 = arith.index_cast %scan3A_171 : i32 to index
            %get3A_237 = arith.constant 96 : index
            %get3A_238 = tpu.vector_load %arg11[%get3A_236, %get3A_237] {strides = array<i32>} : memref<128x128xf32, #tpu.memory_space<vmem>>, vector<1x16xf32>,
            %get3A_239 = vector.shape_cast %get3A_238 : vector<1x16xf32> to vector<16xf32>
            %swap3A_240 = arith.index_cast %and3A_181 : i32 to index
            %swap3A_241 = arith.constant 96 : index
            %swap3A_242 = tpu.vector_load %arg12[%swap3A_240, %swap3A_241] {strides = array<i32>} : memref<648x128xf32, #tpu.memory_space<vmem>>, vector<1x16xf32>,
            %swap3A_243 = vector.shape_cast %swap3A_242 : vector<1x16xf32> to vector<16xf32>
            %swap3A_244 = vector.shape_cast %get3A_239 : vector<16xf32> to vector<1x16xf32>
            tpu.vector_store %arg12[%swap3A_240, %swap3A_241], %swap3A_244 {add = true, strides = array<i32>} : memref<648x128xf32, #tpu.memory_space<vmem>>, vector<1x16xf32>,
            %get3A_245 = arith.index_cast %scan3A_171 : i32 to index
            %get3A_246 = arith.constant 112 : index
            %get3A_247 = tpu.vector_load %arg11[%get3A_245, %get3A_246] {strides = array<i32>} : memref<128x128xf32, #tpu.memory_space<vmem>>, vector<1x16xf32>,
            %get3A_248 = vector.shape_cast %get3A_247 : vector<1x16xf32> to vector<16xf32>
            %swap3A_249 = arith.index_cast %and3A_181 : i32 to index
            %swap3A_250 = arith.constant 112 : index
            %swap3A_251 = tpu.vector_load %arg12[%swap3A_249, %swap3A_250] {strides = array<i32>} : memref<648x128xf32, #tpu.memory_space<vmem>>, vector<1x16xf32>,
            %swap3A_252 = vector.shape_cast %swap3A_251 : vector<1x16xf32> to vector<16xf32>
            %swap3A_253 = vector.shape_cast %get3A_248 : vector<16xf32> to vector<1x16xf32>
            tpu.vector_store %arg12[%swap3A_249, %swap3A_250], %swap3A_253 {add = true, strides = array<i32>} : memref<648x128xf32, #tpu.memory_space<vmem>>, vector<1x16xf32>,
          }
          %scan3A_170 = arith.constant 128 : i32
        }
        %while3A_53 = arith.constant 1 : i32
        scf.for %while3A_54 = %while3A_51 to %while3A_47 step %while3A_53  : i32 {
          %mul3A_55 = arith.constant 128 : i32
          %mul3A_56 = arith.muli %while3A_54, %mul3A_55 : i32
          %add3A_57 = arith.constant 0 : i32
          %add3A_58 = arith.addi %mul3A_56, %add3A_57 : i32
          %get3A_59 = arith.index_cast %add3A_58 : i32 to index
          %get3A_60 = tpu.vector_load %arg8[%get3A_59] {strides = array<i32>} : memref<6160xi32, #tpu.memory_space<vmem>>, vector<16xi32>,
          %get3A_61 = vector.shape_cast %get3A_60 : vector<16xi32> to vector<16xi32>
          %shift_right_arithmetic3A = arith.constant 10 : i32
          %shift_right_arithmetic3A_62 = vector.broadcast %shift_right_arithmetic3A : i32 to vector<16xi32>
          %shift_right_arithmetic3A_63 = arith.shrsi %get3A_61, %shift_right_arithmetic3A_62 : vector<16xi32>
          %swap3A = arith.constant 0 : index
          %swap3A_64 = tpu.vector_load %arg10[%swap3A] {strides = array<i32>} : memref<128xi32, #tpu.memory_space<vmem>>, vector<16xi32>,
          %swap3A_65 = vector.shape_cast %swap3A_64 : vector<16xi32> to vector<16xi32>
          %swap3A_66 = vector.shape_cast %shift_right_arithmetic3A_63 : vector<16xi32> to vector<16xi32>
          tpu.vector_store %arg10[%swap3A], %swap3A_66 {strides = array<i32>} : memref<128xi32, #tpu.memory_space<vmem>>, vector<16xi32>,
          %mul3A_67 = arith.constant 128 : i32
          %mul3A_68 = arith.muli %while3A_54, %mul3A_67 : i32
          %add3A_69 = arith.constant 16 : i32
          %add3A_70 = arith.addi %mul3A_68, %add3A_69 : i32
          %get3A_71 = arith.index_cast %add3A_70 : i32 to index
          %get3A_72 = tpu.vector_load %arg8[%get3A_71] {strides = array<i32>} : memref<6160xi32, #tpu.memory_space<vmem>>, vector<16xi32>,
          %get3A_73 = vector.shape_cast %get3A_72 : vector<16xi32> to vector<16xi32>
          %shift_right_arithmetic3A_74 = arith.constant 10 : i32
          %shift_right_arithmetic3A_75 = vector.broadcast %shift_right_arithmetic3A_74 : i32 to vector<16xi32>
          %shift_right_arithmetic3A_76 = arith.shrsi %get3A_73, %shift_right_arithmetic3A_75 : vector<16xi32>
          %swap3A_77 = arith.constant 16 : index
          %swap3A_78 = tpu.vector_load %arg10[%swap3A_77] {strides = array<i32>} : memref<128xi32, #tpu.memory_space<vmem>>, vector<16xi32>,
          %swap3A_79 = vector.shape_cast %swap3A_78 : vector<16xi32> to vector<16xi32>
          %swap3A_80 = vector.shape_cast %shift_right_arithmetic3A_76 : vector<16xi32> to vector<16xi32>
          tpu.vector_store %arg10[%swap3A_77], %swap3A_80 {strides = array<i32>} : memref<128xi32, #tpu.memory_space<vmem>>, vector<16xi32>,
          %mul3A_81 = arith.constant 128 : i32
          %mul3A_82 = arith.muli %while3A_54, %mul3A_81 : i32
          %add3A_83 = arith.constant 32 : i32
          %add3A_84 = arith.addi %mul3A_82, %add3A_83 : i32
          %get3A_85 = arith.index_cast %add3A_84 : i32 to index
          %get3A_86 = tpu.vector_load %arg8[%get3A_85] {strides = array<i32>} : memref<6160xi32, #tpu.memory_space<vmem>>, vector<16xi32>,
          %get3A_87 = vector.shape_cast %get3A_86 : vector<16xi32> to vector<16xi32>
          %shift_right_arithmetic3A_88 = arith.constant 10 : i32
          %shift_right_arithmetic3A_89 = vector.broadcast %shift_right_arithmetic3A_88 : i32 to vector<16xi32>
          %shift_right_arithmetic3A_90 = arith.shrsi %get3A_87, %shift_right_arithmetic3A_89 : vector<16xi32>
          %swap3A_91 = arith.constant 32 : index
          %swap3A_92 = tpu.vector_load %arg10[%swap3A_91] {strides = array<i32>} : memref<128xi32, #tpu.memory_space<vmem>>, vector<16xi32>,
          %swap3A_93 = vector.shape_cast %swap3A_92 : vector<16xi32> to vector<16xi32>
          %swap3A_94 = vector.shape_cast %shift_right_arithmetic3A_90 : vector<16xi32> to vector<16xi32>
          tpu.vector_store %arg10[%swap3A_91], %swap3A_94 {strides = array<i32>} : memref<128xi32, #tpu.memory_space<vmem>>, vector<16xi32>,
          %mul3A_95 = arith.constant 128 : i32
          %mul3A_96 = arith.muli %while3A_54, %mul3A_95 : i32
          %add3A_97 = arith.constant 48 : i32
          %add3A_98 = arith.addi %mul3A_96, %add3A_97 : i32
          %get3A_99 = arith.index_cast %add3A_98 : i32 to index
          %get3A_100 = tpu.vector_load %arg8[%get3A_99] {strides = array<i32>} : memref<6160xi32, #tpu.memory_space<vmem>>, vector<16xi32>,
          %get3A_101 = vector.shape_cast %get3A_100 : vector<16xi32> to vector<16xi32>
          %shift_right_arithmetic3A_102 = arith.constant 10 : i32
          %shift_right_arithmetic3A_103 = vector.broadcast %shift_right_arithmetic3A_102 : i32 to vector<16xi32>
          %shift_right_arithmetic3A_104 = arith.shrsi %get3A_101, %shift_right_arithmetic3A_103 : vector<16xi32>
          %swap3A_105 = arith.constant 48 : index
          %swap3A_106 = tpu.vector_load %arg10[%swap3A_105] {strides = array<i32>} : memref<128xi32, #tpu.memory_space<vmem>>, vector<16xi32>,
          %swap3A_107 = vector.shape_cast %swap3A_106 : vector<16xi32> to vector<16xi32>
          %swap3A_108 = vector.shape_cast %shift_right_arithmetic3A_104 : vector<16xi32> to vector<16xi32>
          tpu.vector_store %arg10[%swap3A_105], %swap3A_108 {strides = array<i32>} : memref<128xi32, #tpu.memory_space<vmem>>, vector<16xi32>,
          %mul3A_109 = arith.constant 128 : i32
          %mul3A_110 = arith.muli %while3A_54, %mul3A_109 : i32
          %add3A_111 = arith.constant 64 : i32
          %add3A_112 = arith.addi %mul3A_110, %add3A_111 : i32
          %get3A_113 = arith.index_cast %add3A_112 : i32 to index
          %get3A_114 = tpu.vector_load %arg8[%get3A_113] {strides = array<i32>} : memref<6160xi32, #tpu.memory_space<vmem>>, vector<16xi32>,
          %get3A_115 = vector.shape_cast %get3A_114 : vector<16xi32> to vector<16xi32>
          %shift_right_arithmetic3A_116 = arith.constant 10 : i32
          %shift_right_arithmetic3A_117 = vector.broadcast %shift_right_arithmetic3A_116 : i32 to vector<16xi32>
          %shift_right_arithmetic3A_118 = arith.shrsi %get3A_115, %shift_right_arithmetic3A_117 : vector<16xi32>
          %swap3A_119 = arith.constant 64 : index
          %swap3A_120 = tpu.vector_load %arg10[%swap3A_119] {strides = array<i32>} : memref<128xi32, #tpu.memory_space<vmem>>, vector<16xi32>,
          %swap3A_121 = vector.shape_cast %swap3A_120 : vector<16xi32> to vector<16xi32>
          %swap3A_122 = vector.shape_cast %shift_right_arithmetic3A_118 : vector<16xi32> to vector<16xi32>
          tpu.vector_store %arg10[%swap3A_119], %swap3A_122 {strides = array<i32>} : memref<128xi32, #tpu.memory_space<vmem>>, vector<16xi32>,
          %mul3A_123 = arith.constant 128 : i32
          %mul3A_124 = arith.muli %while3A_54, %mul3A_123 : i32
          %add3A_125 = arith.constant 80 : i32
          %add3A_126 = arith.addi %mul3A_124, %add3A_125 : i32
          %get3A_127 = arith.index_cast %add3A_126 : i32 to index
          %get3A_128 = tpu.vector_load %arg8[%get3A_127] {strides = array<i32>} : memref<6160xi32, #tpu.memory_space<vmem>>, vector<16xi32>,
          %get3A_129 = vector.shape_cast %get3A_128 : vector<16xi32> to vector<16xi32>
          %shift_right_arithmetic3A_130 = arith.constant 10 : i32
          %shift_right_arithmetic3A_131 = vector.broadcast %shift_right_arithmetic3A_130 : i32 to vector<16xi32>
          %shift_right_arithmetic3A_132 = arith.shrsi %get3A_129, %shift_right_arithmetic3A_131 : vector<16xi32>
          %swap3A_133 = arith.constant 80 : index
          %swap3A_134 = tpu.vector_load %arg10[%swap3A_133] {strides = array<i32>} : memref<128xi32, #tpu.memory_space<vmem>>, vector<16xi32>,
          %swap3A_135 = vector.shape_cast %swap3A_134 : vector<16xi32> to vector<16xi32>
          %swap3A_136 = vector.shape_cast %shift_right_arithmetic3A_132 : vector<16xi32> to vector<16xi32>
          tpu.vector_store %arg10[%swap3A_133], %swap3A_136 {strides = array<i32>} : memref<128xi32, #tpu.memory_space<vmem>>, vector<16xi32>,
          %mul3A_137 = arith.constant 128 : i32
          %mul3A_138 = arith.muli %while3A_54, %mul3A_137 : i32
          %add3A_139 = arith.constant 96 : i32
          %add3A_140 = arith.addi %mul3A_138, %add3A_139 : i32
          %get3A_141 = arith.index_cast %add3A_140 : i32 to index
          %get3A_142 = tpu.vector_load %arg8[%get3A_141] {strides = array<i32>} : memref<6160xi32, #tpu.memory_space<vmem>>, vector<16xi32>,
          %get3A_143 = vector.shape_cast %get3A_142 : vector<16xi32> to vector<16xi32>
          %shift_right_arithmetic3A_144 = arith.constant 10 : i32
          %shift_right_arithmetic3A_145 = vector.broadcast %shift_right_arithmetic3A_144 : i32 to vector<16xi32>
          %shift_right_arithmetic3A_146 = arith.shrsi %get3A_143, %shift_right_arithmetic3A_145 : vector<16xi32>
          %swap3A_147 = arith.constant 96 : index
          %swap3A_148 = tpu.vector_load %arg10[%swap3A_147] {strides = array<i32>} : memref<128xi32, #tpu.memory_space<vmem>>, vector<16xi32>,
          %swap3A_149 = vector.shape_cast %swap3A_148 : vector<16xi32> to vector<16xi32>
          %swap3A_150 = vector.shape_cast %shift_right_arithmetic3A_146 : vector<16xi32> to vector<16xi32>
          tpu.vector_store %arg10[%swap3A_147], %swap3A_150 {strides = array<i32>} : memref<128xi32, #tpu.memory_space<vmem>>, vector<16xi32>,
          %mul3A_151 = arith.constant 128 : i32
          %mul3A_152 = arith.muli %while3A_54, %mul3A_151 : i32
          %add3A_153 = arith.constant 112 : i32
          %add3A_154 = arith.addi %mul3A_152, %add3A_153 : i32
          %get3A_155 = arith.index_cast %add3A_154 : i32 to index
          %get3A_156 = tpu.vector_load %arg8[%get3A_155] {strides = array<i32>} : memref<6160xi32, #tpu.memory_space<vmem>>, vector<16xi32>,
          %get3A_157 = vector.shape_cast %get3A_156 : vector<16xi32> to vector<16xi32>
          %shift_right_arithmetic3A_158 = arith.constant 10 : i32
          %shift_right_arithmetic3A_159 = vector.broadcast %shift_right_arithmetic3A_158 : i32 to vector<16xi32>
          %shift_right_arithmetic3A_160 = arith.shrsi %get3A_157, %shift_right_arithmetic3A_159 : vector<16xi32>
          %swap3A_161 = arith.constant 112 : index
          %swap3A_162 = tpu.vector_load %arg10[%swap3A_161] {strides = array<i32>} : memref<128xi32, #tpu.memory_space<vmem>>, vector<16xi32>,
          %swap3A_163 = vector.shape_cast %swap3A_162 : vector<16xi32> to vector<16xi32>
          %swap3A_164 = vector.shape_cast %shift_right_arithmetic3A_160 : vector<16xi32> to vector<16xi32>
          tpu.vector_store %arg10[%swap3A_161], %swap3A_164 {strides = array<i32>} : memref<128xi32, #tpu.memory_space<vmem>>, vector<16xi32>,
          "tpu.region"() ({
            %run_scoped3A = tpu.sem_alloc : memref<!tpu.dma_semaphore, #tpu.memory_space<semaphore_mem>>
            %dma_start3A = arith.constant 0 : i32
            %dma_start3A_171 = arith.constant 0 : i32
            %dma_start3A_172 = tpu.memref_slice %arg2[%dma_start3A, %dma_start3A_171] : memref<10240x128xf32, #tpu.memory_space<hbm>> -> memref<10240x128xf32, #tpu.memory_space<hbm>>
            tpu.enqueue_indirect_dma source(%dma_start3A_172 : memref<10240x128xf32, #tpu.memory_space<hbm>>) target(%arg11 : memref<128x128xf32, #tpu.memory_space<vmem>>) offsets(%arg10 : memref<128xi32, #tpu.memory_space<vmem>>) semaphore(%run_scoped3A : memref<!tpu.dma_semaphore, #tpu.memory_space<semaphore_mem>>)
            %dma_wait3A = arith.constant 0 : i32
            %dma_wait3A_173 = arith.constant 0 : i32
            %dma_wait3A_174 = tpu.memref_slice %arg2[%dma_wait3A, %dma_wait3A_173] : memref<10240x128xf32, #tpu.memory_space<hbm>> -> memref<10240x128xf32, #tpu.memory_space<hbm>>
            tpu.wait_indirect_dma semaphore(%run_scoped3A : memref<!tpu.dma_semaphore, #tpu.memory_space<semaphore_mem>>) src(%dma_wait3A_174 : memref<10240x128xf32, #tpu.memory_space<hbm>>) dst(%arg11 : memref<128x128xf32, #tpu.memory_space<vmem>>)
            tpu.yield
          }) : () -> ()
          %scan3A_165 = arith.constant 0 : i32
          %scan3A_166 = arith.constant 0 : i32
          %scan3A_167 = arith.constant 128 : i32
          %scan3A_168 = arith.addi %scan3A_166, %scan3A_167 : i32
          %scan3A_169 = arith.constant 1 : i32
          scf.for %scan3A_171 = %scan3A_166 to %scan3A_168 step %scan3A_169  : i32 {
            %mul3A_172 = arith.constant 128 : i32
            %mul3A_173 = arith.muli %while3A_54, %mul3A_172 : i32
            %add3A_174 = arith.addi %mul3A_173, %scan3A_171 : i32
            %get3A_175 = arith.index_cast %add3A_174 : i32 to index
            %get3A_176 = tpu.vector_load %arg8[%get3A_175] {strides = array<i32>} : memref<6160xi32, #tpu.memory_space<vmem>>, vector<16xi32>,
            %get3A_177 = vector.shape_cast %get3A_176 : vector<16xi32> to vector<16xi32>
            %slice3A_178 = vector.extract_strided_slice %get3A_177 {offsets = [0], sizes = [1], strides = [1]} : vector<16xi32> to vector<1xi32>
            %squeeze3A_179 = vector.extract %slice3A_178[0] : i32 from vector<1xi32>
            %and3A_180 = arith.constant 1023 : i32
            %and3A_181 = arith.andi %squeeze3A_179, %and3A_180 : i32
            %get3A_182 = arith.index_cast %scan3A_171 : i32 to index
            %get3A_183 = arith.constant 0 : index
            %get3A_184 = tpu.vector_load %arg11[%get3A_182, %get3A_183] {strides = array<i32>} : memref<128x128xf32, #tpu.memory_space<vmem>>, vector<1x16xf32>,
            %get3A_185 = vector.shape_cast %get3A_184 : vector<1x16xf32> to vector<16xf32>
            %swap3A_186 = arith.index_cast %and3A_181 : i32 to index
            %swap3A_187 = arith.constant 0 : index
            %swap3A_188 = tpu.vector_load %arg12[%swap3A_186, %swap3A_187] {strides = array<i32>} : memref<648x128xf32, #tpu.memory_space<vmem>>, vector<1x16xf32>,
            %swap3A_189 = vector.shape_cast %swap3A_188 : vector<1x16xf32> to vector<16xf32>
            %swap3A_190 = vector.shape_cast %get3A_185 : vector<16xf32> to vector<1x16xf32>
            tpu.vector_store %arg12[%swap3A_186, %swap3A_187], %swap3A_190 {add = true, strides = array<i32>} : memref<648x128xf32, #tpu.memory_space<vmem>>, vector<1x16xf32>,
            %get3A_191 = arith.index_cast %scan3A_171 : i32 to index
            %get3A_192 = arith.constant 16 : index
            %get3A_193 = tpu.vector_load %arg11[%get3A_191, %get3A_192] {strides = array<i32>} : memref<128x128xf32, #tpu.memory_space<vmem>>, vector<1x16xf32>,
            %get3A_194 = vector.shape_cast %get3A_193 : vector<1x16xf32> to vector<16xf32>
            %swap3A_195 = arith.index_cast %and3A_181 : i32 to index
            %swap3A_196 = arith.constant 16 : index
            %swap3A_197 = tpu.vector_load %arg12[%swap3A_195, %swap3A_196] {strides = array<i32>} : memref<648x128xf32, #tpu.memory_space<vmem>>, vector<1x16xf32>,
            %swap3A_198 = vector.shape_cast %swap3A_197 : vector<1x16xf32> to vector<16xf32>
            %swap3A_199 = vector.shape_cast %get3A_194 : vector<16xf32> to vector<1x16xf32>
            tpu.vector_store %arg12[%swap3A_195, %swap3A_196], %swap3A_199 {add = true, strides = array<i32>} : memref<648x128xf32, #tpu.memory_space<vmem>>, vector<1x16xf32>,
            %get3A_200 = arith.index_cast %scan3A_171 : i32 to index
            %get3A_201 = arith.constant 32 : index
            %get3A_202 = tpu.vector_load %arg11[%get3A_200, %get3A_201] {strides = array<i32>} : memref<128x128xf32, #tpu.memory_space<vmem>>, vector<1x16xf32>,
            %get3A_203 = vector.shape_cast %get3A_202 : vector<1x16xf32> to vector<16xf32>
            %swap3A_204 = arith.index_cast %and3A_181 : i32 to index
            %swap3A_205 = arith.constant 32 : index
            %swap3A_206 = tpu.vector_load %arg12[%swap3A_204, %swap3A_205] {strides = array<i32>} : memref<648x128xf32, #tpu.memory_space<vmem>>, vector<1x16xf32>,
            %swap3A_207 = vector.shape_cast %swap3A_206 : vector<1x16xf32> to vector<16xf32>
            %swap3A_208 = vector.shape_cast %get3A_203 : vector<16xf32> to vector<1x16xf32>
            tpu.vector_store %arg12[%swap3A_204, %swap3A_205], %swap3A_208 {add = true, strides = array<i32>} : memref<648x128xf32, #tpu.memory_space<vmem>>, vector<1x16xf32>,
            %get3A_209 = arith.index_cast %scan3A_171 : i32 to index
            %get3A_210 = arith.constant 48 : index
            %get3A_211 = tpu.vector_load %arg11[%get3A_209, %get3A_210] {strides = array<i32>} : memref<128x128xf32, #tpu.memory_space<vmem>>, vector<1x16xf32>,
            %get3A_212 = vector.shape_cast %get3A_211 : vector<1x16xf32> to vector<16xf32>
            %swap3A_213 = arith.index_cast %and3A_181 : i32 to index
            %swap3A_214 = arith.constant 48 : index
            %swap3A_215 = tpu.vector_load %arg12[%swap3A_213, %swap3A_214] {strides = array<i32>} : memref<648x128xf32, #tpu.memory_space<vmem>>, vector<1x16xf32>,
            %swap3A_216 = vector.shape_cast %swap3A_215 : vector<1x16xf32> to vector<16xf32>
            %swap3A_217 = vector.shape_cast %get3A_212 : vector<16xf32> to vector<1x16xf32>
            tpu.vector_store %arg12[%swap3A_213, %swap3A_214], %swap3A_217 {add = true, strides = array<i32>} : memref<648x128xf32, #tpu.memory_space<vmem>>, vector<1x16xf32>,
            %get3A_218 = arith.index_cast %scan3A_171 : i32 to index
            %get3A_219 = arith.constant 64 : index
            %get3A_220 = tpu.vector_load %arg11[%get3A_218, %get3A_219] {strides = array<i32>} : memref<128x128xf32, #tpu.memory_space<vmem>>, vector<1x16xf32>,
            %get3A_221 = vector.shape_cast %get3A_220 : vector<1x16xf32> to vector<16xf32>
            %swap3A_222 = arith.index_cast %and3A_181 : i32 to index
            %swap3A_223 = arith.constant 64 : index
            %swap3A_224 = tpu.vector_load %arg12[%swap3A_222, %swap3A_223] {strides = array<i32>} : memref<648x128xf32, #tpu.memory_space<vmem>>, vector<1x16xf32>,
            %swap3A_225 = vector.shape_cast %swap3A_224 : vector<1x16xf32> to vector<16xf32>
            %swap3A_226 = vector.shape_cast %get3A_221 : vector<16xf32> to vector<1x16xf32>
            tpu.vector_store %arg12[%swap3A_222, %swap3A_223], %swap3A_226 {add = true, strides = array<i32>} : memref<648x128xf32, #tpu.memory_space<vmem>>, vector<1x16xf32>,
            %get3A_227 = arith.index_cast %scan3A_171 : i32 to index
            %get3A_228 = arith.constant 80 : index
            %get3A_229 = tpu.vector_load %arg11[%get3A_227, %get3A_228] {strides = array<i32>} : memref<128x128xf32, #tpu.memory_space<vmem>>, vector<1x16xf32>,
            %get3A_230 = vector.shape_cast %get3A_229 : vector<1x16xf32> to vector<16xf32>
            %swap3A_231 = arith.index_cast %and3A_181 : i32 to index
            %swap3A_232 = arith.constant 80 : index
            %swap3A_233 = tpu.vector_load %arg12[%swap3A_231, %swap3A_232] {strides = array<i32>} : memref<648x128xf32, #tpu.memory_space<vmem>>, vector<1x16xf32>,
            %swap3A_234 = vector.shape_cast %swap3A_233 : vector<1x16xf32> to vector<16xf32>
            %swap3A_235 = vector.shape_cast %get3A_230 : vector<16xf32> to vector<1x16xf32>
            tpu.vector_store %arg12[%swap3A_231, %swap3A_232], %swap3A_235 {add = true, strides = array<i32>} : memref<648x128xf32, #tpu.memory_space<vmem>>, vector<1x16xf32>,
            %get3A_236 = arith.index_cast %scan3A_171 : i32 to index
            %get3A_237 = arith.constant 96 : index
            %get3A_238 = tpu.vector_load %arg11[%get3A_236, %get3A_237] {strides = array<i32>} : memref<128x128xf32, #tpu.memory_space<vmem>>, vector<1x16xf32>,
            %get3A_239 = vector.shape_cast %get3A_238 : vector<1x16xf32> to vector<16xf32>
            %swap3A_240 = arith.index_cast %and3A_181 : i32 to index
            %swap3A_241 = arith.constant 96 : index
            %swap3A_242 = tpu.vector_load %arg12[%swap3A_240, %swap3A_241] {strides = array<i32>} : memref<648x128xf32, #tpu.memory_space<vmem>>, vector<1x16xf32>,
            %swap3A_243 = vector.shape_cast %swap3A_242 : vector<1x16xf32> to vector<16xf32>
            %swap3A_244 = vector.shape_cast %get3A_239 : vector<16xf32> to vector<1x16xf32>
            tpu.vector_store %arg12[%swap3A_240, %swap3A_241], %swap3A_244 {add = true, strides = array<i32>} : memref<648x128xf32, #tpu.memory_space<vmem>>, vector<1x16xf32>,
            %get3A_245 = arith.index_cast %scan3A_171 : i32 to index
            %get3A_246 = arith.constant 112 : index
            %get3A_247 = tpu.vector_load %arg11[%get3A_245, %get3A_246] {strides = array<i32>} : memref<128x128xf32, #tpu.memory_space<vmem>>, vector<1x16xf32>,
            %get3A_248 = vector.shape_cast %get3A_247 : vector<1x16xf32> to vector<16xf32>
            %swap3A_249 = arith.index_cast %and3A_181 : i32 to index
            %swap3A_250 = arith.constant 112 : index
            %swap3A_251 = tpu.vector_load %arg12[%swap3A_249, %swap3A_250] {strides = array<i32>} : memref<648x128xf32, #tpu.memory_space<vmem>>, vector<1x16xf32>,
            %swap3A_252 = vector.shape_cast %swap3A_251 : vector<1x16xf32> to vector<16xf32>
            %swap3A_253 = vector.shape_cast %get3A_248 : vector<16xf32> to vector<1x16xf32>
            tpu.vector_store %arg12[%swap3A_249, %swap3A_250], %swap3A_253 {add = true, strides = array<i32>} : memref<648x128xf32, #tpu.memory_space<vmem>>, vector<1x16xf32>,
          }
          %scan3A_170 = arith.constant 128 : i32
        }
      }
      %scan3A_14 = arith.constant 32 : i32
    } else {
    }
    %eq3A_2 = arith.constant 1 : i32
    %eq3A_3 = arith.cmpi eq, %arg0, %eq3A_2 : i32
    %convert_element_type3A_4 = arith.extui %eq3A_3 : i1 to i32
    %cond3A_5 = arith.constant 0 : i32
    %cond3A_6 = arith.cmpi ne, %convert_element_type3A_4, %cond3A_5 : i32
    scf.if %cond3A_6 {
      %scan3A = arith.constant 0 : i32
      %scan3A_10 = arith.constant 0 : i32
      %scan3A_11 = arith.constant 32 : i32
      %scan3A_12 = arith.addi %scan3A_10, %scan3A_11 : i32
      %scan3A_13 = arith.constant 1 : i32
      scf.for %scan3A_15 = %scan3A_10 to %scan3A_12 step %scan3A_13  : i32 {
        %mul3A_16 = arith.constant 32 : i32
        %mul3A_17 = arith.muli %arg1, %mul3A_16 : i32
        %add3A = arith.addi %mul3A_17, %scan3A_15 : i32
        %mul3A_18 = arith.constant 6144 : i32
        %mul3A_19 = arith.muli %add3A, %mul3A_18 : i32
        "tpu.region"() ({
          %run_scoped3A = tpu.sem_alloc : memref<!tpu.dma_semaphore, #tpu.memory_space<semaphore_mem>>
          %dma_start3A = arith.constant 0 : i32
          %dma_start3A_54 = tpu.memref_slice %arg8[%dma_start3A] : memref<6160xi32, #tpu.memory_space<vmem>> -> memref<6144xi32, #tpu.memory_space<vmem>>
          %dma_start3A_55 = tpu.memref_slice %arg4[%mul3A_19] : memref<3145728xi32, #tpu.memory_space<hbm>> -> memref<6144xi32, #tpu.memory_space<hbm>>
          %dma_start3A_56 = arith.constant 0 : i32
          %dma_start3A_57 = tpu.memref_slice %arg8[%dma_start3A_56] : memref<6160xi32, #tpu.memory_space<vmem>> -> memref<6144xi32, #tpu.memory_space<vmem>>
          %dma_start3A_58 = tpu.memref_slice %arg4[%mul3A_19] : memref<3145728xi32, #tpu.memory_space<hbm>> -> memref<6144xi32, #tpu.memory_space<hbm>>
          tpu.enqueue_dma source(%dma_start3A_58 : memref<6144xi32, #tpu.memory_space<hbm>>) target(%dma_start3A_57 : memref<6144xi32, #tpu.memory_space<vmem>>) target_semaphore(%run_scoped3A : memref<!tpu.dma_semaphore, #tpu.memory_space<semaphore_mem>>)
          %dma_wait3A = arith.constant 0 : i32
          %dma_wait3A_59 = tpu.memref_slice %arg8[%dma_wait3A] : memref<6160xi32, #tpu.memory_space<vmem>> -> memref<6144xi32, #tpu.memory_space<vmem>>
          %dma_wait3A_60 = tpu.memref_slice %arg4[%mul3A_19] : memref<3145728xi32, #tpu.memory_space<hbm>> -> memref<6144xi32, #tpu.memory_space<hbm>>
          %dma_wait3A_61 = arith.constant 0 : i32
          %dma_wait3A_62 = tpu.memref_slice %arg8[%dma_wait3A_61] : memref<6160xi32, #tpu.memory_space<vmem>> -> memref<6144xi32, #tpu.memory_space<vmem>>
          %dma_wait3A_63 = tpu.memref_slice %arg4[%mul3A_19] : memref<3145728xi32, #tpu.memory_space<hbm>> -> memref<6144xi32, #tpu.memory_space<hbm>>
          tpu.wait_dma2 semaphore(%run_scoped3A : memref<!tpu.dma_semaphore, #tpu.memory_space<semaphore_mem>>) src(%dma_wait3A_63 : memref<6144xi32, #tpu.memory_space<hbm>>) dst(%dma_wait3A_62 : memref<6144xi32, #tpu.memory_space<vmem>>)
          tpu.yield
        }) : () -> ()
        %mul3A_20 = arith.constant 32 : i32
        %mul3A_21 = arith.muli %arg1, %mul3A_20 : i32
        %add3A_22 = arith.addi %mul3A_21, %scan3A_15 : i32
        %mul3A_23 = arith.constant 1024 : i32
        %mul3A_24 = arith.muli %add3A_22, %mul3A_23 : i32
        "tpu.region"() ({
          %run_scoped3A = tpu.sem_alloc : memref<!tpu.dma_semaphore, #tpu.memory_space<semaphore_mem>>
          %dma_start3A = tpu.memref_slice %arg5[%mul3A_24] : memref<524288xi32, #tpu.memory_space<hbm>> -> memref<1024xi32, #tpu.memory_space<hbm>>
          %dma_start3A_54 = tpu.memref_slice %arg5[%mul3A_24] : memref<524288xi32, #tpu.memory_space<hbm>> -> memref<1024xi32, #tpu.memory_space<hbm>>
          tpu.enqueue_dma source(%dma_start3A_54 : memref<1024xi32, #tpu.memory_space<hbm>>) target(%arg9 : memref<1024xi32, #tpu.memory_space<vmem>>) target_semaphore(%run_scoped3A : memref<!tpu.dma_semaphore, #tpu.memory_space<semaphore_mem>>)
          %dma_wait3A = tpu.memref_slice %arg5[%mul3A_24] : memref<524288xi32, #tpu.memory_space<hbm>> -> memref<1024xi32, #tpu.memory_space<hbm>>
          %dma_wait3A_55 = tpu.memref_slice %arg5[%mul3A_24] : memref<524288xi32, #tpu.memory_space<hbm>> -> memref<1024xi32, #tpu.memory_space<hbm>>
          tpu.wait_dma2 semaphore(%run_scoped3A : memref<!tpu.dma_semaphore, #tpu.memory_space<semaphore_mem>>) src(%dma_wait3A_55 : memref<1024xi32, #tpu.memory_space<hbm>>) dst(%arg9 : memref<1024xi32, #tpu.memory_space<vmem>>)
          tpu.yield
        }) : () -> ()
        %get3A = arith.constant 0 : index
        %get3A_25 = tpu.vector_load %arg9[%get3A] {strides = array<i32>} : memref<1024xi32, #tpu.memory_space<vmem>>, vector<16xi32>,
        %get3A_26 = vector.shape_cast %get3A_25 : vector<16xi32> to vector<16xi32>
        %slice3A = vector.extract_strided_slice %get3A_26 {offsets = [0], sizes = [1], strides = [1]} : vector<16xi32> to vector<1xi32>
        %squeeze3A = vector.extract %slice3A[0] : i32 from vector<1xi32>
        %add3A_27 = arith.constant 127 : i32
        %add3A_28 = arith.addi %squeeze3A, %add3A_27 : i32
        %jit3A = arith.constant 128 : i32
        %div3A = arith.divsi %add3A_28, %jit3A : i32
        %sign3A = arith.constant 0 : i32
        %sign3A_29 = arith.cmpi sgt, %add3A_28, %sign3A : i32
        %sign3A_30 = arith.extui %sign3A_29 : i1 to i32
        %sign3A_31 = arith.constant 0 : i32
        %sign3A_32 = arith.cmpi slt, %add3A_28, %sign3A_31 : i32
        %sign3A_33 = arith.extui %sign3A_32 : i1 to i32
        %sign3A_34 = arith.subi %sign3A_30, %sign3A_33 : i32
        %sign3A_35 = arith.constant 0 : i32
        %sign3A_36 = arith.cmpi sgt, %jit3A, %sign3A_35 : i32
        %sign3A_37 = arith.extui %sign3A_36 : i1 to i32
        %sign3A_38 = arith.constant 0 : i32
        %sign3A_39 = arith.cmpi slt, %jit3A, %sign3A_38 : i32
        %sign3A_40 = arith.extui %sign3A_39 : i1 to i32
        %sign3A_41 = arith.subi %sign3A_37, %sign3A_40 : i32
        %ne3A = arith.cmpi ne, %sign3A_34, %sign3A_41 : i32
        %rem3A = arith.remsi %add3A_28, %jit3A : i32
        %ne3A_42 = arith.constant 0 : i32
        %ne3A_43 = arith.cmpi ne, %rem3A, %ne3A_42 : i32
        %and3A = arith.andi %ne3A, %ne3A_43 : i1
        %sub3A = arith.constant 1 : i32
        %sub3A_44 = arith.subi %div3A, %sub3A : i32
        %select_n3A = arith.select %and3A, %sub3A_44, %div3A : i32
        %while3A = arith.constant 0 : i32
        %while3A_45 = arith.constant 0 : i32
        %while3A_46 = arith.subi %select_n3A, %while3A_45 : i32
        %while3A_47 = arith.addi %while3A_45, %while3A_46 : i32
        %while3A_48 = arith.constant 1 : i32
        %while3A_49 = arith.divsi %while3A_46, %while3A_48 : i32
        %while3A_50 = arith.muli %while3A_49, %while3A_48 : i32
        %while3A_51 = arith.addi %while3A_45, %while3A_50 : i32
        %while3A_52 = arith.constant 1 : i32
        scf.for %while3A_54 = %while3A_45 to %while3A_51 step %while3A_52  : i32 {
          %mul3A_55 = arith.constant 128 : i32
          %mul3A_56 = arith.muli %while3A_54, %mul3A_55 : i32
          %add3A_57 = arith.constant 0 : i32
          %add3A_58 = arith.addi %mul3A_56, %add3A_57 : i32
          %get3A_59 = arith.index_cast %add3A_58 : i32 to index
          %get3A_60 = tpu.vector_load %arg8[%get3A_59] {strides = array<i32>} : memref<6160xi32, #tpu.memory_space<vmem>>, vector<16xi32>,
          %get3A_61 = vector.shape_cast %get3A_60 : vector<16xi32> to vector<16xi32>
          %shift_right_arithmetic3A = arith.constant 10 : i32
          %shift_right_arithmetic3A_62 = vector.broadcast %shift_right_arithmetic3A : i32 to vector<16xi32>
          %shift_right_arithmetic3A_63 = arith.shrsi %get3A_61, %shift_right_arithmetic3A_62 : vector<16xi32>
          %swap3A = arith.constant 0 : index
          %swap3A_64 = tpu.vector_load %arg10[%swap3A] {strides = array<i32>} : memref<128xi32, #tpu.memory_space<vmem>>, vector<16xi32>,
          %swap3A_65 = vector.shape_cast %swap3A_64 : vector<16xi32> to vector<16xi32>
          %swap3A_66 = vector.shape_cast %shift_right_arithmetic3A_63 : vector<16xi32> to vector<16xi32>
          tpu.vector_store %arg10[%swap3A], %swap3A_66 {strides = array<i32>} : memref<128xi32, #tpu.memory_space<vmem>>, vector<16xi32>,
          %mul3A_67 = arith.constant 128 : i32
          %mul3A_68 = arith.muli %while3A_54, %mul3A_67 : i32
          %add3A_69 = arith.constant 16 : i32
          %add3A_70 = arith.addi %mul3A_68, %add3A_69 : i32
          %get3A_71 = arith.index_cast %add3A_70 : i32 to index
          %get3A_72 = tpu.vector_load %arg8[%get3A_71] {strides = array<i32>} : memref<6160xi32, #tpu.memory_space<vmem>>, vector<16xi32>,
          %get3A_73 = vector.shape_cast %get3A_72 : vector<16xi32> to vector<16xi32>
          %shift_right_arithmetic3A_74 = arith.constant 10 : i32
          %shift_right_arithmetic3A_75 = vector.broadcast %shift_right_arithmetic3A_74 : i32 to vector<16xi32>
          %shift_right_arithmetic3A_76 = arith.shrsi %get3A_73, %shift_right_arithmetic3A_75 : vector<16xi32>
          %swap3A_77 = arith.constant 16 : index
          %swap3A_78 = tpu.vector_load %arg10[%swap3A_77] {strides = array<i32>} : memref<128xi32, #tpu.memory_space<vmem>>, vector<16xi32>,
          %swap3A_79 = vector.shape_cast %swap3A_78 : vector<16xi32> to vector<16xi32>
          %swap3A_80 = vector.shape_cast %shift_right_arithmetic3A_76 : vector<16xi32> to vector<16xi32>
          tpu.vector_store %arg10[%swap3A_77], %swap3A_80 {strides = array<i32>} : memref<128xi32, #tpu.memory_space<vmem>>, vector<16xi32>,
          %mul3A_81 = arith.constant 128 : i32
          %mul3A_82 = arith.muli %while3A_54, %mul3A_81 : i32
          %add3A_83 = arith.constant 32 : i32
          %add3A_84 = arith.addi %mul3A_82, %add3A_83 : i32
          %get3A_85 = arith.index_cast %add3A_84 : i32 to index
          %get3A_86 = tpu.vector_load %arg8[%get3A_85] {strides = array<i32>} : memref<6160xi32, #tpu.memory_space<vmem>>, vector<16xi32>,
          %get3A_87 = vector.shape_cast %get3A_86 : vector<16xi32> to vector<16xi32>
          %shift_right_arithmetic3A_88 = arith.constant 10 : i32
          %shift_right_arithmetic3A_89 = vector.broadcast %shift_right_arithmetic3A_88 : i32 to vector<16xi32>
          %shift_right_arithmetic3A_90 = arith.shrsi %get3A_87, %shift_right_arithmetic3A_89 : vector<16xi32>
          %swap3A_91 = arith.constant 32 : index
          %swap3A_92 = tpu.vector_load %arg10[%swap3A_91] {strides = array<i32>} : memref<128xi32, #tpu.memory_space<vmem>>, vector<16xi32>,
          %swap3A_93 = vector.shape_cast %swap3A_92 : vector<16xi32> to vector<16xi32>
          %swap3A_94 = vector.shape_cast %shift_right_arithmetic3A_90 : vector<16xi32> to vector<16xi32>
          tpu.vector_store %arg10[%swap3A_91], %swap3A_94 {strides = array<i32>} : memref<128xi32, #tpu.memory_space<vmem>>, vector<16xi32>,
          %mul3A_95 = arith.constant 128 : i32
          %mul3A_96 = arith.muli %while3A_54, %mul3A_95 : i32
          %add3A_97 = arith.constant 48 : i32
          %add3A_98 = arith.addi %mul3A_96, %add3A_97 : i32
          %get3A_99 = arith.index_cast %add3A_98 : i32 to index
          %get3A_100 = tpu.vector_load %arg8[%get3A_99] {strides = array<i32>} : memref<6160xi32, #tpu.memory_space<vmem>>, vector<16xi32>,
          %get3A_101 = vector.shape_cast %get3A_100 : vector<16xi32> to vector<16xi32>
          %shift_right_arithmetic3A_102 = arith.constant 10 : i32
          %shift_right_arithmetic3A_103 = vector.broadcast %shift_right_arithmetic3A_102 : i32 to vector<16xi32>
          %shift_right_arithmetic3A_104 = arith.shrsi %get3A_101, %shift_right_arithmetic3A_103 : vector<16xi32>
          %swap3A_105 = arith.constant 48 : index
          %swap3A_106 = tpu.vector_load %arg10[%swap3A_105] {strides = array<i32>} : memref<128xi32, #tpu.memory_space<vmem>>, vector<16xi32>,
          %swap3A_107 = vector.shape_cast %swap3A_106 : vector<16xi32> to vector<16xi32>
          %swap3A_108 = vector.shape_cast %shift_right_arithmetic3A_104 : vector<16xi32> to vector<16xi32>
          tpu.vector_store %arg10[%swap3A_105], %swap3A_108 {strides = array<i32>} : memref<128xi32, #tpu.memory_space<vmem>>, vector<16xi32>,
          %mul3A_109 = arith.constant 128 : i32
          %mul3A_110 = arith.muli %while3A_54, %mul3A_109 : i32
          %add3A_111 = arith.constant 64 : i32
          %add3A_112 = arith.addi %mul3A_110, %add3A_111 : i32
          %get3A_113 = arith.index_cast %add3A_112 : i32 to index
          %get3A_114 = tpu.vector_load %arg8[%get3A_113] {strides = array<i32>} : memref<6160xi32, #tpu.memory_space<vmem>>, vector<16xi32>,
          %get3A_115 = vector.shape_cast %get3A_114 : vector<16xi32> to vector<16xi32>
          %shift_right_arithmetic3A_116 = arith.constant 10 : i32
          %shift_right_arithmetic3A_117 = vector.broadcast %shift_right_arithmetic3A_116 : i32 to vector<16xi32>
          %shift_right_arithmetic3A_118 = arith.shrsi %get3A_115, %shift_right_arithmetic3A_117 : vector<16xi32>
          %swap3A_119 = arith.constant 64 : index
          %swap3A_120 = tpu.vector_load %arg10[%swap3A_119] {strides = array<i32>} : memref<128xi32, #tpu.memory_space<vmem>>, vector<16xi32>,
          %swap3A_121 = vector.shape_cast %swap3A_120 : vector<16xi32> to vector<16xi32>
          %swap3A_122 = vector.shape_cast %shift_right_arithmetic3A_118 : vector<16xi32> to vector<16xi32>
          tpu.vector_store %arg10[%swap3A_119], %swap3A_122 {strides = array<i32>} : memref<128xi32, #tpu.memory_space<vmem>>, vector<16xi32>,
          %mul3A_123 = arith.constant 128 : i32
          %mul3A_124 = arith.muli %while3A_54, %mul3A_123 : i32
          %add3A_125 = arith.constant 80 : i32
          %add3A_126 = arith.addi %mul3A_124, %add3A_125 : i32
          %get3A_127 = arith.index_cast %add3A_126 : i32 to index
          %get3A_128 = tpu.vector_load %arg8[%get3A_127] {strides = array<i32>} : memref<6160xi32, #tpu.memory_space<vmem>>, vector<16xi32>,
          %get3A_129 = vector.shape_cast %get3A_128 : vector<16xi32> to vector<16xi32>
          %shift_right_arithmetic3A_130 = arith.constant 10 : i32
          %shift_right_arithmetic3A_131 = vector.broadcast %shift_right_arithmetic3A_130 : i32 to vector<16xi32>
          %shift_right_arithmetic3A_132 = arith.shrsi %get3A_129, %shift_right_arithmetic3A_131 : vector<16xi32>
          %swap3A_133 = arith.constant 80 : index
          %swap3A_134 = tpu.vector_load %arg10[%swap3A_133] {strides = array<i32>} : memref<128xi32, #tpu.memory_space<vmem>>, vector<16xi32>,
          %swap3A_135 = vector.shape_cast %swap3A_134 : vector<16xi32> to vector<16xi32>
          %swap3A_136 = vector.shape_cast %shift_right_arithmetic3A_132 : vector<16xi32> to vector<16xi32>
          tpu.vector_store %arg10[%swap3A_133], %swap3A_136 {strides = array<i32>} : memref<128xi32, #tpu.memory_space<vmem>>, vector<16xi32>,
          %mul3A_137 = arith.constant 128 : i32
          %mul3A_138 = arith.muli %while3A_54, %mul3A_137 : i32
          %add3A_139 = arith.constant 96 : i32
          %add3A_140 = arith.addi %mul3A_138, %add3A_139 : i32
          %get3A_141 = arith.index_cast %add3A_140 : i32 to index
          %get3A_142 = tpu.vector_load %arg8[%get3A_141] {strides = array<i32>} : memref<6160xi32, #tpu.memory_space<vmem>>, vector<16xi32>,
          %get3A_143 = vector.shape_cast %get3A_142 : vector<16xi32> to vector<16xi32>
          %shift_right_arithmetic3A_144 = arith.constant 10 : i32
          %shift_right_arithmetic3A_145 = vector.broadcast %shift_right_arithmetic3A_144 : i32 to vector<16xi32>
          %shift_right_arithmetic3A_146 = arith.shrsi %get3A_143, %shift_right_arithmetic3A_145 : vector<16xi32>
          %swap3A_147 = arith.constant 96 : index
          %swap3A_148 = tpu.vector_load %arg10[%swap3A_147] {strides = array<i32>} : memref<128xi32, #tpu.memory_space<vmem>>, vector<16xi32>,
          %swap3A_149 = vector.shape_cast %swap3A_148 : vector<16xi32> to vector<16xi32>
          %swap3A_150 = vector.shape_cast %shift_right_arithmetic3A_146 : vector<16xi32> to vector<16xi32>
          tpu.vector_store %arg10[%swap3A_147], %swap3A_150 {strides = array<i32>} : memref<128xi32, #tpu.memory_space<vmem>>, vector<16xi32>,
          %mul3A_151 = arith.constant 128 : i32
          %mul3A_152 = arith.muli %while3A_54, %mul3A_151 : i32
          %add3A_153 = arith.constant 112 : i32
          %add3A_154 = arith.addi %mul3A_152, %add3A_153 : i32
          %get3A_155 = arith.index_cast %add3A_154 : i32 to index
          %get3A_156 = tpu.vector_load %arg8[%get3A_155] {strides = array<i32>} : memref<6160xi32, #tpu.memory_space<vmem>>, vector<16xi32>,
          %get3A_157 = vector.shape_cast %get3A_156 : vector<16xi32> to vector<16xi32>
          %shift_right_arithmetic3A_158 = arith.constant 10 : i32
          %shift_right_arithmetic3A_159 = vector.broadcast %shift_right_arithmetic3A_158 : i32 to vector<16xi32>
          %shift_right_arithmetic3A_160 = arith.shrsi %get3A_157, %shift_right_arithmetic3A_159 : vector<16xi32>
          %swap3A_161 = arith.constant 112 : index
          %swap3A_162 = tpu.vector_load %arg10[%swap3A_161] {strides = array<i32>} : memref<128xi32, #tpu.memory_space<vmem>>, vector<16xi32>,
          %swap3A_163 = vector.shape_cast %swap3A_162 : vector<16xi32> to vector<16xi32>
          %swap3A_164 = vector.shape_cast %shift_right_arithmetic3A_160 : vector<16xi32> to vector<16xi32>
          tpu.vector_store %arg10[%swap3A_161], %swap3A_164 {strides = array<i32>} : memref<128xi32, #tpu.memory_space<vmem>>, vector<16xi32>,
          "tpu.region"() ({
            %run_scoped3A = tpu.sem_alloc : memref<!tpu.dma_semaphore, #tpu.memory_space<semaphore_mem>>
            %dma_start3A = arith.constant 0 : i32
            %dma_start3A_171 = arith.constant 0 : i32
            %dma_start3A_172 = tpu.memref_slice %arg3[%dma_start3A, %dma_start3A_171] : memref<10240x128xf32, #tpu.memory_space<hbm>> -> memref<10240x128xf32, #tpu.memory_space<hbm>>
            tpu.enqueue_indirect_dma source(%dma_start3A_172 : memref<10240x128xf32, #tpu.memory_space<hbm>>) target(%arg11 : memref<128x128xf32, #tpu.memory_space<vmem>>) offsets(%arg10 : memref<128xi32, #tpu.memory_space<vmem>>) semaphore(%run_scoped3A : memref<!tpu.dma_semaphore, #tpu.memory_space<semaphore_mem>>)
            %dma_wait3A = arith.constant 0 : i32
            %dma_wait3A_173 = arith.constant 0 : i32
            %dma_wait3A_174 = tpu.memref_slice %arg3[%dma_wait3A, %dma_wait3A_173] : memref<10240x128xf32, #tpu.memory_space<hbm>> -> memref<10240x128xf32, #tpu.memory_space<hbm>>
            tpu.wait_indirect_dma semaphore(%run_scoped3A : memref<!tpu.dma_semaphore, #tpu.memory_space<semaphore_mem>>) src(%dma_wait3A_174 : memref<10240x128xf32, #tpu.memory_space<hbm>>) dst(%arg11 : memref<128x128xf32, #tpu.memory_space<vmem>>)
            tpu.yield
          }) : () -> ()
          %scan3A_165 = arith.constant 0 : i32
          %scan3A_166 = arith.constant 0 : i32
          %scan3A_167 = arith.constant 128 : i32
          %scan3A_168 = arith.addi %scan3A_166, %scan3A_167 : i32
          %scan3A_169 = arith.constant 1 : i32
          scf.for %scan3A_171 = %scan3A_166 to %scan3A_168 step %scan3A_169  : i32 {
            %mul3A_172 = arith.constant 128 : i32
            %mul3A_173 = arith.muli %while3A_54, %mul3A_172 : i32
            %add3A_174 = arith.addi %mul3A_173, %scan3A_171 : i32
            %get3A_175 = arith.index_cast %add3A_174 : i32 to index
            %get3A_176 = tpu.vector_load %arg8[%get3A_175] {strides = array<i32>} : memref<6160xi32, #tpu.memory_space<vmem>>, vector<16xi32>,
            %get3A_177 = vector.shape_cast %get3A_176 : vector<16xi32> to vector<16xi32>
            %slice3A_178 = vector.extract_strided_slice %get3A_177 {offsets = [0], sizes = [1], strides = [1]} : vector<16xi32> to vector<1xi32>
            %squeeze3A_179 = vector.extract %slice3A_178[0] : i32 from vector<1xi32>
            %and3A_180 = arith.constant 1023 : i32
            %and3A_181 = arith.andi %squeeze3A_179, %and3A_180 : i32
            %get3A_182 = arith.index_cast %scan3A_171 : i32 to index
            %get3A_183 = arith.constant 0 : index
            %get3A_184 = tpu.vector_load %arg11[%get3A_182, %get3A_183] {strides = array<i32>} : memref<128x128xf32, #tpu.memory_space<vmem>>, vector<1x16xf32>,
            %get3A_185 = vector.shape_cast %get3A_184 : vector<1x16xf32> to vector<16xf32>
            %swap3A_186 = arith.index_cast %and3A_181 : i32 to index
            %swap3A_187 = arith.constant 0 : index
            %swap3A_188 = tpu.vector_load %arg12[%swap3A_186, %swap3A_187] {strides = array<i32>} : memref<648x128xf32, #tpu.memory_space<vmem>>, vector<1x16xf32>,
            %swap3A_189 = vector.shape_cast %swap3A_188 : vector<1x16xf32> to vector<16xf32>
            %swap3A_190 = vector.shape_cast %get3A_185 : vector<16xf32> to vector<1x16xf32>
            tpu.vector_store %arg12[%swap3A_186, %swap3A_187], %swap3A_190 {add = true, strides = array<i32>} : memref<648x128xf32, #tpu.memory_space<vmem>>, vector<1x16xf32>,
            %get3A_191 = arith.index_cast %scan3A_171 : i32 to index
            %get3A_192 = arith.constant 16 : index
            %get3A_193 = tpu.vector_load %arg11[%get3A_191, %get3A_192] {strides = array<i32>} : memref<128x128xf32, #tpu.memory_space<vmem>>, vector<1x16xf32>,
            %get3A_194 = vector.shape_cast %get3A_193 : vector<1x16xf32> to vector<16xf32>
            %swap3A_195 = arith.index_cast %and3A_181 : i32 to index
            %swap3A_196 = arith.constant 16 : index
            %swap3A_197 = tpu.vector_load %arg12[%swap3A_195, %swap3A_196] {strides = array<i32>} : memref<648x128xf32, #tpu.memory_space<vmem>>, vector<1x16xf32>,
            %swap3A_198 = vector.shape_cast %swap3A_197 : vector<1x16xf32> to vector<16xf32>
            %swap3A_199 = vector.shape_cast %get3A_194 : vector<16xf32> to vector<1x16xf32>
            tpu.vector_store %arg12[%swap3A_195, %swap3A_196], %swap3A_199 {add = true, strides = array<i32>} : memref<648x128xf32, #tpu.memory_space<vmem>>, vector<1x16xf32>,
            %get3A_200 = arith.index_cast %scan3A_171 : i32 to index
            %get3A_201 = arith.constant 32 : index
            %get3A_202 = tpu.vector_load %arg11[%get3A_200, %get3A_201] {strides = array<i32>} : memref<128x128xf32, #tpu.memory_space<vmem>>, vector<1x16xf32>,
            %get3A_203 = vector.shape_cast %get3A_202 : vector<1x16xf32> to vector<16xf32>
            %swap3A_204 = arith.index_cast %and3A_181 : i32 to index
            %swap3A_205 = arith.constant 32 : index
            %swap3A_206 = tpu.vector_load %arg12[%swap3A_204, %swap3A_205] {strides = array<i32>} : memref<648x128xf32, #tpu.memory_space<vmem>>, vector<1x16xf32>,
            %swap3A_207 = vector.shape_cast %swap3A_206 : vector<1x16xf32> to vector<16xf32>
            %swap3A_208 = vector.shape_cast %get3A_203 : vector<16xf32> to vector<1x16xf32>
            tpu.vector_store %arg12[%swap3A_204, %swap3A_205], %swap3A_208 {add = true, strides = array<i32>} : memref<648x128xf32, #tpu.memory_space<vmem>>, vector<1x16xf32>,
            %get3A_209 = arith.index_cast %scan3A_171 : i32 to index
            %get3A_210 = arith.constant 48 : index
            %get3A_211 = tpu.vector_load %arg11[%get3A_209, %get3A_210] {strides = array<i32>} : memref<128x128xf32, #tpu.memory_space<vmem>>, vector<1x16xf32>,
            %get3A_212 = vector.shape_cast %get3A_211 : vector<1x16xf32> to vector<16xf32>
            %swap3A_213 = arith.index_cast %and3A_181 : i32 to index
            %swap3A_214 = arith.constant 48 : index
            %swap3A_215 = tpu.vector_load %arg12[%swap3A_213, %swap3A_214] {strides = array<i32>} : memref<648x128xf32, #tpu.memory_space<vmem>>, vector<1x16xf32>,
            %swap3A_216 = vector.shape_cast %swap3A_215 : vector<1x16xf32> to vector<16xf32>
            %swap3A_217 = vector.shape_cast %get3A_212 : vector<16xf32> to vector<1x16xf32>
            tpu.vector_store %arg12[%swap3A_213, %swap3A_214], %swap3A_217 {add = true, strides = array<i32>} : memref<648x128xf32, #tpu.memory_space<vmem>>, vector<1x16xf32>,
            %get3A_218 = arith.index_cast %scan3A_171 : i32 to index
            %get3A_219 = arith.constant 64 : index
            %get3A_220 = tpu.vector_load %arg11[%get3A_218, %get3A_219] {strides = array<i32>} : memref<128x128xf32, #tpu.memory_space<vmem>>, vector<1x16xf32>,
            %get3A_221 = vector.shape_cast %get3A_220 : vector<1x16xf32> to vector<16xf32>
            %swap3A_222 = arith.index_cast %and3A_181 : i32 to index
            %swap3A_223 = arith.constant 64 : index
            %swap3A_224 = tpu.vector_load %arg12[%swap3A_222, %swap3A_223] {strides = array<i32>} : memref<648x128xf32, #tpu.memory_space<vmem>>, vector<1x16xf32>,
            %swap3A_225 = vector.shape_cast %swap3A_224 : vector<1x16xf32> to vector<16xf32>
            %swap3A_226 = vector.shape_cast %get3A_221 : vector<16xf32> to vector<1x16xf32>
            tpu.vector_store %arg12[%swap3A_222, %swap3A_223], %swap3A_226 {add = true, strides = array<i32>} : memref<648x128xf32, #tpu.memory_space<vmem>>, vector<1x16xf32>,
            %get3A_227 = arith.index_cast %scan3A_171 : i32 to index
            %get3A_228 = arith.constant 80 : index
            %get3A_229 = tpu.vector_load %arg11[%get3A_227, %get3A_228] {strides = array<i32>} : memref<128x128xf32, #tpu.memory_space<vmem>>, vector<1x16xf32>,
            %get3A_230 = vector.shape_cast %get3A_229 : vector<1x16xf32> to vector<16xf32>
            %swap3A_231 = arith.index_cast %and3A_181 : i32 to index
            %swap3A_232 = arith.constant 80 : index
            %swap3A_233 = tpu.vector_load %arg12[%swap3A_231, %swap3A_232] {strides = array<i32>} : memref<648x128xf32, #tpu.memory_space<vmem>>, vector<1x16xf32>,
            %swap3A_234 = vector.shape_cast %swap3A_233 : vector<1x16xf32> to vector<16xf32>
            %swap3A_235 = vector.shape_cast %get3A_230 : vector<16xf32> to vector<1x16xf32>
            tpu.vector_store %arg12[%swap3A_231, %swap3A_232], %swap3A_235 {add = true, strides = array<i32>} : memref<648x128xf32, #tpu.memory_space<vmem>>, vector<1x16xf32>,
            %get3A_236 = arith.index_cast %scan3A_171 : i32 to index
            %get3A_237 = arith.constant 96 : index
            %get3A_238 = tpu.vector_load %arg11[%get3A_236, %get3A_237] {strides = array<i32>} : memref<128x128xf32, #tpu.memory_space<vmem>>, vector<1x16xf32>,
            %get3A_239 = vector.shape_cast %get3A_238 : vector<1x16xf32> to vector<16xf32>
            %swap3A_240 = arith.index_cast %and3A_181 : i32 to index
            %swap3A_241 = arith.constant 96 : index
            %swap3A_242 = tpu.vector_load %arg12[%swap3A_240, %swap3A_241] {strides = array<i32>} : memref<648x128xf32, #tpu.memory_space<vmem>>, vector<1x16xf32>,
            %swap3A_243 = vector.shape_cast %swap3A_242 : vector<1x16xf32> to vector<16xf32>
            %swap3A_244 = vector.shape_cast %get3A_239 : vector<16xf32> to vector<1x16xf32>
            tpu.vector_store %arg12[%swap3A_240, %swap3A_241], %swap3A_244 {add = true, strides = array<i32>} : memref<648x128xf32, #tpu.memory_space<vmem>>, vector<1x16xf32>,
            %get3A_245 = arith.index_cast %scan3A_171 : i32 to index
            %get3A_246 = arith.constant 112 : index
            %get3A_247 = tpu.vector_load %arg11[%get3A_245, %get3A_246] {strides = array<i32>} : memref<128x128xf32, #tpu.memory_space<vmem>>, vector<1x16xf32>,
            %get3A_248 = vector.shape_cast %get3A_247 : vector<1x16xf32> to vector<16xf32>
            %swap3A_249 = arith.index_cast %and3A_181 : i32 to index
            %swap3A_250 = arith.constant 112 : index
            %swap3A_251 = tpu.vector_load %arg12[%swap3A_249, %swap3A_250] {strides = array<i32>} : memref<648x128xf32, #tpu.memory_space<vmem>>, vector<1x16xf32>,
            %swap3A_252 = vector.shape_cast %swap3A_251 : vector<1x16xf32> to vector<16xf32>
            %swap3A_253 = vector.shape_cast %get3A_248 : vector<16xf32> to vector<1x16xf32>
            tpu.vector_store %arg12[%swap3A_249, %swap3A_250], %swap3A_253 {add = true, strides = array<i32>} : memref<648x128xf32, #tpu.memory_space<vmem>>, vector<1x16xf32>,
          }
          %scan3A_170 = arith.constant 128 : i32
        }
        %while3A_53 = arith.constant 1 : i32
        scf.for %while3A_54 = %while3A_51 to %while3A_47 step %while3A_53  : i32 {
          %mul3A_55 = arith.constant 128 : i32
          %mul3A_56 = arith.muli %while3A_54, %mul3A_55 : i32
          %add3A_57 = arith.constant 0 : i32
          %add3A_58 = arith.addi %mul3A_56, %add3A_57 : i32
          %get3A_59 = arith.index_cast %add3A_58 : i32 to index
          %get3A_60 = tpu.vector_load %arg8[%get3A_59] {strides = array<i32>} : memref<6160xi32, #tpu.memory_space<vmem>>, vector<16xi32>,
          %get3A_61 = vector.shape_cast %get3A_60 : vector<16xi32> to vector<16xi32>
          %shift_right_arithmetic3A = arith.constant 10 : i32
          %shift_right_arithmetic3A_62 = vector.broadcast %shift_right_arithmetic3A : i32 to vector<16xi32>
          %shift_right_arithmetic3A_63 = arith.shrsi %get3A_61, %shift_right_arithmetic3A_62 : vector<16xi32>
          %swap3A = arith.constant 0 : index
          %swap3A_64 = tpu.vector_load %arg10[%swap3A] {strides = array<i32>} : memref<128xi32, #tpu.memory_space<vmem>>, vector<16xi32>,
          %swap3A_65 = vector.shape_cast %swap3A_64 : vector<16xi32> to vector<16xi32>
          %swap3A_66 = vector.shape_cast %shift_right_arithmetic3A_63 : vector<16xi32> to vector<16xi32>
          tpu.vector_store %arg10[%swap3A], %swap3A_66 {strides = array<i32>} : memref<128xi32, #tpu.memory_space<vmem>>, vector<16xi32>,
          %mul3A_67 = arith.constant 128 : i32
          %mul3A_68 = arith.muli %while3A_54, %mul3A_67 : i32
          %add3A_69 = arith.constant 16 : i32
          %add3A_70 = arith.addi %mul3A_68, %add3A_69 : i32
          %get3A_71 = arith.index_cast %add3A_70 : i32 to index
          %get3A_72 = tpu.vector_load %arg8[%get3A_71] {strides = array<i32>} : memref<6160xi32, #tpu.memory_space<vmem>>, vector<16xi32>,
          %get3A_73 = vector.shape_cast %get3A_72 : vector<16xi32> to vector<16xi32>
          %shift_right_arithmetic3A_74 = arith.constant 10 : i32
          %shift_right_arithmetic3A_75 = vector.broadcast %shift_right_arithmetic3A_74 : i32 to vector<16xi32>
          %shift_right_arithmetic3A_76 = arith.shrsi %get3A_73, %shift_right_arithmetic3A_75 : vector<16xi32>
          %swap3A_77 = arith.constant 16 : index
          %swap3A_78 = tpu.vector_load %arg10[%swap3A_77] {strides = array<i32>} : memref<128xi32, #tpu.memory_space<vmem>>, vector<16xi32>,
          %swap3A_79 = vector.shape_cast %swap3A_78 : vector<16xi32> to vector<16xi32>
          %swap3A_80 = vector.shape_cast %shift_right_arithmetic3A_76 : vector<16xi32> to vector<16xi32>
          tpu.vector_store %arg10[%swap3A_77], %swap3A_80 {strides = array<i32>} : memref<128xi32, #tpu.memory_space<vmem>>, vector<16xi32>,
          %mul3A_81 = arith.constant 128 : i32
          %mul3A_82 = arith.muli %while3A_54, %mul3A_81 : i32
          %add3A_83 = arith.constant 32 : i32
          %add3A_84 = arith.addi %mul3A_82, %add3A_83 : i32
          %get3A_85 = arith.index_cast %add3A_84 : i32 to index
          %get3A_86 = tpu.vector_load %arg8[%get3A_85] {strides = array<i32>} : memref<6160xi32, #tpu.memory_space<vmem>>, vector<16xi32>,
          %get3A_87 = vector.shape_cast %get3A_86 : vector<16xi32> to vector<16xi32>
          %shift_right_arithmetic3A_88 = arith.constant 10 : i32
          %shift_right_arithmetic3A_89 = vector.broadcast %shift_right_arithmetic3A_88 : i32 to vector<16xi32>
          %shift_right_arithmetic3A_90 = arith.shrsi %get3A_87, %shift_right_arithmetic3A_89 : vector<16xi32>
          %swap3A_91 = arith.constant 32 : index
          %swap3A_92 = tpu.vector_load %arg10[%swap3A_91] {strides = array<i32>} : memref<128xi32, #tpu.memory_space<vmem>>, vector<16xi32>,
          %swap3A_93 = vector.shape_cast %swap3A_92 : vector<16xi32> to vector<16xi32>
          %swap3A_94 = vector.shape_cast %shift_right_arithmetic3A_90 : vector<16xi32> to vector<16xi32>
          tpu.vector_store %arg10[%swap3A_91], %swap3A_94 {strides = array<i32>} : memref<128xi32, #tpu.memory_space<vmem>>, vector<16xi32>,
          %mul3A_95 = arith.constant 128 : i32
          %mul3A_96 = arith.muli %while3A_54, %mul3A_95 : i32
          %add3A_97 = arith.constant 48 : i32
          %add3A_98 = arith.addi %mul3A_96, %add3A_97 : i32
          %get3A_99 = arith.index_cast %add3A_98 : i32 to index
          %get3A_100 = tpu.vector_load %arg8[%get3A_99] {strides = array<i32>} : memref<6160xi32, #tpu.memory_space<vmem>>, vector<16xi32>,
          %get3A_101 = vector.shape_cast %get3A_100 : vector<16xi32> to vector<16xi32>
          %shift_right_arithmetic3A_102 = arith.constant 10 : i32
          %shift_right_arithmetic3A_103 = vector.broadcast %shift_right_arithmetic3A_102 : i32 to vector<16xi32>
          %shift_right_arithmetic3A_104 = arith.shrsi %get3A_101, %shift_right_arithmetic3A_103 : vector<16xi32>
          %swap3A_105 = arith.constant 48 : index
          %swap3A_106 = tpu.vector_load %arg10[%swap3A_105] {strides = array<i32>} : memref<128xi32, #tpu.memory_space<vmem>>, vector<16xi32>,
          %swap3A_107 = vector.shape_cast %swap3A_106 : vector<16xi32> to vector<16xi32>
          %swap3A_108 = vector.shape_cast %shift_right_arithmetic3A_104 : vector<16xi32> to vector<16xi32>
          tpu.vector_store %arg10[%swap3A_105], %swap3A_108 {strides = array<i32>} : memref<128xi32, #tpu.memory_space<vmem>>, vector<16xi32>,
          %mul3A_109 = arith.constant 128 : i32
          %mul3A_110 = arith.muli %while3A_54, %mul3A_109 : i32
          %add3A_111 = arith.constant 64 : i32
          %add3A_112 = arith.addi %mul3A_110, %add3A_111 : i32
          %get3A_113 = arith.index_cast %add3A_112 : i32 to index
          %get3A_114 = tpu.vector_load %arg8[%get3A_113] {strides = array<i32>} : memref<6160xi32, #tpu.memory_space<vmem>>, vector<16xi32>,
          %get3A_115 = vector.shape_cast %get3A_114 : vector<16xi32> to vector<16xi32>
          %shift_right_arithmetic3A_116 = arith.constant 10 : i32
          %shift_right_arithmetic3A_117 = vector.broadcast %shift_right_arithmetic3A_116 : i32 to vector<16xi32>
          %shift_right_arithmetic3A_118 = arith.shrsi %get3A_115, %shift_right_arithmetic3A_117 : vector<16xi32>
          %swap3A_119 = arith.constant 64 : index
          %swap3A_120 = tpu.vector_load %arg10[%swap3A_119] {strides = array<i32>} : memref<128xi32, #tpu.memory_space<vmem>>, vector<16xi32>,
          %swap3A_121 = vector.shape_cast %swap3A_120 : vector<16xi32> to vector<16xi32>
          %swap3A_122 = vector.shape_cast %shift_right_arithmetic3A_118 : vector<16xi32> to vector<16xi32>
          tpu.vector_store %arg10[%swap3A_119], %swap3A_122 {strides = array<i32>} : memref<128xi32, #tpu.memory_space<vmem>>, vector<16xi32>,
          %mul3A_123 = arith.constant 128 : i32
          %mul3A_124 = arith.muli %while3A_54, %mul3A_123 : i32
          %add3A_125 = arith.constant 80 : i32
          %add3A_126 = arith.addi %mul3A_124, %add3A_125 : i32
          %get3A_127 = arith.index_cast %add3A_126 : i32 to index
          %get3A_128 = tpu.vector_load %arg8[%get3A_127] {strides = array<i32>} : memref<6160xi32, #tpu.memory_space<vmem>>, vector<16xi32>,
          %get3A_129 = vector.shape_cast %get3A_128 : vector<16xi32> to vector<16xi32>
          %shift_right_arithmetic3A_130 = arith.constant 10 : i32
          %shift_right_arithmetic3A_131 = vector.broadcast %shift_right_arithmetic3A_130 : i32 to vector<16xi32>
          %shift_right_arithmetic3A_132 = arith.shrsi %get3A_129, %shift_right_arithmetic3A_131 : vector<16xi32>
          %swap3A_133 = arith.constant 80 : index
          %swap3A_134 = tpu.vector_load %arg10[%swap3A_133] {strides = array<i32>} : memref<128xi32, #tpu.memory_space<vmem>>, vector<16xi32>,
          %swap3A_135 = vector.shape_cast %swap3A_134 : vector<16xi32> to vector<16xi32>
          %swap3A_136 = vector.shape_cast %shift_right_arithmetic3A_132 : vector<16xi32> to vector<16xi32>
          tpu.vector_store %arg10[%swap3A_133], %swap3A_136 {strides = array<i32>} : memref<128xi32, #tpu.memory_space<vmem>>, vector<16xi32>,
          %mul3A_137 = arith.constant 128 : i32
          %mul3A_138 = arith.muli %while3A_54, %mul3A_137 : i32
          %add3A_139 = arith.constant 96 : i32
          %add3A_140 = arith.addi %mul3A_138, %add3A_139 : i32
          %get3A_141 = arith.index_cast %add3A_140 : i32 to index
          %get3A_142 = tpu.vector_load %arg8[%get3A_141] {strides = array<i32>} : memref<6160xi32, #tpu.memory_space<vmem>>, vector<16xi32>,
          %get3A_143 = vector.shape_cast %get3A_142 : vector<16xi32> to vector<16xi32>
          %shift_right_arithmetic3A_144 = arith.constant 10 : i32
          %shift_right_arithmetic3A_145 = vector.broadcast %shift_right_arithmetic3A_144 : i32 to vector<16xi32>
          %shift_right_arithmetic3A_146 = arith.shrsi %get3A_143, %shift_right_arithmetic3A_145 : vector<16xi32>
          %swap3A_147 = arith.constant 96 : index
          %swap3A_148 = tpu.vector_load %arg10[%swap3A_147] {strides = array<i32>} : memref<128xi32, #tpu.memory_space<vmem>>, vector<16xi32>,
          %swap3A_149 = vector.shape_cast %swap3A_148 : vector<16xi32> to vector<16xi32>
          %swap3A_150 = vector.shape_cast %shift_right_arithmetic3A_146 : vector<16xi32> to vector<16xi32>
          tpu.vector_store %arg10[%swap3A_147], %swap3A_150 {strides = array<i32>} : memref<128xi32, #tpu.memory_space<vmem>>, vector<16xi32>,
          %mul3A_151 = arith.constant 128 : i32
          %mul3A_152 = arith.muli %while3A_54, %mul3A_151 : i32
          %add3A_153 = arith.constant 112 : i32
          %add3A_154 = arith.addi %mul3A_152, %add3A_153 : i32
          %get3A_155 = arith.index_cast %add3A_154 : i32 to index
          %get3A_156 = tpu.vector_load %arg8[%get3A_155] {strides = array<i32>} : memref<6160xi32, #tpu.memory_space<vmem>>, vector<16xi32>,
          %get3A_157 = vector.shape_cast %get3A_156 : vector<16xi32> to vector<16xi32>
          %shift_right_arithmetic3A_158 = arith.constant 10 : i32
          %shift_right_arithmetic3A_159 = vector.broadcast %shift_right_arithmetic3A_158 : i32 to vector<16xi32>
          %shift_right_arithmetic3A_160 = arith.shrsi %get3A_157, %shift_right_arithmetic3A_159 : vector<16xi32>
          %swap3A_161 = arith.constant 112 : index
          %swap3A_162 = tpu.vector_load %arg10[%swap3A_161] {strides = array<i32>} : memref<128xi32, #tpu.memory_space<vmem>>, vector<16xi32>,
          %swap3A_163 = vector.shape_cast %swap3A_162 : vector<16xi32> to vector<16xi32>
          %swap3A_164 = vector.shape_cast %shift_right_arithmetic3A_160 : vector<16xi32> to vector<16xi32>
          tpu.vector_store %arg10[%swap3A_161], %swap3A_164 {strides = array<i32>} : memref<128xi32, #tpu.memory_space<vmem>>, vector<16xi32>,
          "tpu.region"() ({
            %run_scoped3A = tpu.sem_alloc : memref<!tpu.dma_semaphore, #tpu.memory_space<semaphore_mem>>
            %dma_start3A = arith.constant 0 : i32
            %dma_start3A_171 = arith.constant 0 : i32
            %dma_start3A_172 = tpu.memref_slice %arg3[%dma_start3A, %dma_start3A_171] : memref<10240x128xf32, #tpu.memory_space<hbm>> -> memref<10240x128xf32, #tpu.memory_space<hbm>>
            tpu.enqueue_indirect_dma source(%dma_start3A_172 : memref<10240x128xf32, #tpu.memory_space<hbm>>) target(%arg11 : memref<128x128xf32, #tpu.memory_space<vmem>>) offsets(%arg10 : memref<128xi32, #tpu.memory_space<vmem>>) semaphore(%run_scoped3A : memref<!tpu.dma_semaphore, #tpu.memory_space<semaphore_mem>>)
            %dma_wait3A = arith.constant 0 : i32
            %dma_wait3A_173 = arith.constant 0 : i32
            %dma_wait3A_174 = tpu.memref_slice %arg3[%dma_wait3A, %dma_wait3A_173] : memref<10240x128xf32, #tpu.memory_space<hbm>> -> memref<10240x128xf32, #tpu.memory_space<hbm>>
            tpu.wait_indirect_dma semaphore(%run_scoped3A : memref<!tpu.dma_semaphore, #tpu.memory_space<semaphore_mem>>) src(%dma_wait3A_174 : memref<10240x128xf32, #tpu.memory_space<hbm>>) dst(%arg11 : memref<128x128xf32, #tpu.memory_space<vmem>>)
            tpu.yield
          }) : () -> ()
          %scan3A_165 = arith.constant 0 : i32
          %scan3A_166 = arith.constant 0 : i32
          %scan3A_167 = arith.constant 128 : i32
          %scan3A_168 = arith.addi %scan3A_166, %scan3A_167 : i32
          %scan3A_169 = arith.constant 1 : i32
          scf.for %scan3A_171 = %scan3A_166 to %scan3A_168 step %scan3A_169  : i32 {
            %mul3A_172 = arith.constant 128 : i32
            %mul3A_173 = arith.muli %while3A_54, %mul3A_172 : i32
            %add3A_174 = arith.addi %mul3A_173, %scan3A_171 : i32
            %get3A_175 = arith.index_cast %add3A_174 : i32 to index
            %get3A_176 = tpu.vector_load %arg8[%get3A_175] {strides = array<i32>} : memref<6160xi32, #tpu.memory_space<vmem>>, vector<16xi32>,
            %get3A_177 = vector.shape_cast %get3A_176 : vector<16xi32> to vector<16xi32>
            %slice3A_178 = vector.extract_strided_slice %get3A_177 {offsets = [0], sizes = [1], strides = [1]} : vector<16xi32> to vector<1xi32>
            %squeeze3A_179 = vector.extract %slice3A_178[0] : i32 from vector<1xi32>
            %and3A_180 = arith.constant 1023 : i32
            %and3A_181 = arith.andi %squeeze3A_179, %and3A_180 : i32
            %get3A_182 = arith.index_cast %scan3A_171 : i32 to index
            %get3A_183 = arith.constant 0 : index
            %get3A_184 = tpu.vector_load %arg11[%get3A_182, %get3A_183] {strides = array<i32>} : memref<128x128xf32, #tpu.memory_space<vmem>>, vector<1x16xf32>,
            %get3A_185 = vector.shape_cast %get3A_184 : vector<1x16xf32> to vector<16xf32>
            %swap3A_186 = arith.index_cast %and3A_181 : i32 to index
            %swap3A_187 = arith.constant 0 : index
            %swap3A_188 = tpu.vector_load %arg12[%swap3A_186, %swap3A_187] {strides = array<i32>} : memref<648x128xf32, #tpu.memory_space<vmem>>, vector<1x16xf32>,
            %swap3A_189 = vector.shape_cast %swap3A_188 : vector<1x16xf32> to vector<16xf32>
            %swap3A_190 = vector.shape_cast %get3A_185 : vector<16xf32> to vector<1x16xf32>
            tpu.vector_store %arg12[%swap3A_186, %swap3A_187], %swap3A_190 {add = true, strides = array<i32>} : memref<648x128xf32, #tpu.memory_space<vmem>>, vector<1x16xf32>,
            %get3A_191 = arith.index_cast %scan3A_171 : i32 to index
            %get3A_192 = arith.constant 16 : index
            %get3A_193 = tpu.vector_load %arg11[%get3A_191, %get3A_192] {strides = array<i32>} : memref<128x128xf32, #tpu.memory_space<vmem>>, vector<1x16xf32>,
            %get3A_194 = vector.shape_cast %get3A_193 : vector<1x16xf32> to vector<16xf32>
            %swap3A_195 = arith.index_cast %and3A_181 : i32 to index
            %swap3A_196 = arith.constant 16 : index
            %swap3A_197 = tpu.vector_load %arg12[%swap3A_195, %swap3A_196] {strides = array<i32>} : memref<648x128xf32, #tpu.memory_space<vmem>>, vector<1x16xf32>,
            %swap3A_198 = vector.shape_cast %swap3A_197 : vector<1x16xf32> to vector<16xf32>
            %swap3A_199 = vector.shape_cast %get3A_194 : vector<16xf32> to vector<1x16xf32>
            tpu.vector_store %arg12[%swap3A_195, %swap3A_196], %swap3A_199 {add = true, strides = array<i32>} : memref<648x128xf32, #tpu.memory_space<vmem>>, vector<1x16xf32>,
            %get3A_200 = arith.index_cast %scan3A_171 : i32 to index
            %get3A_201 = arith.constant 32 : index
            %get3A_202 = tpu.vector_load %arg11[%get3A_200, %get3A_201] {strides = array<i32>} : memref<128x128xf32, #tpu.memory_space<vmem>>, vector<1x16xf32>,
            %get3A_203 = vector.shape_cast %get3A_202 : vector<1x16xf32> to vector<16xf32>
            %swap3A_204 = arith.index_cast %and3A_181 : i32 to index
            %swap3A_205 = arith.constant 32 : index
            %swap3A_206 = tpu.vector_load %arg12[%swap3A_204, %swap3A_205] {strides = array<i32>} : memref<648x128xf32, #tpu.memory_space<vmem>>, vector<1x16xf32>,
            %swap3A_207 = vector.shape_cast %swap3A_206 : vector<1x16xf32> to vector<16xf32>
            %swap3A_208 = vector.shape_cast %get3A_203 : vector<16xf32> to vector<1x16xf32>
            tpu.vector_store %arg12[%swap3A_204, %swap3A_205], %swap3A_208 {add = true, strides = array<i32>} : memref<648x128xf32, #tpu.memory_space<vmem>>, vector<1x16xf32>,
            %get3A_209 = arith.index_cast %scan3A_171 : i32 to index
            %get3A_210 = arith.constant 48 : index
            %get3A_211 = tpu.vector_load %arg11[%get3A_209, %get3A_210] {strides = array<i32>} : memref<128x128xf32, #tpu.memory_space<vmem>>, vector<1x16xf32>,
            %get3A_212 = vector.shape_cast %get3A_211 : vector<1x16xf32> to vector<16xf32>
            %swap3A_213 = arith.index_cast %and3A_181 : i32 to index
            %swap3A_214 = arith.constant 48 : index
            %swap3A_215 = tpu.vector_load %arg12[%swap3A_213, %swap3A_214] {strides = array<i32>} : memref<648x128xf32, #tpu.memory_space<vmem>>, vector<1x16xf32>,
            %swap3A_216 = vector.shape_cast %swap3A_215 : vector<1x16xf32> to vector<16xf32>
            %swap3A_217 = vector.shape_cast %get3A_212 : vector<16xf32> to vector<1x16xf32>
            tpu.vector_store %arg12[%swap3A_213, %swap3A_214], %swap3A_217 {add = true, strides = array<i32>} : memref<648x128xf32, #tpu.memory_space<vmem>>, vector<1x16xf32>,
            %get3A_218 = arith.index_cast %scan3A_171 : i32 to index
            %get3A_219 = arith.constant 64 : index
            %get3A_220 = tpu.vector_load %arg11[%get3A_218, %get3A_219] {strides = array<i32>} : memref<128x128xf32, #tpu.memory_space<vmem>>, vector<1x16xf32>,
            %get3A_221 = vector.shape_cast %get3A_220 : vector<1x16xf32> to vector<16xf32>
            %swap3A_222 = arith.index_cast %and3A_181 : i32 to index
            %swap3A_223 = arith.constant 64 : index
            %swap3A_224 = tpu.vector_load %arg12[%swap3A_222, %swap3A_223] {strides = array<i32>} : memref<648x128xf32, #tpu.memory_space<vmem>>, vector<1x16xf32>,
            %swap3A_225 = vector.shape_cast %swap3A_224 : vector<1x16xf32> to vector<16xf32>
            %swap3A_226 = vector.shape_cast %get3A_221 : vector<16xf32> to vector<1x16xf32>
            tpu.vector_store %arg12[%swap3A_222, %swap3A_223], %swap3A_226 {add = true, strides = array<i32>} : memref<648x128xf32, #tpu.memory_space<vmem>>, vector<1x16xf32>,
            %get3A_227 = arith.index_cast %scan3A_171 : i32 to index
            %get3A_228 = arith.constant 80 : index
            %get3A_229 = tpu.vector_load %arg11[%get3A_227, %get3A_228] {strides = array<i32>} : memref<128x128xf32, #tpu.memory_space<vmem>>, vector<1x16xf32>,
            %get3A_230 = vector.shape_cast %get3A_229 : vector<1x16xf32> to vector<16xf32>
            %swap3A_231 = arith.index_cast %and3A_181 : i32 to index
            %swap3A_232 = arith.constant 80 : index
            %swap3A_233 = tpu.vector_load %arg12[%swap3A_231, %swap3A_232] {strides = array<i32>} : memref<648x128xf32, #tpu.memory_space<vmem>>, vector<1x16xf32>,
            %swap3A_234 = vector.shape_cast %swap3A_233 : vector<1x16xf32> to vector<16xf32>
            %swap3A_235 = vector.shape_cast %get3A_230 : vector<16xf32> to vector<1x16xf32>
            tpu.vector_store %arg12[%swap3A_231, %swap3A_232], %swap3A_235 {add = true, strides = array<i32>} : memref<648x128xf32, #tpu.memory_space<vmem>>, vector<1x16xf32>,
            %get3A_236 = arith.index_cast %scan3A_171 : i32 to index
            %get3A_237 = arith.constant 96 : index
            %get3A_238 = tpu.vector_load %arg11[%get3A_236, %get3A_237] {strides = array<i32>} : memref<128x128xf32, #tpu.memory_space<vmem>>, vector<1x16xf32>,
            %get3A_239 = vector.shape_cast %get3A_238 : vector<1x16xf32> to vector<16xf32>
            %swap3A_240 = arith.index_cast %and3A_181 : i32 to index
            %swap3A_241 = arith.constant 96 : index
            %swap3A_242 = tpu.vector_load %arg12[%swap3A_240, %swap3A_241] {strides = array<i32>} : memref<648x128xf32, #tpu.memory_space<vmem>>, vector<1x16xf32>,
            %swap3A_243 = vector.shape_cast %swap3A_242 : vector<1x16xf32> to vector<16xf32>
            %swap3A_244 = vector.shape_cast %get3A_239 : vector<16xf32> to vector<1x16xf32>
            tpu.vector_store %arg12[%swap3A_240, %swap3A_241], %swap3A_244 {add = true, strides = array<i32>} : memref<648x128xf32, #tpu.memory_space<vmem>>, vector<1x16xf32>,
            %get3A_245 = arith.index_cast %scan3A_171 : i32 to index
            %get3A_246 = arith.constant 112 : index
            %get3A_247 = tpu.vector_load %arg11[%get3A_245, %get3A_246] {strides = array<i32>} : memref<128x128xf32, #tpu.memory_space<vmem>>, vector<1x16xf32>,
            %get3A_248 = vector.shape_cast %get3A_247 : vector<1x16xf32> to vector<16xf32>
            %swap3A_249 = arith.index_cast %and3A_181 : i32 to index
            %swap3A_250 = arith.constant 112 : index
            %swap3A_251 = tpu.vector_load %arg12[%swap3A_249, %swap3A_250] {strides = array<i32>} : memref<648x128xf32, #tpu.memory_space<vmem>>, vector<1x16xf32>,
            %swap3A_252 = vector.shape_cast %swap3A_251 : vector<1x16xf32> to vector<16xf32>
            %swap3A_253 = vector.shape_cast %get3A_248 : vector<16xf32> to vector<1x16xf32>
            tpu.vector_store %arg12[%swap3A_249, %swap3A_250], %swap3A_253 {add = true, strides = array<i32>} : memref<648x128xf32, #tpu.memory_space<vmem>>, vector<1x16xf32>,
          }
          %scan3A_170 = arith.constant 128 : i32
        }
      }
      %scan3A_14 = arith.constant 32 : i32
    } else {
    }
    %mul3A = arith.constant 640 : i32
    %mul3A_7 = arith.muli %arg1, %mul3A : i32
    %mul3A_8 = arith.constant 128 : i32
    %mul3A_9 = arith.muli %arg0, %mul3A_8 : i32
    "tpu.region"() ({
      %run_scoped3A = tpu.sem_alloc : memref<!tpu.dma_semaphore, #tpu.memory_space<semaphore_mem>>
      %dma_start3A = arith.constant 0 : i32
      %dma_start3A_10 = arith.constant 0 : i32
      %dma_start3A_11 = tpu.memref_slice %arg12[%dma_start3A, %dma_start3A_10] : memref<648x128xf32, #tpu.memory_space<vmem>> -> memref<640x128xf32, #tpu.memory_space<vmem>>
      %dma_start3A_12 = tpu.memref_slice %arg7[%mul3A_7, %mul3A_9] : memref<10240x256xf32, #tpu.memory_space<hbm>> -> memref<640x128xf32, #tpu.memory_space<hbm>>
      %dma_start3A_13 = tpu.memref_slice %arg7[%mul3A_7, %mul3A_9] : memref<10240x256xf32, #tpu.memory_space<hbm>> -> memref<640x128xf32, #tpu.memory_space<hbm>>
      %dma_start3A_14 = arith.constant 0 : i32
      %dma_start3A_15 = arith.constant 0 : i32
      %dma_start3A_16 = tpu.memref_slice %arg12[%dma_start3A_14, %dma_start3A_15] : memref<648x128xf32, #tpu.memory_space<vmem>> -> memref<640x128xf32, #tpu.memory_space<vmem>>
      tpu.enqueue_dma source(%dma_start3A_16 : memref<640x128xf32, #tpu.memory_space<vmem>>) target(%dma_start3A_13 : memref<640x128xf32, #tpu.memory_space<hbm>>) target_semaphore(%run_scoped3A : memref<!tpu.dma_semaphore, #tpu.memory_space<semaphore_mem>>)
      %dma_wait3A = arith.constant 0 : i32
      %dma_wait3A_17 = arith.constant 0 : i32
      %dma_wait3A_18 = tpu.memref_slice %arg12[%dma_wait3A, %dma_wait3A_17] : memref<648x128xf32, #tpu.memory_space<vmem>> -> memref<640x128xf32, #tpu.memory_space<vmem>>
      %dma_wait3A_19 = tpu.memref_slice %arg7[%mul3A_7, %mul3A_9] : memref<10240x256xf32, #tpu.memory_space<hbm>> -> memref<640x128xf32, #tpu.memory_space<hbm>>
      %dma_wait3A_20 = tpu.memref_slice %arg7[%mul3A_7, %mul3A_9] : memref<10240x256xf32, #tpu.memory_space<hbm>> -> memref<640x128xf32, #tpu.memory_space<hbm>>
      %dma_wait3A_21 = arith.constant 0 : i32
      %dma_wait3A_22 = arith.constant 0 : i32
      %dma_wait3A_23 = tpu.memref_slice %arg12[%dma_wait3A_21, %dma_wait3A_22] : memref<648x128xf32, #tpu.memory_space<vmem>> -> memref<640x128xf32, #tpu.memory_space<vmem>>
      tpu.wait_dma2 semaphore(%run_scoped3A : memref<!tpu.dma_semaphore, #tpu.memory_space<semaphore_mem>>) src(%dma_wait3A_23 : memref<640x128xf32, #tpu.memory_space<vmem>>) dst(%dma_wait3A_20 : memref<640x128xf32, #tpu.memory_space<hbm>>)
      tpu.yield
    }) : () -> ()
    return
  }
}

module attributes {stable_mosaic.version = 14 : i64} {
  func.func @_pre_body(%arg0: i32, %arg1: memref<512x256xf32, #tpu.memory_space<vmem>>, %arg2: memref<256x256xf32, #tpu.memory_space<vmem>>, %arg3: memref<512x1xf32, #tpu.memory_space<vmem>>, %arg4: memref<512x1xf32, #tpu.memory_space<vmem>>, %arg5: memref<512x256xf32, #tpu.memory_space<vmem>>, %arg6: memref<512x1xf32, #tpu.memory_space<vmem>>) attributes {dimension_semantics = [#tpu.dimension_semantics<arbitrary>], iteration_bounds = array<i64: 20>, scalar_prefetch = 0 : i64, scratch_operands = 0 : i64, tpu.core_type = #tpu.core_type<tc>, window_params = [{transform_indices = @transform_0, window_bounds = array<i64: 512, 256>}, {pipeline_mode = #tpu.pipeline_mode<synchronous>, transform_indices = @transform_1, window_bounds = array<i64: 256, 256>}, {transform_indices = @transform_2, window_bounds = array<i64: 512, 1>}, {transform_indices = @transform_3, window_bounds = array<i64: 512, 1>}, {transform_indices = @transform_4, window_bounds = array<i64: 512, 256>}, {transform_indices = @transform_5, window_bounds = array<i64: 512, 1>}]} {
    %get3A = arith.constant 0 : index
    %get3A_0 = arith.constant 0 : index
    %get3A_1 = vector.load %arg1[%get3A, %get3A_0] : memref<512x256xf32, #tpu.memory_space<vmem>>, vector<512x256xf32>
    %get3A_2 = arith.constant 0 : index
    %get3A_3 = arith.constant 0 : index
    %get3A_4 = vector.load %arg2[%get3A_2, %get3A_3] : memref<256x256xf32, #tpu.memory_space<vmem>>, vector<256x256xf32>
    %dot_general3A = arith.constant dense<0.000000e+00> : vector<512x256xf32>
    %dot_general3A_5 = tpu.matmul %get3A_1, %get3A_4, %dot_general3A {dimension_numbers = #tpu.dot_dimension_numbers<[1], [0], [0], [1], [0, 0, 1, 1], [], []>, transpose_lhs_hint = false} : vector<512x256xf32>, vector<256x256xf32>, vector<512x256xf32> -> vector<512x256xf32>
    %get3A_6 = arith.constant 0 : index
    %get3A_7 = arith.constant 0 : index
    %get3A_8 = vector.load %arg3[%get3A_6, %get3A_7] : memref<512x1xf32, #tpu.memory_space<vmem>>, vector<512x1xf32>
    %add3A = arith.constant 1.000000e+00 : f32
    %add3A_9 = vector.broadcast %add3A : f32 to vector<512x1xf32>
    %add3A_10 = arith.addf %add3A_9, %get3A_8 : vector<512x1xf32>
    %get3A_11 = arith.constant 0 : index
    %get3A_12 = arith.constant 0 : index
    %get3A_13 = vector.load %arg4[%get3A_11, %get3A_12] : memref<512x1xf32, #tpu.memory_space<vmem>>, vector<512x1xf32>
    %add3A_14 = arith.addf %add3A_10, %get3A_13 : vector<512x1xf32>
    %rsqrt3A = math.rsqrt %add3A_14 : vector<512x1xf32>
    %swap3A = arith.constant 0 : index
    %swap3A_15 = arith.constant 0 : index
    %swap3A_16 = vector.load %arg6[%swap3A, %swap3A_15] : memref<512x1xf32, #tpu.memory_space<vmem>>, vector<512x1xf32>
    tpu.vector_store %arg6[%swap3A, %swap3A_15], %rsqrt3A {strides = array<i32>} : memref<512x1xf32, #tpu.memory_space<vmem>>, vector<512x1xf32>,
    %mul3A = vector.broadcast %rsqrt3A : vector<512x1xf32> to vector<512x256xf32>
    %mul3A_17 = arith.mulf %dot_general3A_5, %mul3A : vector<512x256xf32>
    %swap3A_18 = arith.constant 0 : index
    %swap3A_19 = arith.constant 0 : index
    %swap3A_20 = vector.load %arg5[%swap3A_18, %swap3A_19] : memref<512x256xf32, #tpu.memory_space<vmem>>, vector<512x256xf32>
    tpu.vector_store %arg5[%swap3A_18, %swap3A_19], %mul3A_17 {strides = array<i32>} : memref<512x256xf32, #tpu.memory_space<vmem>>, vector<512x256xf32>,
    return
  }
  func.func @transform_0(%arg0: i32) -> (i32, i32) {
    %c0_i32 = arith.constant 0 : i32
    %c0_i32_0 = arith.constant 0 : i32
    return %arg0, %c0_i32 : i32, i32
  }
  func.func @transform_1(%arg0: i32) -> (i32, i32) {
    %c0_i32 = arith.constant 0 : i32
    %c0_i32_0 = arith.constant 0 : i32
    %c0_i32_1 = arith.constant 0 : i32
    return %c0_i32, %c0_i32_0 : i32, i32
  }
  func.func @transform_2(%arg0: i32) -> (i32, i32) {
    %c0_i32 = arith.constant 0 : i32
    %c0_i32_0 = arith.constant 0 : i32
    return %arg0, %c0_i32 : i32, i32
  }
  func.func @transform_3(%arg0: i32) -> (i32, i32) {
    %c0_i32 = arith.constant 0 : i32
    %c0_i32_0 = arith.constant 0 : i32
    return %arg0, %c0_i32 : i32, i32
  }
  func.func @transform_4(%arg0: i32) -> (i32, i32) {
    %c0_i32 = arith.constant 0 : i32
    %c0_i32_0 = arith.constant 0 : i32
    return %arg0, %c0_i32 : i32, i32
  }
  func.func @transform_5(%arg0: i32) -> (i32, i32) {
    %c0_i32 = arith.constant 0 : i32
    %c0_i32_0 = arith.constant 0 : i32
    return %arg0, %c0_i32 : i32, i32
  }
}

module attributes {stable_mosaic.version = 14 : i64} {
  func.func @_head_body(%arg0: i32, %arg1: memref<512x256xf32, #tpu.memory_space<vmem>>, %arg2: memref<512x256xf32, #tpu.memory_space<vmem>>, %arg3: memref<512x1xf32, #tpu.memory_space<vmem>>, %arg4: memref<512x256xf32, #tpu.memory_space<vmem>>, %arg5: memref<1x256xf32, #tpu.memory_space<vmem>>, %arg6: memref<256x512xf32, #tpu.memory_space<vmem>>, %arg7: memref<1x512xf32, #tpu.memory_space<vmem>>, %arg8: memref<512x512xf32, #tpu.memory_space<vmem>>, %arg9: memref<1x512xf32, #tpu.memory_space<vmem>>, %arg10: memref<512x128xf32, #tpu.memory_space<vmem>>, %arg11: memref<1x128xf32, #tpu.memory_space<vmem>>, %arg12: memref<512x512xf32, #tpu.memory_space<vmem>>, %arg13: memref<512x128xf32, #tpu.memory_space<vmem>>) attributes {dimension_semantics = [#tpu.dimension_semantics<arbitrary>], iteration_bounds = array<i64: 20>, scalar_prefetch = 0 : i64, scratch_operands = 0 : i64, tpu.core_type = #tpu.core_type<tc>, window_params = [{transform_indices = @transform_0, window_bounds = array<i64: 512, 256>}, {transform_indices = @transform_1, window_bounds = array<i64: 512, 256>}, {transform_indices = @transform_2, window_bounds = array<i64: 512, 1>}, {transform_indices = @transform_3, window_bounds = array<i64: 512, 256>}, {pipeline_mode = #tpu.pipeline_mode<synchronous>, transform_indices = @transform_4, window_bounds = array<i64: 1, 256>}, {pipeline_mode = #tpu.pipeline_mode<synchronous>, transform_indices = @transform_5, window_bounds = array<i64: 256, 512>}, {pipeline_mode = #tpu.pipeline_mode<synchronous>, transform_indices = @transform_6, window_bounds = array<i64: 1, 512>}, {pipeline_mode = #tpu.pipeline_mode<synchronous>, transform_indices = @transform_7, window_bounds = array<i64: 512, 512>}, {pipeline_mode = #tpu.pipeline_mode<synchronous>, transform_indices = @transform_8, window_bounds = array<i64: 1, 512>}, {pipeline_mode = #tpu.pipeline_mode<synchronous>, transform_indices = @transform_9, window_bounds = array<i64: 512, 128>}, {pipeline_mode = #tpu.pipeline_mode<synchronous>, transform_indices = @transform_10, window_bounds = array<i64: 1, 128>}, {transform_indices = @transform_11, window_bounds = array<i64: 512, 512>}, {transform_indices = @transform_12, window_bounds = array<i64: 512, 128>}]} {
    %get3A = arith.constant 0 : index
    %get3A_0 = arith.constant 0 : index
    %get3A_1 = vector.load %arg1[%get3A, %get3A_0] : memref<512x256xf32, #tpu.memory_space<vmem>>, vector<512x256xf32>
    %get3A_2 = arith.constant 0 : index
    %get3A_3 = arith.constant 0 : index
    %get3A_4 = vector.load %arg2[%get3A_2, %get3A_3] : memref<512x256xf32, #tpu.memory_space<vmem>>, vector<512x256xf32>
    %add3A = arith.addf %get3A_1, %get3A_4 : vector<512x256xf32>
    %get3A_5 = arith.constant 0 : index
    %get3A_6 = arith.constant 0 : index
    %get3A_7 = vector.load %arg3[%get3A_5, %get3A_6] : memref<512x1xf32, #tpu.memory_space<vmem>>, vector<512x1xf32>
    %mul3A = vector.broadcast %get3A_7 : vector<512x1xf32> to vector<512x256xf32>
    %mul3A_8 = arith.mulf %add3A, %mul3A : vector<512x256xf32>
    %get3A_9 = arith.constant 0 : index
    %get3A_10 = arith.constant 0 : index
    %get3A_11 = vector.load %arg5[%get3A_9, %get3A_10] : memref<1x256xf32, #tpu.memory_space<vmem>>, vector<1x256xf32>
    %add3A_12 = vector.broadcast %get3A_11 : vector<1x256xf32> to vector<512x256xf32>
    %add3A_13 = arith.addf %mul3A_8, %add3A_12 : vector<512x256xf32>
    %max3A = arith.constant 0.000000e+00 : f32
    %max3A_14 = vector.broadcast %max3A : f32 to vector<512x256xf32>
    %max3A_15 = arith.maximumf %add3A_13, %max3A_14 : vector<512x256xf32>
    %get3A_16 = arith.constant 0 : index
    %get3A_17 = arith.constant 0 : index
    %get3A_18 = vector.load %arg4[%get3A_16, %get3A_17] : memref<512x256xf32, #tpu.memory_space<vmem>>, vector<512x256xf32>
    %add3A_19 = arith.addf %max3A_15, %get3A_18 : vector<512x256xf32>
    %get3A_20 = arith.constant 0 : index
    %get3A_21 = arith.constant 0 : index
    %get3A_22 = vector.load %arg6[%get3A_20, %get3A_21] : memref<256x512xf32, #tpu.memory_space<vmem>>, vector<256x512xf32>
    %dot_general3A = arith.constant dense<0.000000e+00> : vector<512x512xf32>
    %dot_general3A_23 = tpu.matmul %add3A_19, %get3A_22, %dot_general3A {dimension_numbers = #tpu.dot_dimension_numbers<[1], [0], [0], [1], [0, 0, 1, 1], [], []>, transpose_lhs_hint = false} : vector<512x256xf32>, vector<256x512xf32>, vector<512x512xf32> -> vector<512x512xf32>
    %get3A_24 = arith.constant 0 : index
    %get3A_25 = arith.constant 0 : index
    %get3A_26 = vector.load %arg7[%get3A_24, %get3A_25] : memref<1x512xf32, #tpu.memory_space<vmem>>, vector<1x512xf32>
    %add3A_27 = vector.broadcast %get3A_26 : vector<1x512xf32> to vector<512x512xf32>
    %add3A_28 = arith.addf %dot_general3A_23, %add3A_27 : vector<512x512xf32>
    %max3A_29 = arith.constant 0.000000e+00 : f32
    %max3A_30 = vector.broadcast %max3A_29 : f32 to vector<512x512xf32>
    %max3A_31 = arith.maximumf %add3A_28, %max3A_30 : vector<512x512xf32>
    %swap3A = arith.constant 0 : index
    %swap3A_32 = arith.constant 0 : index
    %swap3A_33 = vector.load %arg12[%swap3A, %swap3A_32] : memref<512x512xf32, #tpu.memory_space<vmem>>, vector<512x512xf32>
    tpu.vector_store %arg12[%swap3A, %swap3A_32], %max3A_31 {strides = array<i32>} : memref<512x512xf32, #tpu.memory_space<vmem>>, vector<512x512xf32>,
    %get3A_34 = arith.constant 0 : index
    %get3A_35 = arith.constant 0 : index
    %get3A_36 = vector.load %arg8[%get3A_34, %get3A_35] : memref<512x512xf32, #tpu.memory_space<vmem>>, vector<512x512xf32>
    %dot_general3A_37 = arith.constant dense<0.000000e+00> : vector<512x512xf32>
    %dot_general3A_38 = tpu.matmul %max3A_31, %get3A_36, %dot_general3A_37 {dimension_numbers = #tpu.dot_dimension_numbers<[1], [0], [0], [1], [0, 0, 1, 1], [], []>, transpose_lhs_hint = false} : vector<512x512xf32>, vector<512x512xf32>, vector<512x512xf32> -> vector<512x512xf32>
    %get3A_39 = arith.constant 0 : index
    %get3A_40 = arith.constant 0 : index
    %get3A_41 = vector.load %arg9[%get3A_39, %get3A_40] : memref<1x512xf32, #tpu.memory_space<vmem>>, vector<1x512xf32>
    %add3A_42 = vector.broadcast %get3A_41 : vector<1x512xf32> to vector<512x512xf32>
    %add3A_43 = arith.addf %dot_general3A_38, %add3A_42 : vector<512x512xf32>
    %max3A_44 = arith.constant 0.000000e+00 : f32
    %max3A_45 = vector.broadcast %max3A_44 : f32 to vector<512x512xf32>
    %max3A_46 = arith.maximumf %add3A_43, %max3A_45 : vector<512x512xf32>
    %get3A_47 = arith.constant 0 : index
    %get3A_48 = arith.constant 0 : index
    %get3A_49 = vector.load %arg10[%get3A_47, %get3A_48] : memref<512x128xf32, #tpu.memory_space<vmem>>, vector<512x128xf32>
    %dot_general3A_50 = arith.constant dense<0.000000e+00> : vector<512x128xf32>
    %dot_general3A_51 = tpu.matmul %max3A_46, %get3A_49, %dot_general3A_50 {dimension_numbers = #tpu.dot_dimension_numbers<[1], [0], [0], [1], [0, 0, 1, 1], [], []>, transpose_lhs_hint = false} : vector<512x512xf32>, vector<512x128xf32>, vector<512x128xf32> -> vector<512x128xf32>
    %get3A_52 = arith.constant 0 : index
    %get3A_53 = arith.constant 0 : index
    %get3A_54 = vector.load %arg11[%get3A_52, %get3A_53] : memref<1x128xf32, #tpu.memory_space<vmem>>, vector<1x128xf32>
    %add3A_55 = vector.broadcast %get3A_54 : vector<1x128xf32> to vector<512x128xf32>
    %add3A_56 = arith.addf %dot_general3A_51, %add3A_55 : vector<512x128xf32>
    %swap3A_57 = arith.constant 0 : index
    %swap3A_58 = arith.constant 0 : index
    %swap3A_59 = vector.load %arg13[%swap3A_57, %swap3A_58] : memref<512x128xf32, #tpu.memory_space<vmem>>, vector<512x128xf32>
    tpu.vector_store %arg13[%swap3A_57, %swap3A_58], %add3A_56 {strides = array<i32>} : memref<512x128xf32, #tpu.memory_space<vmem>>, vector<512x128xf32>,
    return
  }
  func.func @transform_0(%arg0: i32) -> (i32, i32) {
    %c0_i32 = arith.constant 0 : i32
    %c0_i32_0 = arith.constant 0 : i32
    return %arg0, %c0_i32 : i32, i32
  }
  func.func @transform_1(%arg0: i32) -> (i32, i32) {
    %c0_i32 = arith.constant 0 : i32
    %c0_i32_0 = arith.constant 0 : i32
    return %arg0, %c0_i32 : i32, i32
  }
  func.func @transform_2(%arg0: i32) -> (i32, i32) {
    %c0_i32 = arith.constant 0 : i32
    %c0_i32_0 = arith.constant 0 : i32
    return %arg0, %c0_i32 : i32, i32
  }
  func.func @transform_3(%arg0: i32) -> (i32, i32) {
    %c0_i32 = arith.constant 0 : i32
    %c0_i32_0 = arith.constant 0 : i32
    return %arg0, %c0_i32 : i32, i32
  }
  func.func @transform_4(%arg0: i32) -> (i32, i32) {
    %c0_i32 = arith.constant 0 : i32
    %c0_i32_0 = arith.constant 0 : i32
    %c0_i32_1 = arith.constant 0 : i32
    return %c0_i32, %c0_i32_0 : i32, i32
  }
  func.func @transform_5(%arg0: i32) -> (i32, i32) {
    %c0_i32 = arith.constant 0 : i32
    %c0_i32_0 = arith.constant 0 : i32
    %c0_i32_1 = arith.constant 0 : i32
    return %c0_i32, %c0_i32_0 : i32, i32
  }
  func.func @transform_6(%arg0: i32) -> (i32, i32) {
    %c0_i32 = arith.constant 0 : i32
    %c0_i32_0 = arith.constant 0 : i32
    %c0_i32_1 = arith.constant 0 : i32
    return %c0_i32, %c0_i32_0 : i32, i32
  }
  func.func @transform_7(%arg0: i32) -> (i32, i32) {
    %c0_i32 = arith.constant 0 : i32
    %c0_i32_0 = arith.constant 0 : i32
    %c0_i32_1 = arith.constant 0 : i32
    return %c0_i32, %c0_i32_0 : i32, i32
  }
  func.func @transform_8(%arg0: i32) -> (i32, i32) {
    %c0_i32 = arith.constant 0 : i32
    %c0_i32_0 = arith.constant 0 : i32
    %c0_i32_1 = arith.constant 0 : i32
    return %c0_i32, %c0_i32_0 : i32, i32
  }
  func.func @transform_9(%arg0: i32) -> (i32, i32) {
    %c0_i32 = arith.constant 0 : i32
    %c0_i32_0 = arith.constant 0 : i32
    %c0_i32_1 = arith.constant 0 : i32
    return %c0_i32, %c0_i32_0 : i32, i32
  }
  func.func @transform_10(%arg0: i32) -> (i32, i32) {
    %c0_i32 = arith.constant 0 : i32
    %c0_i32_0 = arith.constant 0 : i32
    %c0_i32_1 = arith.constant 0 : i32
    return %c0_i32, %c0_i32_0 : i32, i32
  }
  func.func @transform_11(%arg0: i32) -> (i32, i32) {
    %c0_i32 = arith.constant 0 : i32
    %c0_i32_0 = arith.constant 0 : i32
    return %arg0, %c0_i32 : i32, i32
  }
  func.func @transform_12(%arg0: i32) -> (i32, i32) {
    %c0_i32 = arith.constant 0 : i32
    %c0_i32_0 = arith.constant 0 : i32
    return %arg0, %c0_i32 : i32, i32
  }
}

</mosaic_0001>

<sc_bundles>
// kernel: kernel.10.cloned.1.call-start
scs
__scs_entry_jumppad:
0x0: {  	(pc) =	sbr.rel $0x88, $3  }
0x1: {  	(tag) =	ssettag $0x0;
	lr =	simm.s32 $0x1  }
0x2: {  	[smem:$0x3F97] =	sst lr;
	_ =	strace $0xD0000000  }
0x3: {  	_ = 	snop  }
0x4: {  	_ = 	snop  }
0x5: {  	_ = 	snop  }
0x6: {  	_ = 	snop  }
0x7: {  	_ = 	snop  }
__scs_overlays_trampoline_lowered:
0x8: {  	[smem:$0x3FA6] =	sst s0  }
0x9: {  	[smem:$0x3FA7] =	sst s1  }
0xa: {  	[smem:$0x3FA8] =	sst s2  }
0xb: {  	[smem:$0x3FA9] =	sst s3  }
0xc: {  	[smem:$0x3FAA] =	sst s4  }
0xd: {  	[smem:$0x3FAB] =	sst s5  }
0xe: {  	[smem:$0x3FAC] =	sst s6  }
0xf: {  	[smem:$0x3FAD] =	sst s7  }
0x10: {  	[smem:$0x3FAE] =	sst s8  }
0x11: {  	[smem:$0x3FAF] =	sst s9;
	s0 =	simm.s32 @!p0 $0x0  }
0x12: {  	s1 =	sld [smem:$0x3F95];
	s0 =	simm.s32 @p0 $0x1  }
0x13: {  	[smem:$0x3FB0] =	sst s0;
	s0 =	simm.s32 @!p1 $0x0  }
0x14: {  	s2 =	sld [smem:$0x3F94];
	s0 =	simm.s32 @p1 $0x1  }
0x15: {  	[smem:$0x3FB1] =	sst s0;
	s0 =	simm.s32 @!p2 $0x0  }
0x16: {  	s3 =	sld [smem:$0x3FDB];
	s0 =	simm.s32 @p2 $0x1  }
0x17: {  	s4 =	simm.s32 $0x1BF5;
	[smem:$0x3FB3] =	sst s0  }
0x18: {  	s0 =	sld [smem:$0x3F96];
	_ =	swait.ge [sflag:s4], $0x0  }
0x19: {  	s7 =	sld [smem:$0x3F97]  }
0x1a: {  	s8 =	sadd.s32 $0xFFFFE003, lr  }
0x1b: {  	s9 =	sadd.s32 $0xFFFFFEF7, lr;
	s5 =	simm.s32 $0xFFFFFFFF;
	p2 =	slt.u32 s8, $0xFFFFF086  }
0x1c: {  	p1 =	slt.u32 s9, $0xF7A;
	s5 =	simm.s32 @!p2 $0x0  }
0x1d: {  	s5 =	simm.s32 @p1 $0x1;
	p0 =	seq.s32 s7, s2  }
0x1e: {  	s7 =	smul.u32 @!p0 $0xF7A, s2;
	p2 =	seq.s32 @!p0 s5, $0x0  }
0x1f: {  	s9 =	smul.u32 $0xF7A, s1;
	s8 =	simm.s32 @!p0 $0x1BF5;
	p2 =	por !p2, p0  }
0x20: {  	[sflag:s8] =	ssyncset.s32 @!p0 $0xFFFFF086;
	s6 =	sadd.s32 @!p0 s3, s7;
	s7 =	simm.s32 @!p0 $0x108  }
0x21: {  	s3 =	sadd.s32 s3, s9;
	s6 =	sadd.s32 @!p0 $0x88, s6;
	s7 =	simm.s32 @p2 $0x1082  }
0x22: {  	[simem:s7], [sflag:s8] =	dma.local @!p0 [hbm:s6], $0xF7A  }
0x23: {  	s9 =	sor.u32 $0xD0000000, s2;
	s6 =	simm.s32 $0x108;
	_ =	swait.ge @!p0 [sflag:s8], $0x0  }
0x24: {  	s3 =	sadd.s32 $0x88, s3;
	s6 =	simm.s32 @!p1 $0x1082;
	[sflag:s4] =	ssyncset.s32 $0xFFFFF086  }
0x25: {  	[simem:s6], [sflag:s4] =	dma.local [hbm:s3], $0xF7A  }
0x26: {  	[smem:$0x3F97] =	sst s1;
	(tag) =	ssettag s2;
	_ =	strace s9  }
0x27: {  	s1 =	sld [smem:$0x3FA7]  }
0x28: {  	s2 =	sld [smem:$0x3FA8]  }
0x29: {  	s4 =	sld [smem:$0x3FAA]  }
0x2a: {  	p0 =	seq.s32 s5, $0x0;
	s5 =	sld [smem:$0x3FAB]  }
0x2b: {  	s6 =	sld [smem:$0x3FAC]  }
0x2c: {  	s7 =	sld [smem:$0x3FAD]  }
0x2d: {  	s3 =	simm.s32 $0x108;
	s8 =	sld [smem:$0x3FAE]  }
0x2e: {  	s3 =	simm.s32 @!p0 $0x1082;
	s9 =	sld [smem:$0x3FAF]  }
0x2f: {  	lr =	sadd.s32 s0, s3;
	s0 =	sld [smem:$0x3FA6]  }
0x30: {  	s3 =	sld [smem:$0x3FA9]  }
0x31: {  	[smem:$0x3FB2] =	sst s10  }
0x32: {  	s10 =	sld [smem:$0x3FB0];
	_ =	sdelay $0x3  }
0x33: {  	p0 =	seq.s32 s10, $0x1;
	s10 =	sld [smem:$0x3FB2];
	_ =	sdelay $0x3  }
0x34: {  	[smem:$0x3FB2] =	sst s10  }
0x35: {  	s10 =	sld [smem:$0x3FB1];
	_ =	sdelay $0x3  }
0x36: {  	p1 =	seq.s32 s10, $0x1;
	s10 =	sld [smem:$0x3FB2];
	_ =	sdelay $0x3  }
0x37: {  	[smem:$0x3FB2] =	sst s10  }
0x38: {  	s10 =	sld [smem:$0x3FB3]  }
0x39: {  	_ = 	snop;
	(pc) =	sbr.ind lr, $3  }
0x3a: {  	_ = 	snop  }
0x3b: {  	_ = 	snop  }
0x3c: {  	p2 =	seq.s32 s10, $0x1;
	s10 =	sld [smem:$0x3FB2]  }
0x3d: {  	_ =	shalt  }
0x3e: {  	_ =	shalt  }
0x3f: {  	_ =	shalt  }
0x40: {  	_ =	shalt  }
0x41: {  	_ =	shalt  }
0x42: {  	_ =	shalt  }
0x43: {  	_ =	shalt  }
0x44: {  	_ =	shalt  }
0x45: {  	_ =	shalt  }
0x46: {  	_ =	shalt  }
0x47: {  	_ =	shalt  }
0x48: {  	_ =	shalt  }
0x49: {  	_ =	shalt  }
0x4a: {  	_ =	shalt  }
0x4b: {  	_ =	shalt  }
0x4c: {  	_ =	shalt  }
0x4d: {  	_ =	shalt  }
0x4e: {  	_ =	shalt  }
0x4f: {  	_ =	shalt  }
0x50: {  	_ =	shalt  }
0x51: {  	_ =	shalt  }
0x52: {  	_ =	shalt  }
0x53: {  	_ =	shalt  }
0x54: {  	_ =	shalt  }
0x55: {  	_ =	shalt  }
0x56: {  	_ =	shalt  }
0x57: {  	_ =	shalt  }
0x58: {  	_ =	shalt  }
0x59: {  	_ =	shalt  }
0x5a: {  	_ =	shalt  }
0x5b: {  	_ =	shalt  }
0x5c: {  	_ =	shalt  }
0x5d: {  	_ =	shalt  }
0x5e: {  	_ =	shalt  }
0x5f: {  	_ =	shalt  }
0x60: {  	_ =	shalt  }
0x61: {  	_ =	shalt  }
0x62: {  	_ =	shalt  }
0x63: {  	_ =	shalt  }
0x64: {  	_ =	shalt  }
0x65: {  	_ =	shalt  }
0x66: {  	_ =	shalt  }
0x67: {  	_ =	shalt  }
0x68: {  	_ =	shalt  }
0x69: {  	_ =	shalt  }
0x6a: {  	_ =	shalt  }
0x6b: {  	_ =	shalt  }
0x6c: {  	_ =	shalt  }
0x6d: {  	_ =	shalt  }
0x6e: {  	_ =	shalt  }
0x6f: {  	_ =	shalt  }
0x70: {  	_ =	shalt  }
0x71: {  	_ =	shalt  }
0x72: {  	_ =	shalt  }
0x73: {  	_ =	shalt  }
0x74: {  	_ =	shalt  }
0x75: {  	_ =	shalt  }
0x76: {  	_ =	shalt  }
0x77: {  	_ =	shalt  }
0x78: {  	_ =	shalt  }
0x79: {  	_ =	shalt  }
0x7a: {  	_ =	shalt  }
0x7b: {  	_ =	shalt  }
0x7c: {  	_ =	shalt  }
0x7d: {  	_ =	shalt  }
0x7e: {  	_ =	shalt  }
0x7f: {  	_ =	shalt  }
0x80: {  	_ =	shalt  }
0x81: {  	_ =	shalt  }
0x82: {  	_ =	shalt  }
0x83: {  	_ =	shalt  }
0x84: {  	_ =	shalt  }
0x85: {  	_ =	shalt  }
0x86: {  	_ =	shalt  }
0x87: {  	_ =	shalt  }
.Lfunc_end0:
.L_simem_size_0:
called_computation.1_lowered:
.L_overlay_start_0:
0x88: {  	s2 =	sld [smem:$0x3FD9]  }
0x89: {  	s3 =	sld [smem:$0x3FFE];
	_ =	sdelay $0x1  }
0x8a: {  	s1 =	srdreg.scid  }
0x8b: {  	s0 =	sand.u32 $0x1, s1  }
0x8c: {  	s14 =	sshll.u32 s0, $0xA;
	s2 =	sadd.s32 s3, s2  }
0x8d: {  	s2 =	sadd.s32 s2, s14  }
0x8e: {  	[smem:$0x3FBE] =	sst s2  }
0x8f: {  	_ = 	snop  }
0x90: {  	s2 =	sld [smem:$0x3FD0];
	_ =	sdelay $0x2  }
0x91: {  	s15 =	simm.s32 $0xA;
	s4 =	simm.s32 $0x10  }
0x92: {  	[smem:s4], [sflag:s15] =	dma.local [hbm:s2], $0x1  }
0x93: {  	_ =	swait.eq [sflag:s15], $0x1  }
0x94: {  	[sflag:s15] =	ssyncset.done $0x0  }
0x95: {  	[sflag:s15] =	ssyncadd.s32 $0xFFFFFFFF  }
0x96: {  	s16 =	sld [smem:$0x10];
	(tm) =	ssettm $0x1  }
0x97: {  	s17 =	sld [smem:$0x3FFB];
	_ =	sdelay $0x3  }
0x98: {  	_ =	strace s17  }
0x99: {  	s3 =	sld [smem:$0x3FFC];
	_ =	sdelay $0x3  }
0x9a: {  	_ =	strace s3  }
0x9b: {  	s3 =	sld [smem:$0x3FFD];
	_ =	sdelay $0x3  }
0x9c: {  	_ =	strace s3  }
0x9d: {  	_ =	strace $0x8FFFFFFF  }
0x9e: {  	s18 =	sld [smem:$0x3FDB];
	_ =	sdelay $0x1  }
0x9f: {  	s19 =	simm.s32 $_scs_section_size  }
0xa0: {  	s5 =	simm.s32 $_size__tile_overlayer_lowered;
	s6 =	simm.s32 $_tile_overlayer_lowered  }
0xa1: {  	s22 =	simm.s32 $0x1BFF;
	s21 =	sshll.u32 s6, $0x1;
	s3 =	sadd.s32 s19, s18  }
0xa2: {  	s7 =	simm.s32 $0x0;
	s20 =	sshll.u32 s5, $0x1;
	s5 =	sadd.s32 s21, s3  }
0xa3: {  	[timem:s7], [sflag:s22] =	dma.local [hbm:s5], s20  }
0xa4: {  	_ =	swait.ge [sflag:s22], s20  }
0xa5: {  	s4 =	ssub.s32 $0x0, s20;
	[sflag:s22] =	ssyncset.done $0x0  }
0xa6: {  	[sflag:s22] =	ssyncadd.s32 s4;
	_ =	sdelay $0x1  }
0xa7: {  	s23 =	simm.s32 $0x1B8B  }
0xa8: {  	_ =	swait.ge [sflag:s23], $0x1  }
0xa9: {  	[sflag:s23] =	ssyncset.done $0x0  }
0xaa: {  	s25 =	simm.s32 $0x1B8E;
	s24 =	sld [smem:$0x3FFE];
	[sflag:s23] =	ssyncadd.s32 $0xFFFFFFFF  }
0xab: {  	s26 =	simm.s32 $execute0_lowered;
	[smem:$0x3FD2] =	sst s25  }
0xac: {  	s5 =	sshll.u32 s26, $0x1;
	_ =	strace $0x80000049;
	[dreg:$0x1] =	wrdreg $0xFFFFFFFF  }
0xad: {  	s28 =	simm.s32 $_size_execute0_lowered;
	s3 =	sadd.s32 s3, s5;
	[dreg:$0x0] =	wrdreg $0x0  }
0xae: {  	s5 =	sshll.u32 s28, $0x1;
	[dreg:$0x2] =	wrdreg s3  }
0xaf: {  	[dreg:$0x3] =	wrdreg s5  }
0xb0: {  	[dreg:$0x4] =	wrdreg $0xC0  }
0xb1: {  	_ =	task [dreg:s7], $0x5FFFF  }
0xb2: {  	[dreg:$0x1] =	wrdreg $0xFFFFFFFF  }
0xb3: {  	[dreg:$0x0] =	wrdreg $0x60  }
0xb4: {  	[dreg:$0x2] =	wrdreg s16  }
0xb5: {  	[dreg:$0x3] =	wrdreg s24  }
0xb6: {  	[dreg:$0x4] =	wrdreg $0x9  }
0xb7: {  	_ =	task.clear_ibuf [dreg:s7], $0x5FFFF;
	_ =	strace $0x90000049  }
0xb8: {  	s29 =	simm.s32 $0x9;
	_ =	strace $0x8000004B  }
0xb9: {  	_ =	swait.ge [sflag:s29], $0x1  }
0xba: {  	[sflag:s29] =	ssyncadd.s32 $0xFFFFFFFF  }
0xbb: {  	_ =	strace $0x9000004B  }
0xbc: {  	_ =	sfence  }
0xbd: {  	s30 =	sld [smem:$0x0];
	_ =	sdelay $0x2  }
0xbe: {  	s31 =	sshll.u32 s1, $0xD;
	s1 =	sshrl.u32 s1, $0x2  }
0xbf: {  	s3 =	sand.u32 $0x4000, s31;
	s1 =	sadd.s32 s1, s30  }
0xc0: {  	s0 =	sor.u32 s3, s0;
	s1 =	sshll.u32 s1, $0x11  }
0xc1: {  	s0 =	sor.u32 s1, s0  }
0xc2: {  	s0 =	sadd.s32 $0x8F2B, s0  }
0xc3: {  	[sflag:s0] =	ssyncadd.remote.s32 $0x1  }
0xc4: {  	_ =	sfence.sel $0xFFFF  }
0xc5: {  	[dreg:$0x0] =	wrdreg $0xFFFFFFFF;
	(pc) =	sbr.abs _section_cstart, $3  }
0xc6: {  	[dreg:$0x1] =	wrdreg $0xFFFFFFFF  }
0xc7: {  	_ =	task.clear_ibuf [dreg:s7], $0x2FFFF;
	_ =	strace $0x9FFFFFFF  }
0xc8: {  	(tm) =	ssettm $0x7FFFFFFF  }
0xc9: {  	_ =	shalt  }
tec
execute0_lowered:
.L_overlay_start_1:
0x0: {  	(tag) =	ssettag $0x1  }
0x1: {  	s1 =	rddreg [dreg:$0x0]  }
0x2: {  	s6 =	rddreg [dreg:$0x1];
	s2 =	srdreg.scid  }
0x3: {  	s0 =	rddreg [dreg:$0x2];
	s3 =	simm.s32 $0x0;
	s12 =	simm.s32 $0x0  }
0x4: {  	s7 =	sand.u32 $0x1, s2;
	[smem:$0x7FF] =	sst s3;
	s2 =	stileid.u32  }
0x5: {  	s4 =	sshll.u32 s7, $0x4;
	_ =	strace $0x8000004A;
	s9 =	ssub.s32 $0x2, s7  }
.Ltmp0:
0x6: {  	s11 =	sshll.u32 s2, $0x5;
	s5 =	sor.u32 s2, s4;
	(pc) =	sbr.rel .LBB2_1-.Ltmp0, $4  }
0x7: {  	s4 =	sadd.s32 $0xCC00, s6;
	s10 =	sshrl.u32 s9, $0x1;
	s8 =	smul.u32 $0x500, s5  }
0x8: {  	s5 =	sadd.s32 $0x2C00, s6;
	s9 =	ssub.s32 s9, s10;
	s10 =	simm.s32 $0x1  }
0x9: {  	s8 =	sadd.s32 s8, s6;
	s6 =	sor.u32 s7, s11;
	s11 =	simm.s32 $0x1880  }
0xa: {  	v0 =	vimm.f32 $1.000000000e+00;
	s7 =	sadd.s32 $0x1CC00, s8;
	s8 =	smax.u32 s9, $0x1;
	s9 =	simm.s32 $0x1C80  }
.LBB2_7:
0xb: {  	s12 =	sadd.s32 $0x1, s12  }
0xc: {  	p0 =	sne.s32 s12, s8  }
.Ltmp1:
0xd: {  	_ = 	snop;
	(pc) =	sbr.rel @!p0 .LBB2_8-.Ltmp1, $4  }
0xe: {  	[hbm4b:s7+s3] =	stream.linear.scatter [tilespmem:s9], [sflag:$0x1], $0x2800, $0x38;
	[tilespmem:$0x4500] =	vst v63  }
0xf: {  	_ =	swait.ge [sflag:s10], $0x2800  }
0x10: {  	[sflag:s10] =	ssyncset.done $0x0  }
0x11: {  	[sflag:s10] =	ssyncadd.s32 $0xFFFFD800  }
.LBB2_1:
.Ltmp2:
0x12: {  	(pc) =	sbr.rel .LBB2_2-.Ltmp2, $4  }
0x13: {  	[tilespmem:s9], [sflag:$0x1] =	stream.linear.gather [hbm4b:s5+s3], $0x2880, $0x38;
	[tilespmem:$0x4500] =	vst v63  }
0x14: {  	_ =	swait.ge [sflag:s10], $0x2880  }
0x15: {  	[sflag:s10] =	ssyncset.done $0x0  }
0x16: {  	s13 =	simm.s32 $0x0;
	[sflag:s10] =	ssyncadd.s32 $0xFFFFD780  }
.LBB2_6:
0x17: {  	s13 =	sadd.s32 $0x1, s13  }
0x18: {  	p0 =	sne.s32 s13, $0x10  }
.Ltmp3:
0x19: {  	_ = 	snop;
	(pc) =	sbr.rel @!p0 .LBB2_7-.Ltmp3, $1  }
0x1a: {  	_ =	sdelay $0x3  }
.LBB2_2:
0x1b: {  	s14 =	sshll.u32 s13, $0x1  }
0x1c: {  	s15 =	sadd.s32 s6, s14  }
0x1d: {  	s14 =	smul.u32 $0x300, s15;
	_ =	sdelay $0x1  }
0x1e: {  	s16 =	sadd.s32 s1, s14;
	s14 =	simm.s32 $0x0  }
0x1f: {  	[tilespmem:s14], [sflag:$0x1] =	stream.linear.gather [hbm4b:s16+s14], $0x1800, $0x38;
	[tilespmem:$0x4500] =	vst v63  }
0x20: {  	_ =	swait.ge [sflag:s10], $0x1800  }
0x21: {  	s15 =	sshll.u32 s15, $0x7;
	[sflag:s10] =	ssyncset.done $0x0  }
0x22: {  	s15 =	sadd.s32 s4, s15;
	[sflag:s10] =	ssyncadd.s32 $0xFFFFE800  }
0x23: {  	[tilespmem:s11], [sflag:$0x1] =	stream.linear.gather [hbm4b:s15+s14], $0x400, $0x38;
	[tilespmem:$0x4500] =	vst v63  }
0x24: {  	_ =	swait.ge [sflag:s10], $0x400  }
0x25: {  	[sflag:s10] =	ssyncset.done $0x0  }
0x26: {  	[sflag:s10] =	ssyncadd.s32 $0xFFFFFC00  }
0x27: {  	v1 =	vld [tilespmem:$0x1880];
	_ =	sdelay $0x4  }
0x28: {  	(v2sf) =	vpush v1, $0x0;
	_ =	sdelay $0xe  }
0x29: {  	s29 =	spop (v2sf)  }
0x2a: {  	s15 =	sadd.s32 $0x7F, s29  }
0x2b: {  	s30 =	sand.u32 $0x7F, s15  }
0x2c: {  	s31 =	sshra.s32 s15, $0x1F;
	p1 =	slt.s32 s15, $0x1;
	p0 =	sne.s32 s30, $0x0  }
0x2d: {  	s16 =	sshrl.u32 s31, $0x19;
	p0 =	por !p1, !p0  }
0x2e: {  	s15 =	sadd.s32 s16, s15;
	s16 =	simm.s32 $0x1;
	p0 =	por !p0, !p0  }
0x2f: {  	s15 =	sshra.s32 s15, $0x7;
	s16 =	simm.s32 @!p0 $0x0  }
0x30: {  	s15 =	ssub.s32 s15, s16  }
0x31: {  	p0 =	slt.s32 s15, $0x1  }
.Ltmp4:
0x32: {  	_ = 	snop;
	(pc) =	sbr.rel @p0 .LBB2_6-.Ltmp4, $2  }
0x33: {  	_ =	sdelay $0x2  }
0x34: {  	s16 =	simm.s32 $0x0  }
.LBB2_3:
0x35: {  	v1 =	vmov s14;
	_ =	sdelay $0x3  }
0x36: {  	s18 =	simm.s32 $0x0;
	s17 =	simm.s32 $0x4  }
.LBB2_4:
0x37: {  	p0 =	sne.s32 s17, $0x1FC;
	v2 =	vld.idx.msk [tilespmem:v1+s18+$0x0 ss:$0x1], $0xffff;
	_ =	sdelay $0x5  }
0x38: {  	(v2sf) =	vpush v2, $0x0;
	_ =	sdelay $0xd  }
.Ltmp5:
0x39: {  	(pc) =	sbr.rel @p0 .LBB2_4-.Ltmp5, $4  }
0x3a: {  	s18 =	spop (v2sf)  }
0x3b: {  	s18 =	sshll.u32 s18, $0x4  }
0x3c: {  	s19 =	sand.u32 $0x3FF0, s18  }
0x3d: {  	s18 =	sshra.s32 s17, $0x2;
	s17 =	sadd.s32 $0x4, s17;
	[tilespmem:s19+$0x1C80] =	vst.add.f32.msk $0xffff, v0  }
0x3e: {  	_ =	sdelay $0x3  }
0x3f: {  	v1 =	vld.idx.msk [tilespmem:v1+s18+$0x0 ss:$0x1], $0xffff;
	_ =	sdelay $0x4  }
0x40: {  	(v2sf) =	vpush v1, $0x0;
	_ =	sdelay $0xb  }
0x41: {  	s16 =	sadd.s32 $0x1, s16  }
0x42: {  	p0 =	sne.s32 s16, s15  }
.Ltmp6:
0x43: {  	_ = 	snop;
	(pc) =	sbr.rel @p0 .LBB2_3-.Ltmp6, $4  }
.Ltmp7:
0x44: {  	s17 =	spop (v2sf);
	(pc) =	sbr.rel @!p0 .LBB2_6-.Ltmp7, $4  }
0x45: {  	s17 =	sshll.u32 s17, $0x4  }
0x46: {  	s17 =	sand.u32 $0x3FF0, s17  }
0x47: {  	s14 =	sadd.s32 $0x80, s14;
	[tilespmem:s17+$0x1C80] =	vst.add.f32.msk $0xffff, v0  }
0x48: {  	_ = 	snop  }
.LBB2_8:
0x49: {  	_ =	sfence.sel $0x180000  }
0x4a: {  	[bflag:$0x0] =	sbarrier.arrive $0xFFFF  }
0x4b: {  	p0 =	sne.s32 s2, $0x0;
	_ =	strace $0x9000004A  }
0x4c: {  	s0 =	sadd.s32 @!p0 $0x100000, s0;
	[bflag:$0x2] =	sbarrier.arrive $0xFFFF  }
0x4d: {  	[sflag:s0] =	ssyncadd.tile.s32 @!p0 $0x1;
	_ =	shalt  }
.Lfunc_end2:
_tile_overlayer_lowered:
.L_overlay_start_2:
0x4e: {  	(tag) =	ssettag $0x2  }
0x4f: {  	s0 =	rddreg [dreg:$0x0];
	s2 =	stileid.u32  }
0x50: {  	s1 =	rddreg [dreg:$0x1];
	p0 =	sne.s32 s2, $0x0  }
0x51: {  	s3 =	rddreg [dreg:$0x2];
	[bflag:$0x3] =	sbarrier.arrive $0xFFFF;
	s2 =	simm.s32 @!p0 $0x1C01  }
0x52: {  	[timem:s3], [sflag:s2] =	dma.local @!p0 [hbm:s0], s1  }
0x53: {  	s0 =	simm.s32 @!p0 $0x1  }
0x54: {  	_ =	swait.ge @!p0 [sflag:s0], s1  }
0x55: {  	s1 =	ssub.s32 @!p0 $0x0, s1;
	[sflag:s0] =	ssyncset.done @!p0 $0x0  }
0x56: {  	[sflag:s0] =	ssyncadd.s32 @!p0 s1  }
0x57: {  	[bflag:$0x3] =	sbarrier.arrive $0xFFFF  }
0x58: {  	_ =	shalt  }

// kernel: kernel.13.cloned.1.call-start
scs
__scs_entry_jumppad:
0x0: {  	(pc) =	sbr.rel $0x88, $3  }
0x1: {  	(tag) =	ssettag $0x0;
	lr =	simm.s32 $0x1  }
0x2: {  	[smem:$0x3F97] =	sst lr;
	_ =	strace $0xD0000000  }
0x3: {  	_ = 	snop  }
0x4: {  	_ = 	snop  }
0x5: {  	_ = 	snop  }
0x6: {  	_ = 	snop  }
0x7: {  	_ = 	snop  }
__scs_overlays_trampoline_lowered:
0x8: {  	[smem:$0x3FA6] =	sst s0  }
0x9: {  	[smem:$0x3FA7] =	sst s1  }
0xa: {  	[smem:$0x3FA8] =	sst s2  }
0xb: {  	[smem:$0x3FA9] =	sst s3  }
0xc: {  	[smem:$0x3FAA] =	sst s4  }
0xd: {  	[smem:$0x3FAB] =	sst s5  }
0xe: {  	[smem:$0x3FAC] =	sst s6  }
0xf: {  	[smem:$0x3FAD] =	sst s7  }
0x10: {  	[smem:$0x3FAE] =	sst s8  }
0x11: {  	[smem:$0x3FAF] =	sst s9;
	s0 =	simm.s32 @!p0 $0x0  }
0x12: {  	s1 =	sld [smem:$0x3F95];
	s0 =	simm.s32 @p0 $0x1  }
0x13: {  	[smem:$0x3FB0] =	sst s0;
	s0 =	simm.s32 @!p1 $0x0  }
0x14: {  	s2 =	sld [smem:$0x3F94];
	s0 =	simm.s32 @p1 $0x1  }
0x15: {  	[smem:$0x3FB1] =	sst s0;
	s0 =	simm.s32 @!p2 $0x0  }
0x16: {  	s3 =	sld [smem:$0x3FDB];
	s0 =	simm.s32 @p2 $0x1  }
0x17: {  	s4 =	simm.s32 $0x1BF5;
	[smem:$0x3FB3] =	sst s0  }
0x18: {  	s0 =	sld [smem:$0x3F96];
	_ =	swait.ge [sflag:s4], $0x0  }
0x19: {  	s7 =	sld [smem:$0x3F97]  }
0x1a: {  	s8 =	sadd.s32 $0xFFFFE003, lr  }
0x1b: {  	s9 =	sadd.s32 $0xFFFFFEF7, lr;
	s5 =	simm.s32 $0xFFFFFFFF;
	p2 =	slt.u32 s8, $0xFFFFF086  }
0x1c: {  	p1 =	slt.u32 s9, $0xF7A;
	s5 =	simm.s32 @!p2 $0x0  }
0x1d: {  	s5 =	simm.s32 @p1 $0x1;
	p0 =	seq.s32 s7, s2  }
0x1e: {  	s7 =	smul.u32 @!p0 $0xF7A, s2;
	p2 =	seq.s32 @!p0 s5, $0x0  }
0x1f: {  	s9 =	smul.u32 $0xF7A, s1;
	s8 =	simm.s32 @!p0 $0x1BF5;
	p2 =	por !p2, p0  }
0x20: {  	[sflag:s8] =	ssyncset.s32 @!p0 $0xFFFFF086;
	s6 =	sadd.s32 @!p0 s3, s7;
	s7 =	simm.s32 @!p0 $0x108  }
0x21: {  	s3 =	sadd.s32 s3, s9;
	s6 =	sadd.s32 @!p0 $0x88, s6;
	s7 =	simm.s32 @p2 $0x1082  }
0x22: {  	[simem:s7], [sflag:s8] =	dma.local @!p0 [hbm:s6], $0xF7A  }
0x23: {  	s9 =	sor.u32 $0xD0000000, s2;
	s6 =	simm.s32 $0x108;
	_ =	swait.ge @!p0 [sflag:s8], $0x0  }
0x24: {  	s3 =	sadd.s32 $0x88, s3;
	s6 =	simm.s32 @!p1 $0x1082;
	[sflag:s4] =	ssyncset.s32 $0xFFFFF086  }
0x25: {  	[simem:s6], [sflag:s4] =	dma.local [hbm:s3], $0xF7A  }
0x26: {  	[smem:$0x3F97] =	sst s1;
	(tag) =	ssettag s2;
	_ =	strace s9  }
0x27: {  	s1 =	sld [smem:$0x3FA7]  }
0x28: {  	s2 =	sld [smem:$0x3FA8]  }
0x29: {  	s4 =	sld [smem:$0x3FAA]  }
0x2a: {  	p0 =	seq.s32 s5, $0x0;
	s5 =	sld [smem:$0x3FAB]  }
0x2b: {  	s6 =	sld [smem:$0x3FAC]  }
0x2c: {  	s7 =	sld [smem:$0x3FAD]  }
0x2d: {  	s3 =	simm.s32 $0x108;
	s8 =	sld [smem:$0x3FAE]  }
0x2e: {  	s3 =	simm.s32 @!p0 $0x1082;
	s9 =	sld [smem:$0x3FAF]  }
0x2f: {  	lr =	sadd.s32 s0, s3;
	s0 =	sld [smem:$0x3FA6]  }
0x30: {  	s3 =	sld [smem:$0x3FA9]  }
0x31: {  	[smem:$0x3FB2] =	sst s10  }
0x32: {  	s10 =	sld [smem:$0x3FB0];
	_ =	sdelay $0x3  }
0x33: {  	p0 =	seq.s32 s10, $0x1;
	s10 =	sld [smem:$0x3FB2];
	_ =	sdelay $0x3  }
0x34: {  	[smem:$0x3FB2] =	sst s10  }
0x35: {  	s10 =	sld [smem:$0x3FB1];
	_ =	sdelay $0x3  }
0x36: {  	p1 =	seq.s32 s10, $0x1;
	s10 =	sld [smem:$0x3FB2];
	_ =	sdelay $0x3  }
0x37: {  	[smem:$0x3FB2] =	sst s10  }
0x38: {  	s10 =	sld [smem:$0x3FB3]  }
0x39: {  	_ = 	snop;
	(pc) =	sbr.ind lr, $3  }
0x3a: {  	_ = 	snop  }
0x3b: {  	_ = 	snop  }
0x3c: {  	p2 =	seq.s32 s10, $0x1;
	s10 =	sld [smem:$0x3FB2]  }
0x3d: {  	_ =	shalt  }
0x3e: {  	_ =	shalt  }
0x3f: {  	_ =	shalt  }
0x40: {  	_ =	shalt  }
0x41: {  	_ =	shalt  }
0x42: {  	_ =	shalt  }
0x43: {  	_ =	shalt  }
0x44: {  	_ =	shalt  }
0x45: {  	_ =	shalt  }
0x46: {  	_ =	shalt  }
0x47: {  	_ =	shalt  }
0x48: {  	_ =	shalt  }
0x49: {  	_ =	shalt  }
0x4a: {  	_ =	shalt  }
0x4b: {  	_ =	shalt  }
0x4c: {  	_ =	shalt  }
0x4d: {  	_ =	shalt  }
0x4e: {  	_ =	shalt  }
0x4f: {  	_ =	shalt  }
0x50: {  	_ =	shalt  }
0x51: {  	_ =	shalt  }
0x52: {  	_ =	shalt  }
0x53: {  	_ =	shalt  }
0x54: {  	_ =	shalt  }
0x55: {  	_ =	shalt  }
0x56: {  	_ =	shalt  }
0x57: {  	_ =	shalt  }
0x58: {  	_ =	shalt  }
0x59: {  	_ =	shalt  }
0x5a: {  	_ =	shalt  }
0x5b: {  	_ =	shalt  }
0x5c: {  	_ =	shalt  }
0x5d: {  	_ =	shalt  }
0x5e: {  	_ =	shalt  }
0x5f: {  	_ =	shalt  }
0x60: {  	_ =	shalt  }
0x61: {  	_ =	shalt  }
0x62: {  	_ =	shalt  }
0x63: {  	_ =	shalt  }
0x64: {  	_ =	shalt  }
0x65: {  	_ =	shalt  }
0x66: {  	_ =	shalt  }
0x67: {  	_ =	shalt  }
0x68: {  	_ =	shalt  }
0x69: {  	_ =	shalt  }
0x6a: {  	_ =	shalt  }
0x6b: {  	_ =	shalt  }
0x6c: {  	_ =	shalt  }
0x6d: {  	_ =	shalt  }
0x6e: {  	_ =	shalt  }
0x6f: {  	_ =	shalt  }
0x70: {  	_ =	shalt  }
0x71: {  	_ =	shalt  }
0x72: {  	_ =	shalt  }
0x73: {  	_ =	shalt  }
0x74: {  	_ =	shalt  }
0x75: {  	_ =	shalt  }
0x76: {  	_ =	shalt  }
0x77: {  	_ =	shalt  }
0x78: {  	_ =	shalt  }
0x79: {  	_ =	shalt  }
0x7a: {  	_ =	shalt  }
0x7b: {  	_ =	shalt  }
0x7c: {  	_ =	shalt  }
0x7d: {  	_ =	shalt  }
0x7e: {  	_ =	shalt  }
0x7f: {  	_ =	shalt  }
0x80: {  	_ =	shalt  }
0x81: {  	_ =	shalt  }
0x82: {  	_ =	shalt  }
0x83: {  	_ =	shalt  }
0x84: {  	_ =	shalt  }
0x85: {  	_ =	shalt  }
0x86: {  	_ =	shalt  }
0x87: {  	_ =	shalt  }
.Lfunc_end0:
.L_simem_size_0:
called_computation.2_lowered:
.L_overlay_start_0:
0x88: {  	s2 =	sld [smem:$0x3FD9]  }
0x89: {  	s3 =	sld [smem:$0x3FFE];
	_ =	sdelay $0x1  }
0x8a: {  	s1 =	srdreg.scid  }
0x8b: {  	s0 =	sand.u32 $0x1, s1  }
0x8c: {  	s14 =	sshll.u32 s0, $0xA;
	s2 =	sadd.s32 s3, s2  }
0x8d: {  	s2 =	sadd.s32 s2, s14  }
0x8e: {  	[smem:$0x3FBE] =	sst s2  }
0x8f: {  	_ = 	snop  }
0x90: {  	s2 =	sld [smem:$0x3FD0];
	_ =	sdelay $0x2  }
0x91: {  	s15 =	simm.s32 $0xA;
	s4 =	simm.s32 $0x10  }
0x92: {  	[smem:s4], [sflag:s15] =	dma.local [hbm:s2], $0x1  }
0x93: {  	_ =	swait.eq [sflag:s15], $0x1  }
0x94: {  	[sflag:s15] =	ssyncset.done $0x0  }
0x95: {  	[sflag:s15] =	ssyncadd.s32 $0xFFFFFFFF  }
0x96: {  	s16 =	sld [smem:$0x10];
	(tm) =	ssettm $0x1  }
0x97: {  	s17 =	sld [smem:$0x3FFB];
	_ =	sdelay $0x3  }
0x98: {  	_ =	strace s17  }
0x99: {  	s3 =	sld [smem:$0x3FFC];
	_ =	sdelay $0x3  }
0x9a: {  	_ =	strace s3  }
0x9b: {  	s3 =	sld [smem:$0x3FFD];
	_ =	sdelay $0x3  }
0x9c: {  	_ =	strace s3  }
0x9d: {  	_ =	strace $0x8FFFFFFF  }
0x9e: {  	s18 =	sld [smem:$0x3FDB];
	_ =	sdelay $0x1  }
0x9f: {  	s19 =	simm.s32 $_scs_section_size  }
0xa0: {  	s5 =	simm.s32 $_size__tile_overlayer_lowered;
	s6 =	simm.s32 $_tile_overlayer_lowered  }
0xa1: {  	s22 =	simm.s32 $0x1BFF;
	s21 =	sshll.u32 s6, $0x1;
	s3 =	sadd.s32 s19, s18  }
0xa2: {  	s7 =	simm.s32 $0x0;
	s20 =	sshll.u32 s5, $0x1;
	s5 =	sadd.s32 s21, s3  }
0xa3: {  	[timem:s7], [sflag:s22] =	dma.local [hbm:s5], s20  }
0xa4: {  	_ =	swait.ge [sflag:s22], s20  }
0xa5: {  	s4 =	ssub.s32 $0x0, s20;
	[sflag:s22] =	ssyncset.done $0x0  }
0xa6: {  	[sflag:s22] =	ssyncadd.s32 s4;
	_ =	sdelay $0x1  }
0xa7: {  	s23 =	simm.s32 $0x1B8B  }
0xa8: {  	_ =	swait.ge [sflag:s23], $0x1  }
0xa9: {  	[sflag:s23] =	ssyncset.done $0x0  }
0xaa: {  	s25 =	simm.s32 $0x1B8E;
	s24 =	sld [smem:$0x3FFE];
	[sflag:s23] =	ssyncadd.s32 $0xFFFFFFFF  }
0xab: {  	s26 =	simm.s32 $execute0_lowered;
	[smem:$0x3FD2] =	sst s25  }
0xac: {  	s5 =	sshll.u32 s26, $0x1;
	_ =	strace $0x8000004C;
	[dreg:$0x1] =	wrdreg $0xFFFFFFFF  }
0xad: {  	s28 =	simm.s32 $_size_execute0_lowered;
	s3 =	sadd.s32 s3, s5;
	[dreg:$0x0] =	wrdreg $0x0  }
0xae: {  	s5 =	sshll.u32 s28, $0x1;
	[dreg:$0x2] =	wrdreg s3  }
0xaf: {  	[dreg:$0x3] =	wrdreg s5  }
0xb0: {  	[dreg:$0x4] =	wrdreg $0xC0  }
0xb1: {  	_ =	task [dreg:s7], $0x5FFFF  }
0xb2: {  	[dreg:$0x1] =	wrdreg $0xFFFFFFFF  }
0xb3: {  	[dreg:$0x0] =	wrdreg $0x60  }
0xb4: {  	[dreg:$0x2] =	wrdreg s24  }
0xb5: {  	[dreg:$0x3] =	wrdreg s16  }
0xb6: {  	[dreg:$0x4] =	wrdreg $0x9  }
0xb7: {  	_ =	task.clear_ibuf [dreg:s7], $0x5FFFF;
	_ =	strace $0x9000004C  }
0xb8: {  	s29 =	simm.s32 $0x9;
	_ =	strace $0x8000004E  }
0xb9: {  	_ =	swait.ge [sflag:s29], $0x1  }
0xba: {  	[sflag:s29] =	ssyncadd.s32 $0xFFFFFFFF  }
0xbb: {  	_ =	strace $0x9000004E  }
0xbc: {  	_ =	sfence  }
0xbd: {  	s30 =	sld [smem:$0x0];
	_ =	sdelay $0x2  }
0xbe: {  	s31 =	sshll.u32 s1, $0xD;
	s1 =	sshrl.u32 s1, $0x2  }
0xbf: {  	s3 =	sand.u32 $0x4000, s31;
	s1 =	sadd.s32 s1, s30  }
0xc0: {  	s0 =	sor.u32 s3, s0;
	s1 =	sshll.u32 s1, $0x11  }
0xc1: {  	s0 =	sor.u32 s1, s0  }
0xc2: {  	s0 =	sadd.s32 $0x8F2B, s0  }
0xc3: {  	[sflag:s0] =	ssyncadd.remote.s32 $0x1  }
0xc4: {  	_ =	sfence.sel $0xFFFF  }
0xc5: {  	[dreg:$0x0] =	wrdreg $0xFFFFFFFF;
	(pc) =	sbr.abs _section_cstart, $3  }
0xc6: {  	[dreg:$0x1] =	wrdreg $0xFFFFFFFF  }
0xc7: {  	_ =	task.clear_ibuf [dreg:s7], $0x2FFFF;
	_ =	strace $0x9FFFFFFF  }
0xc8: {  	(tm) =	ssettm $0x7FFFFFFF  }
0xc9: {  	_ =	shalt  }
tec
execute0_lowered:
.L_overlay_start_1:
0x0: {  	(tag) =	ssettag $0x1  }
0x1: {  	s8 =	rddreg [dreg:$0x0]  }
0x2: {  	s1 =	rddreg [dreg:$0x1]  }
0x3: {  	s0 =	rddreg [dreg:$0x2];
	s3 =	simm.s32 $0x0;
	s4 =	srdreg.scid  }
0x4: {  	s2 =	stileid.u32;
	s13 =	simm.s32 $0x1880;
	s14 =	simm.s32 $0x80  }
0x5: {  	s15 =	simm.s32 $0x1C80;
	s16 =	simm.s32 $0x1D00;
	s17 =	simm.s32 $0x400  }
0x6: {  	s18 =	simm.s32 $0x800;
	s19 =	simm.s32 $0x0;
	[smem:$0x7FF] =	sst s3  }
0x7: {  	s9 =	sand.u32 $0x1, s4;
	s7 =	smul.u32 $0x28000, s2;
	s4 =	sadd.s32 $0xEEC00, s8  }
0x8: {  	s5 =	sadd.s32 $0xC6C00, s8;
	s6 =	sadd.s32 $0xCC00, s8;
	_ =	strace $0x8000004D  }
.Ltmp0:
0x9: {  	s10 =	sshll.u32 s9, $0xA;
	s11 =	ssub.s32 $0x2, s9;
	(pc) =	sbr.rel .LBB2_1-.Ltmp0, $4  }
0xa: {  	p0 =	seq.s32 s9, $0x1;
	s10 =	sor.u32 s10, s7;
	s12 =	sshrl.u32 s11, $0x1  }
0xb: {  	s7 =	sadd.s32 $0x2C00, s8;
	s10 =	sshrl.u32 s10, $0x3;
	s11 =	ssub.s32 s11, s12  }
0xc: {  	s12 =	simm.s32 $0x1;
	s10 =	sadd.s32 s10, s8;
	s8 =	sshll.u32 s2, $0x5  }
0xd: {  	s9 =	sadd.s32 $0x116C00, s10;
	s10 =	smax.u32 s11, $0x1;
	s11 =	simm.s32 $0x5D00  }
.LBB2_12:
0xe: {  	s19 =	sadd.s32 $0x1, s19  }
0xf: {  	p1 =	sne.s32 s19, s10  }
.Ltmp1:
0x10: {  	_ = 	snop;
	(pc) =	sbr.rel @!p1 .LBB2_13-.Ltmp1, $4  }
0x11: {  	[hbm4b:s9+s17] =	stream.strided.scatter [tilespmem:s11], [sflag:$0x1], $0x14000, s18, s17, $0x38;
	[tilespmem:$0x1A100] =	vst v63  }
0x12: {  	_ =	swait.ge [sflag:s12], $0x14000  }
0x13: {  	[sflag:s12] =	ssyncset.done $0x0  }
0x14: {  	[sflag:s12] =	ssyncadd.s32 $0xFFFEC000  }
.LBB2_1:
0x15: {  	[tilespmem:s11], [sflag:$0x1] =	stream.linear.gather [hbm4b:s7+s3], $0x14400, $0x38;
	[tilespmem:$0x1A100] =	vst v63  }
.Ltmp2:
0x16: {  	_ = 	snop;
	(pc) =	sbr.rel @p0 .LBB2_7-.Ltmp2, $4  }
.Ltmp3:
0x17: {  	_ = 	snop;
	(pc) =	sbr.rel @!p0 .LBB2_2-.Ltmp3, $4  }
0x18: {  	_ =	swait.ge [sflag:s12], $0x14400  }
0x19: {  	[sflag:s12] =	ssyncset.done $0x0  }
0x1a: {  	s20 =	simm.s32 $0x0;
	s21 =	simm.s32 $0x0;
	[sflag:s12] =	ssyncadd.s32 $0xFFFEBC00  }
0x1b: {  	_ = 	snop  }
.LBB2_11:
0x1c: {  	s21 =	sadd.s32 $0x1, s21  }
0x1d: {  	p1 =	sne.s32 s21, $0x20  }
.Ltmp4:
0x1e: {  	_ = 	snop;
	(pc) =	sbr.rel @!p1 .LBB2_12-.Ltmp4, $1  }
0x1f: {  	_ =	sdelay $0x3  }
.LBB2_7:
0x20: {  	s22 =	sadd.s32 s8, s21  }
0x21: {  	s20 =	smul.u32 $0x300, s22;
	_ =	sdelay $0x1  }
0x22: {  	s23 =	sadd.s32 s1, s20;
	s20 =	simm.s32 $0x0  }
0x23: {  	[tilespmem:s20], [sflag:$0x1] =	stream.linear.gather [hbm4b:s23+s20], $0x1800, $0x38;
	[tilespmem:$0x1A100] =	vst v63  }
0x24: {  	_ =	swait.ge [sflag:s12], $0x1800  }
0x25: {  	s22 =	sshll.u32 s22, $0x7;
	[sflag:s12] =	ssyncset.done $0x0  }
0x26: {  	s22 =	sadd.s32 s6, s22;
	[sflag:s12] =	ssyncadd.s32 $0xFFFFE800  }
0x27: {  	[tilespmem:s13], [sflag:$0x1] =	stream.linear.gather [hbm4b:s22+s20], $0x400, $0x38;
	[tilespmem:$0x1A100] =	vst v63  }
0x28: {  	_ =	swait.ge [sflag:s12], $0x400  }
0x29: {  	[sflag:s12] =	ssyncset.done $0x0  }
0x2a: {  	[sflag:s12] =	ssyncadd.s32 $0xFFFFFC00  }
0x2b: {  	v0 =	vld [tilespmem:$0x1880];
	_ =	sdelay $0x4  }
0x2c: {  	(v2sf) =	vpush v0, $0x0;
	_ =	sdelay $0xe  }
0x2d: {  	s29 =	spop (v2sf)  }
0x2e: {  	s22 =	sadd.s32 $0x7F, s29  }
0x2f: {  	s30 =	sand.u32 $0x7F, s22  }
0x30: {  	s31 =	sshra.s32 s22, $0x1F;
	p2 =	slt.s32 s22, $0x1;
	p1 =	sne.s32 s30, $0x0  }
0x31: {  	s23 =	sshrl.u32 s31, $0x19;
	p1 =	por !p2, !p1  }
0x32: {  	s22 =	sadd.s32 s23, s22;
	s23 =	simm.s32 $0x1;
	p1 =	por !p1, !p1  }
0x33: {  	s22 =	sshra.s32 s22, $0x7;
	s23 =	simm.s32 @!p1 $0x0  }
0x34: {  	s22 =	ssub.s32 s22, s23  }
0x35: {  	p1 =	slt.s32 s22, $0x1  }
.Ltmp5:
0x36: {  	_ = 	snop;
	(pc) =	sbr.rel @p1 .LBB2_11-.Ltmp5, $2  }
0x37: {  	_ =	sdelay $0x2  }
0x38: {  	s23 =	simm.s32 $0x0  }
.LBB2_8:
0x39: {  	s24 =	sshll.u32 s23, $0x9  }
0x3a: {  	s24 =	sshra.s32 s24, $0x2  }
0x3b: {  	v0 =	vld [tilespmem:s24+$0x0];
	_ =	sdelay $0x4  }
0x3c: {  	v0 =	vshra.s32 v0, $0xA  }
0x3d: {  	[tilespmem:$0x1C80] =	vst v0  }
0x3e: {  	v0 =	vld [tilespmem:s24+$0x10];
	_ =	sdelay $0x4  }
0x3f: {  	v0 =	vshra.s32 v0, $0xA  }
0x40: {  	[tilespmem:$0x1C90] =	vst v0  }
0x41: {  	v0 =	vld [tilespmem:s24+$0x20];
	_ =	sdelay $0x4  }
0x42: {  	v0 =	vshra.s32 v0, $0xA  }
0x43: {  	[tilespmem:$0x1CA0] =	vst v0  }
0x44: {  	v0 =	vld [tilespmem:s24+$0x30];
	_ =	sdelay $0x4  }
0x45: {  	v0 =	vshra.s32 v0, $0xA  }
0x46: {  	[tilespmem:$0x1CB0] =	vst v0  }
0x47: {  	v0 =	vld [tilespmem:s24+$0x40];
	_ =	sdelay $0x4  }
0x48: {  	v0 =	vshra.s32 v0, $0xA  }
0x49: {  	[tilespmem:$0x1CC0] =	vst v0  }
0x4a: {  	v0 =	vld [tilespmem:s24+$0x50];
	_ =	sdelay $0x4  }
0x4b: {  	v0 =	vshra.s32 v0, $0xA  }
0x4c: {  	[tilespmem:$0x1CD0] =	vst v0  }
0x4d: {  	v0 =	vld [tilespmem:s24+$0x60];
	_ =	sdelay $0x4  }
0x4e: {  	v0 =	vshra.s32 v0, $0xA  }
0x4f: {  	[tilespmem:$0x1CE0] =	vst v0  }
0x50: {  	v0 =	vld [tilespmem:s24+$0x70];
	_ =	sdelay $0x4  }
0x51: {  	v0 =	vshra.s32 v0, $0xA  }
0x52: {  	[tilespmem:$0x1CF0] =	vst v0;
	v0 =	vmov s20  }
0x53: {  	[tilespmem:s16], [sflag:$0x1] =	stream.indirect.gather [hbm4b:s5+s14], $0x80, s15, s14, $0xb8;
	[tilespmem:$0x1A100] =	vst v63  }
0x54: {  	_ =	swait.ge [sflag:s12], $0x4000  }
0x55: {  	[sflag:s12] =	ssyncset.done $0x0  }
0x56: {  	s31 =	simm.s32 $0x0;
	[sflag:s12] =	ssyncadd.s32 $0xFFFFC000  }
0x57: {  	v1 =	vld.idx.msk [tilespmem:v0+s31+$0x0 ss:$0x1], $0xffff;
	_ =	sdelay $0x4  }
0x58: {  	(v2sf) =	vpush v1, $0x0;
	_ =	sdelay $0xb  }
0x59: {  	s24 =	simm.s32 $0x1D40  }
0x5a: {  	v1 =	vld [tilespmem:s24+$0xFFFFFFC0];
	_ =	sdelay $0x1  }
0x5b: {  	s25 =	spop (v2sf)  }
0x5c: {  	s25 =	sshll.u32 s25, $0x7  }
0x5d: {  	s28 =	sand.u32 $0x1FF80, s25  }
0x5e: {  	[tilespmem:s28+$0x5D00] =	vst.add.f32.msk $0xffff, v1  }
0x5f: {  	v1 =	vld [tilespmem:s24+$0xFFFFFFD0];
	_ =	sdelay $0x4  }
0x60: {  	[tilespmem:s28+$0x5D10] =	vst.add.f32.msk $0xffff, v1  }
0x61: {  	v1 =	vld [tilespmem:s24+$0xFFFFFFE0];
	_ =	sdelay $0x4  }
0x62: {  	[tilespmem:s28+$0x5D20] =	vst.add.f32.msk $0xffff, v1  }
0x63: {  	v1 =	vld [tilespmem:s24+$0xFFFFFFF0];
	_ =	sdelay $0x4  }
0x64: {  	[tilespmem:s28+$0x5D30] =	vst.add.f32.msk $0xffff, v1  }
0x65: {  	v1 =	vld [tilespmem:s24+$0x0];
	_ =	sdelay $0x4  }
0x66: {  	[tilespmem:s28+$0x5D40] =	vst.add.f32.msk $0xffff, v1  }
0x67: {  	v1 =	vld [tilespmem:s24+$0x10];
	_ =	sdelay $0x4  }
0x68: {  	[tilespmem:s28+$0x5D50] =	vst.add.f32.msk $0xffff, v1  }
0x69: {  	v1 =	vld [tilespmem:s24+$0x20];
	_ =	sdelay $0x4  }
0x6a: {  	[tilespmem:s28+$0x5D60] =	vst.add.f32.msk $0xffff, v1  }
0x6b: {  	v1 =	vld [tilespmem:s24+$0x30];
	_ =	sdelay $0x4  }
0x6c: {  	s26 =	simm.s32 $0x1;
	s25 =	simm.s32 $0x8;
	[tilespmem:s28+$0x5D70] =	vst.add.f32.msk $0xffff, v1  }
.LBB2_9:
0x6d: {  	p1 =	sne.s32 s25, $0x1FC;
	v1 =	vld.idx.msk [tilespmem:v0+s26+$0x0 ss:$0x1], $0xffff;
	_ =	sdelay $0x5  }
0x6e: {  	(v2sf) =	vpush v1, $0x0;
	_ =	sdelay $0xb  }
0x6f: {  	s24 =	sadd.s32 $0x80, s24  }
0x70: {  	v1 =	vld [tilespmem:s24+$0xFFFFFFC0];
	_ =	sdelay $0x1  }
0x71: {  	s26 =	spop (v2sf)  }
0x72: {  	s26 =	sshll.u32 s26, $0x7  }
0x73: {  	s28 =	sand.u32 $0x1FF80, s26  }
0x74: {  	[tilespmem:s28+$0x5D00] =	vst.add.f32.msk $0xffff, v1  }
0x75: {  	v1 =	vld [tilespmem:s24+$0xFFFFFFD0];
	_ =	sdelay $0x4  }
0x76: {  	[tilespmem:s28+$0x5D10] =	vst.add.f32.msk $0xffff, v1  }
0x77: {  	v1 =	vld [tilespmem:s24+$0xFFFFFFE0];
	_ =	sdelay $0x4  }
0x78: {  	[tilespmem:s28+$0x5D20] =	vst.add.f32.msk $0xffff, v1  }
0x79: {  	v1 =	vld [tilespmem:s24+$0xFFFFFFF0];
	_ =	sdelay $0x4  }
0x7a: {  	[tilespmem:s28+$0x5D30] =	vst.add.f32.msk $0xffff, v1  }
0x7b: {  	v1 =	vld [tilespmem:s24+$0x0];
	_ =	sdelay $0x4  }
0x7c: {  	[tilespmem:s28+$0x5D40] =	vst.add.f32.msk $0xffff, v1  }
0x7d: {  	v1 =	vld [tilespmem:s24+$0x10];
	_ =	sdelay $0x4  }
0x7e: {  	[tilespmem:s28+$0x5D50] =	vst.add.f32.msk $0xffff, v1  }
0x7f: {  	v1 =	vld [tilespmem:s24+$0x20];
	_ =	sdelay $0x4  }
0x80: {  	[tilespmem:s28+$0x5D60] =	vst.add.f32.msk $0xffff, v1  }
0x81: {  	v1 =	vld [tilespmem:s24+$0x30]  }
.Ltmp6:
0x82: {  	(pc) =	sbr.rel @p1 .LBB2_9-.Ltmp6, $2  }
0x83: {  	_ =	sdelay $0x2  }
0x84: {  	s26 =	sshra.s32 s25, $0x2;
	s25 =	sadd.s32 $0x4, s25;
	[tilespmem:s28+$0x5D70] =	vst.add.f32.msk $0xffff, v1  }
0x85: {  	_ =	sdelay $0x3  }
0x86: {  	v0 =	vld.idx.msk [tilespmem:v0+s26+$0x0 ss:$0x1], $0xffff;
	_ =	sdelay $0x4  }
0x87: {  	(v2sf) =	vpush v0, $0x0;
	_ =	sdelay $0xb  }
0x88: {  	s24 =	sadd.s32 $0x80, s24  }
0x89: {  	v63 =	vld [tilespmem:s24+$0xFFFFFFC0];
	_ =	sdelay $0x1  }
0x8a: {  	s25 =	spop (v2sf)  }
0x8b: {  	s25 =	sshll.u32 s25, $0x7  }
0x8c: {  	s25 =	sand.u32 $0x1FF80, s25  }
0x8d: {  	[tilespmem:s25+$0x5D00] =	vst.add.f32.msk $0xffff, v63  }
0x8e: {  	v0 =	vld [tilespmem:s24+$0xFFFFFFD0];
	_ =	sdelay $0x4  }
0x8f: {  	[tilespmem:s25+$0x5D10] =	vst.add.f32.msk $0xffff, v0  }
0x90: {  	v0 =	vld [tilespmem:s24+$0xFFFFFFE0];
	_ =	sdelay $0x4  }
0x91: {  	[tilespmem:s25+$0x5D20] =	vst.add.f32.msk $0xffff, v0  }
0x92: {  	v0 =	vld [tilespmem:s24+$0xFFFFFFF0];
	_ =	sdelay $0x4  }
0x93: {  	[tilespmem:s25+$0x5D30] =	vst.add.f32.msk $0xffff, v0  }
0x94: {  	v0 =	vld [tilespmem:s24+$0x0];
	_ =	sdelay $0x4  }
0x95: {  	[tilespmem:s25+$0x5D40] =	vst.add.f32.msk $0xffff, v0  }
0x96: {  	v0 =	vld [tilespmem:s24+$0x10];
	_ =	sdelay $0x4  }
0x97: {  	[tilespmem:s25+$0x5D50] =	vst.add.f32.msk $0xffff, v0  }
0x98: {  	v0 =	vld [tilespmem:s24+$0x20];
	_ =	sdelay $0x4  }
0x99: {  	s23 =	sadd.s32 $0x1, s23;
	[tilespmem:s25+$0x5D60] =	vst.add.f32.msk $0xffff, v0  }
0x9a: {  	p1 =	sne.s32 s23, s22;
	v0 =	vld [tilespmem:s24+$0x30]  }
.Ltmp7:
0x9b: {  	_ = 	snop;
	(pc) =	sbr.rel @p1 .LBB2_8-.Ltmp7, $4  }
.Ltmp8:
0x9c: {  	_ = 	snop;
	(pc) =	sbr.rel @!p1 .LBB2_11-.Ltmp8, $4  }
0x9d: {  	_ = 	snop  }
0x9e: {  	_ = 	snop  }
0x9f: {  	s20 =	sadd.s32 $0x80, s20;
	[tilespmem:s25+$0x5D70] =	vst.add.f32.msk $0xffff, v0  }
0xa0: {  	_ = 	snop  }
.LBB2_6:
0xa1: {  	s20 =	sadd.s32 $0x1, s20  }
0xa2: {  	p1 =	seq.s32 s20, $0x20  }
.Ltmp9:
0xa3: {  	_ = 	snop;
	(pc) =	sbr.rel @p1 .LBB2_12-.Ltmp9, $1  }
0xa4: {  	_ =	sdelay $0x3  }
.LBB2_2:
0xa5: {  	s22 =	sadd.s32 s8, s20  }
0xa6: {  	s21 =	smul.u32 $0x300, s22;
	_ =	sdelay $0x1  }
0xa7: {  	s23 =	sadd.s32 s1, s21;
	s21 =	simm.s32 $0x0  }
0xa8: {  	[tilespmem:s21], [sflag:$0x1] =	stream.linear.gather [hbm4b:s23+s21], $0x1800, $0x38;
	[tilespmem:$0x1A100] =	vst v63  }
0xa9: {  	_ =	swait.ge [sflag:s12], $0x1800  }
0xaa: {  	s22 =	sshll.u32 s22, $0x7;
	[sflag:s12] =	ssyncset.done $0x0  }
0xab: {  	s22 =	sadd.s32 s6, s22;
	[sflag:s12] =	ssyncadd.s32 $0xFFFFE800  }
0xac: {  	[tilespmem:s13], [sflag:$0x1] =	stream.linear.gather [hbm4b:s22+s21], $0x400, $0x38;
	[tilespmem:$0x1A100] =	vst v63  }
0xad: {  	_ =	swait.ge [sflag:s12], $0x400  }
0xae: {  	[sflag:s12] =	ssyncset.done $0x0  }
0xaf: {  	[sflag:s12] =	ssyncadd.s32 $0xFFFFFC00  }
0xb0: {  	v0 =	vld [tilespmem:$0x1880];
	_ =	sdelay $0x4  }
0xb1: {  	(v2sf) =	vpush v0, $0x0;
	_ =	sdelay $0xe  }
0xb2: {  	s29 =	spop (v2sf)  }
0xb3: {  	s22 =	sadd.s32 $0x7F, s29  }
0xb4: {  	s30 =	sand.u32 $0x7F, s22  }
0xb5: {  	s31 =	sshra.s32 s22, $0x1F;
	p2 =	slt.s32 s22, $0x1;
	p1 =	sne.s32 s30, $0x0  }
0xb6: {  	s23 =	sshrl.u32 s31, $0x19;
	p1 =	por !p2, !p1  }
0xb7: {  	s22 =	sadd.s32 s23, s22;
	s23 =	simm.s32 $0x1;
	p1 =	por !p1, !p1  }
0xb8: {  	s22 =	sshra.s32 s22, $0x7;
	s23 =	simm.s32 @!p1 $0x0  }
0xb9: {  	s22 =	ssub.s32 s22, s23  }
0xba: {  	p1 =	slt.s32 s22, $0x1  }
.Ltmp10:
0xbb: {  	_ = 	snop;
	(pc) =	sbr.rel @p1 .LBB2_6-.Ltmp10, $2  }
0xbc: {  	_ =	sdelay $0x2  }
0xbd: {  	s23 =	simm.s32 $0x0  }
.LBB2_3:
0xbe: {  	s24 =	sshll.u32 s23, $0x9  }
0xbf: {  	s24 =	sshra.s32 s24, $0x2  }
0xc0: {  	v0 =	vld [tilespmem:s24+$0x0];
	_ =	sdelay $0x4  }
0xc1: {  	v0 =	vshra.s32 v0, $0xA  }
0xc2: {  	[tilespmem:$0x1C80] =	vst v0  }
0xc3: {  	v0 =	vld [tilespmem:s24+$0x10];
	_ =	sdelay $0x4  }
0xc4: {  	v0 =	vshra.s32 v0, $0xA  }
0xc5: {  	[tilespmem:$0x1C90] =	vst v0  }
0xc6: {  	v0 =	vld [tilespmem:s24+$0x20];
	_ =	sdelay $0x4  }
0xc7: {  	v0 =	vshra.s32 v0, $0xA  }
0xc8: {  	[tilespmem:$0x1CA0] =	vst v0  }
0xc9: {  	v0 =	vld [tilespmem:s24+$0x30];
	_ =	sdelay $0x4  }
0xca: {  	v0 =	vshra.s32 v0, $0xA  }
0xcb: {  	[tilespmem:$0x1CB0] =	vst v0  }
0xcc: {  	v0 =	vld [tilespmem:s24+$0x40];
	_ =	sdelay $0x4  }
0xcd: {  	v0 =	vshra.s32 v0, $0xA  }
0xce: {  	[tilespmem:$0x1CC0] =	vst v0  }
0xcf: {  	v0 =	vld [tilespmem:s24+$0x50];
	_ =	sdelay $0x4  }
0xd0: {  	v0 =	vshra.s32 v0, $0xA  }
0xd1: {  	[tilespmem:$0x1CD0] =	vst v0  }
0xd2: {  	v0 =	vld [tilespmem:s24+$0x60];
	_ =	sdelay $0x4  }
0xd3: {  	v0 =	vshra.s32 v0, $0xA  }
0xd4: {  	[tilespmem:$0x1CE0] =	vst v0  }
0xd5: {  	v0 =	vld [tilespmem:s24+$0x70];
	_ =	sdelay $0x4  }
0xd6: {  	v0 =	vshra.s32 v0, $0xA  }
0xd7: {  	[tilespmem:$0x1CF0] =	vst v0;
	v0 =	vmov s21  }
0xd8: {  	[tilespmem:s16], [sflag:$0x1] =	stream.indirect.gather [hbm4b:s4+s14], $0x80, s15, s14, $0xb8;
	[tilespmem:$0x1A100] =	vst v63  }
0xd9: {  	_ =	swait.ge [sflag:s12], $0x4000  }
0xda: {  	[sflag:s12] =	ssyncset.done $0x0  }
0xdb: {  	s31 =	simm.s32 $0x0;
	[sflag:s12] =	ssyncadd.s32 $0xFFFFC000  }
0xdc: {  	v1 =	vld.idx.msk [tilespmem:v0+s31+$0x0 ss:$0x1], $0xffff;
	_ =	sdelay $0x4  }
0xdd: {  	(v2sf) =	vpush v1, $0x0;
	_ =	sdelay $0xb  }
0xde: {  	s24 =	simm.s32 $0x1D40  }
0xdf: {  	v1 =	vld [tilespmem:s24+$0xFFFFFFC0];
	_ =	sdelay $0x1  }
0xe0: {  	s25 =	spop (v2sf)  }
0xe1: {  	s25 =	sshll.u32 s25, $0x7  }
0xe2: {  	s28 =	sand.u32 $0x1FF80, s25  }
0xe3: {  	[tilespmem:s28+$0x5D00] =	vst.add.f32.msk $0xffff, v1  }
0xe4: {  	v1 =	vld [tilespmem:s24+$0xFFFFFFD0];
	_ =	sdelay $0x4  }
0xe5: {  	[tilespmem:s28+$0x5D10] =	vst.add.f32.msk $0xffff, v1  }
0xe6: {  	v1 =	vld [tilespmem:s24+$0xFFFFFFE0];
	_ =	sdelay $0x4  }
0xe7: {  	[tilespmem:s28+$0x5D20] =	vst.add.f32.msk $0xffff, v1  }
0xe8: {  	v1 =	vld [tilespmem:s24+$0xFFFFFFF0];
	_ =	sdelay $0x4  }
0xe9: {  	[tilespmem:s28+$0x5D30] =	vst.add.f32.msk $0xffff, v1  }
0xea: {  	v1 =	vld [tilespmem:s24+$0x0];
	_ =	sdelay $0x4  }
0xeb: {  	[tilespmem:s28+$0x5D40] =	vst.add.f32.msk $0xffff, v1  }
0xec: {  	v1 =	vld [tilespmem:s24+$0x10];
	_ =	sdelay $0x4  }
0xed: {  	[tilespmem:s28+$0x5D50] =	vst.add.f32.msk $0xffff, v1  }
0xee: {  	v1 =	vld [tilespmem:s24+$0x20];
	_ =	sdelay $0x4  }
0xef: {  	[tilespmem:s28+$0x5D60] =	vst.add.f32.msk $0xffff, v1  }
0xf0: {  	v1 =	vld [tilespmem:s24+$0x30];
	_ =	sdelay $0x4  }
0xf1: {  	s26 =	simm.s32 $0x1;
	s25 =	simm.s32 $0x8;
	[tilespmem:s28+$0x5D70] =	vst.add.f32.msk $0xffff, v1  }
.LBB2_4:
0xf2: {  	p1 =	sne.s32 s25, $0x1FC;
	v1 =	vld.idx.msk [tilespmem:v0+s26+$0x0 ss:$0x1], $0xffff;
	_ =	sdelay $0x5  }
0xf3: {  	(v2sf) =	vpush v1, $0x0;
	_ =	sdelay $0xb  }
0xf4: {  	s24 =	sadd.s32 $0x80, s24  }
0xf5: {  	v1 =	vld [tilespmem:s24+$0xFFFFFFC0];
	_ =	sdelay $0x1  }
0xf6: {  	s26 =	spop (v2sf)  }
0xf7: {  	s26 =	sshll.u32 s26, $0x7  }
0xf8: {  	s28 =	sand.u32 $0x1FF80, s26  }
0xf9: {  	[tilespmem:s28+$0x5D00] =	vst.add.f32.msk $0xffff, v1  }
0xfa: {  	v1 =	vld [tilespmem:s24+$0xFFFFFFD0];
	_ =	sdelay $0x4  }
0xfb: {  	[tilespmem:s28+$0x5D10] =	vst.add.f32.msk $0xffff, v1  }
0xfc: {  	v1 =	vld [tilespmem:s24+$0xFFFFFFE0];
	_ =	sdelay $0x4  }
0xfd: {  	[tilespmem:s28+$0x5D20] =	vst.add.f32.msk $0xffff, v1  }
0xfe: {  	v1 =	vld [tilespmem:s24+$0xFFFFFFF0];
	_ =	sdelay $0x4  }
0xff: {  	[tilespmem:s28+$0x5D30] =	vst.add.f32.msk $0xffff, v1  }
0x100: {  	v1 =	vld [tilespmem:s24+$0x0];
	_ =	sdelay $0x4  }
0x101: {  	[tilespmem:s28+$0x5D40] =	vst.add.f32.msk $0xffff, v1  }
0x102: {  	v1 =	vld [tilespmem:s24+$0x10];
	_ =	sdelay $0x4  }
0x103: {  	[tilespmem:s28+$0x5D50] =	vst.add.f32.msk $0xffff, v1  }
0x104: {  	v1 =	vld [tilespmem:s24+$0x20];
	_ =	sdelay $0x4  }
0x105: {  	[tilespmem:s28+$0x5D60] =	vst.add.f32.msk $0xffff, v1  }
0x106: {  	v1 =	vld [tilespmem:s24+$0x30]  }
.Ltmp11:
0x107: {  	(pc) =	sbr.rel @p1 .LBB2_4-.Ltmp11, $2  }
0x108: {  	_ =	sdelay $0x2  }
0x109: {  	s26 =	sshra.s32 s25, $0x2;
	s25 =	sadd.s32 $0x4, s25;
	[tilespmem:s28+$0x5D70] =	vst.add.f32.msk $0xffff, v1  }
0x10a: {  	_ =	sdelay $0x3  }
0x10b: {  	v0 =	vld.idx.msk [tilespmem:v0+s26+$0x0 ss:$0x1], $0xffff;
	_ =	sdelay $0x4  }
0x10c: {  	(v2sf) =	vpush v0, $0x0;
	_ =	sdelay $0xb  }
0x10d: {  	s24 =	sadd.s32 $0x80, s24  }
0x10e: {  	v63 =	vld [tilespmem:s24+$0xFFFFFFC0];
	_ =	sdelay $0x1  }
0x10f: {  	s25 =	spop (v2sf)  }
0x110: {  	s25 =	sshll.u32 s25, $0x7  }
0x111: {  	s25 =	sand.u32 $0x1FF80, s25  }
0x112: {  	[tilespmem:s25+$0x5D00] =	vst.add.f32.msk $0xffff, v63  }
0x113: {  	v0 =	vld [tilespmem:s24+$0xFFFFFFD0];
	_ =	sdelay $0x4  }
0x114: {  	[tilespmem:s25+$0x5D10] =	vst.add.f32.msk $0xffff, v0  }
0x115: {  	v0 =	vld [tilespmem:s24+$0xFFFFFFE0];
	_ =	sdelay $0x4  }
0x116: {  	[tilespmem:s25+$0x5D20] =	vst.add.f32.msk $0xffff, v0  }
0x117: {  	v0 =	vld [tilespmem:s24+$0xFFFFFFF0];
	_ =	sdelay $0x4  }
0x118: {  	[tilespmem:s25+$0x5D30] =	vst.add.f32.msk $0xffff, v0  }
0x119: {  	v0 =	vld [tilespmem:s24+$0x0];
	_ =	sdelay $0x4  }
0x11a: {  	[tilespmem:s25+$0x5D40] =	vst.add.f32.msk $0xffff, v0  }
0x11b: {  	v0 =	vld [tilespmem:s24+$0x10];
	_ =	sdelay $0x4  }
0x11c: {  	[tilespmem:s25+$0x5D50] =	vst.add.f32.msk $0xffff, v0  }
0x11d: {  	v0 =	vld [tilespmem:s24+$0x20];
	_ =	sdelay $0x4  }
0x11e: {  	s23 =	sadd.s32 $0x1, s23;
	[tilespmem:s25+$0x5D60] =	vst.add.f32.msk $0xffff, v0  }
0x11f: {  	p1 =	sne.s32 s23, s22;
	v0 =	vld [tilespmem:s24+$0x30]  }
.Ltmp12:
0x120: {  	_ = 	snop;
	(pc) =	sbr.rel @p1 .LBB2_3-.Ltmp12, $4  }
.Ltmp13:
0x121: {  	_ = 	snop;
	(pc) =	sbr.rel @!p1 .LBB2_6-.Ltmp13, $4  }
0x122: {  	_ = 	snop  }
0x123: {  	_ = 	snop  }
0x124: {  	s21 =	sadd.s32 $0x80, s21;
	[tilespmem:s25+$0x5D70] =	vst.add.f32.msk $0xffff, v0  }
0x125: {  	_ = 	snop  }
.LBB2_13:
0x126: {  	_ =	sfence.sel $0x180000  }
0x127: {  	[bflag:$0x0] =	sbarrier.arrive $0xFFFF  }
0x128: {  	p0 =	sne.s32 s2, $0x0;
	_ =	strace $0x9000004D  }
0x129: {  	s0 =	sadd.s32 @!p0 $0x100000, s0;
	[bflag:$0x2] =	sbarrier.arrive $0xFFFF  }
0x12a: {  	[sflag:s0] =	ssyncadd.tile.s32 @!p0 $0x1;
	_ =	shalt  }
.Lfunc_end2:
_tile_overlayer_lowered:
.L_overlay_start_2:
0x12b: {  	(tag) =	ssettag $0x2  }
0x12c: {  	s0 =	rddreg [dreg:$0x0];
	s2 =	stileid.u32  }
0x12d: {  	s1 =	rddreg [dreg:$0x1];
	p0 =	sne.s32 s2, $0x0  }
0x12e: {  	s3 =	rddreg [dreg:$0x2];
	[bflag:$0x3] =	sbarrier.arrive $0xFFFF;
	s2 =	simm.s32 @!p0 $0x1C01  }
0x12f: {  	[timem:s3], [sflag:s2] =	dma.local @!p0 [hbm:s0], s1  }
0x130: {  	s0 =	simm.s32 @!p0 $0x1  }
0x131: {  	_ =	swait.ge @!p0 [sflag:s0], s1  }
0x132: {  	s1 =	ssub.s32 @!p0 $0x0, s1;
	[sflag:s0] =	ssyncset.done @!p0 $0x0  }
0x133: {  	[sflag:s0] =	ssyncadd.s32 @!p0 s1  }
0x134: {  	[bflag:$0x3] =	sbarrier.arrive $0xFFFF  }
0x135: {  	_ =	shalt  }

// kernel: kernel.7.cloned.1.call-start
scs
__scs_entry_jumppad:
0x0: {  	(pc) =	sbr.rel $0x88, $3  }
0x1: {  	(tag) =	ssettag $0x0;
	lr =	simm.s32 $0x1  }
0x2: {  	[smem:$0x3F97] =	sst lr;
	_ =	strace $0xD0000000  }
0x3: {  	_ = 	snop  }
0x4: {  	_ = 	snop  }
0x5: {  	_ = 	snop  }
0x6: {  	_ = 	snop  }
0x7: {  	_ = 	snop  }
__scs_overlays_trampoline_lowered:
0x8: {  	[smem:$0x3FA6] =	sst s0  }
0x9: {  	[smem:$0x3FA7] =	sst s1  }
0xa: {  	[smem:$0x3FA8] =	sst s2  }
0xb: {  	[smem:$0x3FA9] =	sst s3  }
0xc: {  	[smem:$0x3FAA] =	sst s4  }
0xd: {  	[smem:$0x3FAB] =	sst s5  }
0xe: {  	[smem:$0x3FAC] =	sst s6  }
0xf: {  	[smem:$0x3FAD] =	sst s7  }
0x10: {  	[smem:$0x3FAE] =	sst s8  }
0x11: {  	[smem:$0x3FAF] =	sst s9;
	s0 =	simm.s32 @!p0 $0x0  }
0x12: {  	s1 =	sld [smem:$0x3F95];
	s0 =	simm.s32 @p0 $0x1  }
0x13: {  	[smem:$0x3FB0] =	sst s0;
	s0 =	simm.s32 @!p1 $0x0  }
0x14: {  	s2 =	sld [smem:$0x3F94];
	s0 =	simm.s32 @p1 $0x1  }
0x15: {  	[smem:$0x3FB1] =	sst s0;
	s0 =	simm.s32 @!p2 $0x0  }
0x16: {  	s3 =	sld [smem:$0x3FDB];
	s0 =	simm.s32 @p2 $0x1  }
0x17: {  	s4 =	simm.s32 $0x1BF5;
	[smem:$0x3FB3] =	sst s0  }
0x18: {  	s0 =	sld [smem:$0x3F96];
	_ =	swait.ge [sflag:s4], $0x0  }
0x19: {  	s7 =	sld [smem:$0x3F97]  }
0x1a: {  	s8 =	sadd.s32 $0xFFFFE003, lr  }
0x1b: {  	s9 =	sadd.s32 $0xFFFFFEF7, lr;
	s5 =	simm.s32 $0xFFFFFFFF;
	p2 =	slt.u32 s8, $0xFFFFF086  }
0x1c: {  	p1 =	slt.u32 s9, $0xF7A;
	s5 =	simm.s32 @!p2 $0x0  }
0x1d: {  	s5 =	simm.s32 @p1 $0x1;
	p0 =	seq.s32 s7, s2  }
0x1e: {  	s7 =	smul.u32 @!p0 $0xF7A, s2;
	p2 =	seq.s32 @!p0 s5, $0x0  }
0x1f: {  	s9 =	smul.u32 $0xF7A, s1;
	s8 =	simm.s32 @!p0 $0x1BF5;
	p2 =	por !p2, p0  }
0x20: {  	[sflag:s8] =	ssyncset.s32 @!p0 $0xFFFFF086;
	s6 =	sadd.s32 @!p0 s3, s7;
	s7 =	simm.s32 @!p0 $0x108  }
0x21: {  	s3 =	sadd.s32 s3, s9;
	s6 =	sadd.s32 @!p0 $0x88, s6;
	s7 =	simm.s32 @p2 $0x1082  }
0x22: {  	[simem:s7], [sflag:s8] =	dma.local @!p0 [hbm:s6], $0xF7A  }
0x23: {  	s9 =	sor.u32 $0xD0000000, s2;
	s6 =	simm.s32 $0x108;
	_ =	swait.ge @!p0 [sflag:s8], $0x0  }
0x24: {  	s3 =	sadd.s32 $0x88, s3;
	s6 =	simm.s32 @!p1 $0x1082;
	[sflag:s4] =	ssyncset.s32 $0xFFFFF086  }
0x25: {  	[simem:s6], [sflag:s4] =	dma.local [hbm:s3], $0xF7A  }
0x26: {  	[smem:$0x3F97] =	sst s1;
	(tag) =	ssettag s2;
	_ =	strace s9  }
0x27: {  	s1 =	sld [smem:$0x3FA7]  }
0x28: {  	s2 =	sld [smem:$0x3FA8]  }
0x29: {  	s4 =	sld [smem:$0x3FAA]  }
0x2a: {  	p0 =	seq.s32 s5, $0x0;
	s5 =	sld [smem:$0x3FAB]  }
0x2b: {  	s6 =	sld [smem:$0x3FAC]  }
0x2c: {  	s7 =	sld [smem:$0x3FAD]  }
0x2d: {  	s3 =	simm.s32 $0x108;
	s8 =	sld [smem:$0x3FAE]  }
0x2e: {  	s3 =	simm.s32 @!p0 $0x1082;
	s9 =	sld [smem:$0x3FAF]  }
0x2f: {  	lr =	sadd.s32 s0, s3;
	s0 =	sld [smem:$0x3FA6]  }
0x30: {  	s3 =	sld [smem:$0x3FA9]  }
0x31: {  	[smem:$0x3FB2] =	sst s10  }
0x32: {  	s10 =	sld [smem:$0x3FB0];
	_ =	sdelay $0x3  }
0x33: {  	p0 =	seq.s32 s10, $0x1;
	s10 =	sld [smem:$0x3FB2];
	_ =	sdelay $0x3  }
0x34: {  	[smem:$0x3FB2] =	sst s10  }
0x35: {  	s10 =	sld [smem:$0x3FB1];
	_ =	sdelay $0x3  }
0x36: {  	p1 =	seq.s32 s10, $0x1;
	s10 =	sld [smem:$0x3FB2];
	_ =	sdelay $0x3  }
0x37: {  	[smem:$0x3FB2] =	sst s10  }
0x38: {  	s10 =	sld [smem:$0x3FB3]  }
0x39: {  	_ = 	snop;
	(pc) =	sbr.ind lr, $3  }
0x3a: {  	_ = 	snop  }
0x3b: {  	_ = 	snop  }
0x3c: {  	p2 =	seq.s32 s10, $0x1;
	s10 =	sld [smem:$0x3FB2]  }
0x3d: {  	_ =	shalt  }
0x3e: {  	_ =	shalt  }
0x3f: {  	_ =	shalt  }
0x40: {  	_ =	shalt  }
0x41: {  	_ =	shalt  }
0x42: {  	_ =	shalt  }
0x43: {  	_ =	shalt  }
0x44: {  	_ =	shalt  }
0x45: {  	_ =	shalt  }
0x46: {  	_ =	shalt  }
0x47: {  	_ =	shalt  }
0x48: {  	_ =	shalt  }
0x49: {  	_ =	shalt  }
0x4a: {  	_ =	shalt  }
0x4b: {  	_ =	shalt  }
0x4c: {  	_ =	shalt  }
0x4d: {  	_ =	shalt  }
0x4e: {  	_ =	shalt  }
0x4f: {  	_ =	shalt  }
0x50: {  	_ =	shalt  }
0x51: {  	_ =	shalt  }
0x52: {  	_ =	shalt  }
0x53: {  	_ =	shalt  }
0x54: {  	_ =	shalt  }
0x55: {  	_ =	shalt  }
0x56: {  	_ =	shalt  }
0x57: {  	_ =	shalt  }
0x58: {  	_ =	shalt  }
0x59: {  	_ =	shalt  }
0x5a: {  	_ =	shalt  }
0x5b: {  	_ =	shalt  }
0x5c: {  	_ =	shalt  }
0x5d: {  	_ =	shalt  }
0x5e: {  	_ =	shalt  }
0x5f: {  	_ =	shalt  }
0x60: {  	_ =	shalt  }
0x61: {  	_ =	shalt  }
0x62: {  	_ =	shalt  }
0x63: {  	_ =	shalt  }
0x64: {  	_ =	shalt  }
0x65: {  	_ =	shalt  }
0x66: {  	_ =	shalt  }
0x67: {  	_ =	shalt  }
0x68: {  	_ =	shalt  }
0x69: {  	_ =	shalt  }
0x6a: {  	_ =	shalt  }
0x6b: {  	_ =	shalt  }
0x6c: {  	_ =	shalt  }
0x6d: {  	_ =	shalt  }
0x6e: {  	_ =	shalt  }
0x6f: {  	_ =	shalt  }
0x70: {  	_ =	shalt  }
0x71: {  	_ =	shalt  }
0x72: {  	_ =	shalt  }
0x73: {  	_ =	shalt  }
0x74: {  	_ =	shalt  }
0x75: {  	_ =	shalt  }
0x76: {  	_ =	shalt  }
0x77: {  	_ =	shalt  }
0x78: {  	_ =	shalt  }
0x79: {  	_ =	shalt  }
0x7a: {  	_ =	shalt  }
0x7b: {  	_ =	shalt  }
0x7c: {  	_ =	shalt  }
0x7d: {  	_ =	shalt  }
0x7e: {  	_ =	shalt  }
0x7f: {  	_ =	shalt  }
0x80: {  	_ =	shalt  }
0x81: {  	_ =	shalt  }
0x82: {  	_ =	shalt  }
0x83: {  	_ =	shalt  }
0x84: {  	_ =	shalt  }
0x85: {  	_ =	shalt  }
0x86: {  	_ =	shalt  }
0x87: {  	_ =	shalt  }
.Lfunc_end0:
.L_simem_size_0:
called_computation_lowered:
.L_overlay_start_0:
0x88: {  	s2 =	sld [smem:$0x3FD9]  }
0x89: {  	s3 =	sld [smem:$0x3FFE];
	_ =	sdelay $0x1  }
0x8a: {  	s1 =	srdreg.scid  }
0x8b: {  	s0 =	sand.u32 $0x1, s1  }
0x8c: {  	s14 =	sshll.u32 s0, $0xA;
	s2 =	sadd.s32 s3, s2  }
0x8d: {  	s2 =	sadd.s32 s2, s14  }
0x8e: {  	[smem:$0x3FBE] =	sst s2  }
0x8f: {  	_ = 	snop  }
0x90: {  	s2 =	sld [smem:$0x3FD0];
	_ =	sdelay $0x2  }
0x91: {  	s15 =	simm.s32 $0xA;
	s4 =	simm.s32 $0x10  }
0x92: {  	[smem:s4], [sflag:s15] =	dma.local [hbm:s2], $0x1  }
0x93: {  	_ =	swait.eq [sflag:s15], $0x1  }
0x94: {  	[sflag:s15] =	ssyncset.done $0x0  }
0x95: {  	[sflag:s15] =	ssyncadd.s32 $0xFFFFFFFF  }
0x96: {  	s16 =	sld [smem:$0x10];
	(tm) =	ssettm $0x1  }
0x97: {  	s17 =	sld [smem:$0x3FFB];
	_ =	sdelay $0x3  }
0x98: {  	_ =	strace s17  }
0x99: {  	s3 =	sld [smem:$0x3FFC];
	_ =	sdelay $0x3  }
0x9a: {  	_ =	strace s3  }
0x9b: {  	s3 =	sld [smem:$0x3FFD];
	_ =	sdelay $0x3  }
0x9c: {  	_ =	strace s3  }
0x9d: {  	_ =	strace $0x8FFFFFFF  }
0x9e: {  	s18 =	sld [smem:$0x3FDB];
	_ =	sdelay $0x1  }
0x9f: {  	s19 =	simm.s32 $_scs_section_size  }
0xa0: {  	s5 =	simm.s32 $_size__tile_overlayer_lowered;
	s6 =	simm.s32 $_tile_overlayer_lowered  }
0xa1: {  	s22 =	simm.s32 $0x1BFF;
	s21 =	sshll.u32 s6, $0x1;
	s3 =	sadd.s32 s19, s18  }
0xa2: {  	s7 =	simm.s32 $0x0;
	s20 =	sshll.u32 s5, $0x1;
	s5 =	sadd.s32 s21, s3  }
0xa3: {  	[timem:s7], [sflag:s22] =	dma.local [hbm:s5], s20  }
0xa4: {  	_ =	swait.ge [sflag:s22], s20  }
0xa5: {  	s4 =	ssub.s32 $0x0, s20;
	[sflag:s22] =	ssyncset.done $0x0  }
0xa6: {  	[sflag:s22] =	ssyncadd.s32 s4;
	_ =	sdelay $0x1  }
0xa7: {  	s23 =	simm.s32 $0x1B8B  }
0xa8: {  	_ =	swait.ge [sflag:s23], $0x1  }
0xa9: {  	[sflag:s23] =	ssyncset.done $0x0  }
0xaa: {  	s25 =	simm.s32 $0x1B8E;
	s24 =	sld [smem:$0x3FFE];
	[sflag:s23] =	ssyncadd.s32 $0xFFFFFFFF  }
0xab: {  	s26 =	simm.s32 $execute0_lowered;
	[smem:$0x3FD2] =	sst s25  }
0xac: {  	s5 =	sshll.u32 s26, $0x1;
	_ =	strace $0x80000046;
	[dreg:$0x1] =	wrdreg $0xFFFFFFFF  }
0xad: {  	s28 =	simm.s32 $_size_execute0_lowered;
	s3 =	sadd.s32 s3, s5;
	[dreg:$0x0] =	wrdreg $0x0  }
0xae: {  	s5 =	sshll.u32 s28, $0x1;
	[dreg:$0x2] =	wrdreg s3  }
0xaf: {  	[dreg:$0x3] =	wrdreg s5  }
0xb0: {  	[dreg:$0x4] =	wrdreg $0xC0  }
0xb1: {  	_ =	task [dreg:s7], $0x5FFFF  }
0xb2: {  	[dreg:$0x1] =	wrdreg $0xFFFFFFFF  }
0xb3: {  	[dreg:$0x0] =	wrdreg $0x60  }
0xb4: {  	[dreg:$0x2] =	wrdreg s24  }
0xb5: {  	[dreg:$0x3] =	wrdreg s16  }
0xb6: {  	[dreg:$0x4] =	wrdreg $0x9  }
0xb7: {  	_ =	task.clear_ibuf [dreg:s7], $0x5FFFF;
	_ =	strace $0x90000046  }
0xb8: {  	s29 =	simm.s32 $0x9;
	_ =	strace $0x80000048  }
0xb9: {  	_ =	swait.ge [sflag:s29], $0x1  }
0xba: {  	[sflag:s29] =	ssyncadd.s32 $0xFFFFFFFF  }
0xbb: {  	_ =	strace $0x90000048  }
0xbc: {  	_ =	sfence  }
0xbd: {  	s30 =	sld [smem:$0x0];
	_ =	sdelay $0x2  }
0xbe: {  	s31 =	sshll.u32 s1, $0xD;
	s1 =	sshrl.u32 s1, $0x2  }
0xbf: {  	s3 =	sand.u32 $0x4000, s31;
	s1 =	sadd.s32 s1, s30  }
0xc0: {  	s0 =	sor.u32 s3, s0;
	s1 =	sshll.u32 s1, $0x11  }
0xc1: {  	s0 =	sor.u32 s1, s0  }
0xc2: {  	s0 =	sadd.s32 $0x8F2B, s0  }
0xc3: {  	[sflag:s0] =	ssyncadd.remote.s32 $0x1  }
0xc4: {  	_ =	sfence.sel $0xFFFF  }
0xc5: {  	[dreg:$0x0] =	wrdreg $0xFFFFFFFF;
	(pc) =	sbr.abs _section_cstart, $3  }
0xc6: {  	[dreg:$0x1] =	wrdreg $0xFFFFFFFF  }
0xc7: {  	_ =	task.clear_ibuf [dreg:s7], $0x2FFFF;
	_ =	strace $0x9FFFFFFF  }
0xc8: {  	(tm) =	ssettm $0x7FFFFFFF  }
0xc9: {  	_ =	shalt  }
tec
execute0_lowered:
.L_overlay_start_1:
0x0: {  	(tag) =	ssettag $0x1  }
0x1: {  	s0 =	srdreg.scid;
	s1 =	stileid.u32  }
0x2: {  	s0 =	sand.u32 $0x1, s0;
	s1 =	sshll.u32 s1, $0x1  }
0x3: {  	s1 =	sor.u32 s0, s1  }
0x4: {  	s17 =	smul.u32 $0x280, s1  }
0x5: {  	s6 =	rddreg [dreg:$0x1];
	s0 =	ssub.s32 $0x2, s0;
	s3 =	smul.u32 $0x300, s1  }
0x6: {  	s19 =	sor.u32 $0x20, s1;
	s21 =	sor.u32 $0x40, s1;
	s20 =	sor.u32 $0x60, s1  }
0x7: {  	s5 =	sshrl.u32 s0, $0x1;
	s22 =	sor.u32 $0x80, s1;
	s7 =	smul.u32 $0x300, s19  }
0x8: {  	s23 =	sor.u32 $0xA0, s1;
	s24 =	sor.u32 $0xC0, s1;
	s9 =	smul.u32 $0x300, s21  }
0x9: {  	s25 =	sor.u32 $0xE0, s1;
	s26 =	sor.u32 $0x100, s1;
	s10 =	smul.u32 $0x300, s20  }
0xa: {  	s28 =	sor.u32 $0x120, s1;
	s29 =	sor.u32 $0x140, s1;
	s18 =	smul.u32 $0x300, s22  }
0xb: {  	s30 =	sor.u32 $0x160, s1;
	s4 =	smul.u32 $0x300, s23;
	s2 =	sadd.s32 s6, s3  }
0xc: {  	s31 =	sor.u32 $0x180, s1;
	s8 =	smul.u32 $0x300, s24;
	[dreg:$0x3] =	wrdreg s2  }
0xd: {  	s7 =	sadd.s32 s6, s7;
	s13 =	sadd.s32 s6, s10;
	s10 =	rddreg [dreg:$0x0]  }
0xe: {  	s12 =	smul.u32 $0x300, s25;
	s11 =	sadd.s32 s6, s9;
	[dreg:$0x4] =	wrdreg s7  }
0xf: {  	s5 =	ssub.s32 s0, s5;
	s14 =	smul.u32 $0x300, s26;
	[dreg:$0x5] =	wrdreg s11  }
0x10: {  	s15 =	smul.u32 $0x300, s28;
	s0 =	sadd.s32 s6, s18;
	[dreg:$0x6] =	wrdreg s13  }
0x11: {  	s16 =	sadd.s32 s6, s4;
	s18 =	smul.u32 $0x300, s29;
	[dreg:$0x7] =	wrdreg s0  }
0x12: {  	s8 =	sadd.s32 s6, s8;
	s12 =	sadd.s32 s6, s12;
	[dreg:$0x8] =	wrdreg s16  }
0x13: {  	s2 =	sor.u32 $0x1A0, s1;
	[dreg:$0x9] =	wrdreg s8;
	s11 =	smul.u32 $0x300, s30  }
0x14: {  	s4 =	sadd.s32 s6, s14;
	[dreg:$0xa] =	wrdreg s12;
	s13 =	smul.u32 $0x300, s31  }
0x15: {  	s5 =	smax.u32 s5, $0x1;
	[dreg:$0xb] =	wrdreg s4;
	s14 =	smul.u32 $0x300, s2  }
0x16: {  	s4 =	sor.u32 $0x1C0, s1;
	s0 =	sadd.s32 s6, s15;
	s8 =	sor.u32 $0x1E0, s1  }
0x17: {  	s12 =	sshll.u32 s19, $0x7;
	s7 =	sshll.u32 s22, $0x7;
	s15 =	smul.u32 $0x300, s4  }
0x18: {  	[dreg:$0xc] =	wrdreg s0;
	s3 =	sadd.s32 s6, s18;
	s18 =	smul.u32 $0x300, s8  }
0x19: {  	[dreg:$0xd] =	wrdreg s3;
	s16 =	sadd.s32 s6, s11;
	s9 =	sadd.s32 s6, s13  }
0x1a: {  	s14 =	sadd.s32 s6, s14;
	s3 =	sadd.s32 $0xCC00, s10;
	s11 =	sshll.u32 s1, $0x7  }
0x1b: {  	s13 =	sshll.u32 s21, $0x7;
	s21 =	sshll.u32 s20, $0x7;
	[dreg:$0xe] =	wrdreg s16  }
0x1c: {  	[dreg:$0xf] =	wrdreg s9;
	s15 =	sadd.s32 s6, s15;
	s16 =	sadd.s32 s6, s18  }
0x1d: {  	s6 =	sadd.s32 s17, s10;
	s17 =	simm.s32 $0x0;
	s18 =	sadd.s32 s3, s11  }
0x1e: {  	s19 =	sadd.s32 s3, s12;
	s20 =	sadd.s32 s3, s13;
	s21 =	sadd.s32 s3, s21  }
0x1f: {  	s22 =	sadd.s32 s3, s7;
	s9 =	sshll.u32 s23, $0x7;
	s10 =	sshll.u32 s24, $0x7  }
0x20: {  	s11 =	sshll.u32 s25, $0x7;
	s12 =	sshll.u32 s26, $0x7;
	s13 =	sshll.u32 s28, $0x7  }
0x21: {  	s7 =	sshll.u32 s29, $0x7;
	[smem:$0x7FF] =	sst s17;
	s23 =	sadd.s32 s3, s9  }
0x22: {  	s24 =	sadd.s32 s3, s10;
	s25 =	sadd.s32 s3, s11;
	s26 =	sadd.s32 s3, s12  }
0x23: {  	s28 =	sadd.s32 s3, s13;
	s29 =	sadd.s32 s3, s7;
	s9 =	sshll.u32 s30, $0x7  }
0x24: {  	s10 =	sshll.u32 s31, $0x7;
	s11 =	sshll.u32 s2, $0x7;
	s12 =	sshll.u32 s4, $0x7  }
0x25: {  	s13 =	sshll.u32 s8, $0x7;
	s4 =	sadd.s32 $0x2C00, s6;
	s7 =	simm.s32 $0x1A900  }
0x26: {  	s8 =	simm.s32 $0x0;
	s30 =	sadd.s32 s3, s9;
	s31 =	sadd.s32 s3, s10  }
0x27: {  	s0 =	sadd.s32 s3, s11;
	s1 =	sadd.s32 s3, s12;
	s2 =	sadd.s32 s3, s13  }
0x28: {  	v0 =	vimm.s32 $0x0;
	v1 =	vimm.s32 $0x280;
	_ =	strace $0x80000047;
	s3 =	sadd.s32 $0x7C00, s6;
	s6 =	simm.s32 $0x1  }
.LBB2_1:
0x29: {  	[tilespmem:s17], [sflag:$0x1] =	stream.linear.gather [hbm4b:s3+s17], $0x1400, $0x38;
	[tilespmem:$0x1AD00] =	vst v63  }
0x2a: {  	_ =	swait.ge [sflag:s6], $0x1400  }
0x2b: {  	[sflag:s6] =	ssyncset.done $0x0  }
0x2c: {  	s9 =	simm.s32 $0x1400;
	[sflag:s6] =	ssyncadd.s32 $0xFFFFEC00  }
0x2d: {  	[tilespmem:s9], [sflag:$0x1] =	stream.linear.gather [hbm4b:s4+s17], $0x1400, $0x38;
	[tilespmem:$0x1AD00] =	vst v63  }
0x2e: {  	_ =	swait.ge [sflag:s6], $0x1400  }
0x2f: {  	[sflag:s6] =	ssyncset.done $0x0  }
0x30: {  	[sflag:s6] =	ssyncadd.s32 $0xFFFFEC00  }
0x31: {  	[tilespmem:$0x1A800] =	vst v0  }
0x32: {  	[tilespmem:$0x1A810] =	vst v0  }
0x33: {  	[tilespmem:$0x1A820] =	vst v0  }
0x34: {  	[tilespmem:$0x1A830] =	vst v0  }
0x35: {  	[tilespmem:$0x1A840] =	vst v0  }
0x36: {  	[tilespmem:$0x1A850] =	vst v0  }
0x37: {  	[tilespmem:$0x1A860] =	vst v0  }
0x38: {  	[tilespmem:$0x1A870] =	vst v0  }
0x39: {  	[tilespmem:$0x1A880] =	vst v0  }
0x3a: {  	[tilespmem:$0x1A890] =	vst v0  }
0x3b: {  	[tilespmem:$0x1A8A0] =	vst v0  }
0x3c: {  	[tilespmem:$0x1A8B0] =	vst v0  }
0x3d: {  	[tilespmem:$0x1A8C0] =	vst v0  }
0x3e: {  	[tilespmem:$0x1A8D0] =	vst v0  }
0x3f: {  	[tilespmem:$0x1A8E0] =	vst v0  }
0x40: {  	s9 =	simm.s32 $0x0;
	[tilespmem:$0x1A8F0] =	vst v0  }
.LBB2_2:
0x41: {  	s10 =	sshra.s32 s9, $0x2  }
0x42: {  	v2 =	vld [tilespmem:s10+$0x1400];
	_ =	sdelay $0x4  }
0x43: {  	v3 =	vmul.u32 $0x199A, v2;
	_ =	sdelay $0x1  }
0x44: {  	v3 =	vshra.s32 v3, $0x16  }
0x45: {  	vm0 =	vlt.s32 v3, $0xF  }
0x46: {  	v3 =	vnsel vm0, $0xF, v3  }
0x47: {  	(v2sf) =	vpush v3, $0x0;
	_ =	sdelay $0xe  }
0x48: {  	s11 =	spop (v2sf)  }
0x49: {  	s12 =	sshll.u32 s11, $0x6  }
0x4a: {  	s12 =	sshra.s32 s12, $0x2  }
0x4b: {  	v4 =	vld [tilespmem:s12+$0x1A800];
	_ =	sdelay $0x4  }
0x4c: {  	(v2sf) =	vpush v4, $0x0  }
0x4d: {  	(v2sf) =	vpush v3, $0x1;
	_ =	sdelay $0x5  }
0x4e: {  	v35 =	vld [tilespmem:s10+$0x0];
	_ =	sdelay $0x4  }
0x4f: {  	v5 =	vmul.u32 $0xFFFFFD80, v3;
	v4 =	vshll.u32 v35, $0xA  }
0x50: {  	s11 =	smul.u32 $0x6000, s11;
	v2 =	vadd.s32 v2, v4  }
0x51: {  	v2 =	vadd.s32 v5, v2  }
0x52: {  	s10 =	sshra.s32 s11, $0x2;
	v36 =	vbroadcast v2, $0x0;
	s13 =	spop (v2sf)  }
0x53: {  	s10 =	sadd.s32 s13, s10;
	s11 =	sadd.s32 $0x1, s13;
	s13 =	spop (v2sf)  }
0x54: {  	[tilespmem:s10+$0x2800] =	vst v36;
	v37 =	vmov s11;
	s11 =	sshll.u32 s13, $0x6  }
0x55: {  	[tilespmem:s12+$0x1A800] =	vst v37;
	s10 =	sshra.s32 s11, $0x2  }
0x56: {  	v4 =	vld [tilespmem:s10+$0x1A800];
	_ =	sdelay $0x4  }
0x57: {  	(v2sf) =	vpush v4, $0x0  }
0x58: {  	(v2sf) =	vpush v3, $0x2;
	_ =	sdelay $0xb  }
0x59: {  	s12 =	smul.u32 $0x6000, s13;
	_ =	sdelay $0x1  }
0x5a: {  	v38 =	vbroadcast v2, $0x1;
	s11 =	sshra.s32 s12, $0x2;
	s13 =	spop (v2sf)  }
0x5b: {  	s11 =	sadd.s32 s13, s11;
	s12 =	sadd.s32 $0x1, s13;
	s13 =	spop (v2sf)  }
0x5c: {  	[tilespmem:s11+$0x2800] =	vst v38;
	v39 =	vmov s12;
	s12 =	sshll.u32 s13, $0x6  }
0x5d: {  	[tilespmem:s10+$0x1A800] =	vst v39;
	s10 =	sshra.s32 s12, $0x2  }
0x5e: {  	v4 =	vld [tilespmem:s10+$0x1A800];
	_ =	sdelay $0x4  }
0x5f: {  	(v2sf) =	vpush v4, $0x0  }
0x60: {  	(v2sf) =	vpush v3, $0x3;
	_ =	sdelay $0xb  }
0x61: {  	s12 =	smul.u32 $0x6000, s13;
	_ =	sdelay $0x1  }
0x62: {  	v40 =	vbroadcast v2, $0x2;
	s11 =	sshra.s32 s12, $0x2;
	s13 =	spop (v2sf)  }
0x63: {  	s11 =	sadd.s32 s13, s11;
	s12 =	sadd.s32 $0x1, s13;
	s13 =	spop (v2sf)  }
0x64: {  	[tilespmem:s11+$0x2800] =	vst v40;
	v41 =	vmov s12;
	s12 =	sshll.u32 s13, $0x6  }
0x65: {  	[tilespmem:s10+$0x1A800] =	vst v41;
	s10 =	sshra.s32 s12, $0x2  }
0x66: {  	v4 =	vld [tilespmem:s10+$0x1A800];
	_ =	sdelay $0x4  }
0x67: {  	(v2sf) =	vpush v4, $0x0  }
0x68: {  	(v2sf) =	vpush v3, $0x4;
	_ =	sdelay $0xb  }
0x69: {  	s12 =	smul.u32 $0x6000, s13;
	_ =	sdelay $0x1  }
0x6a: {  	v42 =	vbroadcast v2, $0x3;
	s11 =	sshra.s32 s12, $0x2;
	s13 =	spop (v2sf)  }
0x6b: {  	s11 =	sadd.s32 s13, s11;
	s12 =	sadd.s32 $0x1, s13;
	s13 =	spop (v2sf)  }
0x6c: {  	[tilespmem:s11+$0x2800] =	vst v42;
	v43 =	vmov s12;
	s12 =	sshll.u32 s13, $0x6  }
0x6d: {  	[tilespmem:s10+$0x1A800] =	vst v43;
	s10 =	sshra.s32 s12, $0x2  }
0x6e: {  	v4 =	vld [tilespmem:s10+$0x1A800];
	_ =	sdelay $0x4  }
0x6f: {  	(v2sf) =	vpush v4, $0x0  }
0x70: {  	(v2sf) =	vpush v3, $0x5;
	_ =	sdelay $0xb  }
0x71: {  	s12 =	smul.u32 $0x6000, s13;
	_ =	sdelay $0x1  }
0x72: {  	v44 =	vbroadcast v2, $0x4;
	s11 =	sshra.s32 s12, $0x2;
	s13 =	spop (v2sf)  }
0x73: {  	s11 =	sadd.s32 s13, s11;
	s12 =	sadd.s32 $0x1, s13;
	s13 =	spop (v2sf)  }
0x74: {  	[tilespmem:s11+$0x2800] =	vst v44;
	v45 =	vmov s12;
	s12 =	sshll.u32 s13, $0x6  }
0x75: {  	[tilespmem:s10+$0x1A800] =	vst v45;
	s10 =	sshra.s32 s12, $0x2  }
0x76: {  	v4 =	vld [tilespmem:s10+$0x1A800];
	_ =	sdelay $0x4  }
0x77: {  	(v2sf) =	vpush v4, $0x0  }
0x78: {  	(v2sf) =	vpush v3, $0x6;
	_ =	sdelay $0xb  }
0x79: {  	s12 =	smul.u32 $0x6000, s13;
	_ =	sdelay $0x1  }
0x7a: {  	v46 =	vbroadcast v2, $0x5;
	s11 =	sshra.s32 s12, $0x2;
	s13 =	spop (v2sf)  }
0x7b: {  	s11 =	sadd.s32 s13, s11;
	s12 =	sadd.s32 $0x1, s13;
	s13 =	spop (v2sf)  }
0x7c: {  	[tilespmem:s11+$0x2800] =	vst v46;
	v47 =	vmov s12;
	s12 =	sshll.u32 s13, $0x6  }
0x7d: {  	[tilespmem:s10+$0x1A800] =	vst v47;
	s10 =	sshra.s32 s12, $0x2  }
0x7e: {  	v4 =	vld [tilespmem:s10+$0x1A800];
	_ =	sdelay $0x4  }
0x7f: {  	(v2sf) =	vpush v4, $0x0  }
0x80: {  	(v2sf) =	vpush v3, $0x7;
	_ =	sdelay $0xb  }
0x81: {  	s12 =	smul.u32 $0x6000, s13;
	_ =	sdelay $0x1  }
0x82: {  	v48 =	vbroadcast v2, $0x6;
	s11 =	sshra.s32 s12, $0x2;
	s13 =	spop (v2sf)  }
0x83: {  	s11 =	sadd.s32 s13, s11;
	s12 =	sadd.s32 $0x1, s13;
	s13 =	spop (v2sf)  }
0x84: {  	[tilespmem:s11+$0x2800] =	vst v48;
	v49 =	vmov s12;
	s12 =	sshll.u32 s13, $0x6  }
0x85: {  	[tilespmem:s10+$0x1A800] =	vst v49;
	s10 =	sshra.s32 s12, $0x2  }
0x86: {  	v4 =	vld [tilespmem:s10+$0x1A800];
	_ =	sdelay $0x4  }
0x87: {  	(v2sf) =	vpush v4, $0x0  }
0x88: {  	(v2sf) =	vpush v3, $0x8;
	_ =	sdelay $0xb  }
0x89: {  	s12 =	smul.u32 $0x6000, s13;
	_ =	sdelay $0x1  }
0x8a: {  	v50 =	vbroadcast v2, $0x7;
	s11 =	sshra.s32 s12, $0x2;
	s13 =	spop (v2sf)  }
0x8b: {  	s11 =	sadd.s32 s13, s11;
	s12 =	sadd.s32 $0x1, s13;
	s13 =	spop (v2sf)  }
0x8c: {  	[tilespmem:s11+$0x2800] =	vst v50;
	v51 =	vmov s12;
	s12 =	sshll.u32 s13, $0x6  }
0x8d: {  	[tilespmem:s10+$0x1A800] =	vst v51;
	s10 =	sshra.s32 s12, $0x2  }
0x8e: {  	v4 =	vld [tilespmem:s10+$0x1A800];
	_ =	sdelay $0x4  }
0x8f: {  	(v2sf) =	vpush v4, $0x0  }
0x90: {  	(v2sf) =	vpush v3, $0x9;
	_ =	sdelay $0xb  }
0x91: {  	s12 =	smul.u32 $0x6000, s13;
	_ =	sdelay $0x1  }
0x92: {  	v52 =	vbroadcast v2, $0x8;
	s11 =	sshra.s32 s12, $0x2;
	s13 =	spop (v2sf)  }
0x93: {  	s11 =	sadd.s32 s13, s11;
	s12 =	sadd.s32 $0x1, s13;
	s13 =	spop (v2sf)  }
0x94: {  	[tilespmem:s11+$0x2800] =	vst v52;
	v53 =	vmov s12;
	s12 =	sshll.u32 s13, $0x6  }
0x95: {  	[tilespmem:s10+$0x1A800] =	vst v53;
	s10 =	sshra.s32 s12, $0x2  }
0x96: {  	v4 =	vld [tilespmem:s10+$0x1A800];
	_ =	sdelay $0x4  }
0x97: {  	(v2sf) =	vpush v4, $0x0  }
0x98: {  	(v2sf) =	vpush v3, $0xA;
	_ =	sdelay $0xb  }
0x99: {  	s12 =	smul.u32 $0x6000, s13;
	_ =	sdelay $0x1  }
0x9a: {  	v54 =	vbroadcast v2, $0x9;
	s11 =	sshra.s32 s12, $0x2;
	s13 =	spop (v2sf)  }
0x9b: {  	s11 =	sadd.s32 s13, s11;
	s12 =	sadd.s32 $0x1, s13;
	s13 =	spop (v2sf)  }
0x9c: {  	[tilespmem:s11+$0x2800] =	vst v54;
	v55 =	vmov s12;
	s12 =	sshll.u32 s13, $0x6  }
0x9d: {  	[tilespmem:s10+$0x1A800] =	vst v55;
	s10 =	sshra.s32 s12, $0x2  }
0x9e: {  	v4 =	vld [tilespmem:s10+$0x1A800];
	_ =	sdelay $0x4  }
0x9f: {  	(v2sf) =	vpush v4, $0x0  }
0xa0: {  	(v2sf) =	vpush v3, $0xB;
	_ =	sdelay $0xb  }
0xa1: {  	s12 =	smul.u32 $0x6000, s13;
	_ =	sdelay $0x1  }
0xa2: {  	v56 =	vbroadcast v2, $0xA;
	s11 =	sshra.s32 s12, $0x2;
	s13 =	spop (v2sf)  }
0xa3: {  	s11 =	sadd.s32 s13, s11;
	s12 =	sadd.s32 $0x1, s13;
	s13 =	spop (v2sf)  }
0xa4: {  	[tilespmem:s11+$0x2800] =	vst v56;
	v57 =	vmov s12;
	s12 =	sshll.u32 s13, $0x6  }
0xa5: {  	[tilespmem:s10+$0x1A800] =	vst v57;
	s10 =	sshra.s32 s12, $0x2  }
0xa6: {  	v4 =	vld [tilespmem:s10+$0x1A800];
	_ =	sdelay $0x4  }
0xa7: {  	(v2sf) =	vpush v4, $0x0  }
0xa8: {  	(v2sf) =	vpush v3, $0xC;
	_ =	sdelay $0xb  }
0xa9: {  	s12 =	smul.u32 $0x6000, s13;
	_ =	sdelay $0x1  }
0xaa: {  	v58 =	vbroadcast v2, $0xB;
	s11 =	sshra.s32 s12, $0x2;
	s13 =	spop (v2sf)  }
0xab: {  	s11 =	sadd.s32 s13, s11;
	s12 =	sadd.s32 $0x1, s13;
	s13 =	spop (v2sf)  }
0xac: {  	[tilespmem:s11+$0x2800] =	vst v58;
	v59 =	vmov s12;
	s12 =	sshll.u32 s13, $0x6  }
0xad: {  	[tilespmem:s10+$0x1A800] =	vst v59;
	s10 =	sshra.s32 s12, $0x2  }
0xae: {  	v4 =	vld [tilespmem:s10+$0x1A800];
	_ =	sdelay $0x4  }
0xaf: {  	(v2sf) =	vpush v4, $0x0  }
0xb0: {  	(v2sf) =	vpush v3, $0xD;
	_ =	sdelay $0xb  }
0xb1: {  	s12 =	smul.u32 $0x6000, s13;
	_ =	sdelay $0x1  }
0xb2: {  	v60 =	vbroadcast v2, $0xC;
	s11 =	sshra.s32 s12, $0x2;
	s13 =	spop (v2sf)  }
0xb3: {  	s11 =	sadd.s32 s13, s11;
	s12 =	sadd.s32 $0x1, s13;
	s13 =	spop (v2sf)  }
0xb4: {  	[tilespmem:s11+$0x2800] =	vst v60;
	v61 =	vmov s12;
	s12 =	sshll.u32 s13, $0x6  }
0xb5: {  	[tilespmem:s10+$0x1A800] =	vst v61;
	s10 =	sshra.s32 s12, $0x2  }
0xb6: {  	v4 =	vld [tilespmem:s10+$0x1A800];
	_ =	sdelay $0x4  }
0xb7: {  	(v2sf) =	vpush v4, $0x0  }
0xb8: {  	(v2sf) =	vpush v3, $0xE;
	_ =	sdelay $0xb  }
0xb9: {  	s12 =	smul.u32 $0x6000, s13;
	_ =	sdelay $0x1  }
0xba: {  	v62 =	vbroadcast v2, $0xD;
	s11 =	sshra.s32 s12, $0x2;
	s13 =	spop (v2sf)  }
0xbb: {  	s11 =	sadd.s32 s13, s11;
	s12 =	sadd.s32 $0x1, s13;
	s13 =	spop (v2sf)  }
0xbc: {  	[tilespmem:s11+$0x2800] =	vst v62;
	v63 =	vmov s12;
	s12 =	sshll.u32 s13, $0x6  }
0xbd: {  	[tilespmem:s10+$0x1A800] =	vst v63;
	s10 =	sshra.s32 s12, $0x2  }
0xbe: {  	v4 =	vld [tilespmem:s10+$0x1A800];
	_ =	sdelay $0x4  }
0xbf: {  	(v2sf) =	vpush v4, $0x0  }
0xc0: {  	(v2sf) =	vpush v3, $0xF;
	_ =	sdelay $0xb  }
0xc1: {  	s12 =	smul.u32 $0x6000, s13;
	_ =	sdelay $0x1  }
0xc2: {  	s11 =	sshra.s32 s12, $0x2;
	v3 =	vbroadcast v2, $0xE;
	s13 =	spop (v2sf)  }
0xc3: {  	s11 =	sadd.s32 s13, s11;
	s12 =	sadd.s32 $0x1, s13;
	s13 =	spop (v2sf)  }
0xc4: {  	[tilespmem:s11+$0x2800] =	vst v3;
	v3 =	vmov s12;
	s12 =	sshll.u32 s13, $0x6  }
0xc5: {  	[tilespmem:s10+$0x1A800] =	vst v3;
	s10 =	sshra.s32 s12, $0x2  }
0xc6: {  	v3 =	vld [tilespmem:s10+$0x1A800];
	_ =	sdelay $0x4  }
0xc7: {  	(v2sf) =	vpush v3, $0x0;
	_ =	sdelay $0xc  }
0xc8: {  	p0 =	sne.s32 s9, $0x4FC0;
	s12 =	smul.u32 $0x6000, s13  }
.Ltmp0:
0xc9: {  	_ = 	snop;
	(pc) =	sbr.rel @p0 .LBB2_2-.Ltmp0, $4  }
0xca: {  	v2 =	vbroadcast v2, $0xF;
	s11 =	sshra.s32 s12, $0x2;
	s13 =	spop (v2sf)  }
0xcb: {  	s11 =	sadd.s32 s13, s11;
	s12 =	sadd.s32 $0x1, s13  }
0xcc: {  	[tilespmem:s11+$0x2800] =	vst v2;
	v2 =	vmov s12  }
0xcd: {  	s9 =	sadd.s32 $0x40, s9;
	[tilespmem:s10+$0x1A800] =	vst v2  }
0xce: {  	v2 =	vld [tilespmem:$0x1A800];
	_ =	sdelay $0x4  }
0xcf: {  	(v2sf) =	vpush v2, $0x0;
	_ =	sdelay $0xe  }
0xd0: {  	s9 =	spop (v2sf)  }
0xd1: {  	[tilespmem:s9+$0x2800] =	vst v1  }
0xd2: {  	[tilespmem:s9+$0x2810] =	vst v1  }
0xd3: {  	[tilespmem:s9+$0x2820] =	vst v1  }
0xd4: {  	[tilespmem:s9+$0x2830] =	vst v1  }
0xd5: {  	[tilespmem:s9+$0x2840] =	vst v1  }
0xd6: {  	[tilespmem:s9+$0x2850] =	vst v1  }
0xd7: {  	[tilespmem:s9+$0x2860] =	vst v1  }
0xd8: {  	[tilespmem:s9+$0x2870] =	vst v1  }
0xd9: {  	[tilespmem:s9+$0x2880] =	vst v1  }
0xda: {  	v2 =	vld [tilespmem:$0x1A810];
	_ =	sdelay $0x4  }
0xdb: {  	(v2sf) =	vpush v2, $0x0;
	_ =	sdelay $0xe  }
0xdc: {  	s10 =	spop (v2sf)  }
0xdd: {  	[tilespmem:s10+$0x4000] =	vst v1  }
0xde: {  	[tilespmem:s10+$0x4010] =	vst v1  }
0xdf: {  	[tilespmem:s10+$0x4020] =	vst v1  }
0xe0: {  	[tilespmem:s10+$0x4030] =	vst v1  }
0xe1: {  	[tilespmem:s10+$0x4040] =	vst v1  }
0xe2: {  	[tilespmem:s10+$0x4050] =	vst v1  }
0xe3: {  	[tilespmem:s10+$0x4060] =	vst v1  }
0xe4: {  	[tilespmem:s10+$0x4070] =	vst v1  }
0xe5: {  	[tilespmem:s10+$0x4080] =	vst v1  }
0xe6: {  	v2 =	vld [tilespmem:$0x1A820];
	_ =	sdelay $0x4  }
0xe7: {  	(v2sf) =	vpush v2, $0x0;
	_ =	sdelay $0xe  }
0xe8: {  	s11 =	spop (v2sf)  }
0xe9: {  	[tilespmem:s11+$0x5800] =	vst v1  }
0xea: {  	[tilespmem:s11+$0x5810] =	vst v1  }
0xeb: {  	[tilespmem:s11+$0x5820] =	vst v1  }
0xec: {  	[tilespmem:s11+$0x5830] =	vst v1  }
0xed: {  	[tilespmem:s11+$0x5840] =	vst v1  }
0xee: {  	[tilespmem:s11+$0x5850] =	vst v1  }
0xef: {  	[tilespmem:s11+$0x5860] =	vst v1  }
0xf0: {  	[tilespmem:s11+$0x5870] =	vst v1  }
0xf1: {  	[tilespmem:s11+$0x5880] =	vst v1  }
0xf2: {  	v2 =	vld [tilespmem:$0x1A830];
	_ =	sdelay $0x4  }
0xf3: {  	(v2sf) =	vpush v2, $0x0;
	_ =	sdelay $0xe  }
0xf4: {  	s12 =	spop (v2sf)  }
0xf5: {  	[tilespmem:s12+$0x7000] =	vst v1  }
0xf6: {  	[tilespmem:s12+$0x7010] =	vst v1  }
0xf7: {  	[tilespmem:s12+$0x7020] =	vst v1  }
0xf8: {  	[tilespmem:s12+$0x7030] =	vst v1  }
0xf9: {  	[tilespmem:s12+$0x7040] =	vst v1  }
0xfa: {  	[tilespmem:s12+$0x7050] =	vst v1  }
0xfb: {  	[tilespmem:s12+$0x7060] =	vst v1  }
0xfc: {  	[tilespmem:s12+$0x7070] =	vst v1  }
0xfd: {  	[tilespmem:s12+$0x7080] =	vst v1  }
0xfe: {  	v2 =	vld [tilespmem:$0x1A840];
	_ =	sdelay $0x4  }
0xff: {  	(v2sf) =	vpush v2, $0x0;
	_ =	sdelay $0xe  }
0x100: {  	s13 =	spop (v2sf)  }
0x101: {  	[tilespmem:s13+$0x8800] =	vst v1  }
0x102: {  	[tilespmem:s13+$0x8810] =	vst v1  }
0x103: {  	[tilespmem:s13+$0x8820] =	vst v1  }
0x104: {  	[tilespmem:s13+$0x8830] =	vst v1  }
0x105: {  	[tilespmem:s13+$0x8840] =	vst v1  }
0x106: {  	[tilespmem:s13+$0x8850] =	vst v1  }
0x107: {  	[tilespmem:s13+$0x8860] =	vst v1  }
0x108: {  	[tilespmem:s13+$0x8870] =	vst v1  }
0x109: {  	[tilespmem:s13+$0x8880] =	vst v1  }
0x10a: {  	v2 =	vld [tilespmem:$0x1A850];
	_ =	sdelay $0x4  }
0x10b: {  	(v2sf) =	vpush v2, $0x0;
	_ =	sdelay $0xe  }
0x10c: {  	s10 =	spop (v2sf)  }
0x10d: {  	[tilespmem:s10+$0xA000] =	vst v1  }
0x10e: {  	[tilespmem:s10+$0xA010] =	vst v1  }
0x10f: {  	[tilespmem:s10+$0xA020] =	vst v1  }
0x110: {  	[tilespmem:s10+$0xA030] =	vst v1  }
0x111: {  	[tilespmem:s10+$0xA040] =	vst v1  }
0x112: {  	[tilespmem:s10+$0xA050] =	vst v1  }
0x113: {  	[tilespmem:s10+$0xA060] =	vst v1  }
0x114: {  	[tilespmem:s10+$0xA070] =	vst v1  }
0x115: {  	[tilespmem:s10+$0xA080] =	vst v1  }
0x116: {  	v2 =	vld [tilespmem:$0x1A860];
	_ =	sdelay $0x4  }
0x117: {  	(v2sf) =	vpush v2, $0x0;
	_ =	sdelay $0xe  }
0x118: {  	s11 =	spop (v2sf)  }
0x119: {  	[tilespmem:s11+$0xB800] =	vst v1  }
0x11a: {  	[tilespmem:s11+$0xB810] =	vst v1  }
0x11b: {  	[tilespmem:s11+$0xB820] =	vst v1  }
0x11c: {  	[tilespmem:s11+$0xB830] =	vst v1  }
0x11d: {  	[tilespmem:s11+$0xB840] =	vst v1  }
0x11e: {  	[tilespmem:s11+$0xB850] =	vst v1  }
0x11f: {  	[tilespmem:s11+$0xB860] =	vst v1  }
0x120: {  	[tilespmem:s11+$0xB870] =	vst v1  }
0x121: {  	[tilespmem:s11+$0xB880] =	vst v1  }
0x122: {  	v2 =	vld [tilespmem:$0x1A870];
	_ =	sdelay $0x4  }
0x123: {  	(v2sf) =	vpush v2, $0x0;
	_ =	sdelay $0xe  }
0x124: {  	s12 =	spop (v2sf)  }
0x125: {  	[tilespmem:s12+$0xD000] =	vst v1  }
0x126: {  	[tilespmem:s12+$0xD010] =	vst v1  }
0x127: {  	[tilespmem:s12+$0xD020] =	vst v1  }
0x128: {  	[tilespmem:s12+$0xD030] =	vst v1  }
0x129: {  	[tilespmem:s12+$0xD040] =	vst v1  }
0x12a: {  	[tilespmem:s12+$0xD050] =	vst v1  }
0x12b: {  	[tilespmem:s12+$0xD060] =	vst v1  }
0x12c: {  	[tilespmem:s12+$0xD070] =	vst v1  }
0x12d: {  	[tilespmem:s12+$0xD080] =	vst v1  }
0x12e: {  	v2 =	vld [tilespmem:$0x1A880];
	_ =	sdelay $0x4  }
0x12f: {  	(v2sf) =	vpush v2, $0x0;
	_ =	sdelay $0xe  }
0x130: {  	s13 =	spop (v2sf)  }
0x131: {  	[tilespmem:s13+$0xE800] =	vst v1  }
0x132: {  	[tilespmem:s13+$0xE810] =	vst v1  }
0x133: {  	[tilespmem:s13+$0xE820] =	vst v1  }
0x134: {  	[tilespmem:s13+$0xE830] =	vst v1  }
0x135: {  	[tilespmem:s13+$0xE840] =	vst v1  }
0x136: {  	[tilespmem:s13+$0xE850] =	vst v1  }
0x137: {  	[tilespmem:s13+$0xE860] =	vst v1  }
0x138: {  	[tilespmem:s13+$0xE870] =	vst v1  }
0x139: {  	[tilespmem:s13+$0xE880] =	vst v1  }
0x13a: {  	v2 =	vld [tilespmem:$0x1A890];
	_ =	sdelay $0x4  }
0x13b: {  	(v2sf) =	vpush v2, $0x0;
	_ =	sdelay $0xe  }
0x13c: {  	s10 =	spop (v2sf)  }
0x13d: {  	[tilespmem:s10+$0x10000] =	vst v1  }
0x13e: {  	[tilespmem:s10+$0x10010] =	vst v1  }
0x13f: {  	[tilespmem:s10+$0x10020] =	vst v1  }
0x140: {  	[tilespmem:s10+$0x10030] =	vst v1  }
0x141: {  	[tilespmem:s10+$0x10040] =	vst v1  }
0x142: {  	[tilespmem:s10+$0x10050] =	vst v1  }
0x143: {  	[tilespmem:s10+$0x10060] =	vst v1  }
0x144: {  	[tilespmem:s10+$0x10070] =	vst v1  }
0x145: {  	[tilespmem:s10+$0x10080] =	vst v1  }
0x146: {  	v2 =	vld [tilespmem:$0x1A8A0];
	_ =	sdelay $0x4  }
0x147: {  	(v2sf) =	vpush v2, $0x0;
	_ =	sdelay $0xe  }
0x148: {  	s11 =	spop (v2sf)  }
0x149: {  	[tilespmem:s11+$0x11800] =	vst v1  }
0x14a: {  	[tilespmem:s11+$0x11810] =	vst v1  }
0x14b: {  	[tilespmem:s11+$0x11820] =	vst v1  }
0x14c: {  	[tilespmem:s11+$0x11830] =	vst v1  }
0x14d: {  	[tilespmem:s11+$0x11840] =	vst v1  }
0x14e: {  	[tilespmem:s11+$0x11850] =	vst v1  }
0x14f: {  	[tilespmem:s11+$0x11860] =	vst v1  }
0x150: {  	[tilespmem:s11+$0x11870] =	vst v1  }
0x151: {  	[tilespmem:s11+$0x11880] =	vst v1  }
0x152: {  	v2 =	vld [tilespmem:$0x1A8B0];
	_ =	sdelay $0x4  }
0x153: {  	(v2sf) =	vpush v2, $0x0;
	_ =	sdelay $0xe  }
0x154: {  	s12 =	spop (v2sf)  }
0x155: {  	[tilespmem:s12+$0x13000] =	vst v1  }
0x156: {  	[tilespmem:s12+$0x13010] =	vst v1  }
0x157: {  	[tilespmem:s12+$0x13020] =	vst v1  }
0x158: {  	[tilespmem:s12+$0x13030] =	vst v1  }
0x159: {  	[tilespmem:s12+$0x13040] =	vst v1  }
0x15a: {  	[tilespmem:s12+$0x13050] =	vst v1  }
0x15b: {  	[tilespmem:s12+$0x13060] =	vst v1  }
0x15c: {  	[tilespmem:s12+$0x13070] =	vst v1  }
0x15d: {  	[tilespmem:s12+$0x13080] =	vst v1  }
0x15e: {  	v2 =	vld [tilespmem:$0x1A8C0];
	_ =	sdelay $0x4  }
0x15f: {  	(v2sf) =	vpush v2, $0x0;
	_ =	sdelay $0xe  }
0x160: {  	s13 =	spop (v2sf)  }
0x161: {  	[tilespmem:s13+$0x14800] =	vst v1  }
0x162: {  	[tilespmem:s13+$0x14810] =	vst v1  }
0x163: {  	[tilespmem:s13+$0x14820] =	vst v1  }
0x164: {  	[tilespmem:s13+$0x14830] =	vst v1  }
0x165: {  	[tilespmem:s13+$0x14840] =	vst v1  }
0x166: {  	[tilespmem:s13+$0x14850] =	vst v1  }
0x167: {  	[tilespmem:s13+$0x14860] =	vst v1  }
0x168: {  	[tilespmem:s13+$0x14870] =	vst v1  }
0x169: {  	[tilespmem:s13+$0x14880] =	vst v1  }
0x16a: {  	v2 =	vld [tilespmem:$0x1A8D0];
	_ =	sdelay $0x4  }
0x16b: {  	(v2sf) =	vpush v2, $0x0;
	_ =	sdelay $0xe  }
0x16c: {  	s10 =	spop (v2sf)  }
0x16d: {  	[tilespmem:s10+$0x16000] =	vst v1  }
0x16e: {  	[tilespmem:s10+$0x16010] =	vst v1  }
0x16f: {  	[tilespmem:s10+$0x16020] =	vst v1  }
0x170: {  	[tilespmem:s10+$0x16030] =	vst v1  }
0x171: {  	[tilespmem:s10+$0x16040] =	vst v1  }
0x172: {  	[tilespmem:s10+$0x16050] =	vst v1  }
0x173: {  	[tilespmem:s10+$0x16060] =	vst v1  }
0x174: {  	[tilespmem:s10+$0x16070] =	vst v1  }
0x175: {  	[tilespmem:s10+$0x16080] =	vst v1  }
0x176: {  	v2 =	vld [tilespmem:$0x1A8E0];
	_ =	sdelay $0x4  }
0x177: {  	(v2sf) =	vpush v2, $0x0;
	_ =	sdelay $0xe  }
0x178: {  	s11 =	spop (v2sf)  }
0x179: {  	[tilespmem:s11+$0x17800] =	vst v1  }
0x17a: {  	[tilespmem:s11+$0x17810] =	vst v1  }
0x17b: {  	[tilespmem:s11+$0x17820] =	vst v1  }
0x17c: {  	[tilespmem:s11+$0x17830] =	vst v1  }
0x17d: {  	[tilespmem:s11+$0x17840] =	vst v1  }
0x17e: {  	[tilespmem:s11+$0x17850] =	vst v1  }
0x17f: {  	[tilespmem:s11+$0x17860] =	vst v1  }
0x180: {  	[tilespmem:s11+$0x17870] =	vst v1  }
0x181: {  	[tilespmem:s11+$0x17880] =	vst v1  }
0x182: {  	v2 =	vld [tilespmem:$0x1A8F0];
	_ =	sdelay $0x4  }
0x183: {  	(v2sf) =	vpush v2, $0x0;
	_ =	sdelay $0xe  }
0x184: {  	s12 =	spop (v2sf)  }
0x185: {  	[tilespmem:s12+$0x19000] =	vst v1  }
0x186: {  	[tilespmem:s12+$0x19010] =	vst v1  }
0x187: {  	[tilespmem:s12+$0x19020] =	vst v1  }
0x188: {  	[tilespmem:s12+$0x19030] =	vst v1  }
0x189: {  	[tilespmem:s12+$0x19040] =	vst v1  }
0x18a: {  	[tilespmem:s12+$0x19050] =	vst v1  }
0x18b: {  	[tilespmem:s12+$0x19060] =	vst v1  }
0x18c: {  	[tilespmem:s12+$0x19070] =	vst v1  }
0x18d: {  	s13 =	rddreg [dreg:$0x3];
	s10 =	simm.s32 $0x2800;
	[tilespmem:s12+$0x19080] =	vst v1  }
0x18e: {  	[hbm4b:s13+s17] =	stream.linear.scatter [tilespmem:s10], [sflag:$0x1], $0x1800, $0x38;
	[tilespmem:$0x1AD00] =	vst v63  }
0x18f: {  	_ =	swait.ge [sflag:s6], $0x1800  }
0x190: {  	[sflag:s6] =	ssyncset.done $0x0  }
0x191: {  	[sflag:s6] =	ssyncadd.s32 $0xFFFFE800  }
0x192: {  	v2 =	vld [tilespmem:$0x1A800];
	_ =	sdelay $0x4  }
0x193: {  	[tilespmem:$0x1A900] =	vst v2  }
0x194: {  	[hbm4b:s18+s17] =	stream.linear.scatter [tilespmem:s7], [sflag:$0x1], $0x400, $0x38;
	[tilespmem:$0x1AD00] =	vst v63  }
0x195: {  	_ =	swait.ge [sflag:s6], $0x400  }
0x196: {  	[sflag:s6] =	ssyncset.done $0x0  }
0x197: {  	s11 =	simm.s32 $0x4000;
	s10 =	rddreg [dreg:$0x4];
	[sflag:s6] =	ssyncadd.s32 $0xFFFFFC00  }
0x198: {  	[hbm4b:s10+s17] =	stream.linear.scatter [tilespmem:s11], [sflag:$0x1], $0x1800, $0x38;
	[tilespmem:$0x1AD00] =	vst v63  }
0x199: {  	_ =	swait.ge [sflag:s6], $0x1800  }
0x19a: {  	[sflag:s6] =	ssyncset.done $0x0  }
0x19b: {  	[sflag:s6] =	ssyncadd.s32 $0xFFFFE800  }
0x19c: {  	v2 =	vld [tilespmem:$0x1A810];
	_ =	sdelay $0x4  }
0x19d: {  	[tilespmem:$0x1A900] =	vst v2  }
0x19e: {  	[hbm4b:s19+s17] =	stream.linear.scatter [tilespmem:s7], [sflag:$0x1], $0x400, $0x38;
	[tilespmem:$0x1AD00] =	vst v63  }
0x19f: {  	_ =	swait.ge [sflag:s6], $0x400  }
0x1a0: {  	[sflag:s6] =	ssyncset.done $0x0  }
0x1a1: {  	s13 =	simm.s32 $0x5800;
	s12 =	rddreg [dreg:$0x5];
	[sflag:s6] =	ssyncadd.s32 $0xFFFFFC00  }
0x1a2: {  	[hbm4b:s12+s17] =	stream.linear.scatter [tilespmem:s13], [sflag:$0x1], $0x1800, $0x38;
	[tilespmem:$0x1AD00] =	vst v63  }
0x1a3: {  	_ =	swait.ge [sflag:s6], $0x1800  }
0x1a4: {  	[sflag:s6] =	ssyncset.done $0x0  }
0x1a5: {  	[sflag:s6] =	ssyncadd.s32 $0xFFFFE800  }
0x1a6: {  	v2 =	vld [tilespmem:$0x1A820];
	_ =	sdelay $0x4  }
0x1a7: {  	[tilespmem:$0x1A900] =	vst v2  }
0x1a8: {  	[hbm4b:s20+s17] =	stream.linear.scatter [tilespmem:s7], [sflag:$0x1], $0x400, $0x38;
	[tilespmem:$0x1AD00] =	vst v63  }
0x1a9: {  	_ =	swait.ge [sflag:s6], $0x400  }
0x1aa: {  	[sflag:s6] =	ssyncset.done $0x0  }
0x1ab: {  	s11 =	simm.s32 $0x7000;
	s10 =	rddreg [dreg:$0x6];
	[sflag:s6] =	ssyncadd.s32 $0xFFFFFC00  }
0x1ac: {  	[hbm4b:s10+s17] =	stream.linear.scatter [tilespmem:s11], [sflag:$0x1], $0x1800, $0x38;
	[tilespmem:$0x1AD00] =	vst v63  }
0x1ad: {  	_ =	swait.ge [sflag:s6], $0x1800  }
0x1ae: {  	[sflag:s6] =	ssyncset.done $0x0  }
0x1af: {  	[sflag:s6] =	ssyncadd.s32 $0xFFFFE800  }
0x1b0: {  	v2 =	vld [tilespmem:$0x1A830];
	_ =	sdelay $0x4  }
0x1b1: {  	[tilespmem:$0x1A900] =	vst v2  }
0x1b2: {  	[hbm4b:s21+s17] =	stream.linear.scatter [tilespmem:s7], [sflag:$0x1], $0x400, $0x38;
	[tilespmem:$0x1AD00] =	vst v63  }
0x1b3: {  	_ =	swait.ge [sflag:s6], $0x400  }
0x1b4: {  	[sflag:s6] =	ssyncset.done $0x0  }
0x1b5: {  	s13 =	simm.s32 $0x8800;
	s12 =	rddreg [dreg:$0x7];
	[sflag:s6] =	ssyncadd.s32 $0xFFFFFC00  }
0x1b6: {  	[hbm4b:s12+s17] =	stream.linear.scatter [tilespmem:s13], [sflag:$0x1], $0x1800, $0x38;
	[tilespmem:$0x1AD00] =	vst v63  }
0x1b7: {  	_ =	swait.ge [sflag:s6], $0x1800  }
0x1b8: {  	[sflag:s6] =	ssyncset.done $0x0  }
0x1b9: {  	[sflag:s6] =	ssyncadd.s32 $0xFFFFE800  }
0x1ba: {  	v2 =	vld [tilespmem:$0x1A840];
	_ =	sdelay $0x4  }
0x1bb: {  	[tilespmem:$0x1A900] =	vst v2  }
0x1bc: {  	[hbm4b:s22+s17] =	stream.linear.scatter [tilespmem:s7], [sflag:$0x1], $0x400, $0x38;
	[tilespmem:$0x1AD00] =	vst v63  }
0x1bd: {  	_ =	swait.ge [sflag:s6], $0x400  }
0x1be: {  	[sflag:s6] =	ssyncset.done $0x0  }
0x1bf: {  	s11 =	simm.s32 $0xA000;
	s10 =	rddreg [dreg:$0x8];
	[sflag:s6] =	ssyncadd.s32 $0xFFFFFC00  }
0x1c0: {  	[hbm4b:s10+s17] =	stream.linear.scatter [tilespmem:s11], [sflag:$0x1], $0x1800, $0x38;
	[tilespmem:$0x1AD00] =	vst v63  }
0x1c1: {  	_ =	swait.ge [sflag:s6], $0x1800  }
0x1c2: {  	[sflag:s6] =	ssyncset.done $0x0  }
0x1c3: {  	[sflag:s6] =	ssyncadd.s32 $0xFFFFE800  }
0x1c4: {  	v2 =	vld [tilespmem:$0x1A850];
	_ =	sdelay $0x4  }
0x1c5: {  	[tilespmem:$0x1A900] =	vst v2  }
0x1c6: {  	[hbm4b:s23+s17] =	stream.linear.scatter [tilespmem:s7], [sflag:$0x1], $0x400, $0x38;
	[tilespmem:$0x1AD00] =	vst v63  }
0x1c7: {  	_ =	swait.ge [sflag:s6], $0x400  }
0x1c8: {  	[sflag:s6] =	ssyncset.done $0x0  }
0x1c9: {  	s13 =	simm.s32 $0xB800;
	s12 =	rddreg [dreg:$0x9];
	[sflag:s6] =	ssyncadd.s32 $0xFFFFFC00  }
0x1ca: {  	[hbm4b:s12+s17] =	stream.linear.scatter [tilespmem:s13], [sflag:$0x1], $0x1800, $0x38;
	[tilespmem:$0x1AD00] =	vst v63  }
0x1cb: {  	_ =	swait.ge [sflag:s6], $0x1800  }
0x1cc: {  	[sflag:s6] =	ssyncset.done $0x0  }
0x1cd: {  	[sflag:s6] =	ssyncadd.s32 $0xFFFFE800  }
0x1ce: {  	v2 =	vld [tilespmem:$0x1A860];
	_ =	sdelay $0x4  }
0x1cf: {  	[tilespmem:$0x1A900] =	vst v2  }
0x1d0: {  	[hbm4b:s24+s17] =	stream.linear.scatter [tilespmem:s7], [sflag:$0x1], $0x400, $0x38;
	[tilespmem:$0x1AD00] =	vst v63  }
0x1d1: {  	_ =	swait.ge [sflag:s6], $0x400  }
0x1d2: {  	[sflag:s6] =	ssyncset.done $0x0  }
0x1d3: {  	s11 =	simm.s32 $0xD000;
	s10 =	rddreg [dreg:$0xa];
	[sflag:s6] =	ssyncadd.s32 $0xFFFFFC00  }
0x1d4: {  	[hbm4b:s10+s17] =	stream.linear.scatter [tilespmem:s11], [sflag:$0x1], $0x1800, $0x38;
	[tilespmem:$0x1AD00] =	vst v63  }
0x1d5: {  	_ =	swait.ge [sflag:s6], $0x1800  }
0x1d6: {  	[sflag:s6] =	ssyncset.done $0x0  }
0x1d7: {  	[sflag:s6] =	ssyncadd.s32 $0xFFFFE800  }
0x1d8: {  	v2 =	vld [tilespmem:$0x1A870];
	_ =	sdelay $0x4  }
0x1d9: {  	[tilespmem:$0x1A900] =	vst v2  }
0x1da: {  	[hbm4b:s25+s17] =	stream.linear.scatter [tilespmem:s7], [sflag:$0x1], $0x400, $0x38;
	[tilespmem:$0x1AD00] =	vst v63  }
0x1db: {  	_ =	swait.ge [sflag:s6], $0x400  }
0x1dc: {  	[sflag:s6] =	ssyncset.done $0x0  }
0x1dd: {  	s13 =	simm.s32 $0xE800;
	s12 =	rddreg [dreg:$0xb];
	[sflag:s6] =	ssyncadd.s32 $0xFFFFFC00  }
0x1de: {  	[hbm4b:s12+s17] =	stream.linear.scatter [tilespmem:s13], [sflag:$0x1], $0x1800, $0x38;
	[tilespmem:$0x1AD00] =	vst v63  }
0x1df: {  	_ =	swait.ge [sflag:s6], $0x1800  }
0x1e0: {  	[sflag:s6] =	ssyncset.done $0x0  }
0x1e1: {  	[sflag:s6] =	ssyncadd.s32 $0xFFFFE800  }
0x1e2: {  	v2 =	vld [tilespmem:$0x1A880];
	_ =	sdelay $0x4  }
0x1e3: {  	[tilespmem:$0x1A900] =	vst v2  }
0x1e4: {  	[hbm4b:s26+s17] =	stream.linear.scatter [tilespmem:s7], [sflag:$0x1], $0x400, $0x38;
	[tilespmem:$0x1AD00] =	vst v63  }
0x1e5: {  	_ =	swait.ge [sflag:s6], $0x400  }
0x1e6: {  	[sflag:s6] =	ssyncset.done $0x0  }
0x1e7: {  	s11 =	simm.s32 $0x10000;
	s10 =	rddreg [dreg:$0xc];
	[sflag:s6] =	ssyncadd.s32 $0xFFFFFC00  }
0x1e8: {  	[hbm4b:s10+s17] =	stream.linear.scatter [tilespmem:s11], [sflag:$0x1], $0x1800, $0x38;
	[tilespmem:$0x1AD00] =	vst v63  }
0x1e9: {  	_ =	swait.ge [sflag:s6], $0x1800  }
0x1ea: {  	[sflag:s6] =	ssyncset.done $0x0  }
0x1eb: {  	[sflag:s6] =	ssyncadd.s32 $0xFFFFE800  }
0x1ec: {  	v2 =	vld [tilespmem:$0x1A890];
	_ =	sdelay $0x4  }
0x1ed: {  	[tilespmem:$0x1A900] =	vst v2  }
0x1ee: {  	[hbm4b:s28+s17] =	stream.linear.scatter [tilespmem:s7], [sflag:$0x1], $0x400, $0x38;
	[tilespmem:$0x1AD00] =	vst v63  }
0x1ef: {  	_ =	swait.ge [sflag:s6], $0x400  }
0x1f0: {  	[sflag:s6] =	ssyncset.done $0x0  }
0x1f1: {  	s13 =	simm.s32 $0x11800;
	s12 =	rddreg [dreg:$0xd];
	[sflag:s6] =	ssyncadd.s32 $0xFFFFFC00  }
0x1f2: {  	[hbm4b:s12+s17] =	stream.linear.scatter [tilespmem:s13], [sflag:$0x1], $0x1800, $0x38;
	[tilespmem:$0x1AD00] =	vst v63  }
0x1f3: {  	_ =	swait.ge [sflag:s6], $0x1800  }
0x1f4: {  	[sflag:s6] =	ssyncset.done $0x0  }
0x1f5: {  	[sflag:s6] =	ssyncadd.s32 $0xFFFFE800  }
0x1f6: {  	v2 =	vld [tilespmem:$0x1A8A0];
	_ =	sdelay $0x4  }
0x1f7: {  	[tilespmem:$0x1A900] =	vst v2  }
0x1f8: {  	[hbm4b:s29+s17] =	stream.linear.scatter [tilespmem:s7], [sflag:$0x1], $0x400, $0x38;
	[tilespmem:$0x1AD00] =	vst v63  }
0x1f9: {  	_ =	swait.ge [sflag:s6], $0x400  }
0x1fa: {  	[sflag:s6] =	ssyncset.done $0x0  }
0x1fb: {  	s11 =	simm.s32 $0x13000;
	s10 =	rddreg [dreg:$0xe];
	[sflag:s6] =	ssyncadd.s32 $0xFFFFFC00  }
0x1fc: {  	[hbm4b:s10+s17] =	stream.linear.scatter [tilespmem:s11], [sflag:$0x1], $0x1800, $0x38;
	[tilespmem:$0x1AD00] =	vst v63  }
0x1fd: {  	_ =	swait.ge [sflag:s6], $0x1800  }
0x1fe: {  	[sflag:s6] =	ssyncset.done $0x0  }
0x1ff: {  	[sflag:s6] =	ssyncadd.s32 $0xFFFFE800  }
0x200: {  	v2 =	vld [tilespmem:$0x1A8B0];
	_ =	sdelay $0x4  }
0x201: {  	[tilespmem:$0x1A900] =	vst v2  }
0x202: {  	[hbm4b:s30+s17] =	stream.linear.scatter [tilespmem:s7], [sflag:$0x1], $0x400, $0x38;
	[tilespmem:$0x1AD00] =	vst v63  }
0x203: {  	_ =	swait.ge [sflag:s6], $0x400  }
0x204: {  	[sflag:s6] =	ssyncset.done $0x0  }
0x205: {  	s13 =	simm.s32 $0x14800;
	s12 =	rddreg [dreg:$0xf];
	[sflag:s6] =	ssyncadd.s32 $0xFFFFFC00  }
0x206: {  	[hbm4b:s12+s17] =	stream.linear.scatter [tilespmem:s13], [sflag:$0x1], $0x1800, $0x38;
	[tilespmem:$0x1AD00] =	vst v63  }
0x207: {  	_ =	swait.ge [sflag:s6], $0x1800  }
0x208: {  	[sflag:s6] =	ssyncset.done $0x0  }
0x209: {  	[sflag:s6] =	ssyncadd.s32 $0xFFFFE800  }
0x20a: {  	v2 =	vld [tilespmem:$0x1A8C0];
	_ =	sdelay $0x4  }
0x20b: {  	[tilespmem:$0x1A900] =	vst v2  }
0x20c: {  	[hbm4b:s31+s17] =	stream.linear.scatter [tilespmem:s7], [sflag:$0x1], $0x400, $0x38;
	[tilespmem:$0x1AD00] =	vst v63  }
0x20d: {  	_ =	swait.ge [sflag:s6], $0x400  }
0x20e: {  	[sflag:s6] =	ssyncset.done $0x0  }
0x20f: {  	s11 =	simm.s32 $0x16000;
	[sflag:s6] =	ssyncadd.s32 $0xFFFFFC00  }
0x210: {  	[hbm4b:s14+s17] =	stream.linear.scatter [tilespmem:s11], [sflag:$0x1], $0x1800, $0x38;
	[tilespmem:$0x1AD00] =	vst v63  }
0x211: {  	_ =	swait.ge [sflag:s6], $0x1800  }
0x212: {  	[sflag:s6] =	ssyncset.done $0x0  }
0x213: {  	[sflag:s6] =	ssyncadd.s32 $0xFFFFE800  }
0x214: {  	v2 =	vld [tilespmem:$0x1A8D0];
	_ =	sdelay $0x4  }
0x215: {  	[tilespmem:$0x1A900] =	vst v2  }
0x216: {  	[hbm4b:s0+s17] =	stream.linear.scatter [tilespmem:s7], [sflag:$0x1], $0x400, $0x38;
	[tilespmem:$0x1AD00] =	vst v63  }
0x217: {  	_ =	swait.ge [sflag:s6], $0x400  }
0x218: {  	[sflag:s6] =	ssyncset.done $0x0  }
0x219: {  	s12 =	simm.s32 $0x17800;
	[sflag:s6] =	ssyncadd.s32 $0xFFFFFC00  }
0x21a: {  	[hbm4b:s15+s17] =	stream.linear.scatter [tilespmem:s12], [sflag:$0x1], $0x1800, $0x38;
	[tilespmem:$0x1AD00] =	vst v63  }
0x21b: {  	_ =	swait.ge [sflag:s6], $0x1800  }
0x21c: {  	[sflag:s6] =	ssyncset.done $0x0  }
0x21d: {  	[sflag:s6] =	ssyncadd.s32 $0xFFFFE800  }
0x21e: {  	v2 =	vld [tilespmem:$0x1A8E0];
	_ =	sdelay $0x4  }
0x21f: {  	[tilespmem:$0x1A900] =	vst v2  }
0x220: {  	[hbm4b:s1+s17] =	stream.linear.scatter [tilespmem:s7], [sflag:$0x1], $0x400, $0x38;
	[tilespmem:$0x1AD00] =	vst v63  }
0x221: {  	_ =	swait.ge [sflag:s6], $0x400  }
0x222: {  	[sflag:s6] =	ssyncset.done $0x0  }
0x223: {  	s13 =	simm.s32 $0x19000;
	[sflag:s6] =	ssyncadd.s32 $0xFFFFFC00  }
0x224: {  	[hbm4b:s16+s17] =	stream.linear.scatter [tilespmem:s13], [sflag:$0x1], $0x1800, $0x38;
	[tilespmem:$0x1AD00] =	vst v63  }
0x225: {  	_ =	swait.ge [sflag:s6], $0x1800  }
0x226: {  	[sflag:s6] =	ssyncset.done $0x0  }
0x227: {  	[sflag:s6] =	ssyncadd.s32 $0xFFFFE800  }
0x228: {  	v2 =	vld [tilespmem:$0x1A8F0];
	_ =	sdelay $0x2  }
0x229: {  	s8 =	sadd.s32 $0x1, s8  }
0x22a: {  	p0 =	sne.s32 s8, s5  }
.Ltmp1:
0x22b: {  	[tilespmem:$0x1A900] =	vst v2;
	(pc) =	sbr.rel @p0 .LBB2_1-.Ltmp1, $4  }
0x22c: {  	[hbm4b:s2+s17] =	stream.linear.scatter [tilespmem:s7], [sflag:$0x1], $0x400, $0x38;
	[tilespmem:$0x1AD00] =	vst v63  }
0x22d: {  	_ =	swait.ge [sflag:s6], $0x400  }
0x22e: {  	[sflag:s6] =	ssyncset.done $0x0  }
0x22f: {  	[sflag:s6] =	ssyncadd.s32 $0xFFFFFC00  }
0x230: {  	_ =	sfence.sel $0x180000  }
0x231: {  	[bflag:$0x0] =	sbarrier.arrive $0xFFFF  }
0x232: {  	_ =	strace $0x90000047  }
0x233: {  	s0 =	stileid.u32;
	[bflag:$0x2] =	sbarrier.arrive $0xFFFF  }
0x234: {  	p0 =	sne.s32 s0, $0x0;
	s0 =	rddreg [dreg:$0x2]  }
0x235: {  	s0 =	sadd.s32 @!p0 $0x100000, s0  }
0x236: {  	[sflag:s0] =	ssyncadd.tile.s32 @!p0 $0x1;
	_ =	shalt  }
.Lfunc_end2:
_tile_overlayer_lowered:
.L_overlay_start_2:
0x237: {  	(tag) =	ssettag $0x2  }
0x238: {  	s0 =	rddreg [dreg:$0x0];
	s2 =	stileid.u32  }
0x239: {  	s1 =	rddreg [dreg:$0x1];
	p0 =	sne.s32 s2, $0x0  }
0x23a: {  	s3 =	rddreg [dreg:$0x2];
	[bflag:$0x3] =	sbarrier.arrive $0xFFFF;
	s2 =	simm.s32 @!p0 $0x1C01  }
0x23b: {  	[timem:s3], [sflag:s2] =	dma.local @!p0 [hbm:s0], s1  }
0x23c: {  	s0 =	simm.s32 @!p0 $0x1  }
0x23d: {  	_ =	swait.ge @!p0 [sflag:s0], s1  }
0x23e: {  	s1 =	ssub.s32 @!p0 $0x0, s1;
	[sflag:s0] =	ssyncset.done @!p0 $0x0  }
0x23f: {  	[sflag:s0] =	ssyncadd.s32 @!p0 s1  }
0x240: {  	[bflag:$0x3] =	sbarrier.arrive $0xFFFF  }
0x241: {  	_ =	shalt  }

</sc_bundles>
